<compile_context>
chip_gen: v7x
topology: tpu7x:2x2x1
jax: 0.10.2.dev20260603
libtpu: 0.0.44.dev20260713+nightly
codegen_flags: <defaults>
</compile_context>

<pallas_src>
import dataclasses
import functools

import jax
import jax.numpy as jnp
from jax import lax
from jax.experimental import pallas as pl
from jax.experimental.pallas import tpu as pltpu
from jax.experimental.pallas import tpu_sc as plsc

N = 10000
NPAD = 10240
D = 256
EPS = 1e-16

E = 160000
EPT = E // 16
HALF = NPAD // 2
SB = 1680
NS = -(-EPT // SB)
PADE = NS * SB - EPT
K = 16
DENW = 128
DQ = HALF // 128
DQP = 48
CPAD = 64
RPT = HALF // 16


def _pre_body(x_ref, ws_ref, wd_ref, as8_ref, ad8_ref, h_ref, al_ref):
    x = x_ref[...]
    h = jnp.dot(x, ws_ref[...], preferred_element_type=jnp.float32)
    h_ref[...] = h
    vp = jnp.dot(ws_ref[...], as8_ref[...], preferred_element_type=jnp.float32)
    vp = vp + jnp.dot(wd_ref[...], ad8_ref[...], preferred_element_type=jnp.float32)
    al_ref[...] = jnp.dot(x, vp, preferred_element_type=jnp.float32)


def _fin_pre_body(nlo_ref, nhi_ref, den_ref, b_ref, ws_ref, wd_ref,
                  as8_ref, ad8_ref, x1_ref, h_ref, al_ref):
    num = jnp.concatenate([nlo_ref[...], nhi_ref[...]], axis=1)
    den = den_ref[...]
    x1 = jnp.maximum(num / (den + EPS) + b_ref[...], 0.0)
    x1_ref[...] = x1
    h = jnp.dot(x1, ws_ref[...], preferred_element_type=jnp.float32)
    h_ref[...] = h
    vp = jnp.dot(ws_ref[...], as8_ref[...], preferred_element_type=jnp.float32)
    vp = vp + jnp.dot(wd_ref[...], ad8_ref[...], preferred_element_type=jnp.float32)
    al_ref[...] = jnp.dot(x1, vp, preferred_element_type=jnp.float32)


def _fin_body(nlo_ref, nhi_ref, den_ref, b_ref, x2_ref):
    num = jnp.concatenate([nlo_ref[...], nhi_ref[...]], axis=1)
    x2_ref[...] = num / (den_ref[...] + EPS) + b_ref[...]


_f32 = jnp.float32


def _pre(x, w_src, w_dst, as8, ad8):
    return pl.pallas_call(
        _pre_body,
        out_shape=(jax.ShapeDtypeStruct((NPAD, D), _f32),
                   jax.ShapeDtypeStruct((NPAD, 8), _f32)),
    )(x, w_src, w_dst, as8, ad8)


def _fin_pre(nlo, nhi, den, b, w_src, w_dst, as8, ad8):
    return pl.pallas_call(
        _fin_pre_body,
        out_shape=(jax.ShapeDtypeStruct((NPAD, D), _f32),
                   jax.ShapeDtypeStruct((NPAD, D), _f32),
                   jax.ShapeDtypeStruct((NPAD, 8), _f32)),
    )(nlo, nhi, den, b.reshape(1, D), w_src, w_dst, as8, ad8)


def _fin(nlo, nhi, den, b):
    return pl.pallas_call(
        _fin_body,
        out_shape=jax.ShapeDtypeStruct((NPAD, D), _f32),
    )(nlo, nhi, den, b.reshape(1, D))


def _den_col(den):
    return den.reshape(NPAD, 1)


def _edge_body(src_hbm, dst_hbm, als_hbm, ald_hbm, h_hbm,
               numl_hbm, numh_hbm, den_hbm,
               als_v, ald_v, src_v, dst_v, csrc_v, cdst_v, cex_v,
               rows0_v, rows1_v, stlo_v, sthi_v, den_v,
               idx0_v, idx1_v, idxd_v, idxq_v,
               accl_sh, acch_sh, dall_sh, sem0, sem1):
    cid = lax.axis_index("c")
    sid = lax.axis_index("s")
    lo = cid * HALF
    zero16 = jnp.zeros((16,), jnp.float32)
    zero16i = jnp.zeros((16,), jnp.int32)

    pltpu.sync_copy(als_hbm, als_v)
    pltpu.sync_copy(ald_hbm, ald_v)

    @pl.loop(0, SB + CPAD, step=16)
    def _(i):
        csrc_v[pl.ds(i, 16)] = zero16i
        cdst_v[pl.ds(i, 16)] = zero16i
        cex_v[pl.ds(i, 16)] = zero16

    @pl.loop(0, DQP)
    def _(r):
        @pl.loop(0, 128, step=16)
        def _(c):
            den_v[r, pl.ds(c, 16)] = zero16

    @pl.loop(0, K)
    def _(r):
        @pl.loop(0, DENW, step=16)
        def _(c):
            stlo_v[r, pl.ds(c, 16)] = zero16

    row0 = sid * RPT

    @pl.loop(0, RPT, step=K)
    def _(j):
        pltpu.sync_copy(stlo_v, accl_sh.at[pl.ds(row0 + j, K)])
        pltpu.sync_copy(stlo_v, acch_sh.at[pl.ds(row0 + j, K)])

    @pl.when(sid < 6)
    def _():
        pltpu.sync_copy(stlo_v.at[pl.ds(0, 8)], dall_sh.at[pl.ds(sid * 8, 8)])

    @pl.loop(0, DQP, step=16)
    def _(i):
        idxq_v[pl.ds(i, 16)] = jax.lax.iota(jnp.int32, 16) + i

    def _vmax(i, m):
        return jnp.maximum(m, als_v[pl.ds(i * 16, 16)])

    def _vmax2(i, m):
        return jnp.maximum(m, ald_v[pl.ds(i * 16, 16)])

    neg = jnp.full((16,), -3.0e38, jnp.float32)
    ms = jnp.max(lax.fori_loop(0, NPAD // 16, _vmax, neg), axis=0)
    md = jnp.max(lax.fori_loop(0, NPAD // 16, _vmax2, neg), axis=0)
    shift = jnp.maximum(ms + md, 0.0)

    plsc.subcore_barrier()

    base = sid * EPT

    def _issue(g, idx_v, rows_v, sem):
        @pl.loop(0, K, step=16)
        def _(i):
            idx_v[pl.ds(i, 16)] = csrc_v[pl.ds(g * K + i, 16)]
        pltpu.async_copy(h_hbm.at[idx_v], rows_v, sem)

    def _drain(rows_v, sem):
        pltpu.make_async_copy(h_hbm.at[pl.ds(0, K)], rows_v, sem).wait()

    def _process(g, rows_v):
        @pl.loop(0, K)
        def _(r):
            exv = plsc.load_gather(
                cex_v, [jnp.full((16,), g * K + r, jnp.int32)])

            @pl.loop(0, DENW, step=16)
            def _(c):
                stlo_v[r, pl.ds(c, 16)] = rows_v[r, pl.ds(c, 16)] * exv
                sthi_v[r, pl.ds(c, 16)] = (
                    rows_v[r, pl.ds(DENW + c, 16)] * exv)

        @pl.loop(0, K, step=16)
        def _(i):
            idxd_v[pl.ds(i, 16)] = cdst_v[pl.ds(g * K + i, 16)]
        pltpu.sync_copy(stlo_v, accl_sh.at[idxd_v], add=True)
        pltpu.sync_copy(sthi_v, acch_sh.at[idxd_v], add=True)

    @pl.loop(0, NS)
    def _stripe(s):
        off = base + s * SB
        pltpu.sync_copy(src_hbm.at[pl.ds(off, SB)], src_v)
        pltpu.sync_copy(dst_hbm.at[pl.ds(off, SB)], dst_v)

        def _compact(i, cnt):
            sv = src_v[pl.ds(i * 16, 16)]
            dv = dst_v[pl.ds(i * 16, 16)]
            a1 = plsc.load_gather(als_v, [sv])
            a2 = plsc.load_gather(ald_v, [dv])
            t = a1 + a2
            logit = jnp.where(t > 0, t, 0.2 * t)
            ex = jnp.exp(logit - shift)
            ldv = dv - lo
            iv = (jnp.full((16,), s * SB + i * 16, jnp.int32)
                  + jax.lax.iota(jnp.int32, 16))
            mask = (ldv >= 0) & (ldv < HALF) & (iv < EPT)
            plsc.addupdate_scatter(
                den_v, [lax.shift_right_logical(ldv, 7), ldv & 127], ex,
                mask=mask)
            plsc.store_compressed(csrc_v.at[pl.ds(cnt, 16)], sv, mask=mask)
            plsc.store_compressed(cdst_v.at[pl.ds(cnt, 16)], ldv, mask=mask)
            plsc.store_compressed(cex_v.at[pl.ds(cnt, 16)], ex, mask=mask)
            return cnt + jnp.sum(mask.astype(jnp.int32), axis=0)

        cnt = lax.fori_loop(0, SB // 16, _compact, jnp.int32(0))
        @pl.loop(0, 2 * K, step=16)
        def _(i):
            cex_v[pl.ds(cnt + i, 16)] = zero16

        _issue(0, idx0_v, rows0_v, sem0)
        _issue(1, idx1_v, rows1_v, sem1)

        def _pair(q, _):
            _drain(rows0_v, sem0)
            _process(2 * q, rows0_v)
            _issue(2 * q + 2, idx0_v, rows0_v, sem0)
            _drain(rows1_v, sem1)
            _process(2 * q + 1, rows1_v)
            _issue(2 * q + 3, idx1_v, rows1_v, sem1)
            return 0

        ng = (cnt + (K - 1)) // K
        lax.fori_loop(0, (ng + 1) // 2, _pair, 0)
        _drain(rows0_v, sem0)
        _drain(rows1_v, sem1)

    pltpu.sync_copy(den_v, dall_sh.at[idxq_v], add=True)
    plsc.subcore_barrier()

    @pl.loop(0, RPT, step=K)
    def _(j):
        pltpu.sync_copy(accl_sh.at[pl.ds(row0 + j, K)], stlo_v)
        pltpu.sync_copy(stlo_v, numl_hbm.at[pl.ds(lo + row0 + j, K)])
        pltpu.sync_copy(acch_sh.at[pl.ds(row0 + j, K)], sthi_v)
        pltpu.sync_copy(sthi_v, numh_hbm.at[pl.ds(lo + row0 + j, K)])

    r0 = sid * 8

    @pl.when(sid < 5)
    def _():
        pltpu.sync_copy(dall_sh.at[pl.ds(r0, 8)], stlo_v.at[pl.ds(0, 8)])
        pltpu.sync_copy(stlo_v.at[pl.ds(0, 8)],
                        den_hbm.at[pl.ds(cid * DQ + r0, 8)])


def _sc_compiler_params():
    cp = pltpu.CompilerParams()
    if "needs_layout_passes" in pltpu.CompilerParams.__dataclass_fields__:
        cp = dataclasses.replace(cp, needs_layout_passes=False)
    return cp


def _edge_sc(src, dst, als, ald, h):
    mesh = plsc.VectorSubcoreMesh(core_axis_name="c", subcore_axis_name="s")
    f = pl.kernel(
        _edge_body,
        out_type=(jax.ShapeDtypeStruct((NPAD, DENW), jnp.float32),
                  jax.ShapeDtypeStruct((NPAD, DENW), jnp.float32),
                  jax.ShapeDtypeStruct((2 * DQ, 128), jnp.float32)),
        mesh=mesh,
        compiler_params=_sc_compiler_params(),
        scratch_types=[
            pltpu.VMEM((NPAD,), jnp.float32),
            pltpu.VMEM((NPAD,), jnp.float32),
            pltpu.VMEM((SB,), jnp.int32),
            pltpu.VMEM((SB,), jnp.int32),
            pltpu.VMEM((SB + CPAD,), jnp.int32),
            pltpu.VMEM((SB + CPAD,), jnp.int32),
            pltpu.VMEM((SB + CPAD,), jnp.float32),
            pltpu.VMEM((K, D), jnp.float32),
            pltpu.VMEM((K, D), jnp.float32),
            pltpu.VMEM((K, DENW), jnp.float32),
            pltpu.VMEM((K, DENW), jnp.float32),
            pltpu.VMEM((DQP, 128), jnp.float32),
            pltpu.VMEM((K,), jnp.int32),
            pltpu.VMEM((K,), jnp.int32),
            pltpu.VMEM((K,), jnp.int32),
            pltpu.VMEM((DQP,), jnp.int32),
            pltpu.VMEM_SHARED((HALF, DENW), jnp.float32),
            pltpu.VMEM_SHARED((HALF, DENW), jnp.float32),
            pltpu.VMEM_SHARED((DQP, 128), jnp.float32),
            pltpu.SemaphoreType.DMA,
            pltpu.SemaphoreType.DMA,
        ],
    )
    return f(src, dst, als, ald, h)


def _pack8(a_src, a_dst):
    as8 = jnp.zeros((D, 8), _f32).at[:, 0].set(a_src)
    ad8 = jnp.zeros((D, 8), _f32).at[:, 1].set(a_dst)
    return as8, ad8


def kernel(x, edge_index, W1_src, W1_dst, a1_src, a1_dst, b1,
           W2_src, W2_dst, a2_src, a2_dst, b2):
    pad = jnp.zeros((PADE,), edge_index.dtype)
    src = jnp.concatenate([edge_index[0], pad])
    dst = jnp.concatenate([edge_index[1], pad])
    xp = jnp.zeros((NPAD, D), _f32).at[:N].set(x)

    as8_1, ad8_1 = _pack8(a1_src, a1_dst)
    as8_2, ad8_2 = _pack8(a2_src, a2_dst)

    h1, al1 = _pre(xp, W1_src, W1_dst, as8_1, ad8_1)
    nlo1, nhi1, den1 = _edge_sc(src, dst, al1[:, 0], al1[:, 1], h1)
    x1, h2, al2 = _fin_pre(nlo1, nhi1, _den_col(den1), b1, W2_src, W2_dst,
                           as8_2, ad8_2)
    nlo2, nhi2, den2 = _edge_sc(src, dst, al2[:, 0], al2[:, 1], h2)
    x2 = _fin(nlo2, nhi2, _den_col(den2), b2)
    return jnp.concatenate([x1[:N], x2[:N]], axis=1)

# --- scband reference (transcript-rebuilt; emitter-appended) ---
"""Pipeline reference for scband-hetero-gnn-8521215115304 (READ-ONLY COPY).

The authoritative reference and input builder live on the scoring server;
editing this copy changes nothing except your own understanding.
"""

import jax, jax.numpy as jnp
import numpy as np

N = 10000
E = 160000
D_IN = 256
D_HID = 256
D_OUT = 256


def _gat(x, edge_index, W_src, W_dst, a_src, a_dst, b, num_nodes):
    # PyG GATConv((-1,-1), out, heads=1, add_self_loops=False) on a homogeneous
    # ('node','to','node') relation: separate src/dst linear maps, additive
    # attention with LeakyReLU(0.2), softmax over incoming edges per dst node.
    h_src = x @ W_src
    h_dst = x @ W_dst
    src = edge_index[0]
    dst = edge_index[1]
    logit = jax.nn.leaky_relu((h_src @ a_src)[src] + (h_dst @ a_dst)[dst], negative_slope=0.2)
    m = jax.ops.segment_max(logit, dst, num_segments=num_nodes)
    m = jnp.where(jnp.isfinite(m), m, 0.0)
    ex = jnp.exp(logit - m[dst])
    denom = jax.ops.segment_sum(ex, dst, num_segments=num_nodes)
    coef = ex / (denom[dst] + 1e-16)
    out = jax.ops.segment_sum(h_src[src] * coef[:, None], dst, num_segments=num_nodes)
    return out + b


def setup_inputs(seed: int = 0) -> dict:
    key = jax.random.key(seed)
    ks = jax.random.split(key, 12)
    x = jax.random.normal(ks[0], (N, D_IN), dtype=jnp.float32)
    edge_index = jax.random.randint(ks[1], (2, E), 0, N)

    def glorot(k, shape):
        fan = shape[0] + (shape[1] if len(shape) > 1 else 1)
        s = float(np.sqrt(6.0 / fan))
        return jax.random.uniform(k, shape, dtype=jnp.float32, minval=-s, maxval=s)

    return {
        "x": x,
        "edge_index": edge_index,
        "W1_src": glorot(ks[2], (D_IN, D_HID)),
        "W1_dst": glorot(ks[3], (D_IN, D_HID)),
        "a1_src": glorot(ks[4], (D_HID,)),
        "a1_dst": glorot(ks[5], (D_HID,)),
        "b1": jnp.zeros((D_HID,), dtype=jnp.float32),
        "W2_src": glorot(ks[6], (D_HID, D_OUT)),
        "W2_dst": glorot(ks[7], (D_HID, D_OUT)),
        "a2_src": glorot(ks[8], (D_OUT,)),
        "a2_dst": glorot(ks[9], (D_OUT,)),
        "b2": jnp.zeros((D_OUT,), dtype=jnp.float32),
    }


def reference(x, edge_index, W1_src, W1_dst, a1_src, a1_dst, b1, W2_src, W2_dst, a2_src, a2_dst, b2):
    # conv1 -> relu -> dropout (eval: identity) -> conv2 -> concat([x1, x2])
    x1 = jax.nn.relu(_gat(x, edge_index, W1_src, W1_dst, a1_src, a1_dst, b1, N))
    x2 = _gat(x1, edge_index, W2_src, W2_dst, a2_src, a2_dst, b2, N)
    return jnp.concatenate([x1, x2], axis=1)

if __name__ == "__main__":
    import jax
    _d = setup_inputs()
    print(jax.jit(kernel)(*tuple(_d.values())))

</pallas_src>

<mosaic_0001>
#map = affine_map<(d0, d1) -> (0)>
#map1 = affine_map<(d0, d1) -> (0, 0)>
module attributes {stable_mosaic.version = 14 : i64} {
  func.func @_edge_body(%arg0: i32, %arg1: i32, %arg2: memref<160080xi32, #tpu.memory_space<hbm>>, %arg3: memref<160080xi32, #tpu.memory_space<hbm>>, %arg4: memref<10240xf32, #tpu.memory_space<hbm>>, %arg5: memref<10240xf32, #tpu.memory_space<hbm>>, %arg6: memref<10240x256xf32, #tpu.memory_space<hbm>>, %arg7: memref<10240x128xf32, #tpu.memory_space<hbm>>, %arg8: memref<10240x128xf32, #tpu.memory_space<hbm>>, %arg9: memref<80x128xf32, #tpu.memory_space<hbm>>, %arg10: memref<10240xf32, #tpu.memory_space<vmem>>, %arg11: memref<10240xf32, #tpu.memory_space<vmem>>, %arg12: memref<1680xi32, #tpu.memory_space<vmem>>, %arg13: memref<1680xi32, #tpu.memory_space<vmem>>, %arg14: memref<1744xi32, #tpu.memory_space<vmem>>, %arg15: memref<1744xi32, #tpu.memory_space<vmem>>, %arg16: memref<1744xf32, #tpu.memory_space<vmem>>, %arg17: memref<16x256xf32, #tpu.memory_space<vmem>>, %arg18: memref<16x256xf32, #tpu.memory_space<vmem>>, %arg19: memref<16x128xf32, #tpu.memory_space<vmem>>, %arg20: memref<16x128xf32, #tpu.memory_space<vmem>>, %arg21: memref<48x128xf32, #tpu.memory_space<vmem>>, %arg22: memref<16xi32, #tpu.memory_space<vmem>>, %arg23: memref<16xi32, #tpu.memory_space<vmem>>, %arg24: memref<16xi32, #tpu.memory_space<vmem>>, %arg25: memref<48xi32, #tpu.memory_space<vmem>>, %arg26: memref<5120x128xf32, #tpu.memory_space<vmem_shared>>, %arg27: memref<5120x128xf32, #tpu.memory_space<vmem_shared>>, %arg28: memref<48x128xf32, #tpu.memory_space<vmem_shared>>, %arg29: memref<!tpu.dma_semaphore, #tpu.memory_space<semaphore_mem>>, %arg30: memref<!tpu.dma_semaphore, #tpu.memory_space<semaphore_mem>>) attributes {dimension_semantics = [#tpu.dimension_semantics<core_parallel>, #tpu.dimension_semantics<subcore_parallel>], iteration_bounds = array<i64: 2, 16>, scalar_prefetch = 0 : i64, scratch_operands = 21 : i64, tpu.core_type = #tpu.core_type<sc_vector_subcore>, window_params = [{transform_indices = #map}, {transform_indices = #map}, {transform_indices = #map}, {transform_indices = #map}, {transform_indices = #map1}, {transform_indices = #map1}, {transform_indices = #map1}, {transform_indices = #map1}]} {
    %mul3A = arith.constant 5120 : i32
    %mul3A_0 = arith.muli %arg0, %mul3A : i32
    %broadcast_in_dim3A = arith.constant 0.000000e+00 : f32
    %broadcast_in_dim3A_1 = vector.broadcast %broadcast_in_dim3A : f32 to vector<16xf32>
    %broadcast_in_dim3A_2 = arith.constant 0 : i32
    %broadcast_in_dim3A_3 = vector.broadcast %broadcast_in_dim3A_2 : i32 to vector<16xi32>
    "tpu.region"() ({
      %run_scoped3A = tpu.sem_alloc : memref<!tpu.dma_semaphore, #tpu.memory_space<semaphore_mem>>
      tpu.enqueue_dma source(%arg4 : memref<10240xf32, #tpu.memory_space<hbm>>) target(%arg10 : memref<10240xf32, #tpu.memory_space<vmem>>) target_semaphore(%run_scoped3A : memref<!tpu.dma_semaphore, #tpu.memory_space<semaphore_mem>>)
      tpu.wait_dma2 semaphore(%run_scoped3A : memref<!tpu.dma_semaphore, #tpu.memory_space<semaphore_mem>>) src(%arg4 : memref<10240xf32, #tpu.memory_space<hbm>>) dst(%arg10 : memref<10240xf32, #tpu.memory_space<vmem>>)
      tpu.yield
    }) : () -> ()
    "tpu.region"() ({
      %run_scoped3A = tpu.sem_alloc : memref<!tpu.dma_semaphore, #tpu.memory_space<semaphore_mem>>
      tpu.enqueue_dma source(%arg5 : memref<10240xf32, #tpu.memory_space<hbm>>) target(%arg11 : memref<10240xf32, #tpu.memory_space<vmem>>) target_semaphore(%run_scoped3A : memref<!tpu.dma_semaphore, #tpu.memory_space<semaphore_mem>>)
      tpu.wait_dma2 semaphore(%run_scoped3A : memref<!tpu.dma_semaphore, #tpu.memory_space<semaphore_mem>>) src(%arg5 : memref<10240xf32, #tpu.memory_space<hbm>>) dst(%arg11 : memref<10240xf32, #tpu.memory_space<vmem>>)
      tpu.yield
    }) : () -> ()
    %scan3A = arith.constant 0 : i32
    %scan3A_4 = arith.constant 109 : i32
    %scan3A_5 = arith.addi %scan3A, %scan3A_4 : i32
    %scan3A_6 = arith.constant 1 : i32
    scf.for %scan3A_74 = %scan3A to %scan3A_5 step %scan3A_6  : i32 {
      %mul3A_75 = arith.constant 16 : i32
      %mul3A_76 = arith.muli %scan3A_74, %mul3A_75 : i32
      %add3A_77 = arith.constant 0 : i32
      %add3A_78 = arith.addi %add3A_77, %mul3A_76 : i32
      %swap3A = arith.index_cast %add3A_78 : i32 to index
      %swap3A_79 = tpu.vector_load %arg14[%swap3A] {strides = array<i32>} : memref<1744xi32, #tpu.memory_space<vmem>>, vector<16xi32>,
      tpu.vector_store %arg14[%swap3A], %broadcast_in_dim3A_3 {strides = array<i32>} : memref<1744xi32, #tpu.memory_space<vmem>>, vector<16xi32>,
      %swap3A_80 = arith.index_cast %add3A_78 : i32 to index
      %swap3A_81 = tpu.vector_load %arg15[%swap3A_80] {strides = array<i32>} : memref<1744xi32, #tpu.memory_space<vmem>>, vector<16xi32>,
      tpu.vector_store %arg15[%swap3A_80], %broadcast_in_dim3A_3 {strides = array<i32>} : memref<1744xi32, #tpu.memory_space<vmem>>, vector<16xi32>,
      %swap3A_82 = arith.index_cast %add3A_78 : i32 to index
      %swap3A_83 = tpu.vector_load %arg16[%swap3A_82] {strides = array<i32>} : memref<1744xf32, #tpu.memory_space<vmem>>, vector<16xf32>,
      tpu.vector_store %arg16[%swap3A_82], %broadcast_in_dim3A_1 {strides = array<i32>} : memref<1744xf32, #tpu.memory_space<vmem>>, vector<16xf32>,
    }
    %scan3A_7 = arith.constant 109 : i32
    %scan3A_8 = arith.constant 0 : i32
    %scan3A_9 = arith.constant 48 : i32
    %scan3A_10 = arith.addi %scan3A_8, %scan3A_9 : i32
    %scan3A_11 = arith.constant 1 : i32
    scf.for %scan3A_74 = %scan3A_8 to %scan3A_10 step %scan3A_11  : i32 {
      %mul3A_75 = arith.constant 1 : i32
      %mul3A_76 = arith.muli %scan3A_74, %mul3A_75 : i32
      %add3A_77 = arith.constant 0 : i32
      %add3A_78 = arith.addi %add3A_77, %mul3A_76 : i32
      %scan3A_79 = arith.constant 0 : i32
      %scan3A_80 = arith.constant 8 : i32
      %scan3A_81 = arith.addi %scan3A_79, %scan3A_80 : i32
      %scan3A_82 = arith.constant 1 : i32
      scf.for %scan3A_84 = %scan3A_79 to %scan3A_81 step %scan3A_82  : i32 {
        %mul3A_85 = arith.constant 16 : i32
        %mul3A_86 = arith.muli %scan3A_84, %mul3A_85 : i32
        %add3A_87 = arith.constant 0 : i32
        %add3A_88 = arith.addi %add3A_87, %mul3A_86 : i32
        %swap3A = arith.index_cast %add3A_78 : i32 to index
        %swap3A_89 = arith.index_cast %add3A_88 : i32 to index
        %swap3A_90 = tpu.vector_load %arg21[%swap3A, %swap3A_89] {strides = array<i32>} : memref<48x128xf32, #tpu.memory_space<vmem>>, vector<16xf32>,
        tpu.vector_store %arg21[%swap3A, %swap3A_89], %broadcast_in_dim3A_1 {strides = array<i32>} : memref<48x128xf32, #tpu.memory_space<vmem>>, vector<16xf32>,
      }
      %scan3A_83 = arith.constant 8 : i32
    }
    %scan3A_12 = arith.constant 48 : i32
    %scan3A_13 = arith.constant 0 : i32
    %scan3A_14 = arith.constant 16 : i32
    %scan3A_15 = arith.addi %scan3A_13, %scan3A_14 : i32
    %scan3A_16 = arith.constant 1 : i32
    scf.for %scan3A_74 = %scan3A_13 to %scan3A_15 step %scan3A_16  : i32 {
      %mul3A_75 = arith.constant 1 : i32
      %mul3A_76 = arith.muli %scan3A_74, %mul3A_75 : i32
      %add3A_77 = arith.constant 0 : i32
      %add3A_78 = arith.addi %add3A_77, %mul3A_76 : i32
      %scan3A_79 = arith.constant 0 : i32
      %scan3A_80 = arith.constant 8 : i32
      %scan3A_81 = arith.addi %scan3A_79, %scan3A_80 : i32
      %scan3A_82 = arith.constant 1 : i32
      scf.for %scan3A_84 = %scan3A_79 to %scan3A_81 step %scan3A_82  : i32 {
        %mul3A_85 = arith.constant 16 : i32
        %mul3A_86 = arith.muli %scan3A_84, %mul3A_85 : i32
        %add3A_87 = arith.constant 0 : i32
        %add3A_88 = arith.addi %add3A_87, %mul3A_86 : i32
        %swap3A = arith.index_cast %add3A_78 : i32 to index
        %swap3A_89 = arith.index_cast %add3A_88 : i32 to index
        %swap3A_90 = tpu.vector_load %arg19[%swap3A, %swap3A_89] {strides = array<i32>} : memref<16x128xf32, #tpu.memory_space<vmem>>, vector<16xf32>,
        tpu.vector_store %arg19[%swap3A, %swap3A_89], %broadcast_in_dim3A_1 {strides = array<i32>} : memref<16x128xf32, #tpu.memory_space<vmem>>, vector<16xf32>,
      }
      %scan3A_83 = arith.constant 8 : i32
    }
    %scan3A_17 = arith.constant 16 : i32
    %mul3A_18 = arith.constant 320 : i32
    %mul3A_19 = arith.muli %arg1, %mul3A_18 : i32
    %scan3A_20 = arith.constant 0 : i32
    %scan3A_21 = arith.constant 20 : i32
    %scan3A_22 = arith.addi %scan3A_20, %scan3A_21 : i32
    %scan3A_23 = arith.constant 1 : i32
    scf.for %scan3A_74 = %scan3A_20 to %scan3A_22 step %scan3A_23  : i32 {
      %mul3A_75 = arith.constant 16 : i32
      %mul3A_76 = arith.muli %scan3A_74, %mul3A_75 : i32
      %add3A_77 = arith.constant 0 : i32
      %add3A_78 = arith.addi %add3A_77, %mul3A_76 : i32
      %add3A_79 = arith.addi %mul3A_19, %add3A_78 : i32
      "tpu.region"() ({
        %run_scoped3A = tpu.sem_alloc : memref<!tpu.dma_semaphore, #tpu.memory_space<semaphore_mem>>
        %dma_start3A = arith.constant 0 : i32
        %dma_start3A_81 = tpu.memref_slice %arg26[%add3A_79, %dma_start3A] : memref<5120x128xf32, #tpu.memory_space<vmem_shared>> -> memref<16x128xf32, #tpu.memory_space<vmem_shared>>
        %dma_start3A_82 = arith.constant 0 : i32
        %dma_start3A_83 = tpu.memref_slice %arg26[%add3A_79, %dma_start3A_82] : memref<5120x128xf32, #tpu.memory_space<vmem_shared>> -> memref<16x128xf32, #tpu.memory_space<vmem_shared>>
        tpu.enqueue_dma source(%arg19 : memref<16x128xf32, #tpu.memory_space<vmem>>) target(%dma_start3A_83 : memref<16x128xf32, #tpu.memory_space<vmem_shared>>) target_semaphore(%run_scoped3A : memref<!tpu.dma_semaphore, #tpu.memory_space<semaphore_mem>>)
        %dma_wait3A = arith.constant 0 : i32
        %dma_wait3A_84 = tpu.memref_slice %arg26[%add3A_79, %dma_wait3A] : memref<5120x128xf32, #tpu.memory_space<vmem_shared>> -> memref<16x128xf32, #tpu.memory_space<vmem_shared>>
        %dma_wait3A_85 = arith.constant 0 : i32
        %dma_wait3A_86 = tpu.memref_slice %arg26[%add3A_79, %dma_wait3A_85] : memref<5120x128xf32, #tpu.memory_space<vmem_shared>> -> memref<16x128xf32, #tpu.memory_space<vmem_shared>>
        tpu.wait_dma2 semaphore(%run_scoped3A : memref<!tpu.dma_semaphore, #tpu.memory_space<semaphore_mem>>) src(%arg19 : memref<16x128xf32, #tpu.memory_space<vmem>>) dst(%dma_wait3A_86 : memref<16x128xf32, #tpu.memory_space<vmem_shared>>)
        tpu.yield
      }) : () -> ()
      %add3A_80 = arith.addi %mul3A_19, %add3A_78 : i32
      "tpu.region"() ({
        %run_scoped3A = tpu.sem_alloc : memref<!tpu.dma_semaphore, #tpu.memory_space<semaphore_mem>>
        %dma_start3A = arith.constant 0 : i32
        %dma_start3A_81 = tpu.memref_slice %arg27[%add3A_80, %dma_start3A] : memref<5120x128xf32, #tpu.memory_space<vmem_shared>> -> memref<16x128xf32, #tpu.memory_space<vmem_shared>>
        %dma_start3A_82 = arith.constant 0 : i32
        %dma_start3A_83 = tpu.memref_slice %arg27[%add3A_80, %dma_start3A_82] : memref<5120x128xf32, #tpu.memory_space<vmem_shared>> -> memref<16x128xf32, #tpu.memory_space<vmem_shared>>
        tpu.enqueue_dma source(%arg19 : memref<16x128xf32, #tpu.memory_space<vmem>>) target(%dma_start3A_83 : memref<16x128xf32, #tpu.memory_space<vmem_shared>>) target_semaphore(%run_scoped3A : memref<!tpu.dma_semaphore, #tpu.memory_space<semaphore_mem>>)
        %dma_wait3A = arith.constant 0 : i32
        %dma_wait3A_84 = tpu.memref_slice %arg27[%add3A_80, %dma_wait3A] : memref<5120x128xf32, #tpu.memory_space<vmem_shared>> -> memref<16x128xf32, #tpu.memory_space<vmem_shared>>
        %dma_wait3A_85 = arith.constant 0 : i32
        %dma_wait3A_86 = tpu.memref_slice %arg27[%add3A_80, %dma_wait3A_85] : memref<5120x128xf32, #tpu.memory_space<vmem_shared>> -> memref<16x128xf32, #tpu.memory_space<vmem_shared>>
        tpu.wait_dma2 semaphore(%run_scoped3A : memref<!tpu.dma_semaphore, #tpu.memory_space<semaphore_mem>>) src(%arg19 : memref<16x128xf32, #tpu.memory_space<vmem>>) dst(%dma_wait3A_86 : memref<16x128xf32, #tpu.memory_space<vmem_shared>>)
        tpu.yield
      }) : () -> ()
    }
    %scan3A_24 = arith.constant 20 : i32
    %lt3A = arith.constant 6 : i32
    %lt3A_25 = arith.cmpi slt, %arg1, %lt3A : i32
    %convert_element_type3A = arith.extui %lt3A_25 : i1 to i32
    %cond3A = arith.constant 0 : i32
    %cond3A_26 = arith.cmpi ne, %convert_element_type3A, %cond3A : i32
    scf.if %cond3A_26 {
      %mul3A_74 = arith.constant 8 : i32
      %mul3A_75 = arith.muli %arg1, %mul3A_74 : i32
      "tpu.region"() ({
        %run_scoped3A = tpu.sem_alloc : memref<!tpu.dma_semaphore, #tpu.memory_space<semaphore_mem>>
        %dma_start3A = arith.constant 0 : i32
        %dma_start3A_76 = arith.constant 0 : i32
        %dma_start3A_77 = tpu.memref_slice %arg19[%dma_start3A, %dma_start3A_76] : memref<16x128xf32, #tpu.memory_space<vmem>> -> memref<8x128xf32, #tpu.memory_space<vmem>>
        %dma_start3A_78 = arith.constant 0 : i32
        %dma_start3A_79 = tpu.memref_slice %arg28[%mul3A_75, %dma_start3A_78] : memref<48x128xf32, #tpu.memory_space<vmem_shared>> -> memref<8x128xf32, #tpu.memory_space<vmem_shared>>
        %dma_start3A_80 = arith.constant 0 : i32
        %dma_start3A_81 = tpu.memref_slice %arg28[%mul3A_75, %dma_start3A_80] : memref<48x128xf32, #tpu.memory_space<vmem_shared>> -> memref<8x128xf32, #tpu.memory_space<vmem_shared>>
        %dma_start3A_82 = arith.constant 0 : i32
        %dma_start3A_83 = arith.constant 0 : i32
        %dma_start3A_84 = tpu.memref_slice %arg19[%dma_start3A_82, %dma_start3A_83] : memref<16x128xf32, #tpu.memory_space<vmem>> -> memref<8x128xf32, #tpu.memory_space<vmem>>
        tpu.enqueue_dma source(%dma_start3A_84 : memref<8x128xf32, #tpu.memory_space<vmem>>) target(%dma_start3A_81 : memref<8x128xf32, #tpu.memory_space<vmem_shared>>) target_semaphore(%run_scoped3A : memref<!tpu.dma_semaphore, #tpu.memory_space<semaphore_mem>>)
        %dma_wait3A = arith.constant 0 : i32
        %dma_wait3A_85 = arith.constant 0 : i32
        %dma_wait3A_86 = tpu.memref_slice %arg19[%dma_wait3A, %dma_wait3A_85] : memref<16x128xf32, #tpu.memory_space<vmem>> -> memref<8x128xf32, #tpu.memory_space<vmem>>
        %dma_wait3A_87 = arith.constant 0 : i32
        %dma_wait3A_88 = tpu.memref_slice %arg28[%mul3A_75, %dma_wait3A_87] : memref<48x128xf32, #tpu.memory_space<vmem_shared>> -> memref<8x128xf32, #tpu.memory_space<vmem_shared>>
        %dma_wait3A_89 = arith.constant 0 : i32
        %dma_wait3A_90 = tpu.memref_slice %arg28[%mul3A_75, %dma_wait3A_89] : memref<48x128xf32, #tpu.memory_space<vmem_shared>> -> memref<8x128xf32, #tpu.memory_space<vmem_shared>>
        %dma_wait3A_91 = arith.constant 0 : i32
        %dma_wait3A_92 = arith.constant 0 : i32
        %dma_wait3A_93 = tpu.memref_slice %arg19[%dma_wait3A_91, %dma_wait3A_92] : memref<16x128xf32, #tpu.memory_space<vmem>> -> memref<8x128xf32, #tpu.memory_space<vmem>>
        tpu.wait_dma2 semaphore(%run_scoped3A : memref<!tpu.dma_semaphore, #tpu.memory_space<semaphore_mem>>) src(%dma_wait3A_93 : memref<8x128xf32, #tpu.memory_space<vmem>>) dst(%dma_wait3A_90 : memref<8x128xf32, #tpu.memory_space<vmem_shared>>)
        tpu.yield
      }) : () -> ()
    } else {
    }
    %scan3A_27 = arith.constant 0 : i32
    %scan3A_28 = arith.constant 3 : i32
    %scan3A_29 = arith.addi %scan3A_27, %scan3A_28 : i32
    %scan3A_30 = arith.constant 1 : i32
    scf.for %scan3A_74 = %scan3A_27 to %scan3A_29 step %scan3A_30  : i32 {
      %mul3A_75 = arith.constant 16 : i32
      %mul3A_76 = arith.muli %scan3A_74, %mul3A_75 : i32
      %add3A_77 = arith.constant 0 : i32
      %add3A_78 = arith.addi %add3A_77, %mul3A_76 : i32
      %iota3A = tpu.iota {dimensions = array<i32: 0>} : vector<16xi32>
      %add3A_79 = vector.broadcast %add3A_78 : i32 to vector<16xi32>
      %add3A_80 = arith.addi %iota3A, %add3A_79 : vector<16xi32>
      %swap3A = arith.index_cast %add3A_78 : i32 to index
      %swap3A_81 = tpu.vector_load %arg25[%swap3A] {strides = array<i32>} : memref<48xi32, #tpu.memory_space<vmem>>, vector<16xi32>,
      tpu.vector_store %arg25[%swap3A], %add3A_80 {strides = array<i32>} : memref<48xi32, #tpu.memory_space<vmem>>, vector<16xi32>,
    }
    %scan3A_31 = arith.constant 3 : i32
    %broadcast_in_dim3A_32 = arith.constant -3.000000e+38 : f32
    %broadcast_in_dim3A_33 = vector.broadcast %broadcast_in_dim3A_32 : f32 to vector<16xf32>
    %scan3A_34 = arith.constant 0 : i32
    %scan3A_35 = arith.constant 640 : i32
    %scan3A_36 = arith.addi %scan3A_34, %scan3A_35 : i32
    %scan3A_37 = arith.constant 1 : i32
    %scan3A_38 = scf.for %scan3A_74 = %scan3A_34 to %scan3A_36 step %scan3A_37 iter_args(%scan3A_75 = %broadcast_in_dim3A_33) -> (vector<16xf32>)  : i32 {
      %mul3A_76 = arith.constant 16 : i32
      %mul3A_77 = arith.muli %scan3A_74, %mul3A_76 : i32
      %get3A = arith.index_cast %mul3A_77 : i32 to index
      %get3A_78 = tpu.vector_load %arg10[%get3A] {strides = array<i32>} : memref<10240xf32, #tpu.memory_space<vmem>>, vector<16xf32>,
      %max3A_79 = arith.maximumf %scan3A_75, %get3A_78 : vector<16xf32>
      scf.yield %max3A_79 : vector<16xf32>
    }
    %scan3A_39 = arith.constant 640 : i32
    %reduce_max3A = arith.constant true
    %reduce_max3A_40 = vector.broadcast %reduce_max3A : i1 to vector<16xi1>
    %reduce_max3A_41 = tpu.scan <max>, %scan3A_38 masked %reduce_max3A_40 : vector<16xf32>, vector<16xi1> -> vector<16xf32>
    %reduce_max3A_42 = vector.extract %reduce_max3A_41[15] : f32 from vector<16xf32>
    %scan3A_43 = arith.constant 0 : i32
    %scan3A_44 = arith.constant 640 : i32
    %scan3A_45 = arith.addi %scan3A_43, %scan3A_44 : i32
    %scan3A_46 = arith.constant 1 : i32
    %scan3A_47 = scf.for %scan3A_74 = %scan3A_43 to %scan3A_45 step %scan3A_46 iter_args(%scan3A_75 = %broadcast_in_dim3A_33) -> (vector<16xf32>)  : i32 {
      %mul3A_76 = arith.constant 16 : i32
      %mul3A_77 = arith.muli %scan3A_74, %mul3A_76 : i32
      %get3A = arith.index_cast %mul3A_77 : i32 to index
      %get3A_78 = tpu.vector_load %arg11[%get3A] {strides = array<i32>} : memref<10240xf32, #tpu.memory_space<vmem>>, vector<16xf32>,
      %max3A_79 = arith.maximumf %scan3A_75, %get3A_78 : vector<16xf32>
      scf.yield %max3A_79 : vector<16xf32>
    }
    %scan3A_48 = arith.constant 640 : i32
    %reduce_max3A_49 = arith.constant true
    %reduce_max3A_50 = vector.broadcast %reduce_max3A_49 : i1 to vector<16xi1>
    %reduce_max3A_51 = tpu.scan <max>, %scan3A_47 masked %reduce_max3A_50 : vector<16xf32>, vector<16xi1> -> vector<16xf32>
    %reduce_max3A_52 = vector.extract %reduce_max3A_51[15] : f32 from vector<16xf32>
    %add3A = arith.addf %reduce_max3A_42, %reduce_max3A_52 : f32
    %max3A = arith.constant 0.000000e+00 : f32
    %max3A_53 = arith.maximumf %add3A, %max3A : f32
    %barrier3A = arith.constant 0 : index
    tpu.barrier barrier_id(%barrier3A)
    %mul3A_54 = arith.constant 10000 : i32
    %mul3A_55 = arith.muli %arg1, %mul3A_54 : i32
    %scan3A_56 = arith.constant 0 : i32
    %scan3A_57 = arith.constant 6 : i32
    %scan3A_58 = arith.addi %scan3A_56, %scan3A_57 : i32
    %scan3A_59 = arith.constant 1 : i32
    scf.for %scan3A_74 = %scan3A_56 to %scan3A_58 step %scan3A_59  : i32 {
      %mul3A_75 = arith.constant 1 : i32
      %mul3A_76 = arith.muli %scan3A_74, %mul3A_75 : i32
      %add3A_77 = arith.constant 0 : i32
      %add3A_78 = arith.addi %add3A_77, %mul3A_76 : i32
      %mul3A_79 = arith.constant 1680 : i32
      %mul3A_80 = arith.muli %add3A_78, %mul3A_79 : i32
      %add3A_81 = arith.addi %mul3A_55, %mul3A_80 : i32
      "tpu.region"() ({
        %run_scoped3A = tpu.sem_alloc : memref<!tpu.dma_semaphore, #tpu.memory_space<semaphore_mem>>
        %dma_start3A_187 = tpu.memref_slice %arg2[%add3A_81] : memref<160080xi32, #tpu.memory_space<hbm>> -> memref<1680xi32, #tpu.memory_space<hbm>>
        %dma_start3A_188 = tpu.memref_slice %arg2[%add3A_81] : memref<160080xi32, #tpu.memory_space<hbm>> -> memref<1680xi32, #tpu.memory_space<hbm>>
        tpu.enqueue_dma source(%dma_start3A_188 : memref<1680xi32, #tpu.memory_space<hbm>>) target(%arg12 : memref<1680xi32, #tpu.memory_space<vmem>>) target_semaphore(%run_scoped3A : memref<!tpu.dma_semaphore, #tpu.memory_space<semaphore_mem>>)
        %dma_wait3A_189 = tpu.memref_slice %arg2[%add3A_81] : memref<160080xi32, #tpu.memory_space<hbm>> -> memref<1680xi32, #tpu.memory_space<hbm>>
        %dma_wait3A_190 = tpu.memref_slice %arg2[%add3A_81] : memref<160080xi32, #tpu.memory_space<hbm>> -> memref<1680xi32, #tpu.memory_space<hbm>>
        tpu.wait_dma2 semaphore(%run_scoped3A : memref<!tpu.dma_semaphore, #tpu.memory_space<semaphore_mem>>) src(%dma_wait3A_190 : memref<1680xi32, #tpu.memory_space<hbm>>) dst(%arg12 : memref<1680xi32, #tpu.memory_space<vmem>>)
        tpu.yield
      }) : () -> ()
      "tpu.region"() ({
        %run_scoped3A = tpu.sem_alloc : memref<!tpu.dma_semaphore, #tpu.memory_space<semaphore_mem>>
        %dma_start3A_187 = tpu.memref_slice %arg3[%add3A_81] : memref<160080xi32, #tpu.memory_space<hbm>> -> memref<1680xi32, #tpu.memory_space<hbm>>
        %dma_start3A_188 = tpu.memref_slice %arg3[%add3A_81] : memref<160080xi32, #tpu.memory_space<hbm>> -> memref<1680xi32, #tpu.memory_space<hbm>>
        tpu.enqueue_dma source(%dma_start3A_188 : memref<1680xi32, #tpu.memory_space<hbm>>) target(%arg13 : memref<1680xi32, #tpu.memory_space<vmem>>) target_semaphore(%run_scoped3A : memref<!tpu.dma_semaphore, #tpu.memory_space<semaphore_mem>>)
        %dma_wait3A_189 = tpu.memref_slice %arg3[%add3A_81] : memref<160080xi32, #tpu.memory_space<hbm>> -> memref<1680xi32, #tpu.memory_space<hbm>>
        %dma_wait3A_190 = tpu.memref_slice %arg3[%add3A_81] : memref<160080xi32, #tpu.memory_space<hbm>> -> memref<1680xi32, #tpu.memory_space<hbm>>
        tpu.wait_dma2 semaphore(%run_scoped3A : memref<!tpu.dma_semaphore, #tpu.memory_space<semaphore_mem>>) src(%dma_wait3A_190 : memref<1680xi32, #tpu.memory_space<hbm>>) dst(%arg13 : memref<1680xi32, #tpu.memory_space<vmem>>)
        tpu.yield
      }) : () -> ()
      %scan3A_82 = arith.constant 0 : i32
      %scan3A_83 = arith.constant 0 : i32
      %scan3A_84 = arith.constant 105 : i32
      %scan3A_85 = arith.addi %scan3A_83, %scan3A_84 : i32
      %scan3A_86 = arith.constant 1 : i32
      %scan3A_87 = scf.for %scan3A_187 = %scan3A_83 to %scan3A_85 step %scan3A_86 iter_args(%scan3A_188 = %scan3A_82) -> (i32)  : i32 {
        %mul3A_189 = arith.constant 16 : i32
        %mul3A_190 = arith.muli %scan3A_187, %mul3A_189 : i32
        %get3A_191 = arith.index_cast %mul3A_190 : i32 to index
        %get3A_192 = tpu.vector_load %arg12[%get3A_191] {strides = array<i32>} : memref<1680xi32, #tpu.memory_space<vmem>>, vector<16xi32>,
        %mul3A_193 = arith.constant 16 : i32
        %mul3A_194 = arith.muli %scan3A_187, %mul3A_193 : i32
        %get3A_195 = arith.index_cast %mul3A_194 : i32 to index
        %get3A_196 = tpu.vector_load %arg13[%get3A_195] {strides = array<i32>} : memref<1680xi32, #tpu.memory_space<vmem>>, vector<16xi32>,
        %gather3A = tpu.vector_load_idx %arg10[%get3A_192] : memref<10240xf32, #tpu.memory_space<vmem>>[vector<16xi32>], vector<16xf32>,
        %gather3A_197 = tpu.vector_load_idx %arg11[%get3A_196] : memref<10240xf32, #tpu.memory_space<vmem>>[vector<16xi32>], vector<16xf32>,
        %add3A_198 = arith.addf %gather3A, %gather3A_197 : vector<16xf32>
        %gt3A = arith.constant 0.000000e+00 : f32
        %gt3A_199 = vector.broadcast %gt3A : f32 to vector<16xf32>
        %gt3A_200 = arith.cmpf ogt, %add3A_198, %gt3A_199 : vector<16xf32>
        %mul3A_201 = arith.constant 2.000000e-01 : f32
        %mul3A_202 = vector.broadcast %mul3A_201 : f32 to vector<16xf32>
        %mul3A_203 = arith.mulf %mul3A_202, %add3A_198 : vector<16xf32>
        %select_n3A_204 = arith.select %gt3A_200, %add3A_198, %mul3A_203 : vector<16xi1>, vector<16xf32>
        %sub3A_205 = vector.broadcast %max3A_53 : f32 to vector<16xf32>
        %sub3A_206 = arith.subf %select_n3A_204, %sub3A_205 : vector<16xf32>
        %exp3A = math.exp %sub3A_206 : vector<16xf32>
        %sub3A_207 = vector.broadcast %mul3A_0 : i32 to vector<16xi32>
        %sub3A_208 = arith.subi %get3A_196, %sub3A_207 : vector<16xi32>
        %mul3A_209 = arith.constant 1680 : i32
        %mul3A_210 = arith.muli %add3A_78, %mul3A_209 : i32
        %mul3A_211 = arith.constant 16 : i32
        %mul3A_212 = arith.muli %scan3A_187, %mul3A_211 : i32
        %add3A_213 = arith.addi %mul3A_210, %mul3A_212 : i32
        %broadcast_in_dim3A_214 = vector.broadcast %add3A_213 : i32 to vector<16xi32>
        %iota3A = tpu.iota {dimensions = array<i32: 0>} : vector<16xi32>
        %add3A_215 = arith.addi %broadcast_in_dim3A_214, %iota3A : vector<16xi32>
        %ge3A = arith.constant 0 : i32
        %ge3A_216 = vector.broadcast %ge3A : i32 to vector<16xi32>
        %ge3A_217 = arith.cmpi sge, %sub3A_208, %ge3A_216 : vector<16xi32>
        %lt3A_218 = arith.constant 5120 : i32
        %lt3A_219 = vector.broadcast %lt3A_218 : i32 to vector<16xi32>
        %lt3A_220 = arith.cmpi slt, %sub3A_208, %lt3A_219 : vector<16xi32>
        %and3A_221 = arith.andi %ge3A_217, %lt3A_220 : vector<16xi1>
        %lt3A_222 = arith.constant 10000 : i32
        %lt3A_223 = vector.broadcast %lt3A_222 : i32 to vector<16xi32>
        %lt3A_224 = arith.cmpi slt, %add3A_215, %lt3A_223 : vector<16xi32>
        %and3A_225 = arith.andi %and3A_221, %lt3A_224 : vector<16xi1>
        %shift_right_logical3A = arith.constant 7 : i32
        %shift_right_logical3A_226 = vector.broadcast %shift_right_logical3A : i32 to vector<16xi32>
        %shift_right_logical3A_227 = arith.shrui %sub3A_208, %shift_right_logical3A_226 : vector<16xi32>
        %and3A_228 = arith.constant 127 : i32
        %and3A_229 = vector.broadcast %and3A_228 : i32 to vector<16xi32>
        %and3A_230 = arith.andi %sub3A_208, %and3A_229 : vector<16xi32>
        tpu.vector_store_idx %arg21[%shift_right_logical3A_227, %and3A_230], %exp3A masked %and3A_225 {add = true} : memref<48x128xf32, #tpu.memory_space<vmem>>[vector<16xi32>, vector<16xi32>], vector<16xf32>, vector<16xi1>
        %swap3A_231 = arith.index_cast %scan3A_188 : i32 to index
        %swap3A_232 = tpu.vector_load %arg14[%swap3A_231] masked %and3A_225 {strides = array<i32>} : memref<1744xi32, #tpu.memory_space<vmem>>, vector<16xi32>, vector<16xi1>
        tpu.vector_store %arg14[%swap3A_231], %get3A_192 masked %and3A_225 {strides = array<i32>} : memref<1744xi32, #tpu.memory_space<vmem>>, vector<16xi32>, vector<16xi1>
        %swap3A_233 = arith.index_cast %scan3A_188 : i32 to index
        %swap3A_234 = tpu.vector_load %arg15[%swap3A_233] masked %and3A_225 {strides = array<i32>} : memref<1744xi32, #tpu.memory_space<vmem>>, vector<16xi32>, vector<16xi1>
        tpu.vector_store %arg15[%swap3A_233], %sub3A_208 masked %and3A_225 {strides = array<i32>} : memref<1744xi32, #tpu.memory_space<vmem>>, vector<16xi32>, vector<16xi1>
        %swap3A_235 = arith.index_cast %scan3A_188 : i32 to index
        %swap3A_236 = tpu.vector_load %arg16[%swap3A_235] masked %and3A_225 {strides = array<i32>} : memref<1744xf32, #tpu.memory_space<vmem>>, vector<16xf32>, vector<16xi1>
        tpu.vector_store %arg16[%swap3A_235], %exp3A masked %and3A_225 {strides = array<i32>} : memref<1744xf32, #tpu.memory_space<vmem>>, vector<16xf32>, vector<16xi1>
        %convert_element_type3A_237 = arith.extui %and3A_225 : vector<16xi1> to vector<16xi32>
        %reduce_sum3A = arith.constant true
        %reduce_sum3A_238 = vector.broadcast %reduce_sum3A : i1 to vector<16xi1>
        %reduce_sum3A_239 = tpu.scan <sum>, %convert_element_type3A_237 masked %reduce_sum3A_238 : vector<16xi32>, vector<16xi1> -> vector<16xi32>
        %reduce_sum3A_240 = vector.extract %reduce_sum3A_239[15] : i32 from vector<16xi32>
        %add3A_241 = arith.addi %scan3A_188, %reduce_sum3A_240 : i32
        scf.yield %add3A_241 : i32
      }
      %scan3A_88 = arith.constant 105 : i32
      %scan3A_89 = arith.constant 0 : i32
      %scan3A_90 = arith.constant 2 : i32
      %scan3A_91 = arith.addi %scan3A_89, %scan3A_90 : i32
      %scan3A_92 = arith.constant 1 : i32
      scf.for %scan3A_187 = %scan3A_89 to %scan3A_91 step %scan3A_92  : i32 {
        %mul3A_188 = arith.constant 16 : i32
        %mul3A_189 = arith.muli %scan3A_187, %mul3A_188 : i32
        %add3A_190 = arith.constant 0 : i32
        %add3A_191 = arith.addi %add3A_190, %mul3A_189 : i32
        %add3A_192 = arith.addi %scan3A_87, %add3A_191 : i32
        %swap3A_193 = arith.index_cast %add3A_192 : i32 to index
        %swap3A_194 = tpu.vector_load %arg16[%swap3A_193] {strides = array<i32>} : memref<1744xf32, #tpu.memory_space<vmem>>, vector<16xf32>,
        tpu.vector_store %arg16[%swap3A_193], %broadcast_in_dim3A_1 {strides = array<i32>} : memref<1744xf32, #tpu.memory_space<vmem>>, vector<16xf32>,
      }
      %scan3A_93 = arith.constant 2 : i32
      %scan3A_94 = arith.constant 0 : i32
      %mul3A_95 = arith.constant 16 : i32
      %mul3A_96 = arith.muli %scan3A_94, %mul3A_95 : i32
      %add3A_97 = arith.constant 0 : i32
      %add3A_98 = arith.addi %add3A_97, %mul3A_96 : i32
      %add3A_99 = arith.constant 0 : i32
      %add3A_100 = arith.addi %add3A_99, %add3A_98 : i32
      %get3A = arith.index_cast %add3A_100 : i32 to index
      %get3A_101 = tpu.vector_load %arg14[%get3A] {strides = array<i32>} : memref<1744xi32, #tpu.memory_space<vmem>>, vector<16xi32>,
      %swap3A = arith.index_cast %add3A_98 : i32 to index
      %swap3A_102 = tpu.vector_load %arg22[%swap3A] {strides = array<i32>} : memref<16xi32, #tpu.memory_space<vmem>>, vector<16xi32>,
      tpu.vector_store %arg22[%swap3A], %get3A_101 {strides = array<i32>} : memref<16xi32, #tpu.memory_space<vmem>>, vector<16xi32>,
      %scan3A_103 = arith.constant 1 : i32
      %dma_start3A = arith.constant 0 : i32
      %dma_start3A_104 = arith.constant 0 : i32
      %dma_start3A_105 = tpu.memref_slice %arg6[%dma_start3A, %dma_start3A_104] : memref<10240x256xf32, #tpu.memory_space<hbm>> -> memref<10240x256xf32, #tpu.memory_space<hbm>>
      tpu.enqueue_indirect_dma source(%dma_start3A_105 : memref<10240x256xf32, #tpu.memory_space<hbm>>) target(%arg17 : memref<16x256xf32, #tpu.memory_space<vmem>>) offsets(%arg22 : memref<16xi32, #tpu.memory_space<vmem>>) semaphore(%arg29 : memref<!tpu.dma_semaphore, #tpu.memory_space<semaphore_mem>>)
      %scan3A_106 = arith.constant 0 : i32
      %mul3A_107 = arith.constant 16 : i32
      %mul3A_108 = arith.muli %scan3A_106, %mul3A_107 : i32
      %add3A_109 = arith.constant 0 : i32
      %add3A_110 = arith.addi %add3A_109, %mul3A_108 : i32
      %add3A_111 = arith.constant 16 : i32
      %add3A_112 = arith.addi %add3A_111, %add3A_110 : i32
      %get3A_113 = arith.index_cast %add3A_112 : i32 to index
      %get3A_114 = tpu.vector_load %arg14[%get3A_113] {strides = array<i32>} : memref<1744xi32, #tpu.memory_space<vmem>>, vector<16xi32>,
      %swap3A_115 = arith.index_cast %add3A_110 : i32 to index
      %swap3A_116 = tpu.vector_load %arg23[%swap3A_115] {strides = array<i32>} : memref<16xi32, #tpu.memory_space<vmem>>, vector<16xi32>,
      tpu.vector_store %arg23[%swap3A_115], %get3A_114 {strides = array<i32>} : memref<16xi32, #tpu.memory_space<vmem>>, vector<16xi32>,
      %scan3A_117 = arith.constant 1 : i32
      %dma_start3A_118 = arith.constant 0 : i32
      %dma_start3A_119 = arith.constant 0 : i32
      %dma_start3A_120 = tpu.memref_slice %arg6[%dma_start3A_118, %dma_start3A_119] : memref<10240x256xf32, #tpu.memory_space<hbm>> -> memref<10240x256xf32, #tpu.memory_space<hbm>>
      tpu.enqueue_indirect_dma source(%dma_start3A_120 : memref<10240x256xf32, #tpu.memory_space<hbm>>) target(%arg18 : memref<16x256xf32, #tpu.memory_space<vmem>>) offsets(%arg23 : memref<16xi32, #tpu.memory_space<vmem>>) semaphore(%arg30 : memref<!tpu.dma_semaphore, #tpu.memory_space<semaphore_mem>>)
      %add3A_121 = arith.constant 15 : i32
      %add3A_122 = arith.addi %scan3A_87, %add3A_121 : i32
      %jit3A = arith.constant 16 : i32
      %div3A = arith.divsi %add3A_122, %jit3A : i32
      %sign3A = arith.constant 0 : i32
      %sign3A_123 = arith.cmpi sgt, %add3A_122, %sign3A : i32
      %sign3A_124 = arith.extui %sign3A_123 : i1 to i32
      %sign3A_125 = arith.constant 0 : i32
      %sign3A_126 = arith.cmpi slt, %add3A_122, %sign3A_125 : i32
      %sign3A_127 = arith.extui %sign3A_126 : i1 to i32
      %sign3A_128 = arith.subi %sign3A_124, %sign3A_127 : i32
      %sign3A_129 = arith.constant 0 : i32
      %sign3A_130 = arith.cmpi sgt, %jit3A, %sign3A_129 : i32
      %sign3A_131 = arith.extui %sign3A_130 : i1 to i32
      %sign3A_132 = arith.constant 0 : i32
      %sign3A_133 = arith.cmpi slt, %jit3A, %sign3A_132 : i32
      %sign3A_134 = arith.extui %sign3A_133 : i1 to i32
      %sign3A_135 = arith.subi %sign3A_131, %sign3A_134 : i32
      %ne3A = arith.cmpi ne, %sign3A_128, %sign3A_135 : i32
      %rem3A = arith.remsi %add3A_122, %jit3A : i32
      %ne3A_136 = arith.constant 0 : i32
      %ne3A_137 = arith.cmpi ne, %rem3A, %ne3A_136 : i32
      %and3A = arith.andi %ne3A, %ne3A_137 : i1
      %sub3A = arith.constant 1 : i32
      %sub3A_138 = arith.subi %div3A, %sub3A : i32
      %select_n3A = arith.select %and3A, %sub3A_138, %div3A : i32
      %add3A_139 = arith.constant 1 : i32
      %add3A_140 = arith.addi %select_n3A, %add3A_139 : i32
      %jit3A_141 = arith.constant 2 : i32
      %div3A_142 = arith.divsi %add3A_140, %jit3A_141 : i32
      %sign3A_143 = arith.constant 0 : i32
      %sign3A_144 = arith.cmpi sgt, %add3A_140, %sign3A_143 : i32
      %sign3A_145 = arith.extui %sign3A_144 : i1 to i32
      %sign3A_146 = arith.constant 0 : i32
      %sign3A_147 = arith.cmpi slt, %add3A_140, %sign3A_146 : i32
      %sign3A_148 = arith.extui %sign3A_147 : i1 to i32
      %sign3A_149 = arith.subi %sign3A_145, %sign3A_148 : i32
      %sign3A_150 = arith.constant 0 : i32
      %sign3A_151 = arith.cmpi sgt, %jit3A_141, %sign3A_150 : i32
      %sign3A_152 = arith.extui %sign3A_151 : i1 to i32
      %sign3A_153 = arith.constant 0 : i32
      %sign3A_154 = arith.cmpi slt, %jit3A_141, %sign3A_153 : i32
      %sign3A_155 = arith.extui %sign3A_154 : i1 to i32
      %sign3A_156 = arith.subi %sign3A_152, %sign3A_155 : i32
      %ne3A_157 = arith.cmpi ne, %sign3A_149, %sign3A_156 : i32
      %rem3A_158 = arith.remsi %add3A_140, %jit3A_141 : i32
      %ne3A_159 = arith.constant 0 : i32
      %ne3A_160 = arith.cmpi ne, %rem3A_158, %ne3A_159 : i32
      %and3A_161 = arith.andi %ne3A_157, %ne3A_160 : i1
      %sub3A_162 = arith.constant 1 : i32
      %sub3A_163 = arith.subi %div3A_142, %sub3A_162 : i32
      %select_n3A_164 = arith.select %and3A_161, %sub3A_163, %div3A_142 : i32
      %while3A = arith.constant 0 : i32
      %while3A_165 = arith.constant 0 : i32
      %while3A_166 = arith.subi %select_n3A_164, %while3A : i32
      %while3A_167 = arith.addi %while3A, %while3A_166 : i32
      %while3A_168 = arith.constant 1 : i32
      %while3A_169 = arith.divsi %while3A_166, %while3A_168 : i32
      %while3A_170 = arith.muli %while3A_169, %while3A_168 : i32
      %while3A_171 = arith.addi %while3A, %while3A_170 : i32
      %while3A_172 = arith.constant 1 : i32
      %while3A_173 = scf.for %while3A_187 = %while3A to %while3A_171 step %while3A_172 iter_args(%while3A_188 = %while3A_165) -> (i32)  : i32 {
        %dma_wait3A_189 = arith.constant 0 : i32
        %dma_wait3A_190 = arith.constant 0 : i32
        %dma_wait3A_191 = tpu.memref_slice %arg6[%dma_wait3A_189, %dma_wait3A_190] : memref<10240x256xf32, #tpu.memory_space<hbm>> -> memref<16x256xf32, #tpu.memory_space<hbm>>
        %dma_wait3A_192 = arith.constant 0 : i32
        %dma_wait3A_193 = arith.constant 0 : i32
        %dma_wait3A_194 = tpu.memref_slice %arg6[%dma_wait3A_192, %dma_wait3A_193] : memref<10240x256xf32, #tpu.memory_space<hbm>> -> memref<16x256xf32, #tpu.memory_space<hbm>>
        tpu.wait_dma2 semaphore(%arg29 : memref<!tpu.dma_semaphore, #tpu.memory_space<semaphore_mem>>) src(%dma_wait3A_194 : memref<16x256xf32, #tpu.memory_space<hbm>>) dst(%arg17 : memref<16x256xf32, #tpu.memory_space<vmem>>)
        %mul3A_195 = arith.constant 2 : i32
        %mul3A_196 = arith.muli %mul3A_195, %while3A_187 : i32
        %scan3A_197 = arith.constant 0 : i32
        %scan3A_198 = arith.constant 16 : i32
        %scan3A_199 = arith.addi %scan3A_197, %scan3A_198 : i32
        %scan3A_200 = arith.constant 1 : i32
        scf.for %scan3A_284 = %scan3A_197 to %scan3A_199 step %scan3A_200  : i32 {
          %mul3A_285 = arith.constant 1 : i32
          %mul3A_286 = arith.muli %scan3A_284, %mul3A_285 : i32
          %add3A_287 = arith.constant 0 : i32
          %add3A_288 = arith.addi %add3A_287, %mul3A_286 : i32
          %mul3A_289 = arith.constant 16 : i32
          %mul3A_290 = arith.muli %mul3A_196, %mul3A_289 : i32
          %add3A_291 = arith.addi %mul3A_290, %add3A_288 : i32
          %broadcast_in_dim3A_292 = vector.broadcast %add3A_291 : i32 to vector<16xi32>
          %gather3A = tpu.vector_load_idx %arg16[%broadcast_in_dim3A_292] : memref<1744xf32, #tpu.memory_space<vmem>>[vector<16xi32>], vector<16xf32>,
          %scan3A_293 = arith.constant 0 : i32
          %scan3A_294 = arith.constant 8 : i32
          %scan3A_295 = arith.addi %scan3A_293, %scan3A_294 : i32
          %scan3A_296 = arith.constant 1 : i32
          scf.for %scan3A_298 = %scan3A_293 to %scan3A_295 step %scan3A_296  : i32 {
            %mul3A_299 = arith.constant 16 : i32
            %mul3A_300 = arith.muli %scan3A_298, %mul3A_299 : i32
            %add3A_301 = arith.constant 0 : i32
            %add3A_302 = arith.addi %add3A_301, %mul3A_300 : i32
            %get3A_303 = arith.index_cast %add3A_288 : i32 to index
            %get3A_304 = arith.index_cast %add3A_302 : i32 to index
            %get3A_305 = tpu.vector_load %arg17[%get3A_303, %get3A_304] {strides = array<i32>} : memref<16x256xf32, #tpu.memory_space<vmem>>, vector<16xf32>,
            %mul3A_306 = arith.mulf %get3A_305, %gather3A : vector<16xf32>
            %swap3A_307 = arith.index_cast %add3A_288 : i32 to index
            %swap3A_308 = arith.index_cast %add3A_302 : i32 to index
            %swap3A_309 = tpu.vector_load %arg19[%swap3A_307, %swap3A_308] {strides = array<i32>} : memref<16x128xf32, #tpu.memory_space<vmem>>, vector<16xf32>,
            tpu.vector_store %arg19[%swap3A_307, %swap3A_308], %mul3A_306 {strides = array<i32>} : memref<16x128xf32, #tpu.memory_space<vmem>>, vector<16xf32>,
            %add3A_310 = arith.constant 128 : i32
            %add3A_311 = arith.addi %add3A_310, %add3A_302 : i32
            %get3A_312 = arith.index_cast %add3A_288 : i32 to index
            %get3A_313 = arith.index_cast %add3A_311 : i32 to index
            %get3A_314 = tpu.vector_load %arg17[%get3A_312, %get3A_313] {strides = array<i32>} : memref<16x256xf32, #tpu.memory_space<vmem>>, vector<16xf32>,
            %mul3A_315 = arith.mulf %get3A_314, %gather3A : vector<16xf32>
            %swap3A_316 = arith.index_cast %add3A_288 : i32 to index
            %swap3A_317 = arith.index_cast %add3A_302 : i32 to index
            %swap3A_318 = tpu.vector_load %arg20[%swap3A_316, %swap3A_317] {strides = array<i32>} : memref<16x128xf32, #tpu.memory_space<vmem>>, vector<16xf32>,
            tpu.vector_store %arg20[%swap3A_316, %swap3A_317], %mul3A_315 {strides = array<i32>} : memref<16x128xf32, #tpu.memory_space<vmem>>, vector<16xf32>,
          }
          %scan3A_297 = arith.constant 8 : i32
        }
        %scan3A_201 = arith.constant 16 : i32
        %scan3A_202 = arith.constant 0 : i32
        %mul3A_203 = arith.constant 16 : i32
        %mul3A_204 = arith.muli %scan3A_202, %mul3A_203 : i32
        %add3A_205 = arith.constant 0 : i32
        %add3A_206 = arith.addi %add3A_205, %mul3A_204 : i32
        %mul3A_207 = arith.constant 16 : i32
        %mul3A_208 = arith.muli %mul3A_196, %mul3A_207 : i32
        %add3A_209 = arith.addi %mul3A_208, %add3A_206 : i32
        %get3A_210 = arith.index_cast %add3A_209 : i32 to index
        %get3A_211 = tpu.vector_load %arg15[%get3A_210] {strides = array<i32>} : memref<1744xi32, #tpu.memory_space<vmem>>, vector<16xi32>,
        %swap3A_212 = arith.index_cast %add3A_206 : i32 to index
        %swap3A_213 = tpu.vector_load %arg24[%swap3A_212] {strides = array<i32>} : memref<16xi32, #tpu.memory_space<vmem>>, vector<16xi32>,
        tpu.vector_store %arg24[%swap3A_212], %get3A_211 {strides = array<i32>} : memref<16xi32, #tpu.memory_space<vmem>>, vector<16xi32>,
        %scan3A_214 = arith.constant 1 : i32
        "tpu.region"() ({
          %run_scoped3A = tpu.sem_alloc : memref<!tpu.dma_semaphore, #tpu.memory_space<semaphore_mem>>
          %dma_start3A_284 = arith.constant 0 : i32
          %dma_start3A_285 = arith.constant 0 : i32
          %dma_start3A_286 = tpu.memref_slice %arg26[%dma_start3A_284, %dma_start3A_285] : memref<5120x128xf32, #tpu.memory_space<vmem_shared>> -> memref<5120x128xf32, #tpu.memory_space<vmem_shared>>
          tpu.enqueue_indirect_dma source(%arg19 : memref<16x128xf32, #tpu.memory_space<vmem>>) target(%dma_start3A_286 : memref<5120x128xf32, #tpu.memory_space<vmem_shared>>) offsets(%arg24 : memref<16xi32, #tpu.memory_space<vmem>>) semaphore(%run_scoped3A : memref<!tpu.dma_semaphore, #tpu.memory_space<semaphore_mem>>) {add = true}
          %dma_wait3A_287 = arith.constant 0 : i32
          %dma_wait3A_288 = arith.constant 0 : i32
          %dma_wait3A_289 = tpu.memref_slice %arg26[%dma_wait3A_287, %dma_wait3A_288] : memref<5120x128xf32, #tpu.memory_space<vmem_shared>> -> memref<5120x128xf32, #tpu.memory_space<vmem_shared>>
          tpu.wait_indirect_dma semaphore(%run_scoped3A : memref<!tpu.dma_semaphore, #tpu.memory_space<semaphore_mem>>) src(%arg19 : memref<16x128xf32, #tpu.memory_space<vmem>>) dst(%dma_wait3A_289 : memref<5120x128xf32, #tpu.memory_space<vmem_shared>>)
          tpu.yield
        }) : () -> ()
        "tpu.region"() ({
          %run_scoped3A = tpu.sem_alloc : memref<!tpu.dma_semaphore, #tpu.memory_space<semaphore_mem>>
          %dma_start3A_284 = arith.constant 0 : i32
          %dma_start3A_285 = arith.constant 0 : i32
          %dma_start3A_286 = tpu.memref_slice %arg27[%dma_start3A_284, %dma_start3A_285] : memref<5120x128xf32, #tpu.memory_space<vmem_shared>> -> memref<5120x128xf32, #tpu.memory_space<vmem_shared>>
          tpu.enqueue_indirect_dma source(%arg20 : memref<16x128xf32, #tpu.memory_space<vmem>>) target(%dma_start3A_286 : memref<5120x128xf32, #tpu.memory_space<vmem_shared>>) offsets(%arg24 : memref<16xi32, #tpu.memory_space<vmem>>) semaphore(%run_scoped3A : memref<!tpu.dma_semaphore, #tpu.memory_space<semaphore_mem>>) {add = true}
          %dma_wait3A_287 = arith.constant 0 : i32
          %dma_wait3A_288 = arith.constant 0 : i32
          %dma_wait3A_289 = tpu.memref_slice %arg27[%dma_wait3A_287, %dma_wait3A_288] : memref<5120x128xf32, #tpu.memory_space<vmem_shared>> -> memref<5120x128xf32, #tpu.memory_space<vmem_shared>>
          tpu.wait_indirect_dma semaphore(%run_scoped3A : memref<!tpu.dma_semaphore, #tpu.memory_space<semaphore_mem>>) src(%arg20 : memref<16x128xf32, #tpu.memory_space<vmem>>) dst(%dma_wait3A_289 : memref<5120x128xf32, #tpu.memory_space<vmem_shared>>)
          tpu.yield
        }) : () -> ()
        %mul3A_215 = arith.constant 2 : i32
        %mul3A_216 = arith.muli %mul3A_215, %while3A_187 : i32
        %add3A_217 = arith.constant 2 : i32
        %add3A_218 = arith.addi %mul3A_216, %add3A_217 : i32
        %scan3A_219 = arith.constant 0 : i32
        %mul3A_220 = arith.constant 16 : i32
        %mul3A_221 = arith.muli %scan3A_219, %mul3A_220 : i32
        %add3A_222 = arith.constant 0 : i32
        %add3A_223 = arith.addi %add3A_222, %mul3A_221 : i32
        %mul3A_224 = arith.constant 16 : i32
        %mul3A_225 = arith.muli %add3A_218, %mul3A_224 : i32
        %add3A_226 = arith.addi %mul3A_225, %add3A_223 : i32
        %get3A_227 = arith.index_cast %add3A_226 : i32 to index
        %get3A_228 = tpu.vector_load %arg14[%get3A_227] {strides = array<i32>} : memref<1744xi32, #tpu.memory_space<vmem>>, vector<16xi32>,
        %swap3A_229 = arith.index_cast %add3A_223 : i32 to index
        %swap3A_230 = tpu.vector_load %arg22[%swap3A_229] {strides = array<i32>} : memref<16xi32, #tpu.memory_space<vmem>>, vector<16xi32>,
        tpu.vector_store %arg22[%swap3A_229], %get3A_228 {strides = array<i32>} : memref<16xi32, #tpu.memory_space<vmem>>, vector<16xi32>,
        %scan3A_231 = arith.constant 1 : i32
        %dma_start3A_232 = arith.constant 0 : i32
        %dma_start3A_233 = arith.constant 0 : i32
        %dma_start3A_234 = tpu.memref_slice %arg6[%dma_start3A_232, %dma_start3A_233] : memref<10240x256xf32, #tpu.memory_space<hbm>> -> memref<10240x256xf32, #tpu.memory_space<hbm>>
        tpu.enqueue_indirect_dma source(%dma_start3A_234 : memref<10240x256xf32, #tpu.memory_space<hbm>>) target(%arg17 : memref<16x256xf32, #tpu.memory_space<vmem>>) offsets(%arg22 : memref<16xi32, #tpu.memory_space<vmem>>) semaphore(%arg29 : memref<!tpu.dma_semaphore, #tpu.memory_space<semaphore_mem>>)
        %dma_wait3A_235 = arith.constant 0 : i32
        %dma_wait3A_236 = arith.constant 0 : i32
        %dma_wait3A_237 = tpu.memref_slice %arg6[%dma_wait3A_235, %dma_wait3A_236] : memref<10240x256xf32, #tpu.memory_space<hbm>> -> memref<16x256xf32, #tpu.memory_space<hbm>>
        %dma_wait3A_238 = arith.constant 0 : i32
        %dma_wait3A_239 = arith.constant 0 : i32
        %dma_wait3A_240 = tpu.memref_slice %arg6[%dma_wait3A_238, %dma_wait3A_239] : memref<10240x256xf32, #tpu.memory_space<hbm>> -> memref<16x256xf32, #tpu.memory_space<hbm>>
        tpu.wait_dma2 semaphore(%arg30 : memref<!tpu.dma_semaphore, #tpu.memory_space<semaphore_mem>>) src(%dma_wait3A_240 : memref<16x256xf32, #tpu.memory_space<hbm>>) dst(%arg18 : memref<16x256xf32, #tpu.memory_space<vmem>>)
        %mul3A_241 = arith.constant 2 : i32
        %mul3A_242 = arith.muli %mul3A_241, %while3A_187 : i32
        %add3A_243 = arith.constant 1 : i32
        %add3A_244 = arith.addi %mul3A_242, %add3A_243 : i32
        %scan3A_245 = arith.constant 0 : i32
        %scan3A_246 = arith.constant 16 : i32
        %scan3A_247 = arith.addi %scan3A_245, %scan3A_246 : i32
        %scan3A_248 = arith.constant 1 : i32
        scf.for %scan3A_284 = %scan3A_245 to %scan3A_247 step %scan3A_248  : i32 {
          %mul3A_285 = arith.constant 1 : i32
          %mul3A_286 = arith.muli %scan3A_284, %mul3A_285 : i32
          %add3A_287 = arith.constant 0 : i32
          %add3A_288 = arith.addi %add3A_287, %mul3A_286 : i32
          %mul3A_289 = arith.constant 16 : i32
          %mul3A_290 = arith.muli %add3A_244, %mul3A_289 : i32
          %add3A_291 = arith.addi %mul3A_290, %add3A_288 : i32
          %broadcast_in_dim3A_292 = vector.broadcast %add3A_291 : i32 to vector<16xi32>
          %gather3A = tpu.vector_load_idx %arg16[%broadcast_in_dim3A_292] : memref<1744xf32, #tpu.memory_space<vmem>>[vector<16xi32>], vector<16xf32>,
          %scan3A_293 = arith.constant 0 : i32
          %scan3A_294 = arith.constant 8 : i32
          %scan3A_295 = arith.addi %scan3A_293, %scan3A_294 : i32
          %scan3A_296 = arith.constant 1 : i32
          scf.for %scan3A_298 = %scan3A_293 to %scan3A_295 step %scan3A_296  : i32 {
            %mul3A_299 = arith.constant 16 : i32
            %mul3A_300 = arith.muli %scan3A_298, %mul3A_299 : i32
            %add3A_301 = arith.constant 0 : i32
            %add3A_302 = arith.addi %add3A_301, %mul3A_300 : i32
            %get3A_303 = arith.index_cast %add3A_288 : i32 to index
            %get3A_304 = arith.index_cast %add3A_302 : i32 to index
            %get3A_305 = tpu.vector_load %arg18[%get3A_303, %get3A_304] {strides = array<i32>} : memref<16x256xf32, #tpu.memory_space<vmem>>, vector<16xf32>,
            %mul3A_306 = arith.mulf %get3A_305, %gather3A : vector<16xf32>
            %swap3A_307 = arith.index_cast %add3A_288 : i32 to index
            %swap3A_308 = arith.index_cast %add3A_302 : i32 to index
            %swap3A_309 = tpu.vector_load %arg19[%swap3A_307, %swap3A_308] {strides = array<i32>} : memref<16x128xf32, #tpu.memory_space<vmem>>, vector<16xf32>,
            tpu.vector_store %arg19[%swap3A_307, %swap3A_308], %mul3A_306 {strides = array<i32>} : memref<16x128xf32, #tpu.memory_space<vmem>>, vector<16xf32>,
            %add3A_310 = arith.constant 128 : i32
            %add3A_311 = arith.addi %add3A_310, %add3A_302 : i32
            %get3A_312 = arith.index_cast %add3A_288 : i32 to index
            %get3A_313 = arith.index_cast %add3A_311 : i32 to index
            %get3A_314 = tpu.vector_load %arg18[%get3A_312, %get3A_313] {strides = array<i32>} : memref<16x256xf32, #tpu.memory_space<vmem>>, vector<16xf32>,
            %mul3A_315 = arith.mulf %get3A_314, %gather3A : vector<16xf32>
            %swap3A_316 = arith.index_cast %add3A_288 : i32 to index
            %swap3A_317 = arith.index_cast %add3A_302 : i32 to index
            %swap3A_318 = tpu.vector_load %arg20[%swap3A_316, %swap3A_317] {strides = array<i32>} : memref<16x128xf32, #tpu.memory_space<vmem>>, vector<16xf32>,
            tpu.vector_store %arg20[%swap3A_316, %swap3A_317], %mul3A_315 {strides = array<i32>} : memref<16x128xf32, #tpu.memory_space<vmem>>, vector<16xf32>,
          }
          %scan3A_297 = arith.constant 8 : i32
        }
        %scan3A_249 = arith.constant 16 : i32
        %scan3A_250 = arith.constant 0 : i32
        %mul3A_251 = arith.constant 16 : i32
        %mul3A_252 = arith.muli %scan3A_250, %mul3A_251 : i32
        %add3A_253 = arith.constant 0 : i32
        %add3A_254 = arith.addi %add3A_253, %mul3A_252 : i32
        %mul3A_255 = arith.constant 16 : i32
        %mul3A_256 = arith.muli %add3A_244, %mul3A_255 : i32
        %add3A_257 = arith.addi %mul3A_256, %add3A_254 : i32
        %get3A_258 = arith.index_cast %add3A_257 : i32 to index
        %get3A_259 = tpu.vector_load %arg15[%get3A_258] {strides = array<i32>} : memref<1744xi32, #tpu.memory_space<vmem>>, vector<16xi32>,
        %swap3A_260 = arith.index_cast %add3A_254 : i32 to index
        %swap3A_261 = tpu.vector_load %arg24[%swap3A_260] {strides = array<i32>} : memref<16xi32, #tpu.memory_space<vmem>>, vector<16xi32>,
        tpu.vector_store %arg24[%swap3A_260], %get3A_259 {strides = array<i32>} : memref<16xi32, #tpu.memory_space<vmem>>, vector<16xi32>,
        %scan3A_262 = arith.constant 1 : i32
        "tpu.region"() ({
          %run_scoped3A = tpu.sem_alloc : memref<!tpu.dma_semaphore, #tpu.memory_space<semaphore_mem>>
          %dma_start3A_284 = arith.constant 0 : i32
          %dma_start3A_285 = arith.constant 0 : i32
          %dma_start3A_286 = tpu.memref_slice %arg26[%dma_start3A_284, %dma_start3A_285] : memref<5120x128xf32, #tpu.memory_space<vmem_shared>> -> memref<5120x128xf32, #tpu.memory_space<vmem_shared>>
          tpu.enqueue_indirect_dma source(%arg19 : memref<16x128xf32, #tpu.memory_space<vmem>>) target(%dma_start3A_286 : memref<5120x128xf32, #tpu.memory_space<vmem_shared>>) offsets(%arg24 : memref<16xi32, #tpu.memory_space<vmem>>) semaphore(%run_scoped3A : memref<!tpu.dma_semaphore, #tpu.memory_space<semaphore_mem>>) {add = true}
          %dma_wait3A_287 = arith.constant 0 : i32
          %dma_wait3A_288 = arith.constant 0 : i32
          %dma_wait3A_289 = tpu.memref_slice %arg26[%dma_wait3A_287, %dma_wait3A_288] : memref<5120x128xf32, #tpu.memory_space<vmem_shared>> -> memref<5120x128xf32, #tpu.memory_space<vmem_shared>>
          tpu.wait_indirect_dma semaphore(%run_scoped3A : memref<!tpu.dma_semaphore, #tpu.memory_space<semaphore_mem>>) src(%arg19 : memref<16x128xf32, #tpu.memory_space<vmem>>) dst(%dma_wait3A_289 : memref<5120x128xf32, #tpu.memory_space<vmem_shared>>)
          tpu.yield
        }) : () -> ()
        "tpu.region"() ({
          %run_scoped3A = tpu.sem_alloc : memref<!tpu.dma_semaphore, #tpu.memory_space<semaphore_mem>>
          %dma_start3A_284 = arith.constant 0 : i32
          %dma_start3A_285 = arith.constant 0 : i32
          %dma_start3A_286 = tpu.memref_slice %arg27[%dma_start3A_284, %dma_start3A_285] : memref<5120x128xf32, #tpu.memory_space<vmem_shared>> -> memref<5120x128xf32, #tpu.memory_space<vmem_shared>>
          tpu.enqueue_indirect_dma source(%arg20 : memref<16x128xf32, #tpu.memory_space<vmem>>) target(%dma_start3A_286 : memref<5120x128xf32, #tpu.memory_space<vmem_shared>>) offsets(%arg24 : memref<16xi32, #tpu.memory_space<vmem>>) semaphore(%run_scoped3A : memref<!tpu.dma_semaphore, #tpu.memory_space<semaphore_mem>>) {add = true}
          %dma_wait3A_287 = arith.constant 0 : i32
          %dma_wait3A_288 = arith.constant 0 : i32
          %dma_wait3A_289 = tpu.memref_slice %arg27[%dma_wait3A_287, %dma_wait3A_288] : memref<5120x128xf32, #tpu.memory_space<vmem_shared>> -> memref<5120x128xf32, #tpu.memory_space<vmem_shared>>
          tpu.wait_indirect_dma semaphore(%run_scoped3A : memref<!tpu.dma_semaphore, #tpu.memory_space<semaphore_mem>>) src(%arg20 : memref<16x128xf32, #tpu.memory_space<vmem>>) dst(%dma_wait3A_289 : memref<5120x128xf32, #tpu.memory_space<vmem_shared>>)
          tpu.yield
        }) : () -> ()
        %mul3A_263 = arith.constant 2 : i32
        %mul3A_264 = arith.muli %mul3A_263, %while3A_187 : i32
        %add3A_265 = arith.constant 3 : i32
        %add3A_266 = arith.addi %mul3A_264, %add3A_265 : i32
        %scan3A_267 = arith.constant 0 : i32
        %mul3A_268 = arith.constant 16 : i32
        %mul3A_269 = arith.muli %scan3A_267, %mul3A_268 : i32
        %add3A_270 = arith.constant 0 : i32
        %add3A_271 = arith.addi %add3A_270, %mul3A_269 : i32
        %mul3A_272 = arith.constant 16 : i32
        %mul3A_273 = arith.muli %add3A_266, %mul3A_272 : i32
        %add3A_274 = arith.addi %mul3A_273, %add3A_271 : i32
        %get3A_275 = arith.index_cast %add3A_274 : i32 to index
        %get3A_276 = tpu.vector_load %arg14[%get3A_275] {strides = array<i32>} : memref<1744xi32, #tpu.memory_space<vmem>>, vector<16xi32>,
        %swap3A_277 = arith.index_cast %add3A_271 : i32 to index
        %swap3A_278 = tpu.vector_load %arg23[%swap3A_277] {strides = array<i32>} : memref<16xi32, #tpu.memory_space<vmem>>, vector<16xi32>,
        tpu.vector_store %arg23[%swap3A_277], %get3A_276 {strides = array<i32>} : memref<16xi32, #tpu.memory_space<vmem>>, vector<16xi32>,
        %scan3A_279 = arith.constant 1 : i32
        %dma_start3A_280 = arith.constant 0 : i32
        %dma_start3A_281 = arith.constant 0 : i32
        %dma_start3A_282 = tpu.memref_slice %arg6[%dma_start3A_280, %dma_start3A_281] : memref<10240x256xf32, #tpu.memory_space<hbm>> -> memref<10240x256xf32, #tpu.memory_space<hbm>>
        tpu.enqueue_indirect_dma source(%dma_start3A_282 : memref<10240x256xf32, #tpu.memory_space<hbm>>) target(%arg18 : memref<16x256xf32, #tpu.memory_space<vmem>>) offsets(%arg23 : memref<16xi32, #tpu.memory_space<vmem>>) semaphore(%arg30 : memref<!tpu.dma_semaphore, #tpu.memory_space<semaphore_mem>>)
        %while3A_283 = arith.constant 0 : i32
        scf.yield %while3A_283 : i32
      }
      %while3A_174 = arith.constant 1 : i32
      %while3A_175 = scf.for %while3A_187 = %while3A_171 to %while3A_167 step %while3A_174 iter_args(%while3A_188 = %while3A_173) -> (i32)  : i32 {
        %dma_wait3A_189 = arith.constant 0 : i32
        %dma_wait3A_190 = arith.constant 0 : i32
        %dma_wait3A_191 = tpu.memref_slice %arg6[%dma_wait3A_189, %dma_wait3A_190] : memref<10240x256xf32, #tpu.memory_space<hbm>> -> memref<16x256xf32, #tpu.memory_space<hbm>>
        %dma_wait3A_192 = arith.constant 0 : i32
        %dma_wait3A_193 = arith.constant 0 : i32
        %dma_wait3A_194 = tpu.memref_slice %arg6[%dma_wait3A_192, %dma_wait3A_193] : memref<10240x256xf32, #tpu.memory_space<hbm>> -> memref<16x256xf32, #tpu.memory_space<hbm>>
        tpu.wait_dma2 semaphore(%arg29 : memref<!tpu.dma_semaphore, #tpu.memory_space<semaphore_mem>>) src(%dma_wait3A_194 : memref<16x256xf32, #tpu.memory_space<hbm>>) dst(%arg17 : memref<16x256xf32, #tpu.memory_space<vmem>>)
        %mul3A_195 = arith.constant 2 : i32
        %mul3A_196 = arith.muli %mul3A_195, %while3A_187 : i32
        %scan3A_197 = arith.constant 0 : i32
        %scan3A_198 = arith.constant 16 : i32
        %scan3A_199 = arith.addi %scan3A_197, %scan3A_198 : i32
        %scan3A_200 = arith.constant 1 : i32
        scf.for %scan3A_284 = %scan3A_197 to %scan3A_199 step %scan3A_200  : i32 {
          %mul3A_285 = arith.constant 1 : i32
          %mul3A_286 = arith.muli %scan3A_284, %mul3A_285 : i32
          %add3A_287 = arith.constant 0 : i32
          %add3A_288 = arith.addi %add3A_287, %mul3A_286 : i32
          %mul3A_289 = arith.constant 16 : i32
          %mul3A_290 = arith.muli %mul3A_196, %mul3A_289 : i32
          %add3A_291 = arith.addi %mul3A_290, %add3A_288 : i32
          %broadcast_in_dim3A_292 = vector.broadcast %add3A_291 : i32 to vector<16xi32>
          %gather3A = tpu.vector_load_idx %arg16[%broadcast_in_dim3A_292] : memref<1744xf32, #tpu.memory_space<vmem>>[vector<16xi32>], vector<16xf32>,
          %scan3A_293 = arith.constant 0 : i32
          %scan3A_294 = arith.constant 8 : i32
          %scan3A_295 = arith.addi %scan3A_293, %scan3A_294 : i32
          %scan3A_296 = arith.constant 1 : i32
          scf.for %scan3A_298 = %scan3A_293 to %scan3A_295 step %scan3A_296  : i32 {
            %mul3A_299 = arith.constant 16 : i32
            %mul3A_300 = arith.muli %scan3A_298, %mul3A_299 : i32
            %add3A_301 = arith.constant 0 : i32
            %add3A_302 = arith.addi %add3A_301, %mul3A_300 : i32
            %get3A_303 = arith.index_cast %add3A_288 : i32 to index
            %get3A_304 = arith.index_cast %add3A_302 : i32 to index
            %get3A_305 = tpu.vector_load %arg17[%get3A_303, %get3A_304] {strides = array<i32>} : memref<16x256xf32, #tpu.memory_space<vmem>>, vector<16xf32>,
            %mul3A_306 = arith.mulf %get3A_305, %gather3A : vector<16xf32>
            %swap3A_307 = arith.index_cast %add3A_288 : i32 to index
            %swap3A_308 = arith.index_cast %add3A_302 : i32 to index
            %swap3A_309 = tpu.vector_load %arg19[%swap3A_307, %swap3A_308] {strides = array<i32>} : memref<16x128xf32, #tpu.memory_space<vmem>>, vector<16xf32>,
            tpu.vector_store %arg19[%swap3A_307, %swap3A_308], %mul3A_306 {strides = array<i32>} : memref<16x128xf32, #tpu.memory_space<vmem>>, vector<16xf32>,
            %add3A_310 = arith.constant 128 : i32
            %add3A_311 = arith.addi %add3A_310, %add3A_302 : i32
            %get3A_312 = arith.index_cast %add3A_288 : i32 to index
            %get3A_313 = arith.index_cast %add3A_311 : i32 to index
            %get3A_314 = tpu.vector_load %arg17[%get3A_312, %get3A_313] {strides = array<i32>} : memref<16x256xf32, #tpu.memory_space<vmem>>, vector<16xf32>,
            %mul3A_315 = arith.mulf %get3A_314, %gather3A : vector<16xf32>
            %swap3A_316 = arith.index_cast %add3A_288 : i32 to index
            %swap3A_317 = arith.index_cast %add3A_302 : i32 to index
            %swap3A_318 = tpu.vector_load %arg20[%swap3A_316, %swap3A_317] {strides = array<i32>} : memref<16x128xf32, #tpu.memory_space<vmem>>, vector<16xf32>,
            tpu.vector_store %arg20[%swap3A_316, %swap3A_317], %mul3A_315 {strides = array<i32>} : memref<16x128xf32, #tpu.memory_space<vmem>>, vector<16xf32>,
          }
          %scan3A_297 = arith.constant 8 : i32
        }
        %scan3A_201 = arith.constant 16 : i32
        %scan3A_202 = arith.constant 0 : i32
        %mul3A_203 = arith.constant 16 : i32
        %mul3A_204 = arith.muli %scan3A_202, %mul3A_203 : i32
        %add3A_205 = arith.constant 0 : i32
        %add3A_206 = arith.addi %add3A_205, %mul3A_204 : i32
        %mul3A_207 = arith.constant 16 : i32
        %mul3A_208 = arith.muli %mul3A_196, %mul3A_207 : i32
        %add3A_209 = arith.addi %mul3A_208, %add3A_206 : i32
        %get3A_210 = arith.index_cast %add3A_209 : i32 to index
        %get3A_211 = tpu.vector_load %arg15[%get3A_210] {strides = array<i32>} : memref<1744xi32, #tpu.memory_space<vmem>>, vector<16xi32>,
        %swap3A_212 = arith.index_cast %add3A_206 : i32 to index
        %swap3A_213 = tpu.vector_load %arg24[%swap3A_212] {strides = array<i32>} : memref<16xi32, #tpu.memory_space<vmem>>, vector<16xi32>,
        tpu.vector_store %arg24[%swap3A_212], %get3A_211 {strides = array<i32>} : memref<16xi32, #tpu.memory_space<vmem>>, vector<16xi32>,
        %scan3A_214 = arith.constant 1 : i32
        "tpu.region"() ({
          %run_scoped3A = tpu.sem_alloc : memref<!tpu.dma_semaphore, #tpu.memory_space<semaphore_mem>>
          %dma_start3A_284 = arith.constant 0 : i32
          %dma_start3A_285 = arith.constant 0 : i32
          %dma_start3A_286 = tpu.memref_slice %arg26[%dma_start3A_284, %dma_start3A_285] : memref<5120x128xf32, #tpu.memory_space<vmem_shared>> -> memref<5120x128xf32, #tpu.memory_space<vmem_shared>>
          tpu.enqueue_indirect_dma source(%arg19 : memref<16x128xf32, #tpu.memory_space<vmem>>) target(%dma_start3A_286 : memref<5120x128xf32, #tpu.memory_space<vmem_shared>>) offsets(%arg24 : memref<16xi32, #tpu.memory_space<vmem>>) semaphore(%run_scoped3A : memref<!tpu.dma_semaphore, #tpu.memory_space<semaphore_mem>>) {add = true}
          %dma_wait3A_287 = arith.constant 0 : i32
          %dma_wait3A_288 = arith.constant 0 : i32
          %dma_wait3A_289 = tpu.memref_slice %arg26[%dma_wait3A_287, %dma_wait3A_288] : memref<5120x128xf32, #tpu.memory_space<vmem_shared>> -> memref<5120x128xf32, #tpu.memory_space<vmem_shared>>
          tpu.wait_indirect_dma semaphore(%run_scoped3A : memref<!tpu.dma_semaphore, #tpu.memory_space<semaphore_mem>>) src(%arg19 : memref<16x128xf32, #tpu.memory_space<vmem>>) dst(%dma_wait3A_289 : memref<5120x128xf32, #tpu.memory_space<vmem_shared>>)
          tpu.yield
        }) : () -> ()
        "tpu.region"() ({
          %run_scoped3A = tpu.sem_alloc : memref<!tpu.dma_semaphore, #tpu.memory_space<semaphore_mem>>
          %dma_start3A_284 = arith.constant 0 : i32
          %dma_start3A_285 = arith.constant 0 : i32
          %dma_start3A_286 = tpu.memref_slice %arg27[%dma_start3A_284, %dma_start3A_285] : memref<5120x128xf32, #tpu.memory_space<vmem_shared>> -> memref<5120x128xf32, #tpu.memory_space<vmem_shared>>
          tpu.enqueue_indirect_dma source(%arg20 : memref<16x128xf32, #tpu.memory_space<vmem>>) target(%dma_start3A_286 : memref<5120x128xf32, #tpu.memory_space<vmem_shared>>) offsets(%arg24 : memref<16xi32, #tpu.memory_space<vmem>>) semaphore(%run_scoped3A : memref<!tpu.dma_semaphore, #tpu.memory_space<semaphore_mem>>) {add = true}
          %dma_wait3A_287 = arith.constant 0 : i32
          %dma_wait3A_288 = arith.constant 0 : i32
          %dma_wait3A_289 = tpu.memref_slice %arg27[%dma_wait3A_287, %dma_wait3A_288] : memref<5120x128xf32, #tpu.memory_space<vmem_shared>> -> memref<5120x128xf32, #tpu.memory_space<vmem_shared>>
          tpu.wait_indirect_dma semaphore(%run_scoped3A : memref<!tpu.dma_semaphore, #tpu.memory_space<semaphore_mem>>) src(%arg20 : memref<16x128xf32, #tpu.memory_space<vmem>>) dst(%dma_wait3A_289 : memref<5120x128xf32, #tpu.memory_space<vmem_shared>>)
          tpu.yield
        }) : () -> ()
        %mul3A_215 = arith.constant 2 : i32
        %mul3A_216 = arith.muli %mul3A_215, %while3A_187 : i32
        %add3A_217 = arith.constant 2 : i32
        %add3A_218 = arith.addi %mul3A_216, %add3A_217 : i32
        %scan3A_219 = arith.constant 0 : i32
        %mul3A_220 = arith.constant 16 : i32
        %mul3A_221 = arith.muli %scan3A_219, %mul3A_220 : i32
        %add3A_222 = arith.constant 0 : i32
        %add3A_223 = arith.addi %add3A_222, %mul3A_221 : i32
        %mul3A_224 = arith.constant 16 : i32
        %mul3A_225 = arith.muli %add3A_218, %mul3A_224 : i32
        %add3A_226 = arith.addi %mul3A_225, %add3A_223 : i32
        %get3A_227 = arith.index_cast %add3A_226 : i32 to index
        %get3A_228 = tpu.vector_load %arg14[%get3A_227] {strides = array<i32>} : memref<1744xi32, #tpu.memory_space<vmem>>, vector<16xi32>,
        %swap3A_229 = arith.index_cast %add3A_223 : i32 to index
        %swap3A_230 = tpu.vector_load %arg22[%swap3A_229] {strides = array<i32>} : memref<16xi32, #tpu.memory_space<vmem>>, vector<16xi32>,
        tpu.vector_store %arg22[%swap3A_229], %get3A_228 {strides = array<i32>} : memref<16xi32, #tpu.memory_space<vmem>>, vector<16xi32>,
        %scan3A_231 = arith.constant 1 : i32
        %dma_start3A_232 = arith.constant 0 : i32
        %dma_start3A_233 = arith.constant 0 : i32
        %dma_start3A_234 = tpu.memref_slice %arg6[%dma_start3A_232, %dma_start3A_233] : memref<10240x256xf32, #tpu.memory_space<hbm>> -> memref<10240x256xf32, #tpu.memory_space<hbm>>
        tpu.enqueue_indirect_dma source(%dma_start3A_234 : memref<10240x256xf32, #tpu.memory_space<hbm>>) target(%arg17 : memref<16x256xf32, #tpu.memory_space<vmem>>) offsets(%arg22 : memref<16xi32, #tpu.memory_space<vmem>>) semaphore(%arg29 : memref<!tpu.dma_semaphore, #tpu.memory_space<semaphore_mem>>)
        %dma_wait3A_235 = arith.constant 0 : i32
        %dma_wait3A_236 = arith.constant 0 : i32
        %dma_wait3A_237 = tpu.memref_slice %arg6[%dma_wait3A_235, %dma_wait3A_236] : memref<10240x256xf32, #tpu.memory_space<hbm>> -> memref<16x256xf32, #tpu.memory_space<hbm>>
        %dma_wait3A_238 = arith.constant 0 : i32
        %dma_wait3A_239 = arith.constant 0 : i32
        %dma_wait3A_240 = tpu.memref_slice %arg6[%dma_wait3A_238, %dma_wait3A_239] : memref<10240x256xf32, #tpu.memory_space<hbm>> -> memref<16x256xf32, #tpu.memory_space<hbm>>
        tpu.wait_dma2 semaphore(%arg30 : memref<!tpu.dma_semaphore, #tpu.memory_space<semaphore_mem>>) src(%dma_wait3A_240 : memref<16x256xf32, #tpu.memory_space<hbm>>) dst(%arg18 : memref<16x256xf32, #tpu.memory_space<vmem>>)
        %mul3A_241 = arith.constant 2 : i32
        %mul3A_242 = arith.muli %mul3A_241, %while3A_187 : i32
        %add3A_243 = arith.constant 1 : i32
        %add3A_244 = arith.addi %mul3A_242, %add3A_243 : i32
        %scan3A_245 = arith.constant 0 : i32
        %scan3A_246 = arith.constant 16 : i32
        %scan3A_247 = arith.addi %scan3A_245, %scan3A_246 : i32
        %scan3A_248 = arith.constant 1 : i32
        scf.for %scan3A_284 = %scan3A_245 to %scan3A_247 step %scan3A_248  : i32 {
          %mul3A_285 = arith.constant 1 : i32
          %mul3A_286 = arith.muli %scan3A_284, %mul3A_285 : i32
          %add3A_287 = arith.constant 0 : i32
          %add3A_288 = arith.addi %add3A_287, %mul3A_286 : i32
          %mul3A_289 = arith.constant 16 : i32
          %mul3A_290 = arith.muli %add3A_244, %mul3A_289 : i32
          %add3A_291 = arith.addi %mul3A_290, %add3A_288 : i32
          %broadcast_in_dim3A_292 = vector.broadcast %add3A_291 : i32 to vector<16xi32>
          %gather3A = tpu.vector_load_idx %arg16[%broadcast_in_dim3A_292] : memref<1744xf32, #tpu.memory_space<vmem>>[vector<16xi32>], vector<16xf32>,
          %scan3A_293 = arith.constant 0 : i32
          %scan3A_294 = arith.constant 8 : i32
          %scan3A_295 = arith.addi %scan3A_293, %scan3A_294 : i32
          %scan3A_296 = arith.constant 1 : i32
          scf.for %scan3A_298 = %scan3A_293 to %scan3A_295 step %scan3A_296  : i32 {
            %mul3A_299 = arith.constant 16 : i32
            %mul3A_300 = arith.muli %scan3A_298, %mul3A_299 : i32
            %add3A_301 = arith.constant 0 : i32
            %add3A_302 = arith.addi %add3A_301, %mul3A_300 : i32
            %get3A_303 = arith.index_cast %add3A_288 : i32 to index
            %get3A_304 = arith.index_cast %add3A_302 : i32 to index
            %get3A_305 = tpu.vector_load %arg18[%get3A_303, %get3A_304] {strides = array<i32>} : memref<16x256xf32, #tpu.memory_space<vmem>>, vector<16xf32>,
            %mul3A_306 = arith.mulf %get3A_305, %gather3A : vector<16xf32>
            %swap3A_307 = arith.index_cast %add3A_288 : i32 to index
            %swap3A_308 = arith.index_cast %add3A_302 : i32 to index
            %swap3A_309 = tpu.vector_load %arg19[%swap3A_307, %swap3A_308] {strides = array<i32>} : memref<16x128xf32, #tpu.memory_space<vmem>>, vector<16xf32>,
            tpu.vector_store %arg19[%swap3A_307, %swap3A_308], %mul3A_306 {strides = array<i32>} : memref<16x128xf32, #tpu.memory_space<vmem>>, vector<16xf32>,
            %add3A_310 = arith.constant 128 : i32
            %add3A_311 = arith.addi %add3A_310, %add3A_302 : i32
            %get3A_312 = arith.index_cast %add3A_288 : i32 to index
            %get3A_313 = arith.index_cast %add3A_311 : i32 to index
            %get3A_314 = tpu.vector_load %arg18[%get3A_312, %get3A_313] {strides = array<i32>} : memref<16x256xf32, #tpu.memory_space<vmem>>, vector<16xf32>,
            %mul3A_315 = arith.mulf %get3A_314, %gather3A : vector<16xf32>
            %swap3A_316 = arith.index_cast %add3A_288 : i32 to index
            %swap3A_317 = arith.index_cast %add3A_302 : i32 to index
            %swap3A_318 = tpu.vector_load %arg20[%swap3A_316, %swap3A_317] {strides = array<i32>} : memref<16x128xf32, #tpu.memory_space<vmem>>, vector<16xf32>,
            tpu.vector_store %arg20[%swap3A_316, %swap3A_317], %mul3A_315 {strides = array<i32>} : memref<16x128xf32, #tpu.memory_space<vmem>>, vector<16xf32>,
          }
          %scan3A_297 = arith.constant 8 : i32
        }
        %scan3A_249 = arith.constant 16 : i32
        %scan3A_250 = arith.constant 0 : i32
        %mul3A_251 = arith.constant 16 : i32
        %mul3A_252 = arith.muli %scan3A_250, %mul3A_251 : i32
        %add3A_253 = arith.constant 0 : i32
        %add3A_254 = arith.addi %add3A_253, %mul3A_252 : i32
        %mul3A_255 = arith.constant 16 : i32
        %mul3A_256 = arith.muli %add3A_244, %mul3A_255 : i32
        %add3A_257 = arith.addi %mul3A_256, %add3A_254 : i32
        %get3A_258 = arith.index_cast %add3A_257 : i32 to index
        %get3A_259 = tpu.vector_load %arg15[%get3A_258] {strides = array<i32>} : memref<1744xi32, #tpu.memory_space<vmem>>, vector<16xi32>,
        %swap3A_260 = arith.index_cast %add3A_254 : i32 to index
        %swap3A_261 = tpu.vector_load %arg24[%swap3A_260] {strides = array<i32>} : memref<16xi32, #tpu.memory_space<vmem>>, vector<16xi32>,
        tpu.vector_store %arg24[%swap3A_260], %get3A_259 {strides = array<i32>} : memref<16xi32, #tpu.memory_space<vmem>>, vector<16xi32>,
        %scan3A_262 = arith.constant 1 : i32
        "tpu.region"() ({
          %run_scoped3A = tpu.sem_alloc : memref<!tpu.dma_semaphore, #tpu.memory_space<semaphore_mem>>
          %dma_start3A_284 = arith.constant 0 : i32
          %dma_start3A_285 = arith.constant 0 : i32
          %dma_start3A_286 = tpu.memref_slice %arg26[%dma_start3A_284, %dma_start3A_285] : memref<5120x128xf32, #tpu.memory_space<vmem_shared>> -> memref<5120x128xf32, #tpu.memory_space<vmem_shared>>
          tpu.enqueue_indirect_dma source(%arg19 : memref<16x128xf32, #tpu.memory_space<vmem>>) target(%dma_start3A_286 : memref<5120x128xf32, #tpu.memory_space<vmem_shared>>) offsets(%arg24 : memref<16xi32, #tpu.memory_space<vmem>>) semaphore(%run_scoped3A : memref<!tpu.dma_semaphore, #tpu.memory_space<semaphore_mem>>) {add = true}
          %dma_wait3A_287 = arith.constant 0 : i32
          %dma_wait3A_288 = arith.constant 0 : i32
          %dma_wait3A_289 = tpu.memref_slice %arg26[%dma_wait3A_287, %dma_wait3A_288] : memref<5120x128xf32, #tpu.memory_space<vmem_shared>> -> memref<5120x128xf32, #tpu.memory_space<vmem_shared>>
          tpu.wait_indirect_dma semaphore(%run_scoped3A : memref<!tpu.dma_semaphore, #tpu.memory_space<semaphore_mem>>) src(%arg19 : memref<16x128xf32, #tpu.memory_space<vmem>>) dst(%dma_wait3A_289 : memref<5120x128xf32, #tpu.memory_space<vmem_shared>>)
          tpu.yield
        }) : () -> ()
        "tpu.region"() ({
          %run_scoped3A = tpu.sem_alloc : memref<!tpu.dma_semaphore, #tpu.memory_space<semaphore_mem>>
          %dma_start3A_284 = arith.constant 0 : i32
          %dma_start3A_285 = arith.constant 0 : i32
          %dma_start3A_286 = tpu.memref_slice %arg27[%dma_start3A_284, %dma_start3A_285] : memref<5120x128xf32, #tpu.memory_space<vmem_shared>> -> memref<5120x128xf32, #tpu.memory_space<vmem_shared>>
          tpu.enqueue_indirect_dma source(%arg20 : memref<16x128xf32, #tpu.memory_space<vmem>>) target(%dma_start3A_286 : memref<5120x128xf32, #tpu.memory_space<vmem_shared>>) offsets(%arg24 : memref<16xi32, #tpu.memory_space<vmem>>) semaphore(%run_scoped3A : memref<!tpu.dma_semaphore, #tpu.memory_space<semaphore_mem>>) {add = true}
          %dma_wait3A_287 = arith.constant 0 : i32
          %dma_wait3A_288 = arith.constant 0 : i32
          %dma_wait3A_289 = tpu.memref_slice %arg27[%dma_wait3A_287, %dma_wait3A_288] : memref<5120x128xf32, #tpu.memory_space<vmem_shared>> -> memref<5120x128xf32, #tpu.memory_space<vmem_shared>>
          tpu.wait_indirect_dma semaphore(%run_scoped3A : memref<!tpu.dma_semaphore, #tpu.memory_space<semaphore_mem>>) src(%arg20 : memref<16x128xf32, #tpu.memory_space<vmem>>) dst(%dma_wait3A_289 : memref<5120x128xf32, #tpu.memory_space<vmem_shared>>)
          tpu.yield
        }) : () -> ()
        %mul3A_263 = arith.constant 2 : i32
        %mul3A_264 = arith.muli %mul3A_263, %while3A_187 : i32
        %add3A_265 = arith.constant 3 : i32
        %add3A_266 = arith.addi %mul3A_264, %add3A_265 : i32
        %scan3A_267 = arith.constant 0 : i32
        %mul3A_268 = arith.constant 16 : i32
        %mul3A_269 = arith.muli %scan3A_267, %mul3A_268 : i32
        %add3A_270 = arith.constant 0 : i32
        %add3A_271 = arith.addi %add3A_270, %mul3A_269 : i32
        %mul3A_272 = arith.constant 16 : i32
        %mul3A_273 = arith.muli %add3A_266, %mul3A_272 : i32
        %add3A_274 = arith.addi %mul3A_273, %add3A_271 : i32
        %get3A_275 = arith.index_cast %add3A_274 : i32 to index
        %get3A_276 = tpu.vector_load %arg14[%get3A_275] {strides = array<i32>} : memref<1744xi32, #tpu.memory_space<vmem>>, vector<16xi32>,
        %swap3A_277 = arith.index_cast %add3A_271 : i32 to index
        %swap3A_278 = tpu.vector_load %arg23[%swap3A_277] {strides = array<i32>} : memref<16xi32, #tpu.memory_space<vmem>>, vector<16xi32>,
        tpu.vector_store %arg23[%swap3A_277], %get3A_276 {strides = array<i32>} : memref<16xi32, #tpu.memory_space<vmem>>, vector<16xi32>,
        %scan3A_279 = arith.constant 1 : i32
        %dma_start3A_280 = arith.constant 0 : i32
        %dma_start3A_281 = arith.constant 0 : i32
        %dma_start3A_282 = tpu.memref_slice %arg6[%dma_start3A_280, %dma_start3A_281] : memref<10240x256xf32, #tpu.memory_space<hbm>> -> memref<10240x256xf32, #tpu.memory_space<hbm>>
        tpu.enqueue_indirect_dma source(%dma_start3A_282 : memref<10240x256xf32, #tpu.memory_space<hbm>>) target(%arg18 : memref<16x256xf32, #tpu.memory_space<vmem>>) offsets(%arg23 : memref<16xi32, #tpu.memory_space<vmem>>) semaphore(%arg30 : memref<!tpu.dma_semaphore, #tpu.memory_space<semaphore_mem>>)
        %while3A_283 = arith.constant 0 : i32
        scf.yield %while3A_283 : i32
      }
      %dma_wait3A = arith.constant 0 : i32
      %dma_wait3A_176 = arith.constant 0 : i32
      %dma_wait3A_177 = tpu.memref_slice %arg6[%dma_wait3A, %dma_wait3A_176] : memref<10240x256xf32, #tpu.memory_space<hbm>> -> memref<16x256xf32, #tpu.memory_space<hbm>>
      %dma_wait3A_178 = arith.constant 0 : i32
      %dma_wait3A_179 = arith.constant 0 : i32
      %dma_wait3A_180 = tpu.memref_slice %arg6[%dma_wait3A_178, %dma_wait3A_179] : memref<10240x256xf32, #tpu.memory_space<hbm>> -> memref<16x256xf32, #tpu.memory_space<hbm>>
      tpu.wait_dma2 semaphore(%arg29 : memref<!tpu.dma_semaphore, #tpu.memory_space<semaphore_mem>>) src(%dma_wait3A_180 : memref<16x256xf32, #tpu.memory_space<hbm>>) dst(%arg17 : memref<16x256xf32, #tpu.memory_space<vmem>>)
      %dma_wait3A_181 = arith.constant 0 : i32
      %dma_wait3A_182 = arith.constant 0 : i32
      %dma_wait3A_183 = tpu.memref_slice %arg6[%dma_wait3A_181, %dma_wait3A_182] : memref<10240x256xf32, #tpu.memory_space<hbm>> -> memref<16x256xf32, #tpu.memory_space<hbm>>
      %dma_wait3A_184 = arith.constant 0 : i32
      %dma_wait3A_185 = arith.constant 0 : i32
      %dma_wait3A_186 = tpu.memref_slice %arg6[%dma_wait3A_184, %dma_wait3A_185] : memref<10240x256xf32, #tpu.memory_space<hbm>> -> memref<16x256xf32, #tpu.memory_space<hbm>>
      tpu.wait_dma2 semaphore(%arg30 : memref<!tpu.dma_semaphore, #tpu.memory_space<semaphore_mem>>) src(%dma_wait3A_186 : memref<16x256xf32, #tpu.memory_space<hbm>>) dst(%arg18 : memref<16x256xf32, #tpu.memory_space<vmem>>)
    }
    %scan3A_60 = arith.constant 6 : i32
    "tpu.region"() ({
      %run_scoped3A = tpu.sem_alloc : memref<!tpu.dma_semaphore, #tpu.memory_space<semaphore_mem>>
      %dma_start3A = arith.constant 0 : i32
      %dma_start3A_74 = arith.constant 0 : i32
      %dma_start3A_75 = tpu.memref_slice %arg28[%dma_start3A, %dma_start3A_74] : memref<48x128xf32, #tpu.memory_space<vmem_shared>> -> memref<48x128xf32, #tpu.memory_space<vmem_shared>>
      tpu.enqueue_indirect_dma source(%arg21 : memref<48x128xf32, #tpu.memory_space<vmem>>) target(%dma_start3A_75 : memref<48x128xf32, #tpu.memory_space<vmem_shared>>) offsets(%arg25 : memref<48xi32, #tpu.memory_space<vmem>>) semaphore(%run_scoped3A : memref<!tpu.dma_semaphore, #tpu.memory_space<semaphore_mem>>) {add = true}
      %dma_wait3A = arith.constant 0 : i32
      %dma_wait3A_76 = arith.constant 0 : i32
      %dma_wait3A_77 = tpu.memref_slice %arg28[%dma_wait3A, %dma_wait3A_76] : memref<48x128xf32, #tpu.memory_space<vmem_shared>> -> memref<48x128xf32, #tpu.memory_space<vmem_shared>>
      tpu.wait_indirect_dma semaphore(%run_scoped3A : memref<!tpu.dma_semaphore, #tpu.memory_space<semaphore_mem>>) src(%arg21 : memref<48x128xf32, #tpu.memory_space<vmem>>) dst(%dma_wait3A_77 : memref<48x128xf32, #tpu.memory_space<vmem_shared>>)
      tpu.yield
    }) : () -> ()
    %barrier3A_61 = arith.constant 0 : index
    tpu.barrier barrier_id(%barrier3A_61)
    %scan3A_62 = arith.constant 0 : i32
    %scan3A_63 = arith.constant 20 : i32
    %scan3A_64 = arith.addi %scan3A_62, %scan3A_63 : i32
    %scan3A_65 = arith.constant 1 : i32
    scf.for %scan3A_74 = %scan3A_62 to %scan3A_64 step %scan3A_65  : i32 {
      %mul3A_75 = arith.constant 16 : i32
      %mul3A_76 = arith.muli %scan3A_74, %mul3A_75 : i32
      %add3A_77 = arith.constant 0 : i32
      %add3A_78 = arith.addi %add3A_77, %mul3A_76 : i32
      %add3A_79 = arith.addi %mul3A_19, %add3A_78 : i32
      "tpu.region"() ({
        %run_scoped3A = tpu.sem_alloc : memref<!tpu.dma_semaphore, #tpu.memory_space<semaphore_mem>>
        %dma_start3A = arith.constant 0 : i32
        %dma_start3A_85 = tpu.memref_slice %arg26[%add3A_79, %dma_start3A] : memref<5120x128xf32, #tpu.memory_space<vmem_shared>> -> memref<16x128xf32, #tpu.memory_space<vmem_shared>>
        %dma_start3A_86 = arith.constant 0 : i32
        %dma_start3A_87 = tpu.memref_slice %arg26[%add3A_79, %dma_start3A_86] : memref<5120x128xf32, #tpu.memory_space<vmem_shared>> -> memref<16x128xf32, #tpu.memory_space<vmem_shared>>
        tpu.enqueue_dma source(%dma_start3A_87 : memref<16x128xf32, #tpu.memory_space<vmem_shared>>) target(%arg19 : memref<16x128xf32, #tpu.memory_space<vmem>>) target_semaphore(%run_scoped3A : memref<!tpu.dma_semaphore, #tpu.memory_space<semaphore_mem>>)
        %dma_wait3A = arith.constant 0 : i32
        %dma_wait3A_88 = tpu.memref_slice %arg26[%add3A_79, %dma_wait3A] : memref<5120x128xf32, #tpu.memory_space<vmem_shared>> -> memref<16x128xf32, #tpu.memory_space<vmem_shared>>
        %dma_wait3A_89 = arith.constant 0 : i32
        %dma_wait3A_90 = tpu.memref_slice %arg26[%add3A_79, %dma_wait3A_89] : memref<5120x128xf32, #tpu.memory_space<vmem_shared>> -> memref<16x128xf32, #tpu.memory_space<vmem_shared>>
        tpu.wait_dma2 semaphore(%run_scoped3A : memref<!tpu.dma_semaphore, #tpu.memory_space<semaphore_mem>>) src(%dma_wait3A_90 : memref<16x128xf32, #tpu.memory_space<vmem_shared>>) dst(%arg19 : memref<16x128xf32, #tpu.memory_space<vmem>>)
        tpu.yield
      }) : () -> ()
      %add3A_80 = arith.addi %mul3A_0, %mul3A_19 : i32
      %add3A_81 = arith.addi %add3A_80, %add3A_78 : i32
      "tpu.region"() ({
        %run_scoped3A = tpu.sem_alloc : memref<!tpu.dma_semaphore, #tpu.memory_space<semaphore_mem>>
        %dma_start3A = arith.constant 0 : i32
        %dma_start3A_85 = tpu.memref_slice %arg7[%add3A_81, %dma_start3A] : memref<10240x128xf32, #tpu.memory_space<hbm>> -> memref<16x128xf32, #tpu.memory_space<hbm>>
        %dma_start3A_86 = arith.constant 0 : i32
        %dma_start3A_87 = tpu.memref_slice %arg7[%add3A_81, %dma_start3A_86] : memref<10240x128xf32, #tpu.memory_space<hbm>> -> memref<16x128xf32, #tpu.memory_space<hbm>>
        tpu.enqueue_dma source(%arg19 : memref<16x128xf32, #tpu.memory_space<vmem>>) target(%dma_start3A_87 : memref<16x128xf32, #tpu.memory_space<hbm>>) target_semaphore(%run_scoped3A : memref<!tpu.dma_semaphore, #tpu.memory_space<semaphore_mem>>)
        %dma_wait3A = arith.constant 0 : i32
        %dma_wait3A_88 = tpu.memref_slice %arg7[%add3A_81, %dma_wait3A] : memref<10240x128xf32, #tpu.memory_space<hbm>> -> memref<16x128xf32, #tpu.memory_space<hbm>>
        %dma_wait3A_89 = arith.constant 0 : i32
        %dma_wait3A_90 = tpu.memref_slice %arg7[%add3A_81, %dma_wait3A_89] : memref<10240x128xf32, #tpu.memory_space<hbm>> -> memref<16x128xf32, #tpu.memory_space<hbm>>
        tpu.wait_dma2 semaphore(%run_scoped3A : memref<!tpu.dma_semaphore, #tpu.memory_space<semaphore_mem>>) src(%arg19 : memref<16x128xf32, #tpu.memory_space<vmem>>) dst(%dma_wait3A_90 : memref<16x128xf32, #tpu.memory_space<hbm>>)
        tpu.yield
      }) : () -> ()
      %add3A_82 = arith.addi %mul3A_19, %add3A_78 : i32
      "tpu.region"() ({
        %run_scoped3A = tpu.sem_alloc : memref<!tpu.dma_semaphore, #tpu.memory_space<semaphore_mem>>
        %dma_start3A = arith.constant 0 : i32
        %dma_start3A_85 = tpu.memref_slice %arg27[%add3A_82, %dma_start3A] : memref<5120x128xf32, #tpu.memory_space<vmem_shared>> -> memref<16x128xf32, #tpu.memory_space<vmem_shared>>
        %dma_start3A_86 = arith.constant 0 : i32
        %dma_start3A_87 = tpu.memref_slice %arg27[%add3A_82, %dma_start3A_86] : memref<5120x128xf32, #tpu.memory_space<vmem_shared>> -> memref<16x128xf32, #tpu.memory_space<vmem_shared>>
        tpu.enqueue_dma source(%dma_start3A_87 : memref<16x128xf32, #tpu.memory_space<vmem_shared>>) target(%arg20 : memref<16x128xf32, #tpu.memory_space<vmem>>) target_semaphore(%run_scoped3A : memref<!tpu.dma_semaphore, #tpu.memory_space<semaphore_mem>>)
        %dma_wait3A = arith.constant 0 : i32
        %dma_wait3A_88 = tpu.memref_slice %arg27[%add3A_82, %dma_wait3A] : memref<5120x128xf32, #tpu.memory_space<vmem_shared>> -> memref<16x128xf32, #tpu.memory_space<vmem_shared>>
        %dma_wait3A_89 = arith.constant 0 : i32
        %dma_wait3A_90 = tpu.memref_slice %arg27[%add3A_82, %dma_wait3A_89] : memref<5120x128xf32, #tpu.memory_space<vmem_shared>> -> memref<16x128xf32, #tpu.memory_space<vmem_shared>>
        tpu.wait_dma2 semaphore(%run_scoped3A : memref<!tpu.dma_semaphore, #tpu.memory_space<semaphore_mem>>) src(%dma_wait3A_90 : memref<16x128xf32, #tpu.memory_space<vmem_shared>>) dst(%arg20 : memref<16x128xf32, #tpu.memory_space<vmem>>)
        tpu.yield
      }) : () -> ()
      %add3A_83 = arith.addi %mul3A_0, %mul3A_19 : i32
      %add3A_84 = arith.addi %add3A_83, %add3A_78 : i32
      "tpu.region"() ({
        %run_scoped3A = tpu.sem_alloc : memref<!tpu.dma_semaphore, #tpu.memory_space<semaphore_mem>>
        %dma_start3A = arith.constant 0 : i32
        %dma_start3A_85 = tpu.memref_slice %arg8[%add3A_84, %dma_start3A] : memref<10240x128xf32, #tpu.memory_space<hbm>> -> memref<16x128xf32, #tpu.memory_space<hbm>>
        %dma_start3A_86 = arith.constant 0 : i32
        %dma_start3A_87 = tpu.memref_slice %arg8[%add3A_84, %dma_start3A_86] : memref<10240x128xf32, #tpu.memory_space<hbm>> -> memref<16x128xf32, #tpu.memory_space<hbm>>
        tpu.enqueue_dma source(%arg20 : memref<16x128xf32, #tpu.memory_space<vmem>>) target(%dma_start3A_87 : memref<16x128xf32, #tpu.memory_space<hbm>>) target_semaphore(%run_scoped3A : memref<!tpu.dma_semaphore, #tpu.memory_space<semaphore_mem>>)
        %dma_wait3A = arith.constant 0 : i32
        %dma_wait3A_88 = tpu.memref_slice %arg8[%add3A_84, %dma_wait3A] : memref<10240x128xf32, #tpu.memory_space<hbm>> -> memref<16x128xf32, #tpu.memory_space<hbm>>
        %dma_wait3A_89 = arith.constant 0 : i32
        %dma_wait3A_90 = tpu.memref_slice %arg8[%add3A_84, %dma_wait3A_89] : memref<10240x128xf32, #tpu.memory_space<hbm>> -> memref<16x128xf32, #tpu.memory_space<hbm>>
        tpu.wait_dma2 semaphore(%run_scoped3A : memref<!tpu.dma_semaphore, #tpu.memory_space<semaphore_mem>>) src(%arg20 : memref<16x128xf32, #tpu.memory_space<vmem>>) dst(%dma_wait3A_90 : memref<16x128xf32, #tpu.memory_space<hbm>>)
        tpu.yield
      }) : () -> ()
    }
    %scan3A_66 = arith.constant 20 : i32
    %mul3A_67 = arith.constant 8 : i32
    %mul3A_68 = arith.muli %arg1, %mul3A_67 : i32
    %lt3A_69 = arith.constant 5 : i32
    %lt3A_70 = arith.cmpi slt, %arg1, %lt3A_69 : i32
    %convert_element_type3A_71 = arith.extui %lt3A_70 : i1 to i32
    %cond3A_72 = arith.constant 0 : i32
    %cond3A_73 = arith.cmpi ne, %convert_element_type3A_71, %cond3A_72 : i32
    scf.if %cond3A_73 {
      "tpu.region"() ({
        %run_scoped3A = tpu.sem_alloc : memref<!tpu.dma_semaphore, #tpu.memory_space<semaphore_mem>>
        %dma_start3A = arith.constant 0 : i32
        %dma_start3A_77 = arith.constant 0 : i32
        %dma_start3A_78 = tpu.memref_slice %arg19[%dma_start3A, %dma_start3A_77] : memref<16x128xf32, #tpu.memory_space<vmem>> -> memref<8x128xf32, #tpu.memory_space<vmem>>
        %dma_start3A_79 = arith.constant 0 : i32
        %dma_start3A_80 = tpu.memref_slice %arg28[%mul3A_68, %dma_start3A_79] : memref<48x128xf32, #tpu.memory_space<vmem_shared>> -> memref<8x128xf32, #tpu.memory_space<vmem_shared>>
        %dma_start3A_81 = arith.constant 0 : i32
        %dma_start3A_82 = arith.constant 0 : i32
        %dma_start3A_83 = tpu.memref_slice %arg19[%dma_start3A_81, %dma_start3A_82] : memref<16x128xf32, #tpu.memory_space<vmem>> -> memref<8x128xf32, #tpu.memory_space<vmem>>
        %dma_start3A_84 = arith.constant 0 : i32
        %dma_start3A_85 = tpu.memref_slice %arg28[%mul3A_68, %dma_start3A_84] : memref<48x128xf32, #tpu.memory_space<vmem_shared>> -> memref<8x128xf32, #tpu.memory_space<vmem_shared>>
        tpu.enqueue_dma source(%dma_start3A_85 : memref<8x128xf32, #tpu.memory_space<vmem_shared>>) target(%dma_start3A_83 : memref<8x128xf32, #tpu.memory_space<vmem>>) target_semaphore(%run_scoped3A : memref<!tpu.dma_semaphore, #tpu.memory_space<semaphore_mem>>)
        %dma_wait3A = arith.constant 0 : i32
        %dma_wait3A_86 = arith.constant 0 : i32
        %dma_wait3A_87 = tpu.memref_slice %arg19[%dma_wait3A, %dma_wait3A_86] : memref<16x128xf32, #tpu.memory_space<vmem>> -> memref<8x128xf32, #tpu.memory_space<vmem>>
        %dma_wait3A_88 = arith.constant 0 : i32
        %dma_wait3A_89 = tpu.memref_slice %arg28[%mul3A_68, %dma_wait3A_88] : memref<48x128xf32, #tpu.memory_space<vmem_shared>> -> memref<8x128xf32, #tpu.memory_space<vmem_shared>>
        %dma_wait3A_90 = arith.constant 0 : i32
        %dma_wait3A_91 = arith.constant 0 : i32
        %dma_wait3A_92 = tpu.memref_slice %arg19[%dma_wait3A_90, %dma_wait3A_91] : memref<16x128xf32, #tpu.memory_space<vmem>> -> memref<8x128xf32, #tpu.memory_space<vmem>>
        %dma_wait3A_93 = arith.constant 0 : i32
        %dma_wait3A_94 = tpu.memref_slice %arg28[%mul3A_68, %dma_wait3A_93] : memref<48x128xf32, #tpu.memory_space<vmem_shared>> -> memref<8x128xf32, #tpu.memory_space<vmem_shared>>
        tpu.wait_dma2 semaphore(%run_scoped3A : memref<!tpu.dma_semaphore, #tpu.memory_space<semaphore_mem>>) src(%dma_wait3A_94 : memref<8x128xf32, #tpu.memory_space<vmem_shared>>) dst(%dma_wait3A_92 : memref<8x128xf32, #tpu.memory_space<vmem>>)
        tpu.yield
      }) : () -> ()
      %mul3A_74 = arith.constant 40 : i32
      %mul3A_75 = arith.muli %arg0, %mul3A_74 : i32
      %add3A_76 = arith.addi %mul3A_75, %mul3A_68 : i32
      "tpu.region"() ({
        %run_scoped3A = tpu.sem_alloc : memref<!tpu.dma_semaphore, #tpu.memory_space<semaphore_mem>>
        %dma_start3A = arith.constant 0 : i32
        %dma_start3A_77 = arith.constant 0 : i32
        %dma_start3A_78 = tpu.memref_slice %arg19[%dma_start3A, %dma_start3A_77] : memref<16x128xf32, #tpu.memory_space<vmem>> -> memref<8x128xf32, #tpu.memory_space<vmem>>
        %dma_start3A_79 = arith.constant 0 : i32
        %dma_start3A_80 = tpu.memref_slice %arg9[%add3A_76, %dma_start3A_79] : memref<80x128xf32, #tpu.memory_space<hbm>> -> memref<8x128xf32, #tpu.memory_space<hbm>>
        %dma_start3A_81 = arith.constant 0 : i32
        %dma_start3A_82 = tpu.memref_slice %arg9[%add3A_76, %dma_start3A_81] : memref<80x128xf32, #tpu.memory_space<hbm>> -> memref<8x128xf32, #tpu.memory_space<hbm>>
        %dma_start3A_83 = arith.constant 0 : i32
        %dma_start3A_84 = arith.constant 0 : i32
        %dma_start3A_85 = tpu.memref_slice %arg19[%dma_start3A_83, %dma_start3A_84] : memref<16x128xf32, #tpu.memory_space<vmem>> -> memref<8x128xf32, #tpu.memory_space<vmem>>
        tpu.enqueue_dma source(%dma_start3A_85 : memref<8x128xf32, #tpu.memory_space<vmem>>) target(%dma_start3A_82 : memref<8x128xf32, #tpu.memory_space<hbm>>) target_semaphore(%run_scoped3A : memref<!tpu.dma_semaphore, #tpu.memory_space<semaphore_mem>>)
        %dma_wait3A = arith.constant 0 : i32
        %dma_wait3A_86 = arith.constant 0 : i32
        %dma_wait3A_87 = tpu.memref_slice %arg19[%dma_wait3A, %dma_wait3A_86] : memref<16x128xf32, #tpu.memory_space<vmem>> -> memref<8x128xf32, #tpu.memory_space<vmem>>
        %dma_wait3A_88 = arith.constant 0 : i32
        %dma_wait3A_89 = tpu.memref_slice %arg9[%add3A_76, %dma_wait3A_88] : memref<80x128xf32, #tpu.memory_space<hbm>> -> memref<8x128xf32, #tpu.memory_space<hbm>>
        %dma_wait3A_90 = arith.constant 0 : i32
        %dma_wait3A_91 = tpu.memref_slice %arg9[%add3A_76, %dma_wait3A_90] : memref<80x128xf32, #tpu.memory_space<hbm>> -> memref<8x128xf32, #tpu.memory_space<hbm>>
        %dma_wait3A_92 = arith.constant 0 : i32
        %dma_wait3A_93 = arith.constant 0 : i32
        %dma_wait3A_94 = tpu.memref_slice %arg19[%dma_wait3A_92, %dma_wait3A_93] : memref<16x128xf32, #tpu.memory_space<vmem>> -> memref<8x128xf32, #tpu.memory_space<vmem>>
        tpu.wait_dma2 semaphore(%run_scoped3A : memref<!tpu.dma_semaphore, #tpu.memory_space<semaphore_mem>>) src(%dma_wait3A_94 : memref<8x128xf32, #tpu.memory_space<vmem>>) dst(%dma_wait3A_91 : memref<8x128xf32, #tpu.memory_space<hbm>>)
        tpu.yield
      }) : () -> ()
    } else {
    }
    return
  }
}

#map = affine_map<(d0, d1) -> (0)>
#map1 = affine_map<(d0, d1) -> (0, 0)>
module attributes {stable_mosaic.version = 14 : i64} {
  func.func @_edge_body(%arg0: i32, %arg1: i32, %arg2: memref<160080xi32, #tpu.memory_space<hbm>>, %arg3: memref<160080xi32, #tpu.memory_space<hbm>>, %arg4: memref<10240xf32, #tpu.memory_space<hbm>>, %arg5: memref<10240xf32, #tpu.memory_space<hbm>>, %arg6: memref<10240x256xf32, #tpu.memory_space<hbm>>, %arg7: memref<10240x128xf32, #tpu.memory_space<hbm>>, %arg8: memref<10240x128xf32, #tpu.memory_space<hbm>>, %arg9: memref<80x128xf32, #tpu.memory_space<hbm>>, %arg10: memref<10240xf32, #tpu.memory_space<vmem>>, %arg11: memref<10240xf32, #tpu.memory_space<vmem>>, %arg12: memref<1680xi32, #tpu.memory_space<vmem>>, %arg13: memref<1680xi32, #tpu.memory_space<vmem>>, %arg14: memref<1744xi32, #tpu.memory_space<vmem>>, %arg15: memref<1744xi32, #tpu.memory_space<vmem>>, %arg16: memref<1744xf32, #tpu.memory_space<vmem>>, %arg17: memref<16x256xf32, #tpu.memory_space<vmem>>, %arg18: memref<16x256xf32, #tpu.memory_space<vmem>>, %arg19: memref<16x128xf32, #tpu.memory_space<vmem>>, %arg20: memref<16x128xf32, #tpu.memory_space<vmem>>, %arg21: memref<48x128xf32, #tpu.memory_space<vmem>>, %arg22: memref<16xi32, #tpu.memory_space<vmem>>, %arg23: memref<16xi32, #tpu.memory_space<vmem>>, %arg24: memref<16xi32, #tpu.memory_space<vmem>>, %arg25: memref<48xi32, #tpu.memory_space<vmem>>, %arg26: memref<5120x128xf32, #tpu.memory_space<vmem_shared>>, %arg27: memref<5120x128xf32, #tpu.memory_space<vmem_shared>>, %arg28: memref<48x128xf32, #tpu.memory_space<vmem_shared>>, %arg29: memref<!tpu.dma_semaphore, #tpu.memory_space<semaphore_mem>>, %arg30: memref<!tpu.dma_semaphore, #tpu.memory_space<semaphore_mem>>) attributes {dimension_semantics = [#tpu.dimension_semantics<core_parallel>, #tpu.dimension_semantics<subcore_parallel>], iteration_bounds = array<i64: 2, 16>, scalar_prefetch = 0 : i64, scratch_operands = 21 : i64, tpu.core_type = #tpu.core_type<sc_vector_subcore>, window_params = [{transform_indices = #map}, {transform_indices = #map}, {transform_indices = #map}, {transform_indices = #map}, {transform_indices = #map1}, {transform_indices = #map1}, {transform_indices = #map1}, {transform_indices = #map1}]} {
    %mul3A = arith.constant 5120 : i32
    %mul3A_0 = arith.muli %arg0, %mul3A : i32
    %broadcast_in_dim3A = arith.constant 0.000000e+00 : f32
    %broadcast_in_dim3A_1 = vector.broadcast %broadcast_in_dim3A : f32 to vector<16xf32>
    %broadcast_in_dim3A_2 = arith.constant 0 : i32
    %broadcast_in_dim3A_3 = vector.broadcast %broadcast_in_dim3A_2 : i32 to vector<16xi32>
    "tpu.region"() ({
      %run_scoped3A = tpu.sem_alloc : memref<!tpu.dma_semaphore, #tpu.memory_space<semaphore_mem>>
      tpu.enqueue_dma source(%arg4 : memref<10240xf32, #tpu.memory_space<hbm>>) target(%arg10 : memref<10240xf32, #tpu.memory_space<vmem>>) target_semaphore(%run_scoped3A : memref<!tpu.dma_semaphore, #tpu.memory_space<semaphore_mem>>)
      tpu.wait_dma2 semaphore(%run_scoped3A : memref<!tpu.dma_semaphore, #tpu.memory_space<semaphore_mem>>) src(%arg4 : memref<10240xf32, #tpu.memory_space<hbm>>) dst(%arg10 : memref<10240xf32, #tpu.memory_space<vmem>>)
      tpu.yield
    }) : () -> ()
    "tpu.region"() ({
      %run_scoped3A = tpu.sem_alloc : memref<!tpu.dma_semaphore, #tpu.memory_space<semaphore_mem>>
      tpu.enqueue_dma source(%arg5 : memref<10240xf32, #tpu.memory_space<hbm>>) target(%arg11 : memref<10240xf32, #tpu.memory_space<vmem>>) target_semaphore(%run_scoped3A : memref<!tpu.dma_semaphore, #tpu.memory_space<semaphore_mem>>)
      tpu.wait_dma2 semaphore(%run_scoped3A : memref<!tpu.dma_semaphore, #tpu.memory_space<semaphore_mem>>) src(%arg5 : memref<10240xf32, #tpu.memory_space<hbm>>) dst(%arg11 : memref<10240xf32, #tpu.memory_space<vmem>>)
      tpu.yield
    }) : () -> ()
    %scan3A = arith.constant 0 : i32
    %scan3A_4 = arith.constant 109 : i32
    %scan3A_5 = arith.addi %scan3A, %scan3A_4 : i32
    %scan3A_6 = arith.constant 1 : i32
    scf.for %scan3A_74 = %scan3A to %scan3A_5 step %scan3A_6  : i32 {
      %mul3A_75 = arith.constant 16 : i32
      %mul3A_76 = arith.muli %scan3A_74, %mul3A_75 : i32
      %add3A_77 = arith.constant 0 : i32
      %add3A_78 = arith.addi %add3A_77, %mul3A_76 : i32
      %swap3A = arith.index_cast %add3A_78 : i32 to index
      %swap3A_79 = tpu.vector_load %arg14[%swap3A] {strides = array<i32>} : memref<1744xi32, #tpu.memory_space<vmem>>, vector<16xi32>,
      tpu.vector_store %arg14[%swap3A], %broadcast_in_dim3A_3 {strides = array<i32>} : memref<1744xi32, #tpu.memory_space<vmem>>, vector<16xi32>,
      %swap3A_80 = arith.index_cast %add3A_78 : i32 to index
      %swap3A_81 = tpu.vector_load %arg15[%swap3A_80] {strides = array<i32>} : memref<1744xi32, #tpu.memory_space<vmem>>, vector<16xi32>,
      tpu.vector_store %arg15[%swap3A_80], %broadcast_in_dim3A_3 {strides = array<i32>} : memref<1744xi32, #tpu.memory_space<vmem>>, vector<16xi32>,
      %swap3A_82 = arith.index_cast %add3A_78 : i32 to index
      %swap3A_83 = tpu.vector_load %arg16[%swap3A_82] {strides = array<i32>} : memref<1744xf32, #tpu.memory_space<vmem>>, vector<16xf32>,
      tpu.vector_store %arg16[%swap3A_82], %broadcast_in_dim3A_1 {strides = array<i32>} : memref<1744xf32, #tpu.memory_space<vmem>>, vector<16xf32>,
    }
    %scan3A_7 = arith.constant 109 : i32
    %scan3A_8 = arith.constant 0 : i32
    %scan3A_9 = arith.constant 48 : i32
    %scan3A_10 = arith.addi %scan3A_8, %scan3A_9 : i32
    %scan3A_11 = arith.constant 1 : i32
    scf.for %scan3A_74 = %scan3A_8 to %scan3A_10 step %scan3A_11  : i32 {
      %mul3A_75 = arith.constant 1 : i32
      %mul3A_76 = arith.muli %scan3A_74, %mul3A_75 : i32
      %add3A_77 = arith.constant 0 : i32
      %add3A_78 = arith.addi %add3A_77, %mul3A_76 : i32
      %scan3A_79 = arith.constant 0 : i32
      %scan3A_80 = arith.constant 8 : i32
      %scan3A_81 = arith.addi %scan3A_79, %scan3A_80 : i32
      %scan3A_82 = arith.constant 1 : i32
      scf.for %scan3A_84 = %scan3A_79 to %scan3A_81 step %scan3A_82  : i32 {
        %mul3A_85 = arith.constant 16 : i32
        %mul3A_86 = arith.muli %scan3A_84, %mul3A_85 : i32
        %add3A_87 = arith.constant 0 : i32
        %add3A_88 = arith.addi %add3A_87, %mul3A_86 : i32
        %swap3A = arith.index_cast %add3A_78 : i32 to index
        %swap3A_89 = arith.index_cast %add3A_88 : i32 to index
        %swap3A_90 = tpu.vector_load %arg21[%swap3A, %swap3A_89] {strides = array<i32>} : memref<48x128xf32, #tpu.memory_space<vmem>>, vector<16xf32>,
        tpu.vector_store %arg21[%swap3A, %swap3A_89], %broadcast_in_dim3A_1 {strides = array<i32>} : memref<48x128xf32, #tpu.memory_space<vmem>>, vector<16xf32>,
      }
      %scan3A_83 = arith.constant 8 : i32
    }
    %scan3A_12 = arith.constant 48 : i32
    %scan3A_13 = arith.constant 0 : i32
    %scan3A_14 = arith.constant 16 : i32
    %scan3A_15 = arith.addi %scan3A_13, %scan3A_14 : i32
    %scan3A_16 = arith.constant 1 : i32
    scf.for %scan3A_74 = %scan3A_13 to %scan3A_15 step %scan3A_16  : i32 {
      %mul3A_75 = arith.constant 1 : i32
      %mul3A_76 = arith.muli %scan3A_74, %mul3A_75 : i32
      %add3A_77 = arith.constant 0 : i32
      %add3A_78 = arith.addi %add3A_77, %mul3A_76 : i32
      %scan3A_79 = arith.constant 0 : i32
      %scan3A_80 = arith.constant 8 : i32
      %scan3A_81 = arith.addi %scan3A_79, %scan3A_80 : i32
      %scan3A_82 = arith.constant 1 : i32
      scf.for %scan3A_84 = %scan3A_79 to %scan3A_81 step %scan3A_82  : i32 {
        %mul3A_85 = arith.constant 16 : i32
        %mul3A_86 = arith.muli %scan3A_84, %mul3A_85 : i32
        %add3A_87 = arith.constant 0 : i32
        %add3A_88 = arith.addi %add3A_87, %mul3A_86 : i32
        %swap3A = arith.index_cast %add3A_78 : i32 to index
        %swap3A_89 = arith.index_cast %add3A_88 : i32 to index
        %swap3A_90 = tpu.vector_load %arg19[%swap3A, %swap3A_89] {strides = array<i32>} : memref<16x128xf32, #tpu.memory_space<vmem>>, vector<16xf32>,
        tpu.vector_store %arg19[%swap3A, %swap3A_89], %broadcast_in_dim3A_1 {strides = array<i32>} : memref<16x128xf32, #tpu.memory_space<vmem>>, vector<16xf32>,
      }
      %scan3A_83 = arith.constant 8 : i32
    }
    %scan3A_17 = arith.constant 16 : i32
    %mul3A_18 = arith.constant 320 : i32
    %mul3A_19 = arith.muli %arg1, %mul3A_18 : i32
    %scan3A_20 = arith.constant 0 : i32
    %scan3A_21 = arith.constant 20 : i32
    %scan3A_22 = arith.addi %scan3A_20, %scan3A_21 : i32
    %scan3A_23 = arith.constant 1 : i32
    scf.for %scan3A_74 = %scan3A_20 to %scan3A_22 step %scan3A_23  : i32 {
      %mul3A_75 = arith.constant 16 : i32
      %mul3A_76 = arith.muli %scan3A_74, %mul3A_75 : i32
      %add3A_77 = arith.constant 0 : i32
      %add3A_78 = arith.addi %add3A_77, %mul3A_76 : i32
      %add3A_79 = arith.addi %mul3A_19, %add3A_78 : i32
      "tpu.region"() ({
        %run_scoped3A = tpu.sem_alloc : memref<!tpu.dma_semaphore, #tpu.memory_space<semaphore_mem>>
        %dma_start3A = arith.constant 0 : i32
        %dma_start3A_81 = tpu.memref_slice %arg26[%add3A_79, %dma_start3A] : memref<5120x128xf32, #tpu.memory_space<vmem_shared>> -> memref<16x128xf32, #tpu.memory_space<vmem_shared>>
        %dma_start3A_82 = arith.constant 0 : i32
        %dma_start3A_83 = tpu.memref_slice %arg26[%add3A_79, %dma_start3A_82] : memref<5120x128xf32, #tpu.memory_space<vmem_shared>> -> memref<16x128xf32, #tpu.memory_space<vmem_shared>>
        tpu.enqueue_dma source(%arg19 : memref<16x128xf32, #tpu.memory_space<vmem>>) target(%dma_start3A_83 : memref<16x128xf32, #tpu.memory_space<vmem_shared>>) target_semaphore(%run_scoped3A : memref<!tpu.dma_semaphore, #tpu.memory_space<semaphore_mem>>)
        %dma_wait3A = arith.constant 0 : i32
        %dma_wait3A_84 = tpu.memref_slice %arg26[%add3A_79, %dma_wait3A] : memref<5120x128xf32, #tpu.memory_space<vmem_shared>> -> memref<16x128xf32, #tpu.memory_space<vmem_shared>>
        %dma_wait3A_85 = arith.constant 0 : i32
        %dma_wait3A_86 = tpu.memref_slice %arg26[%add3A_79, %dma_wait3A_85] : memref<5120x128xf32, #tpu.memory_space<vmem_shared>> -> memref<16x128xf32, #tpu.memory_space<vmem_shared>>
        tpu.wait_dma2 semaphore(%run_scoped3A : memref<!tpu.dma_semaphore, #tpu.memory_space<semaphore_mem>>) src(%arg19 : memref<16x128xf32, #tpu.memory_space<vmem>>) dst(%dma_wait3A_86 : memref<16x128xf32, #tpu.memory_space<vmem_shared>>)
        tpu.yield
      }) : () -> ()
      %add3A_80 = arith.addi %mul3A_19, %add3A_78 : i32
      "tpu.region"() ({
        %run_scoped3A = tpu.sem_alloc : memref<!tpu.dma_semaphore, #tpu.memory_space<semaphore_mem>>
        %dma_start3A = arith.constant 0 : i32
        %dma_start3A_81 = tpu.memref_slice %arg27[%add3A_80, %dma_start3A] : memref<5120x128xf32, #tpu.memory_space<vmem_shared>> -> memref<16x128xf32, #tpu.memory_space<vmem_shared>>
        %dma_start3A_82 = arith.constant 0 : i32
        %dma_start3A_83 = tpu.memref_slice %arg27[%add3A_80, %dma_start3A_82] : memref<5120x128xf32, #tpu.memory_space<vmem_shared>> -> memref<16x128xf32, #tpu.memory_space<vmem_shared>>
        tpu.enqueue_dma source(%arg19 : memref<16x128xf32, #tpu.memory_space<vmem>>) target(%dma_start3A_83 : memref<16x128xf32, #tpu.memory_space<vmem_shared>>) target_semaphore(%run_scoped3A : memref<!tpu.dma_semaphore, #tpu.memory_space<semaphore_mem>>)
        %dma_wait3A = arith.constant 0 : i32
        %dma_wait3A_84 = tpu.memref_slice %arg27[%add3A_80, %dma_wait3A] : memref<5120x128xf32, #tpu.memory_space<vmem_shared>> -> memref<16x128xf32, #tpu.memory_space<vmem_shared>>
        %dma_wait3A_85 = arith.constant 0 : i32
        %dma_wait3A_86 = tpu.memref_slice %arg27[%add3A_80, %dma_wait3A_85] : memref<5120x128xf32, #tpu.memory_space<vmem_shared>> -> memref<16x128xf32, #tpu.memory_space<vmem_shared>>
        tpu.wait_dma2 semaphore(%run_scoped3A : memref<!tpu.dma_semaphore, #tpu.memory_space<semaphore_mem>>) src(%arg19 : memref<16x128xf32, #tpu.memory_space<vmem>>) dst(%dma_wait3A_86 : memref<16x128xf32, #tpu.memory_space<vmem_shared>>)
        tpu.yield
      }) : () -> ()
    }
    %scan3A_24 = arith.constant 20 : i32
    %lt3A = arith.constant 6 : i32
    %lt3A_25 = arith.cmpi slt, %arg1, %lt3A : i32
    %convert_element_type3A = arith.extui %lt3A_25 : i1 to i32
    %cond3A = arith.constant 0 : i32
    %cond3A_26 = arith.cmpi ne, %convert_element_type3A, %cond3A : i32
    scf.if %cond3A_26 {
      %mul3A_74 = arith.constant 8 : i32
      %mul3A_75 = arith.muli %arg1, %mul3A_74 : i32
      "tpu.region"() ({
        %run_scoped3A = tpu.sem_alloc : memref<!tpu.dma_semaphore, #tpu.memory_space<semaphore_mem>>
        %dma_start3A = arith.constant 0 : i32
        %dma_start3A_76 = arith.constant 0 : i32
        %dma_start3A_77 = tpu.memref_slice %arg19[%dma_start3A, %dma_start3A_76] : memref<16x128xf32, #tpu.memory_space<vmem>> -> memref<8x128xf32, #tpu.memory_space<vmem>>
        %dma_start3A_78 = arith.constant 0 : i32
        %dma_start3A_79 = tpu.memref_slice %arg28[%mul3A_75, %dma_start3A_78] : memref<48x128xf32, #tpu.memory_space<vmem_shared>> -> memref<8x128xf32, #tpu.memory_space<vmem_shared>>
        %dma_start3A_80 = arith.constant 0 : i32
        %dma_start3A_81 = tpu.memref_slice %arg28[%mul3A_75, %dma_start3A_80] : memref<48x128xf32, #tpu.memory_space<vmem_shared>> -> memref<8x128xf32, #tpu.memory_space<vmem_shared>>
        %dma_start3A_82 = arith.constant 0 : i32
        %dma_start3A_83 = arith.constant 0 : i32
        %dma_start3A_84 = tpu.memref_slice %arg19[%dma_start3A_82, %dma_start3A_83] : memref<16x128xf32, #tpu.memory_space<vmem>> -> memref<8x128xf32, #tpu.memory_space<vmem>>
        tpu.enqueue_dma source(%dma_start3A_84 : memref<8x128xf32, #tpu.memory_space<vmem>>) target(%dma_start3A_81 : memref<8x128xf32, #tpu.memory_space<vmem_shared>>) target_semaphore(%run_scoped3A : memref<!tpu.dma_semaphore, #tpu.memory_space<semaphore_mem>>)
        %dma_wait3A = arith.constant 0 : i32
        %dma_wait3A_85 = arith.constant 0 : i32
        %dma_wait3A_86 = tpu.memref_slice %arg19[%dma_wait3A, %dma_wait3A_85] : memref<16x128xf32, #tpu.memory_space<vmem>> -> memref<8x128xf32, #tpu.memory_space<vmem>>
        %dma_wait3A_87 = arith.constant 0 : i32
        %dma_wait3A_88 = tpu.memref_slice %arg28[%mul3A_75, %dma_wait3A_87] : memref<48x128xf32, #tpu.memory_space<vmem_shared>> -> memref<8x128xf32, #tpu.memory_space<vmem_shared>>
        %dma_wait3A_89 = arith.constant 0 : i32
        %dma_wait3A_90 = tpu.memref_slice %arg28[%mul3A_75, %dma_wait3A_89] : memref<48x128xf32, #tpu.memory_space<vmem_shared>> -> memref<8x128xf32, #tpu.memory_space<vmem_shared>>
        %dma_wait3A_91 = arith.constant 0 : i32
        %dma_wait3A_92 = arith.constant 0 : i32
        %dma_wait3A_93 = tpu.memref_slice %arg19[%dma_wait3A_91, %dma_wait3A_92] : memref<16x128xf32, #tpu.memory_space<vmem>> -> memref<8x128xf32, #tpu.memory_space<vmem>>
        tpu.wait_dma2 semaphore(%run_scoped3A : memref<!tpu.dma_semaphore, #tpu.memory_space<semaphore_mem>>) src(%dma_wait3A_93 : memref<8x128xf32, #tpu.memory_space<vmem>>) dst(%dma_wait3A_90 : memref<8x128xf32, #tpu.memory_space<vmem_shared>>)
        tpu.yield
      }) : () -> ()
    } else {
    }
    %scan3A_27 = arith.constant 0 : i32
    %scan3A_28 = arith.constant 3 : i32
    %scan3A_29 = arith.addi %scan3A_27, %scan3A_28 : i32
    %scan3A_30 = arith.constant 1 : i32
    scf.for %scan3A_74 = %scan3A_27 to %scan3A_29 step %scan3A_30  : i32 {
      %mul3A_75 = arith.constant 16 : i32
      %mul3A_76 = arith.muli %scan3A_74, %mul3A_75 : i32
      %add3A_77 = arith.constant 0 : i32
      %add3A_78 = arith.addi %add3A_77, %mul3A_76 : i32
      %iota3A = tpu.iota {dimensions = array<i32: 0>} : vector<16xi32>
      %add3A_79 = vector.broadcast %add3A_78 : i32 to vector<16xi32>
      %add3A_80 = arith.addi %iota3A, %add3A_79 : vector<16xi32>
      %swap3A = arith.index_cast %add3A_78 : i32 to index
      %swap3A_81 = tpu.vector_load %arg25[%swap3A] {strides = array<i32>} : memref<48xi32, #tpu.memory_space<vmem>>, vector<16xi32>,
      tpu.vector_store %arg25[%swap3A], %add3A_80 {strides = array<i32>} : memref<48xi32, #tpu.memory_space<vmem>>, vector<16xi32>,
    }
    %scan3A_31 = arith.constant 3 : i32
    %broadcast_in_dim3A_32 = arith.constant -3.000000e+38 : f32
    %broadcast_in_dim3A_33 = vector.broadcast %broadcast_in_dim3A_32 : f32 to vector<16xf32>
    %scan3A_34 = arith.constant 0 : i32
    %scan3A_35 = arith.constant 640 : i32
    %scan3A_36 = arith.addi %scan3A_34, %scan3A_35 : i32
    %scan3A_37 = arith.constant 1 : i32
    %scan3A_38 = scf.for %scan3A_74 = %scan3A_34 to %scan3A_36 step %scan3A_37 iter_args(%scan3A_75 = %broadcast_in_dim3A_33) -> (vector<16xf32>)  : i32 {
      %mul3A_76 = arith.constant 16 : i32
      %mul3A_77 = arith.muli %scan3A_74, %mul3A_76 : i32
      %get3A = arith.index_cast %mul3A_77 : i32 to index
      %get3A_78 = tpu.vector_load %arg10[%get3A] {strides = array<i32>} : memref<10240xf32, #tpu.memory_space<vmem>>, vector<16xf32>,
      %max3A_79 = arith.maximumf %scan3A_75, %get3A_78 : vector<16xf32>
      scf.yield %max3A_79 : vector<16xf32>
    }
    %scan3A_39 = arith.constant 640 : i32
    %reduce_max3A = arith.constant true
    %reduce_max3A_40 = vector.broadcast %reduce_max3A : i1 to vector<16xi1>
    %reduce_max3A_41 = tpu.scan <max>, %scan3A_38 masked %reduce_max3A_40 : vector<16xf32>, vector<16xi1> -> vector<16xf32>
    %reduce_max3A_42 = vector.extract %reduce_max3A_41[15] : f32 from vector<16xf32>
    %scan3A_43 = arith.constant 0 : i32
    %scan3A_44 = arith.constant 640 : i32
    %scan3A_45 = arith.addi %scan3A_43, %scan3A_44 : i32
    %scan3A_46 = arith.constant 1 : i32
    %scan3A_47 = scf.for %scan3A_74 = %scan3A_43 to %scan3A_45 step %scan3A_46 iter_args(%scan3A_75 = %broadcast_in_dim3A_33) -> (vector<16xf32>)  : i32 {
      %mul3A_76 = arith.constant 16 : i32
      %mul3A_77 = arith.muli %scan3A_74, %mul3A_76 : i32
      %get3A = arith.index_cast %mul3A_77 : i32 to index
      %get3A_78 = tpu.vector_load %arg11[%get3A] {strides = array<i32>} : memref<10240xf32, #tpu.memory_space<vmem>>, vector<16xf32>,
      %max3A_79 = arith.maximumf %scan3A_75, %get3A_78 : vector<16xf32>
      scf.yield %max3A_79 : vector<16xf32>
    }
    %scan3A_48 = arith.constant 640 : i32
    %reduce_max3A_49 = arith.constant true
    %reduce_max3A_50 = vector.broadcast %reduce_max3A_49 : i1 to vector<16xi1>
    %reduce_max3A_51 = tpu.scan <max>, %scan3A_47 masked %reduce_max3A_50 : vector<16xf32>, vector<16xi1> -> vector<16xf32>
    %reduce_max3A_52 = vector.extract %reduce_max3A_51[15] : f32 from vector<16xf32>
    %add3A = arith.addf %reduce_max3A_42, %reduce_max3A_52 : f32
    %max3A = arith.constant 0.000000e+00 : f32
    %max3A_53 = arith.maximumf %add3A, %max3A : f32
    %barrier3A = arith.constant 0 : index
    tpu.barrier barrier_id(%barrier3A)
    %mul3A_54 = arith.constant 10000 : i32
    %mul3A_55 = arith.muli %arg1, %mul3A_54 : i32
    %scan3A_56 = arith.constant 0 : i32
    %scan3A_57 = arith.constant 6 : i32
    %scan3A_58 = arith.addi %scan3A_56, %scan3A_57 : i32
    %scan3A_59 = arith.constant 1 : i32
    scf.for %scan3A_74 = %scan3A_56 to %scan3A_58 step %scan3A_59  : i32 {
      %mul3A_75 = arith.constant 1 : i32
      %mul3A_76 = arith.muli %scan3A_74, %mul3A_75 : i32
      %add3A_77 = arith.constant 0 : i32
      %add3A_78 = arith.addi %add3A_77, %mul3A_76 : i32
      %mul3A_79 = arith.constant 1680 : i32
      %mul3A_80 = arith.muli %add3A_78, %mul3A_79 : i32
      %add3A_81 = arith.addi %mul3A_55, %mul3A_80 : i32
      "tpu.region"() ({
        %run_scoped3A = tpu.sem_alloc : memref<!tpu.dma_semaphore, #tpu.memory_space<semaphore_mem>>
        %dma_start3A_187 = tpu.memref_slice %arg2[%add3A_81] : memref<160080xi32, #tpu.memory_space<hbm>> -> memref<1680xi32, #tpu.memory_space<hbm>>
        %dma_start3A_188 = tpu.memref_slice %arg2[%add3A_81] : memref<160080xi32, #tpu.memory_space<hbm>> -> memref<1680xi32, #tpu.memory_space<hbm>>
        tpu.enqueue_dma source(%dma_start3A_188 : memref<1680xi32, #tpu.memory_space<hbm>>) target(%arg12 : memref<1680xi32, #tpu.memory_space<vmem>>) target_semaphore(%run_scoped3A : memref<!tpu.dma_semaphore, #tpu.memory_space<semaphore_mem>>)
        %dma_wait3A_189 = tpu.memref_slice %arg2[%add3A_81] : memref<160080xi32, #tpu.memory_space<hbm>> -> memref<1680xi32, #tpu.memory_space<hbm>>
        %dma_wait3A_190 = tpu.memref_slice %arg2[%add3A_81] : memref<160080xi32, #tpu.memory_space<hbm>> -> memref<1680xi32, #tpu.memory_space<hbm>>
        tpu.wait_dma2 semaphore(%run_scoped3A : memref<!tpu.dma_semaphore, #tpu.memory_space<semaphore_mem>>) src(%dma_wait3A_190 : memref<1680xi32, #tpu.memory_space<hbm>>) dst(%arg12 : memref<1680xi32, #tpu.memory_space<vmem>>)
        tpu.yield
      }) : () -> ()
      "tpu.region"() ({
        %run_scoped3A = tpu.sem_alloc : memref<!tpu.dma_semaphore, #tpu.memory_space<semaphore_mem>>
        %dma_start3A_187 = tpu.memref_slice %arg3[%add3A_81] : memref<160080xi32, #tpu.memory_space<hbm>> -> memref<1680xi32, #tpu.memory_space<hbm>>
        %dma_start3A_188 = tpu.memref_slice %arg3[%add3A_81] : memref<160080xi32, #tpu.memory_space<hbm>> -> memref<1680xi32, #tpu.memory_space<hbm>>
        tpu.enqueue_dma source(%dma_start3A_188 : memref<1680xi32, #tpu.memory_space<hbm>>) target(%arg13 : memref<1680xi32, #tpu.memory_space<vmem>>) target_semaphore(%run_scoped3A : memref<!tpu.dma_semaphore, #tpu.memory_space<semaphore_mem>>)
        %dma_wait3A_189 = tpu.memref_slice %arg3[%add3A_81] : memref<160080xi32, #tpu.memory_space<hbm>> -> memref<1680xi32, #tpu.memory_space<hbm>>
        %dma_wait3A_190 = tpu.memref_slice %arg3[%add3A_81] : memref<160080xi32, #tpu.memory_space<hbm>> -> memref<1680xi32, #tpu.memory_space<hbm>>
        tpu.wait_dma2 semaphore(%run_scoped3A : memref<!tpu.dma_semaphore, #tpu.memory_space<semaphore_mem>>) src(%dma_wait3A_190 : memref<1680xi32, #tpu.memory_space<hbm>>) dst(%arg13 : memref<1680xi32, #tpu.memory_space<vmem>>)
        tpu.yield
      }) : () -> ()
      %scan3A_82 = arith.constant 0 : i32
      %scan3A_83 = arith.constant 0 : i32
      %scan3A_84 = arith.constant 105 : i32
      %scan3A_85 = arith.addi %scan3A_83, %scan3A_84 : i32
      %scan3A_86 = arith.constant 1 : i32
      %scan3A_87 = scf.for %scan3A_187 = %scan3A_83 to %scan3A_85 step %scan3A_86 iter_args(%scan3A_188 = %scan3A_82) -> (i32)  : i32 {
        %mul3A_189 = arith.constant 16 : i32
        %mul3A_190 = arith.muli %scan3A_187, %mul3A_189 : i32
        %get3A_191 = arith.index_cast %mul3A_190 : i32 to index
        %get3A_192 = tpu.vector_load %arg12[%get3A_191] {strides = array<i32>} : memref<1680xi32, #tpu.memory_space<vmem>>, vector<16xi32>,
        %mul3A_193 = arith.constant 16 : i32
        %mul3A_194 = arith.muli %scan3A_187, %mul3A_193 : i32
        %get3A_195 = arith.index_cast %mul3A_194 : i32 to index
        %get3A_196 = tpu.vector_load %arg13[%get3A_195] {strides = array<i32>} : memref<1680xi32, #tpu.memory_space<vmem>>, vector<16xi32>,
        %gather3A = tpu.vector_load_idx %arg10[%get3A_192] : memref<10240xf32, #tpu.memory_space<vmem>>[vector<16xi32>], vector<16xf32>,
        %gather3A_197 = tpu.vector_load_idx %arg11[%get3A_196] : memref<10240xf32, #tpu.memory_space<vmem>>[vector<16xi32>], vector<16xf32>,
        %add3A_198 = arith.addf %gather3A, %gather3A_197 : vector<16xf32>
        %gt3A = arith.constant 0.000000e+00 : f32
        %gt3A_199 = vector.broadcast %gt3A : f32 to vector<16xf32>
        %gt3A_200 = arith.cmpf ogt, %add3A_198, %gt3A_199 : vector<16xf32>
        %mul3A_201 = arith.constant 2.000000e-01 : f32
        %mul3A_202 = vector.broadcast %mul3A_201 : f32 to vector<16xf32>
        %mul3A_203 = arith.mulf %mul3A_202, %add3A_198 : vector<16xf32>
        %select_n3A_204 = arith.select %gt3A_200, %add3A_198, %mul3A_203 : vector<16xi1>, vector<16xf32>
        %sub3A_205 = vector.broadcast %max3A_53 : f32 to vector<16xf32>
        %sub3A_206 = arith.subf %select_n3A_204, %sub3A_205 : vector<16xf32>
        %exp3A = math.exp %sub3A_206 : vector<16xf32>
        %sub3A_207 = vector.broadcast %mul3A_0 : i32 to vector<16xi32>
        %sub3A_208 = arith.subi %get3A_196, %sub3A_207 : vector<16xi32>
        %mul3A_209 = arith.constant 1680 : i32
        %mul3A_210 = arith.muli %add3A_78, %mul3A_209 : i32
        %mul3A_211 = arith.constant 16 : i32
        %mul3A_212 = arith.muli %scan3A_187, %mul3A_211 : i32
        %add3A_213 = arith.addi %mul3A_210, %mul3A_212 : i32
        %broadcast_in_dim3A_214 = vector.broadcast %add3A_213 : i32 to vector<16xi32>
        %iota3A = tpu.iota {dimensions = array<i32: 0>} : vector<16xi32>
        %add3A_215 = arith.addi %broadcast_in_dim3A_214, %iota3A : vector<16xi32>
        %ge3A = arith.constant 0 : i32
        %ge3A_216 = vector.broadcast %ge3A : i32 to vector<16xi32>
        %ge3A_217 = arith.cmpi sge, %sub3A_208, %ge3A_216 : vector<16xi32>
        %lt3A_218 = arith.constant 5120 : i32
        %lt3A_219 = vector.broadcast %lt3A_218 : i32 to vector<16xi32>
        %lt3A_220 = arith.cmpi slt, %sub3A_208, %lt3A_219 : vector<16xi32>
        %and3A_221 = arith.andi %ge3A_217, %lt3A_220 : vector<16xi1>
        %lt3A_222 = arith.constant 10000 : i32
        %lt3A_223 = vector.broadcast %lt3A_222 : i32 to vector<16xi32>
        %lt3A_224 = arith.cmpi slt, %add3A_215, %lt3A_223 : vector<16xi32>
        %and3A_225 = arith.andi %and3A_221, %lt3A_224 : vector<16xi1>
        %shift_right_logical3A = arith.constant 7 : i32
        %shift_right_logical3A_226 = vector.broadcast %shift_right_logical3A : i32 to vector<16xi32>
        %shift_right_logical3A_227 = arith.shrui %sub3A_208, %shift_right_logical3A_226 : vector<16xi32>
        %and3A_228 = arith.constant 127 : i32
        %and3A_229 = vector.broadcast %and3A_228 : i32 to vector<16xi32>
        %and3A_230 = arith.andi %sub3A_208, %and3A_229 : vector<16xi32>
        tpu.vector_store_idx %arg21[%shift_right_logical3A_227, %and3A_230], %exp3A masked %and3A_225 {add = true} : memref<48x128xf32, #tpu.memory_space<vmem>>[vector<16xi32>, vector<16xi32>], vector<16xf32>, vector<16xi1>
        %swap3A_231 = arith.index_cast %scan3A_188 : i32 to index
        %swap3A_232 = tpu.vector_load %arg14[%swap3A_231] masked %and3A_225 {strides = array<i32>} : memref<1744xi32, #tpu.memory_space<vmem>>, vector<16xi32>, vector<16xi1>
        tpu.vector_store %arg14[%swap3A_231], %get3A_192 masked %and3A_225 {strides = array<i32>} : memref<1744xi32, #tpu.memory_space<vmem>>, vector<16xi32>, vector<16xi1>
        %swap3A_233 = arith.index_cast %scan3A_188 : i32 to index
        %swap3A_234 = tpu.vector_load %arg15[%swap3A_233] masked %and3A_225 {strides = array<i32>} : memref<1744xi32, #tpu.memory_space<vmem>>, vector<16xi32>, vector<16xi1>
        tpu.vector_store %arg15[%swap3A_233], %sub3A_208 masked %and3A_225 {strides = array<i32>} : memref<1744xi32, #tpu.memory_space<vmem>>, vector<16xi32>, vector<16xi1>
        %swap3A_235 = arith.index_cast %scan3A_188 : i32 to index
        %swap3A_236 = tpu.vector_load %arg16[%swap3A_235] masked %and3A_225 {strides = array<i32>} : memref<1744xf32, #tpu.memory_space<vmem>>, vector<16xf32>, vector<16xi1>
        tpu.vector_store %arg16[%swap3A_235], %exp3A masked %and3A_225 {strides = array<i32>} : memref<1744xf32, #tpu.memory_space<vmem>>, vector<16xf32>, vector<16xi1>
        %convert_element_type3A_237 = arith.extui %and3A_225 : vector<16xi1> to vector<16xi32>
        %reduce_sum3A = arith.constant true
        %reduce_sum3A_238 = vector.broadcast %reduce_sum3A : i1 to vector<16xi1>
        %reduce_sum3A_239 = tpu.scan <sum>, %convert_element_type3A_237 masked %reduce_sum3A_238 : vector<16xi32>, vector<16xi1> -> vector<16xi32>
        %reduce_sum3A_240 = vector.extract %reduce_sum3A_239[15] : i32 from vector<16xi32>
        %add3A_241 = arith.addi %scan3A_188, %reduce_sum3A_240 : i32
        scf.yield %add3A_241 : i32
      }
      %scan3A_88 = arith.constant 105 : i32
      %scan3A_89 = arith.constant 0 : i32
      %scan3A_90 = arith.constant 2 : i32
      %scan3A_91 = arith.addi %scan3A_89, %scan3A_90 : i32
      %scan3A_92 = arith.constant 1 : i32
      scf.for %scan3A_187 = %scan3A_89 to %scan3A_91 step %scan3A_92  : i32 {
        %mul3A_188 = arith.constant 16 : i32
        %mul3A_189 = arith.muli %scan3A_187, %mul3A_188 : i32
        %add3A_190 = arith.constant 0 : i32
        %add3A_191 = arith.addi %add3A_190, %mul3A_189 : i32
        %add3A_192 = arith.addi %scan3A_87, %add3A_191 : i32
        %swap3A_193 = arith.index_cast %add3A_192 : i32 to index
        %swap3A_194 = tpu.vector_load %arg16[%swap3A_193] {strides = array<i32>} : memref<1744xf32, #tpu.memory_space<vmem>>, vector<16xf32>,
        tpu.vector_store %arg16[%swap3A_193], %broadcast_in_dim3A_1 {strides = array<i32>} : memref<1744xf32, #tpu.memory_space<vmem>>, vector<16xf32>,
      }
      %scan3A_93 = arith.constant 2 : i32
      %scan3A_94 = arith.constant 0 : i32
      %mul3A_95 = arith.constant 16 : i32
      %mul3A_96 = arith.muli %scan3A_94, %mul3A_95 : i32
      %add3A_97 = arith.constant 0 : i32
      %add3A_98 = arith.addi %add3A_97, %mul3A_96 : i32
      %add3A_99 = arith.constant 0 : i32
      %add3A_100 = arith.addi %add3A_99, %add3A_98 : i32
      %get3A = arith.index_cast %add3A_100 : i32 to index
      %get3A_101 = tpu.vector_load %arg14[%get3A] {strides = array<i32>} : memref<1744xi32, #tpu.memory_space<vmem>>, vector<16xi32>,
      %swap3A = arith.index_cast %add3A_98 : i32 to index
      %swap3A_102 = tpu.vector_load %arg22[%swap3A] {strides = array<i32>} : memref<16xi32, #tpu.memory_space<vmem>>, vector<16xi32>,
      tpu.vector_store %arg22[%swap3A], %get3A_101 {strides = array<i32>} : memref<16xi32, #tpu.memory_space<vmem>>, vector<16xi32>,
      %scan3A_103 = arith.constant 1 : i32
      %dma_start3A = arith.constant 0 : i32
      %dma_start3A_104 = arith.constant 0 : i32
      %dma_start3A_105 = tpu.memref_slice %arg6[%dma_start3A, %dma_start3A_104] : memref<10240x256xf32, #tpu.memory_space<hbm>> -> memref<10240x256xf32, #tpu.memory_space<hbm>>
      tpu.enqueue_indirect_dma source(%dma_start3A_105 : memref<10240x256xf32, #tpu.memory_space<hbm>>) target(%arg17 : memref<16x256xf32, #tpu.memory_space<vmem>>) offsets(%arg22 : memref<16xi32, #tpu.memory_space<vmem>>) semaphore(%arg29 : memref<!tpu.dma_semaphore, #tpu.memory_space<semaphore_mem>>)
      %scan3A_106 = arith.constant 0 : i32
      %mul3A_107 = arith.constant 16 : i32
      %mul3A_108 = arith.muli %scan3A_106, %mul3A_107 : i32
      %add3A_109 = arith.constant 0 : i32
      %add3A_110 = arith.addi %add3A_109, %mul3A_108 : i32
      %add3A_111 = arith.constant 16 : i32
      %add3A_112 = arith.addi %add3A_111, %add3A_110 : i32
      %get3A_113 = arith.index_cast %add3A_112 : i32 to index
      %get3A_114 = tpu.vector_load %arg14[%get3A_113] {strides = array<i32>} : memref<1744xi32, #tpu.memory_space<vmem>>, vector<16xi32>,
      %swap3A_115 = arith.index_cast %add3A_110 : i32 to index
      %swap3A_116 = tpu.vector_load %arg23[%swap3A_115] {strides = array<i32>} : memref<16xi32, #tpu.memory_space<vmem>>, vector<16xi32>,
      tpu.vector_store %arg23[%swap3A_115], %get3A_114 {strides = array<i32>} : memref<16xi32, #tpu.memory_space<vmem>>, vector<16xi32>,
      %scan3A_117 = arith.constant 1 : i32
      %dma_start3A_118 = arith.constant 0 : i32
      %dma_start3A_119 = arith.constant 0 : i32
      %dma_start3A_120 = tpu.memref_slice %arg6[%dma_start3A_118, %dma_start3A_119] : memref<10240x256xf32, #tpu.memory_space<hbm>> -> memref<10240x256xf32, #tpu.memory_space<hbm>>
      tpu.enqueue_indirect_dma source(%dma_start3A_120 : memref<10240x256xf32, #tpu.memory_space<hbm>>) target(%arg18 : memref<16x256xf32, #tpu.memory_space<vmem>>) offsets(%arg23 : memref<16xi32, #tpu.memory_space<vmem>>) semaphore(%arg30 : memref<!tpu.dma_semaphore, #tpu.memory_space<semaphore_mem>>)
      %add3A_121 = arith.constant 15 : i32
      %add3A_122 = arith.addi %scan3A_87, %add3A_121 : i32
      %jit3A = arith.constant 16 : i32
      %div3A = arith.divsi %add3A_122, %jit3A : i32
      %sign3A = arith.constant 0 : i32
      %sign3A_123 = arith.cmpi sgt, %add3A_122, %sign3A : i32
      %sign3A_124 = arith.extui %sign3A_123 : i1 to i32
      %sign3A_125 = arith.constant 0 : i32
      %sign3A_126 = arith.cmpi slt, %add3A_122, %sign3A_125 : i32
      %sign3A_127 = arith.extui %sign3A_126 : i1 to i32
      %sign3A_128 = arith.subi %sign3A_124, %sign3A_127 : i32
      %sign3A_129 = arith.constant 0 : i32
      %sign3A_130 = arith.cmpi sgt, %jit3A, %sign3A_129 : i32
      %sign3A_131 = arith.extui %sign3A_130 : i1 to i32
      %sign3A_132 = arith.constant 0 : i32
      %sign3A_133 = arith.cmpi slt, %jit3A, %sign3A_132 : i32
      %sign3A_134 = arith.extui %sign3A_133 : i1 to i32
      %sign3A_135 = arith.subi %sign3A_131, %sign3A_134 : i32
      %ne3A = arith.cmpi ne, %sign3A_128, %sign3A_135 : i32
      %rem3A = arith.remsi %add3A_122, %jit3A : i32
      %ne3A_136 = arith.constant 0 : i32
      %ne3A_137 = arith.cmpi ne, %rem3A, %ne3A_136 : i32
      %and3A = arith.andi %ne3A, %ne3A_137 : i1
      %sub3A = arith.constant 1 : i32
      %sub3A_138 = arith.subi %div3A, %sub3A : i32
      %select_n3A = arith.select %and3A, %sub3A_138, %div3A : i32
      %add3A_139 = arith.constant 1 : i32
      %add3A_140 = arith.addi %select_n3A, %add3A_139 : i32
      %jit3A_141 = arith.constant 2 : i32
      %div3A_142 = arith.divsi %add3A_140, %jit3A_141 : i32
      %sign3A_143 = arith.constant 0 : i32
      %sign3A_144 = arith.cmpi sgt, %add3A_140, %sign3A_143 : i32
      %sign3A_145 = arith.extui %sign3A_144 : i1 to i32
      %sign3A_146 = arith.constant 0 : i32
      %sign3A_147 = arith.cmpi slt, %add3A_140, %sign3A_146 : i32
      %sign3A_148 = arith.extui %sign3A_147 : i1 to i32
      %sign3A_149 = arith.subi %sign3A_145, %sign3A_148 : i32
      %sign3A_150 = arith.constant 0 : i32
      %sign3A_151 = arith.cmpi sgt, %jit3A_141, %sign3A_150 : i32
      %sign3A_152 = arith.extui %sign3A_151 : i1 to i32
      %sign3A_153 = arith.constant 0 : i32
      %sign3A_154 = arith.cmpi slt, %jit3A_141, %sign3A_153 : i32
      %sign3A_155 = arith.extui %sign3A_154 : i1 to i32
      %sign3A_156 = arith.subi %sign3A_152, %sign3A_155 : i32
      %ne3A_157 = arith.cmpi ne, %sign3A_149, %sign3A_156 : i32
      %rem3A_158 = arith.remsi %add3A_140, %jit3A_141 : i32
      %ne3A_159 = arith.constant 0 : i32
      %ne3A_160 = arith.cmpi ne, %rem3A_158, %ne3A_159 : i32
      %and3A_161 = arith.andi %ne3A_157, %ne3A_160 : i1
      %sub3A_162 = arith.constant 1 : i32
      %sub3A_163 = arith.subi %div3A_142, %sub3A_162 : i32
      %select_n3A_164 = arith.select %and3A_161, %sub3A_163, %div3A_142 : i32
      %while3A = arith.constant 0 : i32
      %while3A_165 = arith.constant 0 : i32
      %while3A_166 = arith.subi %select_n3A_164, %while3A : i32
      %while3A_167 = arith.addi %while3A, %while3A_166 : i32
      %while3A_168 = arith.constant 1 : i32
      %while3A_169 = arith.divsi %while3A_166, %while3A_168 : i32
      %while3A_170 = arith.muli %while3A_169, %while3A_168 : i32
      %while3A_171 = arith.addi %while3A, %while3A_170 : i32
      %while3A_172 = arith.constant 1 : i32
      %while3A_173 = scf.for %while3A_187 = %while3A to %while3A_171 step %while3A_172 iter_args(%while3A_188 = %while3A_165) -> (i32)  : i32 {
        %dma_wait3A_189 = arith.constant 0 : i32
        %dma_wait3A_190 = arith.constant 0 : i32
        %dma_wait3A_191 = tpu.memref_slice %arg6[%dma_wait3A_189, %dma_wait3A_190] : memref<10240x256xf32, #tpu.memory_space<hbm>> -> memref<16x256xf32, #tpu.memory_space<hbm>>
        %dma_wait3A_192 = arith.constant 0 : i32
        %dma_wait3A_193 = arith.constant 0 : i32
        %dma_wait3A_194 = tpu.memref_slice %arg6[%dma_wait3A_192, %dma_wait3A_193] : memref<10240x256xf32, #tpu.memory_space<hbm>> -> memref<16x256xf32, #tpu.memory_space<hbm>>
        tpu.wait_dma2 semaphore(%arg29 : memref<!tpu.dma_semaphore, #tpu.memory_space<semaphore_mem>>) src(%dma_wait3A_194 : memref<16x256xf32, #tpu.memory_space<hbm>>) dst(%arg17 : memref<16x256xf32, #tpu.memory_space<vmem>>)
        %mul3A_195 = arith.constant 2 : i32
        %mul3A_196 = arith.muli %mul3A_195, %while3A_187 : i32
        %scan3A_197 = arith.constant 0 : i32
        %scan3A_198 = arith.constant 16 : i32
        %scan3A_199 = arith.addi %scan3A_197, %scan3A_198 : i32
        %scan3A_200 = arith.constant 1 : i32
        scf.for %scan3A_284 = %scan3A_197 to %scan3A_199 step %scan3A_200  : i32 {
          %mul3A_285 = arith.constant 1 : i32
          %mul3A_286 = arith.muli %scan3A_284, %mul3A_285 : i32
          %add3A_287 = arith.constant 0 : i32
          %add3A_288 = arith.addi %add3A_287, %mul3A_286 : i32
          %mul3A_289 = arith.constant 16 : i32
          %mul3A_290 = arith.muli %mul3A_196, %mul3A_289 : i32
          %add3A_291 = arith.addi %mul3A_290, %add3A_288 : i32
          %broadcast_in_dim3A_292 = vector.broadcast %add3A_291 : i32 to vector<16xi32>
          %gather3A = tpu.vector_load_idx %arg16[%broadcast_in_dim3A_292] : memref<1744xf32, #tpu.memory_space<vmem>>[vector<16xi32>], vector<16xf32>,
          %scan3A_293 = arith.constant 0 : i32
          %scan3A_294 = arith.constant 8 : i32
          %scan3A_295 = arith.addi %scan3A_293, %scan3A_294 : i32
          %scan3A_296 = arith.constant 1 : i32
          scf.for %scan3A_298 = %scan3A_293 to %scan3A_295 step %scan3A_296  : i32 {
            %mul3A_299 = arith.constant 16 : i32
            %mul3A_300 = arith.muli %scan3A_298, %mul3A_299 : i32
            %add3A_301 = arith.constant 0 : i32
            %add3A_302 = arith.addi %add3A_301, %mul3A_300 : i32
            %get3A_303 = arith.index_cast %add3A_288 : i32 to index
            %get3A_304 = arith.index_cast %add3A_302 : i32 to index
            %get3A_305 = tpu.vector_load %arg17[%get3A_303, %get3A_304] {strides = array<i32>} : memref<16x256xf32, #tpu.memory_space<vmem>>, vector<16xf32>,
            %mul3A_306 = arith.mulf %get3A_305, %gather3A : vector<16xf32>
            %swap3A_307 = arith.index_cast %add3A_288 : i32 to index
            %swap3A_308 = arith.index_cast %add3A_302 : i32 to index
            %swap3A_309 = tpu.vector_load %arg19[%swap3A_307, %swap3A_308] {strides = array<i32>} : memref<16x128xf32, #tpu.memory_space<vmem>>, vector<16xf32>,
            tpu.vector_store %arg19[%swap3A_307, %swap3A_308], %mul3A_306 {strides = array<i32>} : memref<16x128xf32, #tpu.memory_space<vmem>>, vector<16xf32>,
            %add3A_310 = arith.constant 128 : i32
            %add3A_311 = arith.addi %add3A_310, %add3A_302 : i32
            %get3A_312 = arith.index_cast %add3A_288 : i32 to index
            %get3A_313 = arith.index_cast %add3A_311 : i32 to index
            %get3A_314 = tpu.vector_load %arg17[%get3A_312, %get3A_313] {strides = array<i32>} : memref<16x256xf32, #tpu.memory_space<vmem>>, vector<16xf32>,
            %mul3A_315 = arith.mulf %get3A_314, %gather3A : vector<16xf32>
            %swap3A_316 = arith.index_cast %add3A_288 : i32 to index
            %swap3A_317 = arith.index_cast %add3A_302 : i32 to index
            %swap3A_318 = tpu.vector_load %arg20[%swap3A_316, %swap3A_317] {strides = array<i32>} : memref<16x128xf32, #tpu.memory_space<vmem>>, vector<16xf32>,
            tpu.vector_store %arg20[%swap3A_316, %swap3A_317], %mul3A_315 {strides = array<i32>} : memref<16x128xf32, #tpu.memory_space<vmem>>, vector<16xf32>,
          }
          %scan3A_297 = arith.constant 8 : i32
        }
        %scan3A_201 = arith.constant 16 : i32
        %scan3A_202 = arith.constant 0 : i32
        %mul3A_203 = arith.constant 16 : i32
        %mul3A_204 = arith.muli %scan3A_202, %mul3A_203 : i32
        %add3A_205 = arith.constant 0 : i32
        %add3A_206 = arith.addi %add3A_205, %mul3A_204 : i32
        %mul3A_207 = arith.constant 16 : i32
        %mul3A_208 = arith.muli %mul3A_196, %mul3A_207 : i32
        %add3A_209 = arith.addi %mul3A_208, %add3A_206 : i32
        %get3A_210 = arith.index_cast %add3A_209 : i32 to index
        %get3A_211 = tpu.vector_load %arg15[%get3A_210] {strides = array<i32>} : memref<1744xi32, #tpu.memory_space<vmem>>, vector<16xi32>,
        %swap3A_212 = arith.index_cast %add3A_206 : i32 to index
        %swap3A_213 = tpu.vector_load %arg24[%swap3A_212] {strides = array<i32>} : memref<16xi32, #tpu.memory_space<vmem>>, vector<16xi32>,
        tpu.vector_store %arg24[%swap3A_212], %get3A_211 {strides = array<i32>} : memref<16xi32, #tpu.memory_space<vmem>>, vector<16xi32>,
        %scan3A_214 = arith.constant 1 : i32
        "tpu.region"() ({
          %run_scoped3A = tpu.sem_alloc : memref<!tpu.dma_semaphore, #tpu.memory_space<semaphore_mem>>
          %dma_start3A_284 = arith.constant 0 : i32
          %dma_start3A_285 = arith.constant 0 : i32
          %dma_start3A_286 = tpu.memref_slice %arg26[%dma_start3A_284, %dma_start3A_285] : memref<5120x128xf32, #tpu.memory_space<vmem_shared>> -> memref<5120x128xf32, #tpu.memory_space<vmem_shared>>
          tpu.enqueue_indirect_dma source(%arg19 : memref<16x128xf32, #tpu.memory_space<vmem>>) target(%dma_start3A_286 : memref<5120x128xf32, #tpu.memory_space<vmem_shared>>) offsets(%arg24 : memref<16xi32, #tpu.memory_space<vmem>>) semaphore(%run_scoped3A : memref<!tpu.dma_semaphore, #tpu.memory_space<semaphore_mem>>) {add = true}
          %dma_wait3A_287 = arith.constant 0 : i32
          %dma_wait3A_288 = arith.constant 0 : i32
          %dma_wait3A_289 = tpu.memref_slice %arg26[%dma_wait3A_287, %dma_wait3A_288] : memref<5120x128xf32, #tpu.memory_space<vmem_shared>> -> memref<5120x128xf32, #tpu.memory_space<vmem_shared>>
          tpu.wait_indirect_dma semaphore(%run_scoped3A : memref<!tpu.dma_semaphore, #tpu.memory_space<semaphore_mem>>) src(%arg19 : memref<16x128xf32, #tpu.memory_space<vmem>>) dst(%dma_wait3A_289 : memref<5120x128xf32, #tpu.memory_space<vmem_shared>>)
          tpu.yield
        }) : () -> ()
        "tpu.region"() ({
          %run_scoped3A = tpu.sem_alloc : memref<!tpu.dma_semaphore, #tpu.memory_space<semaphore_mem>>
          %dma_start3A_284 = arith.constant 0 : i32
          %dma_start3A_285 = arith.constant 0 : i32
          %dma_start3A_286 = tpu.memref_slice %arg27[%dma_start3A_284, %dma_start3A_285] : memref<5120x128xf32, #tpu.memory_space<vmem_shared>> -> memref<5120x128xf32, #tpu.memory_space<vmem_shared>>
          tpu.enqueue_indirect_dma source(%arg20 : memref<16x128xf32, #tpu.memory_space<vmem>>) target(%dma_start3A_286 : memref<5120x128xf32, #tpu.memory_space<vmem_shared>>) offsets(%arg24 : memref<16xi32, #tpu.memory_space<vmem>>) semaphore(%run_scoped3A : memref<!tpu.dma_semaphore, #tpu.memory_space<semaphore_mem>>) {add = true}
          %dma_wait3A_287 = arith.constant 0 : i32
          %dma_wait3A_288 = arith.constant 0 : i32
          %dma_wait3A_289 = tpu.memref_slice %arg27[%dma_wait3A_287, %dma_wait3A_288] : memref<5120x128xf32, #tpu.memory_space<vmem_shared>> -> memref<5120x128xf32, #tpu.memory_space<vmem_shared>>
          tpu.wait_indirect_dma semaphore(%run_scoped3A : memref<!tpu.dma_semaphore, #tpu.memory_space<semaphore_mem>>) src(%arg20 : memref<16x128xf32, #tpu.memory_space<vmem>>) dst(%dma_wait3A_289 : memref<5120x128xf32, #tpu.memory_space<vmem_shared>>)
          tpu.yield
        }) : () -> ()
        %mul3A_215 = arith.constant 2 : i32
        %mul3A_216 = arith.muli %mul3A_215, %while3A_187 : i32
        %add3A_217 = arith.constant 2 : i32
        %add3A_218 = arith.addi %mul3A_216, %add3A_217 : i32
        %scan3A_219 = arith.constant 0 : i32
        %mul3A_220 = arith.constant 16 : i32
        %mul3A_221 = arith.muli %scan3A_219, %mul3A_220 : i32
        %add3A_222 = arith.constant 0 : i32
        %add3A_223 = arith.addi %add3A_222, %mul3A_221 : i32
        %mul3A_224 = arith.constant 16 : i32
        %mul3A_225 = arith.muli %add3A_218, %mul3A_224 : i32
        %add3A_226 = arith.addi %mul3A_225, %add3A_223 : i32
        %get3A_227 = arith.index_cast %add3A_226 : i32 to index
        %get3A_228 = tpu.vector_load %arg14[%get3A_227] {strides = array<i32>} : memref<1744xi32, #tpu.memory_space<vmem>>, vector<16xi32>,
        %swap3A_229 = arith.index_cast %add3A_223 : i32 to index
        %swap3A_230 = tpu.vector_load %arg22[%swap3A_229] {strides = array<i32>} : memref<16xi32, #tpu.memory_space<vmem>>, vector<16xi32>,
        tpu.vector_store %arg22[%swap3A_229], %get3A_228 {strides = array<i32>} : memref<16xi32, #tpu.memory_space<vmem>>, vector<16xi32>,
        %scan3A_231 = arith.constant 1 : i32
        %dma_start3A_232 = arith.constant 0 : i32
        %dma_start3A_233 = arith.constant 0 : i32
        %dma_start3A_234 = tpu.memref_slice %arg6[%dma_start3A_232, %dma_start3A_233] : memref<10240x256xf32, #tpu.memory_space<hbm>> -> memref<10240x256xf32, #tpu.memory_space<hbm>>
        tpu.enqueue_indirect_dma source(%dma_start3A_234 : memref<10240x256xf32, #tpu.memory_space<hbm>>) target(%arg17 : memref<16x256xf32, #tpu.memory_space<vmem>>) offsets(%arg22 : memref<16xi32, #tpu.memory_space<vmem>>) semaphore(%arg29 : memref<!tpu.dma_semaphore, #tpu.memory_space<semaphore_mem>>)
        %dma_wait3A_235 = arith.constant 0 : i32
        %dma_wait3A_236 = arith.constant 0 : i32
        %dma_wait3A_237 = tpu.memref_slice %arg6[%dma_wait3A_235, %dma_wait3A_236] : memref<10240x256xf32, #tpu.memory_space<hbm>> -> memref<16x256xf32, #tpu.memory_space<hbm>>
        %dma_wait3A_238 = arith.constant 0 : i32
        %dma_wait3A_239 = arith.constant 0 : i32
        %dma_wait3A_240 = tpu.memref_slice %arg6[%dma_wait3A_238, %dma_wait3A_239] : memref<10240x256xf32, #tpu.memory_space<hbm>> -> memref<16x256xf32, #tpu.memory_space<hbm>>
        tpu.wait_dma2 semaphore(%arg30 : memref<!tpu.dma_semaphore, #tpu.memory_space<semaphore_mem>>) src(%dma_wait3A_240 : memref<16x256xf32, #tpu.memory_space<hbm>>) dst(%arg18 : memref<16x256xf32, #tpu.memory_space<vmem>>)
        %mul3A_241 = arith.constant 2 : i32
        %mul3A_242 = arith.muli %mul3A_241, %while3A_187 : i32
        %add3A_243 = arith.constant 1 : i32
        %add3A_244 = arith.addi %mul3A_242, %add3A_243 : i32
        %scan3A_245 = arith.constant 0 : i32
        %scan3A_246 = arith.constant 16 : i32
        %scan3A_247 = arith.addi %scan3A_245, %scan3A_246 : i32
        %scan3A_248 = arith.constant 1 : i32
        scf.for %scan3A_284 = %scan3A_245 to %scan3A_247 step %scan3A_248  : i32 {
          %mul3A_285 = arith.constant 1 : i32
          %mul3A_286 = arith.muli %scan3A_284, %mul3A_285 : i32
          %add3A_287 = arith.constant 0 : i32
          %add3A_288 = arith.addi %add3A_287, %mul3A_286 : i32
          %mul3A_289 = arith.constant 16 : i32
          %mul3A_290 = arith.muli %add3A_244, %mul3A_289 : i32
          %add3A_291 = arith.addi %mul3A_290, %add3A_288 : i32
          %broadcast_in_dim3A_292 = vector.broadcast %add3A_291 : i32 to vector<16xi32>
          %gather3A = tpu.vector_load_idx %arg16[%broadcast_in_dim3A_292] : memref<1744xf32, #tpu.memory_space<vmem>>[vector<16xi32>], vector<16xf32>,
          %scan3A_293 = arith.constant 0 : i32
          %scan3A_294 = arith.constant 8 : i32
          %scan3A_295 = arith.addi %scan3A_293, %scan3A_294 : i32
          %scan3A_296 = arith.constant 1 : i32
          scf.for %scan3A_298 = %scan3A_293 to %scan3A_295 step %scan3A_296  : i32 {
            %mul3A_299 = arith.constant 16 : i32
            %mul3A_300 = arith.muli %scan3A_298, %mul3A_299 : i32
            %add3A_301 = arith.constant 0 : i32
            %add3A_302 = arith.addi %add3A_301, %mul3A_300 : i32
            %get3A_303 = arith.index_cast %add3A_288 : i32 to index
            %get3A_304 = arith.index_cast %add3A_302 : i32 to index
            %get3A_305 = tpu.vector_load %arg18[%get3A_303, %get3A_304] {strides = array<i32>} : memref<16x256xf32, #tpu.memory_space<vmem>>, vector<16xf32>,
            %mul3A_306 = arith.mulf %get3A_305, %gather3A : vector<16xf32>
            %swap3A_307 = arith.index_cast %add3A_288 : i32 to index
            %swap3A_308 = arith.index_cast %add3A_302 : i32 to index
            %swap3A_309 = tpu.vector_load %arg19[%swap3A_307, %swap3A_308] {strides = array<i32>} : memref<16x128xf32, #tpu.memory_space<vmem>>, vector<16xf32>,
            tpu.vector_store %arg19[%swap3A_307, %swap3A_308], %mul3A_306 {strides = array<i32>} : memref<16x128xf32, #tpu.memory_space<vmem>>, vector<16xf32>,
            %add3A_310 = arith.constant 128 : i32
            %add3A_311 = arith.addi %add3A_310, %add3A_302 : i32
            %get3A_312 = arith.index_cast %add3A_288 : i32 to index
            %get3A_313 = arith.index_cast %add3A_311 : i32 to index
            %get3A_314 = tpu.vector_load %arg18[%get3A_312, %get3A_313] {strides = array<i32>} : memref<16x256xf32, #tpu.memory_space<vmem>>, vector<16xf32>,
            %mul3A_315 = arith.mulf %get3A_314, %gather3A : vector<16xf32>
            %swap3A_316 = arith.index_cast %add3A_288 : i32 to index
            %swap3A_317 = arith.index_cast %add3A_302 : i32 to index
            %swap3A_318 = tpu.vector_load %arg20[%swap3A_316, %swap3A_317] {strides = array<i32>} : memref<16x128xf32, #tpu.memory_space<vmem>>, vector<16xf32>,
            tpu.vector_store %arg20[%swap3A_316, %swap3A_317], %mul3A_315 {strides = array<i32>} : memref<16x128xf32, #tpu.memory_space<vmem>>, vector<16xf32>,
          }
          %scan3A_297 = arith.constant 8 : i32
        }
        %scan3A_249 = arith.constant 16 : i32
        %scan3A_250 = arith.constant 0 : i32
        %mul3A_251 = arith.constant 16 : i32
        %mul3A_252 = arith.muli %scan3A_250, %mul3A_251 : i32
        %add3A_253 = arith.constant 0 : i32
        %add3A_254 = arith.addi %add3A_253, %mul3A_252 : i32
        %mul3A_255 = arith.constant 16 : i32
        %mul3A_256 = arith.muli %add3A_244, %mul3A_255 : i32
        %add3A_257 = arith.addi %mul3A_256, %add3A_254 : i32
        %get3A_258 = arith.index_cast %add3A_257 : i32 to index
        %get3A_259 = tpu.vector_load %arg15[%get3A_258] {strides = array<i32>} : memref<1744xi32, #tpu.memory_space<vmem>>, vector<16xi32>,
        %swap3A_260 = arith.index_cast %add3A_254 : i32 to index
        %swap3A_261 = tpu.vector_load %arg24[%swap3A_260] {strides = array<i32>} : memref<16xi32, #tpu.memory_space<vmem>>, vector<16xi32>,
        tpu.vector_store %arg24[%swap3A_260], %get3A_259 {strides = array<i32>} : memref<16xi32, #tpu.memory_space<vmem>>, vector<16xi32>,
        %scan3A_262 = arith.constant 1 : i32
        "tpu.region"() ({
          %run_scoped3A = tpu.sem_alloc : memref<!tpu.dma_semaphore, #tpu.memory_space<semaphore_mem>>
          %dma_start3A_284 = arith.constant 0 : i32
          %dma_start3A_285 = arith.constant 0 : i32
          %dma_start3A_286 = tpu.memref_slice %arg26[%dma_start3A_284, %dma_start3A_285] : memref<5120x128xf32, #tpu.memory_space<vmem_shared>> -> memref<5120x128xf32, #tpu.memory_space<vmem_shared>>
          tpu.enqueue_indirect_dma source(%arg19 : memref<16x128xf32, #tpu.memory_space<vmem>>) target(%dma_start3A_286 : memref<5120x128xf32, #tpu.memory_space<vmem_shared>>) offsets(%arg24 : memref<16xi32, #tpu.memory_space<vmem>>) semaphore(%run_scoped3A : memref<!tpu.dma_semaphore, #tpu.memory_space<semaphore_mem>>) {add = true}
          %dma_wait3A_287 = arith.constant 0 : i32
          %dma_wait3A_288 = arith.constant 0 : i32
          %dma_wait3A_289 = tpu.memref_slice %arg26[%dma_wait3A_287, %dma_wait3A_288] : memref<5120x128xf32, #tpu.memory_space<vmem_shared>> -> memref<5120x128xf32, #tpu.memory_space<vmem_shared>>
          tpu.wait_indirect_dma semaphore(%run_scoped3A : memref<!tpu.dma_semaphore, #tpu.memory_space<semaphore_mem>>) src(%arg19 : memref<16x128xf32, #tpu.memory_space<vmem>>) dst(%dma_wait3A_289 : memref<5120x128xf32, #tpu.memory_space<vmem_shared>>)
          tpu.yield
        }) : () -> ()
        "tpu.region"() ({
          %run_scoped3A = tpu.sem_alloc : memref<!tpu.dma_semaphore, #tpu.memory_space<semaphore_mem>>
          %dma_start3A_284 = arith.constant 0 : i32
          %dma_start3A_285 = arith.constant 0 : i32
          %dma_start3A_286 = tpu.memref_slice %arg27[%dma_start3A_284, %dma_start3A_285] : memref<5120x128xf32, #tpu.memory_space<vmem_shared>> -> memref<5120x128xf32, #tpu.memory_space<vmem_shared>>
          tpu.enqueue_indirect_dma source(%arg20 : memref<16x128xf32, #tpu.memory_space<vmem>>) target(%dma_start3A_286 : memref<5120x128xf32, #tpu.memory_space<vmem_shared>>) offsets(%arg24 : memref<16xi32, #tpu.memory_space<vmem>>) semaphore(%run_scoped3A : memref<!tpu.dma_semaphore, #tpu.memory_space<semaphore_mem>>) {add = true}
          %dma_wait3A_287 = arith.constant 0 : i32
          %dma_wait3A_288 = arith.constant 0 : i32
          %dma_wait3A_289 = tpu.memref_slice %arg27[%dma_wait3A_287, %dma_wait3A_288] : memref<5120x128xf32, #tpu.memory_space<vmem_shared>> -> memref<5120x128xf32, #tpu.memory_space<vmem_shared>>
          tpu.wait_indirect_dma semaphore(%run_scoped3A : memref<!tpu.dma_semaphore, #tpu.memory_space<semaphore_mem>>) src(%arg20 : memref<16x128xf32, #tpu.memory_space<vmem>>) dst(%dma_wait3A_289 : memref<5120x128xf32, #tpu.memory_space<vmem_shared>>)
          tpu.yield
        }) : () -> ()
        %mul3A_263 = arith.constant 2 : i32
        %mul3A_264 = arith.muli %mul3A_263, %while3A_187 : i32
        %add3A_265 = arith.constant 3 : i32
        %add3A_266 = arith.addi %mul3A_264, %add3A_265 : i32
        %scan3A_267 = arith.constant 0 : i32
        %mul3A_268 = arith.constant 16 : i32
        %mul3A_269 = arith.muli %scan3A_267, %mul3A_268 : i32
        %add3A_270 = arith.constant 0 : i32
        %add3A_271 = arith.addi %add3A_270, %mul3A_269 : i32
        %mul3A_272 = arith.constant 16 : i32
        %mul3A_273 = arith.muli %add3A_266, %mul3A_272 : i32
        %add3A_274 = arith.addi %mul3A_273, %add3A_271 : i32
        %get3A_275 = arith.index_cast %add3A_274 : i32 to index
        %get3A_276 = tpu.vector_load %arg14[%get3A_275] {strides = array<i32>} : memref<1744xi32, #tpu.memory_space<vmem>>, vector<16xi32>,
        %swap3A_277 = arith.index_cast %add3A_271 : i32 to index
        %swap3A_278 = tpu.vector_load %arg23[%swap3A_277] {strides = array<i32>} : memref<16xi32, #tpu.memory_space<vmem>>, vector<16xi32>,
        tpu.vector_store %arg23[%swap3A_277], %get3A_276 {strides = array<i32>} : memref<16xi32, #tpu.memory_space<vmem>>, vector<16xi32>,
        %scan3A_279 = arith.constant 1 : i32
        %dma_start3A_280 = arith.constant 0 : i32
        %dma_start3A_281 = arith.constant 0 : i32
        %dma_start3A_282 = tpu.memref_slice %arg6[%dma_start3A_280, %dma_start3A_281] : memref<10240x256xf32, #tpu.memory_space<hbm>> -> memref<10240x256xf32, #tpu.memory_space<hbm>>
        tpu.enqueue_indirect_dma source(%dma_start3A_282 : memref<10240x256xf32, #tpu.memory_space<hbm>>) target(%arg18 : memref<16x256xf32, #tpu.memory_space<vmem>>) offsets(%arg23 : memref<16xi32, #tpu.memory_space<vmem>>) semaphore(%arg30 : memref<!tpu.dma_semaphore, #tpu.memory_space<semaphore_mem>>)
        %while3A_283 = arith.constant 0 : i32
        scf.yield %while3A_283 : i32
      }
      %while3A_174 = arith.constant 1 : i32
      %while3A_175 = scf.for %while3A_187 = %while3A_171 to %while3A_167 step %while3A_174 iter_args(%while3A_188 = %while3A_173) -> (i32)  : i32 {
        %dma_wait3A_189 = arith.constant 0 : i32
        %dma_wait3A_190 = arith.constant 0 : i32
        %dma_wait3A_191 = tpu.memref_slice %arg6[%dma_wait3A_189, %dma_wait3A_190] : memref<10240x256xf32, #tpu.memory_space<hbm>> -> memref<16x256xf32, #tpu.memory_space<hbm>>
        %dma_wait3A_192 = arith.constant 0 : i32
        %dma_wait3A_193 = arith.constant 0 : i32
        %dma_wait3A_194 = tpu.memref_slice %arg6[%dma_wait3A_192, %dma_wait3A_193] : memref<10240x256xf32, #tpu.memory_space<hbm>> -> memref<16x256xf32, #tpu.memory_space<hbm>>
        tpu.wait_dma2 semaphore(%arg29 : memref<!tpu.dma_semaphore, #tpu.memory_space<semaphore_mem>>) src(%dma_wait3A_194 : memref<16x256xf32, #tpu.memory_space<hbm>>) dst(%arg17 : memref<16x256xf32, #tpu.memory_space<vmem>>)
        %mul3A_195 = arith.constant 2 : i32
        %mul3A_196 = arith.muli %mul3A_195, %while3A_187 : i32
        %scan3A_197 = arith.constant 0 : i32
        %scan3A_198 = arith.constant 16 : i32
        %scan3A_199 = arith.addi %scan3A_197, %scan3A_198 : i32
        %scan3A_200 = arith.constant 1 : i32
        scf.for %scan3A_284 = %scan3A_197 to %scan3A_199 step %scan3A_200  : i32 {
          %mul3A_285 = arith.constant 1 : i32
          %mul3A_286 = arith.muli %scan3A_284, %mul3A_285 : i32
          %add3A_287 = arith.constant 0 : i32
          %add3A_288 = arith.addi %add3A_287, %mul3A_286 : i32
          %mul3A_289 = arith.constant 16 : i32
          %mul3A_290 = arith.muli %mul3A_196, %mul3A_289 : i32
          %add3A_291 = arith.addi %mul3A_290, %add3A_288 : i32
          %broadcast_in_dim3A_292 = vector.broadcast %add3A_291 : i32 to vector<16xi32>
          %gather3A = tpu.vector_load_idx %arg16[%broadcast_in_dim3A_292] : memref<1744xf32, #tpu.memory_space<vmem>>[vector<16xi32>], vector<16xf32>,
          %scan3A_293 = arith.constant 0 : i32
          %scan3A_294 = arith.constant 8 : i32
          %scan3A_295 = arith.addi %scan3A_293, %scan3A_294 : i32
          %scan3A_296 = arith.constant 1 : i32
          scf.for %scan3A_298 = %scan3A_293 to %scan3A_295 step %scan3A_296  : i32 {
            %mul3A_299 = arith.constant 16 : i32
            %mul3A_300 = arith.muli %scan3A_298, %mul3A_299 : i32
            %add3A_301 = arith.constant 0 : i32
            %add3A_302 = arith.addi %add3A_301, %mul3A_300 : i32
            %get3A_303 = arith.index_cast %add3A_288 : i32 to index
            %get3A_304 = arith.index_cast %add3A_302 : i32 to index
            %get3A_305 = tpu.vector_load %arg17[%get3A_303, %get3A_304] {strides = array<i32>} : memref<16x256xf32, #tpu.memory_space<vmem>>, vector<16xf32>,
            %mul3A_306 = arith.mulf %get3A_305, %gather3A : vector<16xf32>
            %swap3A_307 = arith.index_cast %add3A_288 : i32 to index
            %swap3A_308 = arith.index_cast %add3A_302 : i32 to index
            %swap3A_309 = tpu.vector_load %arg19[%swap3A_307, %swap3A_308] {strides = array<i32>} : memref<16x128xf32, #tpu.memory_space<vmem>>, vector<16xf32>,
            tpu.vector_store %arg19[%swap3A_307, %swap3A_308], %mul3A_306 {strides = array<i32>} : memref<16x128xf32, #tpu.memory_space<vmem>>, vector<16xf32>,
            %add3A_310 = arith.constant 128 : i32
            %add3A_311 = arith.addi %add3A_310, %add3A_302 : i32
            %get3A_312 = arith.index_cast %add3A_288 : i32 to index
            %get3A_313 = arith.index_cast %add3A_311 : i32 to index
            %get3A_314 = tpu.vector_load %arg17[%get3A_312, %get3A_313] {strides = array<i32>} : memref<16x256xf32, #tpu.memory_space<vmem>>, vector<16xf32>,
            %mul3A_315 = arith.mulf %get3A_314, %gather3A : vector<16xf32>
            %swap3A_316 = arith.index_cast %add3A_288 : i32 to index
            %swap3A_317 = arith.index_cast %add3A_302 : i32 to index
            %swap3A_318 = tpu.vector_load %arg20[%swap3A_316, %swap3A_317] {strides = array<i32>} : memref<16x128xf32, #tpu.memory_space<vmem>>, vector<16xf32>,
            tpu.vector_store %arg20[%swap3A_316, %swap3A_317], %mul3A_315 {strides = array<i32>} : memref<16x128xf32, #tpu.memory_space<vmem>>, vector<16xf32>,
          }
          %scan3A_297 = arith.constant 8 : i32
        }
        %scan3A_201 = arith.constant 16 : i32
        %scan3A_202 = arith.constant 0 : i32
        %mul3A_203 = arith.constant 16 : i32
        %mul3A_204 = arith.muli %scan3A_202, %mul3A_203 : i32
        %add3A_205 = arith.constant 0 : i32
        %add3A_206 = arith.addi %add3A_205, %mul3A_204 : i32
        %mul3A_207 = arith.constant 16 : i32
        %mul3A_208 = arith.muli %mul3A_196, %mul3A_207 : i32
        %add3A_209 = arith.addi %mul3A_208, %add3A_206 : i32
        %get3A_210 = arith.index_cast %add3A_209 : i32 to index
        %get3A_211 = tpu.vector_load %arg15[%get3A_210] {strides = array<i32>} : memref<1744xi32, #tpu.memory_space<vmem>>, vector<16xi32>,
        %swap3A_212 = arith.index_cast %add3A_206 : i32 to index
        %swap3A_213 = tpu.vector_load %arg24[%swap3A_212] {strides = array<i32>} : memref<16xi32, #tpu.memory_space<vmem>>, vector<16xi32>,
        tpu.vector_store %arg24[%swap3A_212], %get3A_211 {strides = array<i32>} : memref<16xi32, #tpu.memory_space<vmem>>, vector<16xi32>,
        %scan3A_214 = arith.constant 1 : i32
        "tpu.region"() ({
          %run_scoped3A = tpu.sem_alloc : memref<!tpu.dma_semaphore, #tpu.memory_space<semaphore_mem>>
          %dma_start3A_284 = arith.constant 0 : i32
          %dma_start3A_285 = arith.constant 0 : i32
          %dma_start3A_286 = tpu.memref_slice %arg26[%dma_start3A_284, %dma_start3A_285] : memref<5120x128xf32, #tpu.memory_space<vmem_shared>> -> memref<5120x128xf32, #tpu.memory_space<vmem_shared>>
          tpu.enqueue_indirect_dma source(%arg19 : memref<16x128xf32, #tpu.memory_space<vmem>>) target(%dma_start3A_286 : memref<5120x128xf32, #tpu.memory_space<vmem_shared>>) offsets(%arg24 : memref<16xi32, #tpu.memory_space<vmem>>) semaphore(%run_scoped3A : memref<!tpu.dma_semaphore, #tpu.memory_space<semaphore_mem>>) {add = true}
          %dma_wait3A_287 = arith.constant 0 : i32
          %dma_wait3A_288 = arith.constant 0 : i32
          %dma_wait3A_289 = tpu.memref_slice %arg26[%dma_wait3A_287, %dma_wait3A_288] : memref<5120x128xf32, #tpu.memory_space<vmem_shared>> -> memref<5120x128xf32, #tpu.memory_space<vmem_shared>>
          tpu.wait_indirect_dma semaphore(%run_scoped3A : memref<!tpu.dma_semaphore, #tpu.memory_space<semaphore_mem>>) src(%arg19 : memref<16x128xf32, #tpu.memory_space<vmem>>) dst(%dma_wait3A_289 : memref<5120x128xf32, #tpu.memory_space<vmem_shared>>)
          tpu.yield
        }) : () -> ()
        "tpu.region"() ({
          %run_scoped3A = tpu.sem_alloc : memref<!tpu.dma_semaphore, #tpu.memory_space<semaphore_mem>>
          %dma_start3A_284 = arith.constant 0 : i32
          %dma_start3A_285 = arith.constant 0 : i32
          %dma_start3A_286 = tpu.memref_slice %arg27[%dma_start3A_284, %dma_start3A_285] : memref<5120x128xf32, #tpu.memory_space<vmem_shared>> -> memref<5120x128xf32, #tpu.memory_space<vmem_shared>>
          tpu.enqueue_indirect_dma source(%arg20 : memref<16x128xf32, #tpu.memory_space<vmem>>) target(%dma_start3A_286 : memref<5120x128xf32, #tpu.memory_space<vmem_shared>>) offsets(%arg24 : memref<16xi32, #tpu.memory_space<vmem>>) semaphore(%run_scoped3A : memref<!tpu.dma_semaphore, #tpu.memory_space<semaphore_mem>>) {add = true}
          %dma_wait3A_287 = arith.constant 0 : i32
          %dma_wait3A_288 = arith.constant 0 : i32
          %dma_wait3A_289 = tpu.memref_slice %arg27[%dma_wait3A_287, %dma_wait3A_288] : memref<5120x128xf32, #tpu.memory_space<vmem_shared>> -> memref<5120x128xf32, #tpu.memory_space<vmem_shared>>
          tpu.wait_indirect_dma semaphore(%run_scoped3A : memref<!tpu.dma_semaphore, #tpu.memory_space<semaphore_mem>>) src(%arg20 : memref<16x128xf32, #tpu.memory_space<vmem>>) dst(%dma_wait3A_289 : memref<5120x128xf32, #tpu.memory_space<vmem_shared>>)
          tpu.yield
        }) : () -> ()
        %mul3A_215 = arith.constant 2 : i32
        %mul3A_216 = arith.muli %mul3A_215, %while3A_187 : i32
        %add3A_217 = arith.constant 2 : i32
        %add3A_218 = arith.addi %mul3A_216, %add3A_217 : i32
        %scan3A_219 = arith.constant 0 : i32
        %mul3A_220 = arith.constant 16 : i32
        %mul3A_221 = arith.muli %scan3A_219, %mul3A_220 : i32
        %add3A_222 = arith.constant 0 : i32
        %add3A_223 = arith.addi %add3A_222, %mul3A_221 : i32
        %mul3A_224 = arith.constant 16 : i32
        %mul3A_225 = arith.muli %add3A_218, %mul3A_224 : i32
        %add3A_226 = arith.addi %mul3A_225, %add3A_223 : i32
        %get3A_227 = arith.index_cast %add3A_226 : i32 to index
        %get3A_228 = tpu.vector_load %arg14[%get3A_227] {strides = array<i32>} : memref<1744xi32, #tpu.memory_space<vmem>>, vector<16xi32>,
        %swap3A_229 = arith.index_cast %add3A_223 : i32 to index
        %swap3A_230 = tpu.vector_load %arg22[%swap3A_229] {strides = array<i32>} : memref<16xi32, #tpu.memory_space<vmem>>, vector<16xi32>,
        tpu.vector_store %arg22[%swap3A_229], %get3A_228 {strides = array<i32>} : memref<16xi32, #tpu.memory_space<vmem>>, vector<16xi32>,
        %scan3A_231 = arith.constant 1 : i32
        %dma_start3A_232 = arith.constant 0 : i32
        %dma_start3A_233 = arith.constant 0 : i32
        %dma_start3A_234 = tpu.memref_slice %arg6[%dma_start3A_232, %dma_start3A_233] : memref<10240x256xf32, #tpu.memory_space<hbm>> -> memref<10240x256xf32, #tpu.memory_space<hbm>>
        tpu.enqueue_indirect_dma source(%dma_start3A_234 : memref<10240x256xf32, #tpu.memory_space<hbm>>) target(%arg17 : memref<16x256xf32, #tpu.memory_space<vmem>>) offsets(%arg22 : memref<16xi32, #tpu.memory_space<vmem>>) semaphore(%arg29 : memref<!tpu.dma_semaphore, #tpu.memory_space<semaphore_mem>>)
        %dma_wait3A_235 = arith.constant 0 : i32
        %dma_wait3A_236 = arith.constant 0 : i32
        %dma_wait3A_237 = tpu.memref_slice %arg6[%dma_wait3A_235, %dma_wait3A_236] : memref<10240x256xf32, #tpu.memory_space<hbm>> -> memref<16x256xf32, #tpu.memory_space<hbm>>
        %dma_wait3A_238 = arith.constant 0 : i32
        %dma_wait3A_239 = arith.constant 0 : i32
        %dma_wait3A_240 = tpu.memref_slice %arg6[%dma_wait3A_238, %dma_wait3A_239] : memref<10240x256xf32, #tpu.memory_space<hbm>> -> memref<16x256xf32, #tpu.memory_space<hbm>>
        tpu.wait_dma2 semaphore(%arg30 : memref<!tpu.dma_semaphore, #tpu.memory_space<semaphore_mem>>) src(%dma_wait3A_240 : memref<16x256xf32, #tpu.memory_space<hbm>>) dst(%arg18 : memref<16x256xf32, #tpu.memory_space<vmem>>)
        %mul3A_241 = arith.constant 2 : i32
        %mul3A_242 = arith.muli %mul3A_241, %while3A_187 : i32
        %add3A_243 = arith.constant 1 : i32
        %add3A_244 = arith.addi %mul3A_242, %add3A_243 : i32
        %scan3A_245 = arith.constant 0 : i32
        %scan3A_246 = arith.constant 16 : i32
        %scan3A_247 = arith.addi %scan3A_245, %scan3A_246 : i32
        %scan3A_248 = arith.constant 1 : i32
        scf.for %scan3A_284 = %scan3A_245 to %scan3A_247 step %scan3A_248  : i32 {
          %mul3A_285 = arith.constant 1 : i32
          %mul3A_286 = arith.muli %scan3A_284, %mul3A_285 : i32
          %add3A_287 = arith.constant 0 : i32
          %add3A_288 = arith.addi %add3A_287, %mul3A_286 : i32
          %mul3A_289 = arith.constant 16 : i32
          %mul3A_290 = arith.muli %add3A_244, %mul3A_289 : i32
          %add3A_291 = arith.addi %mul3A_290, %add3A_288 : i32
          %broadcast_in_dim3A_292 = vector.broadcast %add3A_291 : i32 to vector<16xi32>
          %gather3A = tpu.vector_load_idx %arg16[%broadcast_in_dim3A_292] : memref<1744xf32, #tpu.memory_space<vmem>>[vector<16xi32>], vector<16xf32>,
          %scan3A_293 = arith.constant 0 : i32
          %scan3A_294 = arith.constant 8 : i32
          %scan3A_295 = arith.addi %scan3A_293, %scan3A_294 : i32
          %scan3A_296 = arith.constant 1 : i32
          scf.for %scan3A_298 = %scan3A_293 to %scan3A_295 step %scan3A_296  : i32 {
            %mul3A_299 = arith.constant 16 : i32
            %mul3A_300 = arith.muli %scan3A_298, %mul3A_299 : i32
            %add3A_301 = arith.constant 0 : i32
            %add3A_302 = arith.addi %add3A_301, %mul3A_300 : i32
            %get3A_303 = arith.index_cast %add3A_288 : i32 to index
            %get3A_304 = arith.index_cast %add3A_302 : i32 to index
            %get3A_305 = tpu.vector_load %arg18[%get3A_303, %get3A_304] {strides = array<i32>} : memref<16x256xf32, #tpu.memory_space<vmem>>, vector<16xf32>,
            %mul3A_306 = arith.mulf %get3A_305, %gather3A : vector<16xf32>
            %swap3A_307 = arith.index_cast %add3A_288 : i32 to index
            %swap3A_308 = arith.index_cast %add3A_302 : i32 to index
            %swap3A_309 = tpu.vector_load %arg19[%swap3A_307, %swap3A_308] {strides = array<i32>} : memref<16x128xf32, #tpu.memory_space<vmem>>, vector<16xf32>,
            tpu.vector_store %arg19[%swap3A_307, %swap3A_308], %mul3A_306 {strides = array<i32>} : memref<16x128xf32, #tpu.memory_space<vmem>>, vector<16xf32>,
            %add3A_310 = arith.constant 128 : i32
            %add3A_311 = arith.addi %add3A_310, %add3A_302 : i32
            %get3A_312 = arith.index_cast %add3A_288 : i32 to index
            %get3A_313 = arith.index_cast %add3A_311 : i32 to index
            %get3A_314 = tpu.vector_load %arg18[%get3A_312, %get3A_313] {strides = array<i32>} : memref<16x256xf32, #tpu.memory_space<vmem>>, vector<16xf32>,
            %mul3A_315 = arith.mulf %get3A_314, %gather3A : vector<16xf32>
            %swap3A_316 = arith.index_cast %add3A_288 : i32 to index
            %swap3A_317 = arith.index_cast %add3A_302 : i32 to index
            %swap3A_318 = tpu.vector_load %arg20[%swap3A_316, %swap3A_317] {strides = array<i32>} : memref<16x128xf32, #tpu.memory_space<vmem>>, vector<16xf32>,
            tpu.vector_store %arg20[%swap3A_316, %swap3A_317], %mul3A_315 {strides = array<i32>} : memref<16x128xf32, #tpu.memory_space<vmem>>, vector<16xf32>,
          }
          %scan3A_297 = arith.constant 8 : i32
        }
        %scan3A_249 = arith.constant 16 : i32
        %scan3A_250 = arith.constant 0 : i32
        %mul3A_251 = arith.constant 16 : i32
        %mul3A_252 = arith.muli %scan3A_250, %mul3A_251 : i32
        %add3A_253 = arith.constant 0 : i32
        %add3A_254 = arith.addi %add3A_253, %mul3A_252 : i32
        %mul3A_255 = arith.constant 16 : i32
        %mul3A_256 = arith.muli %add3A_244, %mul3A_255 : i32
        %add3A_257 = arith.addi %mul3A_256, %add3A_254 : i32
        %get3A_258 = arith.index_cast %add3A_257 : i32 to index
        %get3A_259 = tpu.vector_load %arg15[%get3A_258] {strides = array<i32>} : memref<1744xi32, #tpu.memory_space<vmem>>, vector<16xi32>,
        %swap3A_260 = arith.index_cast %add3A_254 : i32 to index
        %swap3A_261 = tpu.vector_load %arg24[%swap3A_260] {strides = array<i32>} : memref<16xi32, #tpu.memory_space<vmem>>, vector<16xi32>,
        tpu.vector_store %arg24[%swap3A_260], %get3A_259 {strides = array<i32>} : memref<16xi32, #tpu.memory_space<vmem>>, vector<16xi32>,
        %scan3A_262 = arith.constant 1 : i32
        "tpu.region"() ({
          %run_scoped3A = tpu.sem_alloc : memref<!tpu.dma_semaphore, #tpu.memory_space<semaphore_mem>>
          %dma_start3A_284 = arith.constant 0 : i32
          %dma_start3A_285 = arith.constant 0 : i32
          %dma_start3A_286 = tpu.memref_slice %arg26[%dma_start3A_284, %dma_start3A_285] : memref<5120x128xf32, #tpu.memory_space<vmem_shared>> -> memref<5120x128xf32, #tpu.memory_space<vmem_shared>>
          tpu.enqueue_indirect_dma source(%arg19 : memref<16x128xf32, #tpu.memory_space<vmem>>) target(%dma_start3A_286 : memref<5120x128xf32, #tpu.memory_space<vmem_shared>>) offsets(%arg24 : memref<16xi32, #tpu.memory_space<vmem>>) semaphore(%run_scoped3A : memref<!tpu.dma_semaphore, #tpu.memory_space<semaphore_mem>>) {add = true}
          %dma_wait3A_287 = arith.constant 0 : i32
          %dma_wait3A_288 = arith.constant 0 : i32
          %dma_wait3A_289 = tpu.memref_slice %arg26[%dma_wait3A_287, %dma_wait3A_288] : memref<5120x128xf32, #tpu.memory_space<vmem_shared>> -> memref<5120x128xf32, #tpu.memory_space<vmem_shared>>
          tpu.wait_indirect_dma semaphore(%run_scoped3A : memref<!tpu.dma_semaphore, #tpu.memory_space<semaphore_mem>>) src(%arg19 : memref<16x128xf32, #tpu.memory_space<vmem>>) dst(%dma_wait3A_289 : memref<5120x128xf32, #tpu.memory_space<vmem_shared>>)
          tpu.yield
        }) : () -> ()
        "tpu.region"() ({
          %run_scoped3A = tpu.sem_alloc : memref<!tpu.dma_semaphore, #tpu.memory_space<semaphore_mem>>
          %dma_start3A_284 = arith.constant 0 : i32
          %dma_start3A_285 = arith.constant 0 : i32
          %dma_start3A_286 = tpu.memref_slice %arg27[%dma_start3A_284, %dma_start3A_285] : memref<5120x128xf32, #tpu.memory_space<vmem_shared>> -> memref<5120x128xf32, #tpu.memory_space<vmem_shared>>
          tpu.enqueue_indirect_dma source(%arg20 : memref<16x128xf32, #tpu.memory_space<vmem>>) target(%dma_start3A_286 : memref<5120x128xf32, #tpu.memory_space<vmem_shared>>) offsets(%arg24 : memref<16xi32, #tpu.memory_space<vmem>>) semaphore(%run_scoped3A : memref<!tpu.dma_semaphore, #tpu.memory_space<semaphore_mem>>) {add = true}
          %dma_wait3A_287 = arith.constant 0 : i32
          %dma_wait3A_288 = arith.constant 0 : i32
          %dma_wait3A_289 = tpu.memref_slice %arg27[%dma_wait3A_287, %dma_wait3A_288] : memref<5120x128xf32, #tpu.memory_space<vmem_shared>> -> memref<5120x128xf32, #tpu.memory_space<vmem_shared>>
          tpu.wait_indirect_dma semaphore(%run_scoped3A : memref<!tpu.dma_semaphore, #tpu.memory_space<semaphore_mem>>) src(%arg20 : memref<16x128xf32, #tpu.memory_space<vmem>>) dst(%dma_wait3A_289 : memref<5120x128xf32, #tpu.memory_space<vmem_shared>>)
          tpu.yield
        }) : () -> ()
        %mul3A_263 = arith.constant 2 : i32
        %mul3A_264 = arith.muli %mul3A_263, %while3A_187 : i32
        %add3A_265 = arith.constant 3 : i32
        %add3A_266 = arith.addi %mul3A_264, %add3A_265 : i32
        %scan3A_267 = arith.constant 0 : i32
        %mul3A_268 = arith.constant 16 : i32
        %mul3A_269 = arith.muli %scan3A_267, %mul3A_268 : i32
        %add3A_270 = arith.constant 0 : i32
        %add3A_271 = arith.addi %add3A_270, %mul3A_269 : i32
        %mul3A_272 = arith.constant 16 : i32
        %mul3A_273 = arith.muli %add3A_266, %mul3A_272 : i32
        %add3A_274 = arith.addi %mul3A_273, %add3A_271 : i32
        %get3A_275 = arith.index_cast %add3A_274 : i32 to index
        %get3A_276 = tpu.vector_load %arg14[%get3A_275] {strides = array<i32>} : memref<1744xi32, #tpu.memory_space<vmem>>, vector<16xi32>,
        %swap3A_277 = arith.index_cast %add3A_271 : i32 to index
        %swap3A_278 = tpu.vector_load %arg23[%swap3A_277] {strides = array<i32>} : memref<16xi32, #tpu.memory_space<vmem>>, vector<16xi32>,
        tpu.vector_store %arg23[%swap3A_277], %get3A_276 {strides = array<i32>} : memref<16xi32, #tpu.memory_space<vmem>>, vector<16xi32>,
        %scan3A_279 = arith.constant 1 : i32
        %dma_start3A_280 = arith.constant 0 : i32
        %dma_start3A_281 = arith.constant 0 : i32
        %dma_start3A_282 = tpu.memref_slice %arg6[%dma_start3A_280, %dma_start3A_281] : memref<10240x256xf32, #tpu.memory_space<hbm>> -> memref<10240x256xf32, #tpu.memory_space<hbm>>
        tpu.enqueue_indirect_dma source(%dma_start3A_282 : memref<10240x256xf32, #tpu.memory_space<hbm>>) target(%arg18 : memref<16x256xf32, #tpu.memory_space<vmem>>) offsets(%arg23 : memref<16xi32, #tpu.memory_space<vmem>>) semaphore(%arg30 : memref<!tpu.dma_semaphore, #tpu.memory_space<semaphore_mem>>)
        %while3A_283 = arith.constant 0 : i32
        scf.yield %while3A_283 : i32
      }
      %dma_wait3A = arith.constant 0 : i32
      %dma_wait3A_176 = arith.constant 0 : i32
      %dma_wait3A_177 = tpu.memref_slice %arg6[%dma_wait3A, %dma_wait3A_176] : memref<10240x256xf32, #tpu.memory_space<hbm>> -> memref<16x256xf32, #tpu.memory_space<hbm>>
      %dma_wait3A_178 = arith.constant 0 : i32
      %dma_wait3A_179 = arith.constant 0 : i32
      %dma_wait3A_180 = tpu.memref_slice %arg6[%dma_wait3A_178, %dma_wait3A_179] : memref<10240x256xf32, #tpu.memory_space<hbm>> -> memref<16x256xf32, #tpu.memory_space<hbm>>
      tpu.wait_dma2 semaphore(%arg29 : memref<!tpu.dma_semaphore, #tpu.memory_space<semaphore_mem>>) src(%dma_wait3A_180 : memref<16x256xf32, #tpu.memory_space<hbm>>) dst(%arg17 : memref<16x256xf32, #tpu.memory_space<vmem>>)
      %dma_wait3A_181 = arith.constant 0 : i32
      %dma_wait3A_182 = arith.constant 0 : i32
      %dma_wait3A_183 = tpu.memref_slice %arg6[%dma_wait3A_181, %dma_wait3A_182] : memref<10240x256xf32, #tpu.memory_space<hbm>> -> memref<16x256xf32, #tpu.memory_space<hbm>>
      %dma_wait3A_184 = arith.constant 0 : i32
      %dma_wait3A_185 = arith.constant 0 : i32
      %dma_wait3A_186 = tpu.memref_slice %arg6[%dma_wait3A_184, %dma_wait3A_185] : memref<10240x256xf32, #tpu.memory_space<hbm>> -> memref<16x256xf32, #tpu.memory_space<hbm>>
      tpu.wait_dma2 semaphore(%arg30 : memref<!tpu.dma_semaphore, #tpu.memory_space<semaphore_mem>>) src(%dma_wait3A_186 : memref<16x256xf32, #tpu.memory_space<hbm>>) dst(%arg18 : memref<16x256xf32, #tpu.memory_space<vmem>>)
    }
    %scan3A_60 = arith.constant 6 : i32
    "tpu.region"() ({
      %run_scoped3A = tpu.sem_alloc : memref<!tpu.dma_semaphore, #tpu.memory_space<semaphore_mem>>
      %dma_start3A = arith.constant 0 : i32
      %dma_start3A_74 = arith.constant 0 : i32
      %dma_start3A_75 = tpu.memref_slice %arg28[%dma_start3A, %dma_start3A_74] : memref<48x128xf32, #tpu.memory_space<vmem_shared>> -> memref<48x128xf32, #tpu.memory_space<vmem_shared>>
      tpu.enqueue_indirect_dma source(%arg21 : memref<48x128xf32, #tpu.memory_space<vmem>>) target(%dma_start3A_75 : memref<48x128xf32, #tpu.memory_space<vmem_shared>>) offsets(%arg25 : memref<48xi32, #tpu.memory_space<vmem>>) semaphore(%run_scoped3A : memref<!tpu.dma_semaphore, #tpu.memory_space<semaphore_mem>>) {add = true}
      %dma_wait3A = arith.constant 0 : i32
      %dma_wait3A_76 = arith.constant 0 : i32
      %dma_wait3A_77 = tpu.memref_slice %arg28[%dma_wait3A, %dma_wait3A_76] : memref<48x128xf32, #tpu.memory_space<vmem_shared>> -> memref<48x128xf32, #tpu.memory_space<vmem_shared>>
      tpu.wait_indirect_dma semaphore(%run_scoped3A : memref<!tpu.dma_semaphore, #tpu.memory_space<semaphore_mem>>) src(%arg21 : memref<48x128xf32, #tpu.memory_space<vmem>>) dst(%dma_wait3A_77 : memref<48x128xf32, #tpu.memory_space<vmem_shared>>)
      tpu.yield
    }) : () -> ()
    %barrier3A_61 = arith.constant 0 : index
    tpu.barrier barrier_id(%barrier3A_61)
    %scan3A_62 = arith.constant 0 : i32
    %scan3A_63 = arith.constant 20 : i32
    %scan3A_64 = arith.addi %scan3A_62, %scan3A_63 : i32
    %scan3A_65 = arith.constant 1 : i32
    scf.for %scan3A_74 = %scan3A_62 to %scan3A_64 step %scan3A_65  : i32 {
      %mul3A_75 = arith.constant 16 : i32
      %mul3A_76 = arith.muli %scan3A_74, %mul3A_75 : i32
      %add3A_77 = arith.constant 0 : i32
      %add3A_78 = arith.addi %add3A_77, %mul3A_76 : i32
      %add3A_79 = arith.addi %mul3A_19, %add3A_78 : i32
      "tpu.region"() ({
        %run_scoped3A = tpu.sem_alloc : memref<!tpu.dma_semaphore, #tpu.memory_space<semaphore_mem>>
        %dma_start3A = arith.constant 0 : i32
        %dma_start3A_85 = tpu.memref_slice %arg26[%add3A_79, %dma_start3A] : memref<5120x128xf32, #tpu.memory_space<vmem_shared>> -> memref<16x128xf32, #tpu.memory_space<vmem_shared>>
        %dma_start3A_86 = arith.constant 0 : i32
        %dma_start3A_87 = tpu.memref_slice %arg26[%add3A_79, %dma_start3A_86] : memref<5120x128xf32, #tpu.memory_space<vmem_shared>> -> memref<16x128xf32, #tpu.memory_space<vmem_shared>>
        tpu.enqueue_dma source(%dma_start3A_87 : memref<16x128xf32, #tpu.memory_space<vmem_shared>>) target(%arg19 : memref<16x128xf32, #tpu.memory_space<vmem>>) target_semaphore(%run_scoped3A : memref<!tpu.dma_semaphore, #tpu.memory_space<semaphore_mem>>)
        %dma_wait3A = arith.constant 0 : i32
        %dma_wait3A_88 = tpu.memref_slice %arg26[%add3A_79, %dma_wait3A] : memref<5120x128xf32, #tpu.memory_space<vmem_shared>> -> memref<16x128xf32, #tpu.memory_space<vmem_shared>>
        %dma_wait3A_89 = arith.constant 0 : i32
        %dma_wait3A_90 = tpu.memref_slice %arg26[%add3A_79, %dma_wait3A_89] : memref<5120x128xf32, #tpu.memory_space<vmem_shared>> -> memref<16x128xf32, #tpu.memory_space<vmem_shared>>
        tpu.wait_dma2 semaphore(%run_scoped3A : memref<!tpu.dma_semaphore, #tpu.memory_space<semaphore_mem>>) src(%dma_wait3A_90 : memref<16x128xf32, #tpu.memory_space<vmem_shared>>) dst(%arg19 : memref<16x128xf32, #tpu.memory_space<vmem>>)
        tpu.yield
      }) : () -> ()
      %add3A_80 = arith.addi %mul3A_0, %mul3A_19 : i32
      %add3A_81 = arith.addi %add3A_80, %add3A_78 : i32
      "tpu.region"() ({
        %run_scoped3A = tpu.sem_alloc : memref<!tpu.dma_semaphore, #tpu.memory_space<semaphore_mem>>
        %dma_start3A = arith.constant 0 : i32
        %dma_start3A_85 = tpu.memref_slice %arg7[%add3A_81, %dma_start3A] : memref<10240x128xf32, #tpu.memory_space<hbm>> -> memref<16x128xf32, #tpu.memory_space<hbm>>
        %dma_start3A_86 = arith.constant 0 : i32
        %dma_start3A_87 = tpu.memref_slice %arg7[%add3A_81, %dma_start3A_86] : memref<10240x128xf32, #tpu.memory_space<hbm>> -> memref<16x128xf32, #tpu.memory_space<hbm>>
        tpu.enqueue_dma source(%arg19 : memref<16x128xf32, #tpu.memory_space<vmem>>) target(%dma_start3A_87 : memref<16x128xf32, #tpu.memory_space<hbm>>) target_semaphore(%run_scoped3A : memref<!tpu.dma_semaphore, #tpu.memory_space<semaphore_mem>>)
        %dma_wait3A = arith.constant 0 : i32
        %dma_wait3A_88 = tpu.memref_slice %arg7[%add3A_81, %dma_wait3A] : memref<10240x128xf32, #tpu.memory_space<hbm>> -> memref<16x128xf32, #tpu.memory_space<hbm>>
        %dma_wait3A_89 = arith.constant 0 : i32
        %dma_wait3A_90 = tpu.memref_slice %arg7[%add3A_81, %dma_wait3A_89] : memref<10240x128xf32, #tpu.memory_space<hbm>> -> memref<16x128xf32, #tpu.memory_space<hbm>>
        tpu.wait_dma2 semaphore(%run_scoped3A : memref<!tpu.dma_semaphore, #tpu.memory_space<semaphore_mem>>) src(%arg19 : memref<16x128xf32, #tpu.memory_space<vmem>>) dst(%dma_wait3A_90 : memref<16x128xf32, #tpu.memory_space<hbm>>)
        tpu.yield
      }) : () -> ()
      %add3A_82 = arith.addi %mul3A_19, %add3A_78 : i32
      "tpu.region"() ({
        %run_scoped3A = tpu.sem_alloc : memref<!tpu.dma_semaphore, #tpu.memory_space<semaphore_mem>>
        %dma_start3A = arith.constant 0 : i32
        %dma_start3A_85 = tpu.memref_slice %arg27[%add3A_82, %dma_start3A] : memref<5120x128xf32, #tpu.memory_space<vmem_shared>> -> memref<16x128xf32, #tpu.memory_space<vmem_shared>>
        %dma_start3A_86 = arith.constant 0 : i32
        %dma_start3A_87 = tpu.memref_slice %arg27[%add3A_82, %dma_start3A_86] : memref<5120x128xf32, #tpu.memory_space<vmem_shared>> -> memref<16x128xf32, #tpu.memory_space<vmem_shared>>
        tpu.enqueue_dma source(%dma_start3A_87 : memref<16x128xf32, #tpu.memory_space<vmem_shared>>) target(%arg20 : memref<16x128xf32, #tpu.memory_space<vmem>>) target_semaphore(%run_scoped3A : memref<!tpu.dma_semaphore, #tpu.memory_space<semaphore_mem>>)
        %dma_wait3A = arith.constant 0 : i32
        %dma_wait3A_88 = tpu.memref_slice %arg27[%add3A_82, %dma_wait3A] : memref<5120x128xf32, #tpu.memory_space<vmem_shared>> -> memref<16x128xf32, #tpu.memory_space<vmem_shared>>
        %dma_wait3A_89 = arith.constant 0 : i32
        %dma_wait3A_90 = tpu.memref_slice %arg27[%add3A_82, %dma_wait3A_89] : memref<5120x128xf32, #tpu.memory_space<vmem_shared>> -> memref<16x128xf32, #tpu.memory_space<vmem_shared>>
        tpu.wait_dma2 semaphore(%run_scoped3A : memref<!tpu.dma_semaphore, #tpu.memory_space<semaphore_mem>>) src(%dma_wait3A_90 : memref<16x128xf32, #tpu.memory_space<vmem_shared>>) dst(%arg20 : memref<16x128xf32, #tpu.memory_space<vmem>>)
        tpu.yield
      }) : () -> ()
      %add3A_83 = arith.addi %mul3A_0, %mul3A_19 : i32
      %add3A_84 = arith.addi %add3A_83, %add3A_78 : i32
      "tpu.region"() ({
        %run_scoped3A = tpu.sem_alloc : memref<!tpu.dma_semaphore, #tpu.memory_space<semaphore_mem>>
        %dma_start3A = arith.constant 0 : i32
        %dma_start3A_85 = tpu.memref_slice %arg8[%add3A_84, %dma_start3A] : memref<10240x128xf32, #tpu.memory_space<hbm>> -> memref<16x128xf32, #tpu.memory_space<hbm>>
        %dma_start3A_86 = arith.constant 0 : i32
        %dma_start3A_87 = tpu.memref_slice %arg8[%add3A_84, %dma_start3A_86] : memref<10240x128xf32, #tpu.memory_space<hbm>> -> memref<16x128xf32, #tpu.memory_space<hbm>>
        tpu.enqueue_dma source(%arg20 : memref<16x128xf32, #tpu.memory_space<vmem>>) target(%dma_start3A_87 : memref<16x128xf32, #tpu.memory_space<hbm>>) target_semaphore(%run_scoped3A : memref<!tpu.dma_semaphore, #tpu.memory_space<semaphore_mem>>)
        %dma_wait3A = arith.constant 0 : i32
        %dma_wait3A_88 = tpu.memref_slice %arg8[%add3A_84, %dma_wait3A] : memref<10240x128xf32, #tpu.memory_space<hbm>> -> memref<16x128xf32, #tpu.memory_space<hbm>>
        %dma_wait3A_89 = arith.constant 0 : i32
        %dma_wait3A_90 = tpu.memref_slice %arg8[%add3A_84, %dma_wait3A_89] : memref<10240x128xf32, #tpu.memory_space<hbm>> -> memref<16x128xf32, #tpu.memory_space<hbm>>
        tpu.wait_dma2 semaphore(%run_scoped3A : memref<!tpu.dma_semaphore, #tpu.memory_space<semaphore_mem>>) src(%arg20 : memref<16x128xf32, #tpu.memory_space<vmem>>) dst(%dma_wait3A_90 : memref<16x128xf32, #tpu.memory_space<hbm>>)
        tpu.yield
      }) : () -> ()
    }
    %scan3A_66 = arith.constant 20 : i32
    %mul3A_67 = arith.constant 8 : i32
    %mul3A_68 = arith.muli %arg1, %mul3A_67 : i32
    %lt3A_69 = arith.constant 5 : i32
    %lt3A_70 = arith.cmpi slt, %arg1, %lt3A_69 : i32
    %convert_element_type3A_71 = arith.extui %lt3A_70 : i1 to i32
    %cond3A_72 = arith.constant 0 : i32
    %cond3A_73 = arith.cmpi ne, %convert_element_type3A_71, %cond3A_72 : i32
    scf.if %cond3A_73 {
      "tpu.region"() ({
        %run_scoped3A = tpu.sem_alloc : memref<!tpu.dma_semaphore, #tpu.memory_space<semaphore_mem>>
        %dma_start3A = arith.constant 0 : i32
        %dma_start3A_77 = arith.constant 0 : i32
        %dma_start3A_78 = tpu.memref_slice %arg19[%dma_start3A, %dma_start3A_77] : memref<16x128xf32, #tpu.memory_space<vmem>> -> memref<8x128xf32, #tpu.memory_space<vmem>>
        %dma_start3A_79 = arith.constant 0 : i32
        %dma_start3A_80 = tpu.memref_slice %arg28[%mul3A_68, %dma_start3A_79] : memref<48x128xf32, #tpu.memory_space<vmem_shared>> -> memref<8x128xf32, #tpu.memory_space<vmem_shared>>
        %dma_start3A_81 = arith.constant 0 : i32
        %dma_start3A_82 = arith.constant 0 : i32
        %dma_start3A_83 = tpu.memref_slice %arg19[%dma_start3A_81, %dma_start3A_82] : memref<16x128xf32, #tpu.memory_space<vmem>> -> memref<8x128xf32, #tpu.memory_space<vmem>>
        %dma_start3A_84 = arith.constant 0 : i32
        %dma_start3A_85 = tpu.memref_slice %arg28[%mul3A_68, %dma_start3A_84] : memref<48x128xf32, #tpu.memory_space<vmem_shared>> -> memref<8x128xf32, #tpu.memory_space<vmem_shared>>
        tpu.enqueue_dma source(%dma_start3A_85 : memref<8x128xf32, #tpu.memory_space<vmem_shared>>) target(%dma_start3A_83 : memref<8x128xf32, #tpu.memory_space<vmem>>) target_semaphore(%run_scoped3A : memref<!tpu.dma_semaphore, #tpu.memory_space<semaphore_mem>>)
        %dma_wait3A = arith.constant 0 : i32
        %dma_wait3A_86 = arith.constant 0 : i32
        %dma_wait3A_87 = tpu.memref_slice %arg19[%dma_wait3A, %dma_wait3A_86] : memref<16x128xf32, #tpu.memory_space<vmem>> -> memref<8x128xf32, #tpu.memory_space<vmem>>
        %dma_wait3A_88 = arith.constant 0 : i32
        %dma_wait3A_89 = tpu.memref_slice %arg28[%mul3A_68, %dma_wait3A_88] : memref<48x128xf32, #tpu.memory_space<vmem_shared>> -> memref<8x128xf32, #tpu.memory_space<vmem_shared>>
        %dma_wait3A_90 = arith.constant 0 : i32
        %dma_wait3A_91 = arith.constant 0 : i32
        %dma_wait3A_92 = tpu.memref_slice %arg19[%dma_wait3A_90, %dma_wait3A_91] : memref<16x128xf32, #tpu.memory_space<vmem>> -> memref<8x128xf32, #tpu.memory_space<vmem>>
        %dma_wait3A_93 = arith.constant 0 : i32
        %dma_wait3A_94 = tpu.memref_slice %arg28[%mul3A_68, %dma_wait3A_93] : memref<48x128xf32, #tpu.memory_space<vmem_shared>> -> memref<8x128xf32, #tpu.memory_space<vmem_shared>>
        tpu.wait_dma2 semaphore(%run_scoped3A : memref<!tpu.dma_semaphore, #tpu.memory_space<semaphore_mem>>) src(%dma_wait3A_94 : memref<8x128xf32, #tpu.memory_space<vmem_shared>>) dst(%dma_wait3A_92 : memref<8x128xf32, #tpu.memory_space<vmem>>)
        tpu.yield
      }) : () -> ()
      %mul3A_74 = arith.constant 40 : i32
      %mul3A_75 = arith.muli %arg0, %mul3A_74 : i32
      %add3A_76 = arith.addi %mul3A_75, %mul3A_68 : i32
      "tpu.region"() ({
        %run_scoped3A = tpu.sem_alloc : memref<!tpu.dma_semaphore, #tpu.memory_space<semaphore_mem>>
        %dma_start3A = arith.constant 0 : i32
        %dma_start3A_77 = arith.constant 0 : i32
        %dma_start3A_78 = tpu.memref_slice %arg19[%dma_start3A, %dma_start3A_77] : memref<16x128xf32, #tpu.memory_space<vmem>> -> memref<8x128xf32, #tpu.memory_space<vmem>>
        %dma_start3A_79 = arith.constant 0 : i32
        %dma_start3A_80 = tpu.memref_slice %arg9[%add3A_76, %dma_start3A_79] : memref<80x128xf32, #tpu.memory_space<hbm>> -> memref<8x128xf32, #tpu.memory_space<hbm>>
        %dma_start3A_81 = arith.constant 0 : i32
        %dma_start3A_82 = tpu.memref_slice %arg9[%add3A_76, %dma_start3A_81] : memref<80x128xf32, #tpu.memory_space<hbm>> -> memref<8x128xf32, #tpu.memory_space<hbm>>
        %dma_start3A_83 = arith.constant 0 : i32
        %dma_start3A_84 = arith.constant 0 : i32
        %dma_start3A_85 = tpu.memref_slice %arg19[%dma_start3A_83, %dma_start3A_84] : memref<16x128xf32, #tpu.memory_space<vmem>> -> memref<8x128xf32, #tpu.memory_space<vmem>>
        tpu.enqueue_dma source(%dma_start3A_85 : memref<8x128xf32, #tpu.memory_space<vmem>>) target(%dma_start3A_82 : memref<8x128xf32, #tpu.memory_space<hbm>>) target_semaphore(%run_scoped3A : memref<!tpu.dma_semaphore, #tpu.memory_space<semaphore_mem>>)
        %dma_wait3A = arith.constant 0 : i32
        %dma_wait3A_86 = arith.constant 0 : i32
        %dma_wait3A_87 = tpu.memref_slice %arg19[%dma_wait3A, %dma_wait3A_86] : memref<16x128xf32, #tpu.memory_space<vmem>> -> memref<8x128xf32, #tpu.memory_space<vmem>>
        %dma_wait3A_88 = arith.constant 0 : i32
        %dma_wait3A_89 = tpu.memref_slice %arg9[%add3A_76, %dma_wait3A_88] : memref<80x128xf32, #tpu.memory_space<hbm>> -> memref<8x128xf32, #tpu.memory_space<hbm>>
        %dma_wait3A_90 = arith.constant 0 : i32
        %dma_wait3A_91 = tpu.memref_slice %arg9[%add3A_76, %dma_wait3A_90] : memref<80x128xf32, #tpu.memory_space<hbm>> -> memref<8x128xf32, #tpu.memory_space<hbm>>
        %dma_wait3A_92 = arith.constant 0 : i32
        %dma_wait3A_93 = arith.constant 0 : i32
        %dma_wait3A_94 = tpu.memref_slice %arg19[%dma_wait3A_92, %dma_wait3A_93] : memref<16x128xf32, #tpu.memory_space<vmem>> -> memref<8x128xf32, #tpu.memory_space<vmem>>
        tpu.wait_dma2 semaphore(%run_scoped3A : memref<!tpu.dma_semaphore, #tpu.memory_space<semaphore_mem>>) src(%dma_wait3A_94 : memref<8x128xf32, #tpu.memory_space<vmem>>) dst(%dma_wait3A_91 : memref<8x128xf32, #tpu.memory_space<hbm>>)
        tpu.yield
      }) : () -> ()
    } else {
    }
    return
  }
}

module attributes {stable_mosaic.version = 14 : i64} {
  func.func @_pre_body(%arg0: memref<10240x256xf32, #tpu.memory_space<vmem>>, %arg1: memref<256x256xf32, #tpu.memory_space<vmem>>, %arg2: memref<256x256xf32, #tpu.memory_space<vmem>>, %arg3: memref<256x8xf32, #tpu.memory_space<vmem>>, %arg4: memref<256x8xf32, #tpu.memory_space<vmem>>, %arg5: memref<10240x256xf32, #tpu.memory_space<vmem>>, %arg6: memref<10240x8xf32, #tpu.memory_space<vmem>>) attributes {dimension_semantics = [], scalar_prefetch = 0 : i64, scratch_operands = 0 : i64, tpu.core_type = #tpu.core_type<tc>} {
    %get3A = arith.constant 0 : index
    %get3A_0 = arith.constant 0 : index
    %get3A_1 = vector.load %arg0[%get3A, %get3A_0] : memref<10240x256xf32, #tpu.memory_space<vmem>>, vector<10240x256xf32>
    %get3A_2 = arith.constant 0 : index
    %get3A_3 = arith.constant 0 : index
    %get3A_4 = vector.load %arg1[%get3A_2, %get3A_3] : memref<256x256xf32, #tpu.memory_space<vmem>>, vector<256x256xf32>
    %dot_general3A = arith.constant dense<0.000000e+00> : vector<10240x256xf32>
    %dot_general3A_5 = tpu.matmul %get3A_1, %get3A_4, %dot_general3A {dimension_numbers = #tpu.dot_dimension_numbers<[1], [0], [0], [1], [0, 0, 1, 1], [], []>, transpose_lhs_hint = false} : vector<10240x256xf32>, vector<256x256xf32>, vector<10240x256xf32> -> vector<10240x256xf32>
    %swap3A = arith.constant 0 : index
    %swap3A_6 = arith.constant 0 : index
    %swap3A_7 = vector.load %arg5[%swap3A, %swap3A_6] : memref<10240x256xf32, #tpu.memory_space<vmem>>, vector<10240x256xf32>
    tpu.vector_store %arg5[%swap3A, %swap3A_6], %dot_general3A_5 {strides = array<i32>} : memref<10240x256xf32, #tpu.memory_space<vmem>>, vector<10240x256xf32>,
    %get3A_8 = arith.constant 0 : index
    %get3A_9 = arith.constant 0 : index
    %get3A_10 = vector.load %arg1[%get3A_8, %get3A_9] : memref<256x256xf32, #tpu.memory_space<vmem>>, vector<256x256xf32>
    %get3A_11 = arith.constant 0 : index
    %get3A_12 = arith.constant 0 : index
    %get3A_13 = vector.load %arg3[%get3A_11, %get3A_12] : memref<256x8xf32, #tpu.memory_space<vmem>>, vector<256x8xf32>
    %dot_general3A_14 = arith.constant dense<0.000000e+00> : vector<256x8xf32>
    %dot_general3A_15 = tpu.matmul %get3A_10, %get3A_13, %dot_general3A_14 {dimension_numbers = #tpu.dot_dimension_numbers<[1], [0], [0], [1], [0, 0, 1, 1], [], []>, transpose_lhs_hint = false} : vector<256x256xf32>, vector<256x8xf32>, vector<256x8xf32> -> vector<256x8xf32>
    %get3A_16 = arith.constant 0 : index
    %get3A_17 = arith.constant 0 : index
    %get3A_18 = vector.load %arg2[%get3A_16, %get3A_17] : memref<256x256xf32, #tpu.memory_space<vmem>>, vector<256x256xf32>
    %get3A_19 = arith.constant 0 : index
    %get3A_20 = arith.constant 0 : index
    %get3A_21 = vector.load %arg4[%get3A_19, %get3A_20] : memref<256x8xf32, #tpu.memory_space<vmem>>, vector<256x8xf32>
    %dot_general3A_22 = arith.constant dense<0.000000e+00> : vector<256x8xf32>
    %dot_general3A_23 = tpu.matmul %get3A_18, %get3A_21, %dot_general3A_22 {dimension_numbers = #tpu.dot_dimension_numbers<[1], [0], [0], [1], [0, 0, 1, 1], [], []>, transpose_lhs_hint = false} : vector<256x256xf32>, vector<256x8xf32>, vector<256x8xf32> -> vector<256x8xf32>
    %add3A = arith.addf %dot_general3A_15, %dot_general3A_23 : vector<256x8xf32>
    %dot_general3A_24 = arith.constant dense<0.000000e+00> : vector<10240x8xf32>
    %dot_general3A_25 = tpu.matmul %get3A_1, %add3A, %dot_general3A_24 {dimension_numbers = #tpu.dot_dimension_numbers<[1], [0], [0], [1], [0, 0, 1, 1], [], []>, transpose_lhs_hint = false} : vector<10240x256xf32>, vector<256x8xf32>, vector<10240x8xf32> -> vector<10240x8xf32>
    %swap3A_26 = arith.constant 0 : index
    %swap3A_27 = arith.constant 0 : index
    %swap3A_28 = vector.load %arg6[%swap3A_26, %swap3A_27] : memref<10240x8xf32, #tpu.memory_space<vmem>>, vector<10240x8xf32>
    tpu.vector_store %arg6[%swap3A_26, %swap3A_27], %dot_general3A_25 {strides = array<i32>} : memref<10240x8xf32, #tpu.memory_space<vmem>>, vector<10240x8xf32>,
    return
  }
}

module attributes {stable_mosaic.version = 14 : i64} {
  func.func @_fin_pre_body(%arg0: memref<10240x128xf32, #tpu.memory_space<vmem>>, %arg1: memref<10240x128xf32, #tpu.memory_space<vmem>>, %arg2: memref<10240x1xf32, #tpu.memory_space<vmem>>, %arg3: memref<1x256xf32, #tpu.memory_space<vmem>>, %arg4: memref<256x256xf32, #tpu.memory_space<vmem>>, %arg5: memref<256x256xf32, #tpu.memory_space<vmem>>, %arg6: memref<256x8xf32, #tpu.memory_space<vmem>>, %arg7: memref<256x8xf32, #tpu.memory_space<vmem>>, %arg8: memref<10240x256xf32, #tpu.memory_space<vmem>>, %arg9: memref<10240x256xf32, #tpu.memory_space<vmem>>, %arg10: memref<10240x8xf32, #tpu.memory_space<vmem>>) attributes {dimension_semantics = [], scalar_prefetch = 0 : i64, scratch_operands = 0 : i64, tpu.core_type = #tpu.core_type<tc>} {
    %get3A = arith.constant 0 : index
    %get3A_0 = arith.constant 0 : index
    %get3A_1 = vector.load %arg0[%get3A, %get3A_0] : memref<10240x128xf32, #tpu.memory_space<vmem>>, vector<10240x128xf32>
    %get3A_2 = arith.constant 0 : index
    %get3A_3 = arith.constant 0 : index
    %get3A_4 = vector.load %arg1[%get3A_2, %get3A_3] : memref<10240x128xf32, #tpu.memory_space<vmem>>, vector<10240x128xf32>
    %concatenate3A = tpu.concatenate %get3A_1, %get3A_4 in 1 : vector<10240x128xf32>, vector<10240x128xf32> -> vector<10240x256xf32>
    %get3A_5 = arith.constant 0 : index
    %get3A_6 = arith.constant 0 : index
    %get3A_7 = vector.load %arg2[%get3A_5, %get3A_6] : memref<10240x1xf32, #tpu.memory_space<vmem>>, vector<10240x1xf32>
    %add3A = arith.constant 1.000000e-16 : f32
    %add3A_8 = vector.broadcast %add3A : f32 to vector<10240x1xf32>
    %add3A_9 = arith.addf %get3A_7, %add3A_8 : vector<10240x1xf32>
    %div3A = vector.broadcast %add3A_9 : vector<10240x1xf32> to vector<10240x256xf32>
    %div3A_10 = arith.divf %concatenate3A, %div3A : vector<10240x256xf32>
    %get3A_11 = arith.constant 0 : index
    %get3A_12 = arith.constant 0 : index
    %get3A_13 = vector.load %arg3[%get3A_11, %get3A_12] : memref<1x256xf32, #tpu.memory_space<vmem>>, vector<1x256xf32>
    %add3A_14 = vector.broadcast %get3A_13 : vector<1x256xf32> to vector<10240x256xf32>
    %add3A_15 = arith.addf %div3A_10, %add3A_14 : vector<10240x256xf32>
    %max3A = arith.constant 0.000000e+00 : f32
    %max3A_16 = vector.broadcast %max3A : f32 to vector<10240x256xf32>
    %max3A_17 = arith.maximumf %add3A_15, %max3A_16 : vector<10240x256xf32>
    %swap3A = arith.constant 0 : index
    %swap3A_18 = arith.constant 0 : index
    %swap3A_19 = vector.load %arg8[%swap3A, %swap3A_18] : memref<10240x256xf32, #tpu.memory_space<vmem>>, vector<10240x256xf32>
    tpu.vector_store %arg8[%swap3A, %swap3A_18], %max3A_17 {strides = array<i32>} : memref<10240x256xf32, #tpu.memory_space<vmem>>, vector<10240x256xf32>,
    %get3A_20 = arith.constant 0 : index
    %get3A_21 = arith.constant 0 : index
    %get3A_22 = vector.load %arg4[%get3A_20, %get3A_21] : memref<256x256xf32, #tpu.memory_space<vmem>>, vector<256x256xf32>
    %dot_general3A = arith.constant dense<0.000000e+00> : vector<10240x256xf32>
    %dot_general3A_23 = tpu.matmul %max3A_17, %get3A_22, %dot_general3A {dimension_numbers = #tpu.dot_dimension_numbers<[1], [0], [0], [1], [0, 0, 1, 1], [], []>, transpose_lhs_hint = false} : vector<10240x256xf32>, vector<256x256xf32>, vector<10240x256xf32> -> vector<10240x256xf32>
    %swap3A_24 = arith.constant 0 : index
    %swap3A_25 = arith.constant 0 : index
    %swap3A_26 = vector.load %arg9[%swap3A_24, %swap3A_25] : memref<10240x256xf32, #tpu.memory_space<vmem>>, vector<10240x256xf32>
    tpu.vector_store %arg9[%swap3A_24, %swap3A_25], %dot_general3A_23 {strides = array<i32>} : memref<10240x256xf32, #tpu.memory_space<vmem>>, vector<10240x256xf32>,
    %get3A_27 = arith.constant 0 : index
    %get3A_28 = arith.constant 0 : index
    %get3A_29 = vector.load %arg4[%get3A_27, %get3A_28] : memref<256x256xf32, #tpu.memory_space<vmem>>, vector<256x256xf32>
    %get3A_30 = arith.constant 0 : index
    %get3A_31 = arith.constant 0 : index
    %get3A_32 = vector.load %arg6[%get3A_30, %get3A_31] : memref<256x8xf32, #tpu.memory_space<vmem>>, vector<256x8xf32>
    %dot_general3A_33 = arith.constant dense<0.000000e+00> : vector<256x8xf32>
    %dot_general3A_34 = tpu.matmul %get3A_29, %get3A_32, %dot_general3A_33 {dimension_numbers = #tpu.dot_dimension_numbers<[1], [0], [0], [1], [0, 0, 1, 1], [], []>, transpose_lhs_hint = false} : vector<256x256xf32>, vector<256x8xf32>, vector<256x8xf32> -> vector<256x8xf32>
    %get3A_35 = arith.constant 0 : index
    %get3A_36 = arith.constant 0 : index
    %get3A_37 = vector.load %arg5[%get3A_35, %get3A_36] : memref<256x256xf32, #tpu.memory_space<vmem>>, vector<256x256xf32>
    %get3A_38 = arith.constant 0 : index
    %get3A_39 = arith.constant 0 : index
    %get3A_40 = vector.load %arg7[%get3A_38, %get3A_39] : memref<256x8xf32, #tpu.memory_space<vmem>>, vector<256x8xf32>
    %dot_general3A_41 = arith.constant dense<0.000000e+00> : vector<256x8xf32>
    %dot_general3A_42 = tpu.matmul %get3A_37, %get3A_40, %dot_general3A_41 {dimension_numbers = #tpu.dot_dimension_numbers<[1], [0], [0], [1], [0, 0, 1, 1], [], []>, transpose_lhs_hint = false} : vector<256x256xf32>, vector<256x8xf32>, vector<256x8xf32> -> vector<256x8xf32>
    %add3A_43 = arith.addf %dot_general3A_34, %dot_general3A_42 : vector<256x8xf32>
    %dot_general3A_44 = arith.constant dense<0.000000e+00> : vector<10240x8xf32>
    %dot_general3A_45 = tpu.matmul %max3A_17, %add3A_43, %dot_general3A_44 {dimension_numbers = #tpu.dot_dimension_numbers<[1], [0], [0], [1], [0, 0, 1, 1], [], []>, transpose_lhs_hint = false} : vector<10240x256xf32>, vector<256x8xf32>, vector<10240x8xf32> -> vector<10240x8xf32>
    %swap3A_46 = arith.constant 0 : index
    %swap3A_47 = arith.constant 0 : index
    %swap3A_48 = vector.load %arg10[%swap3A_46, %swap3A_47] : memref<10240x8xf32, #tpu.memory_space<vmem>>, vector<10240x8xf32>
    tpu.vector_store %arg10[%swap3A_46, %swap3A_47], %dot_general3A_45 {strides = array<i32>} : memref<10240x8xf32, #tpu.memory_space<vmem>>, vector<10240x8xf32>,
    return
  }
}

module attributes {stable_mosaic.version = 14 : i64} {
  func.func @_fin_body(%arg0: memref<10240x128xf32, #tpu.memory_space<vmem>>, %arg1: memref<10240x128xf32, #tpu.memory_space<vmem>>, %arg2: memref<10240x1xf32, #tpu.memory_space<vmem>>, %arg3: memref<1x256xf32, #tpu.memory_space<vmem>>, %arg4: memref<10240x256xf32, #tpu.memory_space<vmem>>) attributes {dimension_semantics = [], scalar_prefetch = 0 : i64, scratch_operands = 0 : i64, tpu.core_type = #tpu.core_type<tc>} {
    %get3A = arith.constant 0 : index
    %get3A_0 = arith.constant 0 : index
    %get3A_1 = vector.load %arg0[%get3A, %get3A_0] : memref<10240x128xf32, #tpu.memory_space<vmem>>, vector<10240x128xf32>
    %get3A_2 = arith.constant 0 : index
    %get3A_3 = arith.constant 0 : index
    %get3A_4 = vector.load %arg1[%get3A_2, %get3A_3] : memref<10240x128xf32, #tpu.memory_space<vmem>>, vector<10240x128xf32>
    %concatenate3A = tpu.concatenate %get3A_1, %get3A_4 in 1 : vector<10240x128xf32>, vector<10240x128xf32> -> vector<10240x256xf32>
    %get3A_5 = arith.constant 0 : index
    %get3A_6 = arith.constant 0 : index
    %get3A_7 = vector.load %arg2[%get3A_5, %get3A_6] : memref<10240x1xf32, #tpu.memory_space<vmem>>, vector<10240x1xf32>
    %add3A = arith.constant 1.000000e-16 : f32
    %add3A_8 = vector.broadcast %add3A : f32 to vector<10240x1xf32>
    %add3A_9 = arith.addf %get3A_7, %add3A_8 : vector<10240x1xf32>
    %div3A = vector.broadcast %add3A_9 : vector<10240x1xf32> to vector<10240x256xf32>
    %div3A_10 = arith.divf %concatenate3A, %div3A : vector<10240x256xf32>
    %get3A_11 = arith.constant 0 : index
    %get3A_12 = arith.constant 0 : index
    %get3A_13 = vector.load %arg3[%get3A_11, %get3A_12] : memref<1x256xf32, #tpu.memory_space<vmem>>, vector<1x256xf32>
    %add3A_14 = vector.broadcast %get3A_13 : vector<1x256xf32> to vector<10240x256xf32>
    %add3A_15 = arith.addf %div3A_10, %add3A_14 : vector<10240x256xf32>
    %swap3A = arith.constant 0 : index
    %swap3A_16 = arith.constant 0 : index
    %swap3A_17 = vector.load %arg4[%swap3A, %swap3A_16] : memref<10240x256xf32, #tpu.memory_space<vmem>>, vector<10240x256xf32>
    tpu.vector_store %arg4[%swap3A, %swap3A_16], %add3A_15 {strides = array<i32>} : memref<10240x256xf32, #tpu.memory_space<vmem>>, vector<10240x256xf32>,
    return
  }
}

</mosaic_0001>

<sc_bundles>
// kernel: kernel.10.cloned.1.call-start
scs
__scs_entry_jumppad:
0x0: {  	(pc) =	sbr.rel $0x88, $3  }
0x1: {  	(tag) =	ssettag $0x0;
	lr =	simm.s32 $0x1  }
0x2: {  	[smem:$0x3F95] =	sst lr;
	_ =	strace $0xD0000000  }
0x3: {  	_ = 	snop  }
0x4: {  	_ = 	snop  }
0x5: {  	_ = 	snop  }
0x6: {  	_ = 	snop  }
0x7: {  	_ = 	snop  }
__scs_overlays_trampoline_lowered:
0x8: {  	[smem:$0x3FA4] =	sst s0  }
0x9: {  	[smem:$0x3FA5] =	sst s1  }
0xa: {  	[smem:$0x3FA6] =	sst s2  }
0xb: {  	[smem:$0x3FA7] =	sst s3  }
0xc: {  	[smem:$0x3FA8] =	sst s4  }
0xd: {  	[smem:$0x3FA9] =	sst s5  }
0xe: {  	[smem:$0x3FAA] =	sst s6  }
0xf: {  	[smem:$0x3FAB] =	sst s7  }
0x10: {  	[smem:$0x3FAC] =	sst s8  }
0x11: {  	[smem:$0x3FAD] =	sst s9;
	s0 =	simm.s32 @!p0 $0x0  }
0x12: {  	s1 =	sld [smem:$0x3F93];
	s0 =	simm.s32 @p0 $0x1  }
0x13: {  	[smem:$0x3FAE] =	sst s0;
	s0 =	simm.s32 @!p1 $0x0  }
0x14: {  	s2 =	sld [smem:$0x3F92];
	s0 =	simm.s32 @p1 $0x1  }
0x15: {  	[smem:$0x3FAF] =	sst s0;
	s0 =	simm.s32 @!p2 $0x0  }
0x16: {  	s3 =	sld [smem:$0x3FDB];
	s0 =	simm.s32 @p2 $0x1  }
0x17: {  	s4 =	simm.s32 $0x1BF5;
	[smem:$0x3FB1] =	sst s0  }
0x18: {  	s0 =	sld [smem:$0x3F94];
	_ =	swait.ge [sflag:s4], $0x0  }
0x19: {  	s7 =	sld [smem:$0x3F95]  }
0x1a: {  	s8 =	sadd.s32 $0xFFFFE003, lr  }
0x1b: {  	s9 =	sadd.s32 $0xFFFFFEF7, lr;
	s5 =	simm.s32 $0xFFFFFFFF;
	p2 =	slt.u32 s8, $0xFFFFF086  }
0x1c: {  	p1 =	slt.u32 s9, $0xF7A;
	s5 =	simm.s32 @!p2 $0x0  }
0x1d: {  	s5 =	simm.s32 @p1 $0x1;
	p0 =	seq.s32 s7, s2  }
0x1e: {  	s7 =	smul.u32 @!p0 $0xF7A, s2;
	p2 =	seq.s32 @!p0 s5, $0x0  }
0x1f: {  	s9 =	smul.u32 $0xF7A, s1;
	s8 =	simm.s32 @!p0 $0x1BF5;
	p2 =	por !p2, p0  }
0x20: {  	[sflag:s8] =	ssyncset.s32 @!p0 $0xFFFFF086;
	s6 =	sadd.s32 @!p0 s3, s7;
	s7 =	simm.s32 @!p0 $0x108  }
0x21: {  	s3 =	sadd.s32 s3, s9;
	s6 =	sadd.s32 @!p0 $0x88, s6;
	s7 =	simm.s32 @p2 $0x1082  }
0x22: {  	[simem:s7], [sflag:s8] =	dma.local @!p0 [hbm:s6], $0xF7A  }
0x23: {  	s9 =	sor.u32 $0xD0000000, s2;
	s6 =	simm.s32 $0x108;
	_ =	swait.ge @!p0 [sflag:s8], $0x0  }
0x24: {  	s3 =	sadd.s32 $0x88, s3;
	s6 =	simm.s32 @!p1 $0x1082;
	[sflag:s4] =	ssyncset.s32 $0xFFFFF086  }
0x25: {  	[simem:s6], [sflag:s4] =	dma.local [hbm:s3], $0xF7A  }
0x26: {  	[smem:$0x3F95] =	sst s1;
	(tag) =	ssettag s2;
	_ =	strace s9  }
0x27: {  	s1 =	sld [smem:$0x3FA5]  }
0x28: {  	s2 =	sld [smem:$0x3FA6]  }
0x29: {  	s4 =	sld [smem:$0x3FA8]  }
0x2a: {  	p0 =	seq.s32 s5, $0x0;
	s5 =	sld [smem:$0x3FA9]  }
0x2b: {  	s6 =	sld [smem:$0x3FAA]  }
0x2c: {  	s7 =	sld [smem:$0x3FAB]  }
0x2d: {  	s3 =	simm.s32 $0x108;
	s8 =	sld [smem:$0x3FAC]  }
0x2e: {  	s3 =	simm.s32 @!p0 $0x1082;
	s9 =	sld [smem:$0x3FAD]  }
0x2f: {  	lr =	sadd.s32 s0, s3;
	s0 =	sld [smem:$0x3FA4]  }
0x30: {  	s3 =	sld [smem:$0x3FA7]  }
0x31: {  	[smem:$0x3FB0] =	sst s10  }
0x32: {  	s10 =	sld [smem:$0x3FAE];
	_ =	sdelay $0x3  }
0x33: {  	p0 =	seq.s32 s10, $0x1;
	s10 =	sld [smem:$0x3FB0];
	_ =	sdelay $0x3  }
0x34: {  	[smem:$0x3FB0] =	sst s10  }
0x35: {  	s10 =	sld [smem:$0x3FAF];
	_ =	sdelay $0x3  }
0x36: {  	p1 =	seq.s32 s10, $0x1;
	s10 =	sld [smem:$0x3FB0];
	_ =	sdelay $0x3  }
0x37: {  	[smem:$0x3FB0] =	sst s10  }
0x38: {  	s10 =	sld [smem:$0x3FB1]  }
0x39: {  	_ = 	snop;
	(pc) =	sbr.ind lr, $3  }
0x3a: {  	_ = 	snop  }
0x3b: {  	_ = 	snop  }
0x3c: {  	p2 =	seq.s32 s10, $0x1;
	s10 =	sld [smem:$0x3FB0]  }
0x3d: {  	_ =	shalt  }
0x3e: {  	_ =	shalt  }
0x3f: {  	_ =	shalt  }
0x40: {  	_ =	shalt  }
0x41: {  	_ =	shalt  }
0x42: {  	_ =	shalt  }
0x43: {  	_ =	shalt  }
0x44: {  	_ =	shalt  }
0x45: {  	_ =	shalt  }
0x46: {  	_ =	shalt  }
0x47: {  	_ =	shalt  }
0x48: {  	_ =	shalt  }
0x49: {  	_ =	shalt  }
0x4a: {  	_ =	shalt  }
0x4b: {  	_ =	shalt  }
0x4c: {  	_ =	shalt  }
0x4d: {  	_ =	shalt  }
0x4e: {  	_ =	shalt  }
0x4f: {  	_ =	shalt  }
0x50: {  	_ =	shalt  }
0x51: {  	_ =	shalt  }
0x52: {  	_ =	shalt  }
0x53: {  	_ =	shalt  }
0x54: {  	_ =	shalt  }
0x55: {  	_ =	shalt  }
0x56: {  	_ =	shalt  }
0x57: {  	_ =	shalt  }
0x58: {  	_ =	shalt  }
0x59: {  	_ =	shalt  }
0x5a: {  	_ =	shalt  }
0x5b: {  	_ =	shalt  }
0x5c: {  	_ =	shalt  }
0x5d: {  	_ =	shalt  }
0x5e: {  	_ =	shalt  }
0x5f: {  	_ =	shalt  }
0x60: {  	_ =	shalt  }
0x61: {  	_ =	shalt  }
0x62: {  	_ =	shalt  }
0x63: {  	_ =	shalt  }
0x64: {  	_ =	shalt  }
0x65: {  	_ =	shalt  }
0x66: {  	_ =	shalt  }
0x67: {  	_ =	shalt  }
0x68: {  	_ =	shalt  }
0x69: {  	_ =	shalt  }
0x6a: {  	_ =	shalt  }
0x6b: {  	_ =	shalt  }
0x6c: {  	_ =	shalt  }
0x6d: {  	_ =	shalt  }
0x6e: {  	_ =	shalt  }
0x6f: {  	_ =	shalt  }
0x70: {  	_ =	shalt  }
0x71: {  	_ =	shalt  }
0x72: {  	_ =	shalt  }
0x73: {  	_ =	shalt  }
0x74: {  	_ =	shalt  }
0x75: {  	_ =	shalt  }
0x76: {  	_ =	shalt  }
0x77: {  	_ =	shalt  }
0x78: {  	_ =	shalt  }
0x79: {  	_ =	shalt  }
0x7a: {  	_ =	shalt  }
0x7b: {  	_ =	shalt  }
0x7c: {  	_ =	shalt  }
0x7d: {  	_ =	shalt  }
0x7e: {  	_ =	shalt  }
0x7f: {  	_ =	shalt  }
0x80: {  	_ =	shalt  }
0x81: {  	_ =	shalt  }
0x82: {  	_ =	shalt  }
0x83: {  	_ =	shalt  }
0x84: {  	_ =	shalt  }
0x85: {  	_ =	shalt  }
0x86: {  	_ =	shalt  }
0x87: {  	_ =	shalt  }
.Lfunc_end0:
.L_simem_size_0:
called_computation.1_lowered:
.L_overlay_start_0:
0x88: {  	s2 =	sld [smem:$0x3FD9]  }
0x89: {  	s3 =	sld [smem:$0x3FFE];
	_ =	sdelay $0x1  }
0x8a: {  	s1 =	srdreg.scid  }
0x8b: {  	s0 =	sand.u32 $0x1, s1  }
0x8c: {  	s16 =	sshll.u32 s0, $0xA;
	s2 =	sadd.s32 s3, s2  }
0x8d: {  	s2 =	sadd.s32 s2, s16  }
0x8e: {  	[smem:$0x3FBC] =	sst s2  }
0x8f: {  	_ = 	snop  }
0x90: {  	(tm) =	ssettm $0x1  }
0x91: {  	s17 =	sld [smem:$0x3FFB];
	_ =	sdelay $0x3  }
0x92: {  	_ =	strace s17  }
0x93: {  	s2 =	sld [smem:$0x3FFC];
	_ =	sdelay $0x3  }
0x94: {  	_ =	strace s2  }
0x95: {  	s2 =	sld [smem:$0x3FFD];
	_ =	sdelay $0x3  }
0x96: {  	_ =	strace s2  }
0x97: {  	_ =	strace $0x8FFFFFFF  }
0x98: {  	s18 =	sld [smem:$0x3FDB];
	_ =	sdelay $0x1  }
0x99: {  	s19 =	simm.s32 $_scs_section_size  }
0x9a: {  	s4 =	simm.s32 $_size__tile_overlayer_lowered;
	s5 =	simm.s32 $_tile_overlayer_lowered  }
0x9b: {  	s22 =	simm.s32 $0x1BFF;
	s21 =	sshll.u32 s5, $0x1;
	s2 =	sadd.s32 s19, s18  }
0x9c: {  	s6 =	simm.s32 $0x0;
	s20 =	sshll.u32 s4, $0x1;
	s4 =	sadd.s32 s21, s2  }
0x9d: {  	[timem:s6], [sflag:s22] =	dma.local [hbm:s4], s20  }
0x9e: {  	_ =	swait.ge [sflag:s22], s20  }
0x9f: {  	s3 =	ssub.s32 $0x0, s20;
	[sflag:s22] =	ssyncset.done $0x0  }
0xa0: {  	[sflag:s22] =	ssyncadd.s32 s3;
	_ =	sdelay $0x1  }
0xa1: {  	s23 =	simm.s32 $0x1B8B  }
0xa2: {  	_ =	swait.ge [sflag:s23], $0x1  }
0xa3: {  	[sflag:s23] =	ssyncset.done $0x0  }
0xa4: {  	s25 =	simm.s32 $0x1B8E;
	s24 =	sld [smem:$0x3FFE];
	[sflag:s23] =	ssyncadd.s32 $0xFFFFFFFF  }
0xa5: {  	s26 =	simm.s32 $execute0_lowered;
	[smem:$0x3FD2] =	sst s25  }
0xa6: {  	s4 =	sshll.u32 s26, $0x1;
	_ =	strace $0x80000049;
	[dreg:$0x1] =	wrdreg $0xFFFFFFFF  }
0xa7: {  	s28 =	simm.s32 $_size_execute0_lowered;
	s2 =	sadd.s32 s2, s4;
	[dreg:$0x0] =	wrdreg $0x0  }
0xa8: {  	s4 =	sshll.u32 s28, $0x1;
	[dreg:$0x2] =	wrdreg s2  }
0xa9: {  	[dreg:$0x3] =	wrdreg s4  }
0xaa: {  	[dreg:$0x4] =	wrdreg $0xC0  }
0xab: {  	_ =	task [dreg:s6], $0x5FFFF  }
0xac: {  	[dreg:$0x1] =	wrdreg $0xFFFFFFFF  }
0xad: {  	[dreg:$0x0] =	wrdreg $0x60  }
0xae: {  	[dreg:$0x2] =	wrdreg s24  }
0xaf: {  	[dreg:$0x3] =	wrdreg $0xBD000  }
0xb0: {  	[dreg:$0x4] =	wrdreg $0x15D000  }
0xb1: {  	[dreg:$0x5] =	wrdreg $0x1FD000  }
0xb2: {  	[dreg:$0x6] =	wrdreg $0x9  }
0xb3: {  	_ =	task.clear_ibuf [dreg:s6], $0x7FFFF;
	_ =	strace $0x90000049  }
0xb4: {  	s29 =	simm.s32 $0x9;
	_ =	strace $0x8000004B  }
0xb5: {  	_ =	swait.ge [sflag:s29], $0x1  }
0xb6: {  	[sflag:s29] =	ssyncadd.s32 $0xFFFFFFFF  }
0xb7: {  	_ =	strace $0x9000004B  }
0xb8: {  	_ =	sfence  }
0xb9: {  	s30 =	sld [smem:$0x0];
	_ =	sdelay $0x2  }
0xba: {  	s31 =	sshll.u32 s1, $0xD;
	s1 =	sshrl.u32 s1, $0x2  }
0xbb: {  	s3 =	sand.u32 $0x4000, s31;
	s1 =	sadd.s32 s1, s30  }
0xbc: {  	s0 =	sor.u32 s3, s0;
	s1 =	sshll.u32 s1, $0x11  }
0xbd: {  	s0 =	sor.u32 s1, s0  }
0xbe: {  	s0 =	sadd.s32 $0x8F2B, s0  }
0xbf: {  	[sflag:s0] =	ssyncadd.remote.s32 $0x1  }
0xc0: {  	_ =	sfence.sel $0xFFFF  }
0xc1: {  	[dreg:$0x0] =	wrdreg $0xFFFFFFFF;
	(pc) =	sbr.abs _section_cstart, $3  }
0xc2: {  	[dreg:$0x1] =	wrdreg $0xFFFFFFFF  }
0xc3: {  	_ =	task.clear_ibuf [dreg:s6], $0x2FFFF;
	_ =	strace $0x9FFFFFFF  }
0xc4: {  	(tm) =	ssettm $0x7FFFFFFF  }
0xc5: {  	_ =	shalt  }
tec
execute0_lowered:
.L_overlay_start_1:
0x0: {  	(tag) =	ssettag $0x1  }
0x1: {  	s0 =	rddreg [dreg:$0x0]  }
0x2: {  	s17 =	rddreg [dreg:$0x1]  }
0x3: {  	s18 =	rddreg [dreg:$0x2]  }
0x4: {  	s8 =	rddreg [dreg:$0x3];
	s4 =	simm.s32 $0x0;
	s1 =	srdreg.scid  }
0x5: {  	s9 =	stileid.u32;
	s30 =	simm.s32 $0x1;
	s31 =	simm.s32 $0x6C00  }
0x6: {  	[smem:$0x7FF] =	sst s4;
	s1 =	sand.u32 $0x1, s1;
	s2 =	sadd.s32 $0x6600, s0  }
0x7: {  	s3 =	sadd.s32 $0x1600, s0;
	s5 =	sadd.s32 $0x5BC00, s0;
	s21 =	sadd.s32 $0x5B600, s0  }
0x8: {  	s10 =	sadd.s32 $0xB600, s0;
	s6 =	sshll.u32 s9, $0xA;
	s7 =	smul.u32 $0x28000, s9  }
0x9: {  	s25 =	smul.u32 $0x1400, s9;
	_ =	strace $0x8000004A;
	[dreg:$0x5] =	wrdreg s2  }
0xa: {  	s26 =	smul.u32 $0x2710, s9;
	p0 =	sgt.u32 s9, $0x5;
	[dreg:$0x6] =	wrdreg s3  }
0xb: {  	p1 =	sgt.u32 s9, $0x4;
	s19 =	smul.u32 $0x5, s1;
	[dreg:$0x7] =	wrdreg s5  }
0xc: {  	s20 =	smul.u32 $0x14000, s1;
	[dreg:$0x8] =	wrdreg s21;
	s22 =	ssub.s32 $0x2, s1  }
0xd: {  	s1 =	smul.u32 $0x1400, s1;
	s24 =	sadd.s32 s6, s8;
	s21 =	simm.s32 $0x9300  }
0xe: {  	s5 =	simm.s32 $0xBC00;
	s8 =	simm.s32 $0x2;
	[dreg:$0x9] =	wrdreg s24  }
0xf: {  	s6 =	simm.s32 $0x0;
	s23 =	sshrl.u32 s22, $0x1;
	[dreg:$0xa] =	wrdreg s26  }
0x10: {  	s28 =	sshrl.u32 s7, $0x2;
	s24 =	simm.s32 $0xA300;
	s2 =	sadd.s32 s9, s19  }
0x11: {  	s3 =	sadd.s32 s20, s0;
	s11 =	sadd.s32 s28, s18;
	s12 =	sadd.s32 s28, s17  }
0x12: {  	s19 =	simm.s32 $0x3;
	s29 =	sadd.s32 s25, s3;
	[dreg:$0xd] =	wrdreg s11  }
0x13: {  	s2 =	sshll.u32 s2, $0x7;
	[dreg:$0xe] =	wrdreg s12;
	s13 =	sadd.s32 $0x5C800, s29  }
0x14: {  	v1 =	vimm.s32 $0x0;
	v2 =	vlaneseq.u32;
	v3 =	vimm.f32 $0.0e+00;
	s0 =	sadd.s32 s2, s0;
	s14 =	sadd.s32 $0x84800, s29;
	[dreg:$0xf] =	wrdreg s13  }
0x15: {  	vm0 =	vmxor vm0, vm0;
	vm1 =	vmmov $0xffff;
	v4 =	vor.u32 $0x10, v2;
	s2 =	ssub.s32 s22, s23;
	s0 =	sadd.s32 $0x5C200, s0;
	[dreg:$0x10] =	wrdreg s14  }
0x16: {  	v5 =	vor.u32 $0x20, v2;
	v6 =	vand.u32 $0x7, v2;
	v7 =	vshrl.u32 v2, $0x3;
	s20 =	simm.s32 $0x2800;
	s2 =	smax.u32 s2, $0x1;
	[dreg:$0xb] =	wrdreg s0  }
0x17: {  	v8 =	vor.u32 $0x8, v2;
	v7 =	vmul.u32 $0x8, v7;
	v0 =	vmov s1;
	s3 =	simm.s32 $0x9B00;
	[dreg:$0xc] =	wrdreg s2;
	s0 =	simm.s32 $0x10  }
.LBB2_1:
0x18: {  	s1 =	rddreg [dreg:$0x7]  }
0x19: {  	[tilespmem:s4], [sflag:$0x3] =	stream.linear.gather [hbm4b:s1+s4], $0x2800, $0x38;
	[tilespmem:$0x1FE80] =	vst v63  }
0x1a: {  	_ =	swait.ge [sflag:s19], $0x2800  }
0x1b: {  	[sflag:s19] =	ssyncset.done $0x0  }
0x1c: {  	s29 =	rddreg [dreg:$0x8];
	[sflag:s19] =	ssyncadd.s32 $0xFFFFD800  }
0x1d: {  	[tilespmem:s20], [sflag:$0x3] =	stream.linear.gather [hbm4b:s29+s4], $0x2800, $0x38;
	[tilespmem:$0x1FE80] =	vst v63  }
0x1e: {  	_ =	swait.ge [sflag:s19], $0x2800  }
0x1f: {  	[sflag:s19] =	ssyncset.done $0x0  }
0x20: {  	s1 =	simm.s32 $0x0;
	[sflag:s19] =	ssyncadd.s32 $0xFFFFD800  }
.LBB2_2:
0x21: {  	p2 =	sne.s32 s1, $0x1B00  }
.Ltmp0:
0x22: {  	_ = 	snop;
	(pc) =	sbr.rel @p2 .LBB2_2-.Ltmp0, $4  }
0x23: {  	s2 =	sshra.s32 s1, $0x2  }
0x24: {  	[tilespmem:s2+$0x5E00] =	vst v1  }
0x25: {  	[tilespmem:s2+$0x6500] =	vst v1  }
0x26: {  	s1 =	sadd.s32 $0x40, s1;
	[tilespmem:s2+$0x6C00] =	vst v3  }
0x27: {  	s1 =	simm.s32 $0x70;
	s2 =	simm.s32 $0x3C0  }
.LBB2_4:
0x28: {  	p2 =	sne.s32 s2, $0x5FC0;
	[tilespmem:s1+$0xA300] =	vst v3  }
0x29: {  	[tilespmem:s1+$0xA290] =	vst v3  }
0x2a: {  	[tilespmem:s1+$0xA2A0] =	vst v3  }
.Ltmp1:
0x2b: {  	[tilespmem:s1+$0xA2B0] =	vst v3;
	(pc) =	sbr.rel @p2 .LBB2_4-.Ltmp1, $4  }
0x2c: {  	[tilespmem:s1+$0xA2C0] =	vst v3  }
0x2d: {  	[tilespmem:s1+$0xA2D0] =	vst v3  }
0x2e: {  	[tilespmem:s1+$0xA2E0] =	vst v3  }
0x2f: {  	[tilespmem:s1+$0xA2F0] =	vst v3;
	s1 =	sshra.s32 s2, $0x2;
	s2 =	sadd.s32 $0x200, s2  }
0x30: {  	[tilespmem:s1+$0xA300] =	vst v3  }
0x31: {  	[tilespmem:s1+$0xA290] =	vst v3  }
0x32: {  	[tilespmem:s1+$0xA2A0] =	vst v3  }
0x33: {  	[tilespmem:s1+$0xA2B0] =	vst v3  }
0x34: {  	[tilespmem:s1+$0xA2C0] =	vst v3  }
0x35: {  	[tilespmem:s1+$0xA2D0] =	vst v3  }
0x36: {  	[tilespmem:s1+$0xA2E0] =	vst v3  }
0x37: {  	[dreg:$0x11] =	wrdreg s6;
	[tilespmem:s1+$0xA2F0] =	vst v3;
	s1 =	simm.s32 $0x0;
	s2 =	simm.s32 $0x200  }
.LBB2_6:
0x38: {  	p2 =	sne.s32 s2, $0x1E00;
	[tilespmem:s1+$0x9370] =	vst v3  }
0x39: {  	[tilespmem:s1+$0x9300] =	vst v3  }
0x3a: {  	[tilespmem:s1+$0x9310] =	vst v3  }
.Ltmp2:
0x3b: {  	[tilespmem:s1+$0x9320] =	vst v3;
	(pc) =	sbr.rel @p2 .LBB2_6-.Ltmp2, $4  }
0x3c: {  	[tilespmem:s1+$0x9330] =	vst v3  }
0x3d: {  	[tilespmem:s1+$0x9340] =	vst v3  }
0x3e: {  	[tilespmem:s1+$0x9350] =	vst v3  }
0x3f: {  	[tilespmem:s1+$0x9360] =	vst v3;
	s1 =	sshra.s32 s2, $0x2;
	s2 =	sadd.s32 $0x200, s2  }
0x40: {  	[tilespmem:s1+$0x9370] =	vst v3  }
0x41: {  	[tilespmem:s1+$0x9300] =	vst v3  }
0x42: {  	[tilespmem:s1+$0x9310] =	vst v3  }
0x43: {  	[tilespmem:s1+$0x9320] =	vst v3  }
0x44: {  	[tilespmem:s1+$0x9330] =	vst v3  }
0x45: {  	[tilespmem:s1+$0x9340] =	vst v3  }
0x46: {  	[tilespmem:s1+$0x9350] =	vst v3  }
0x47: {  	[tilespmem:s1+$0x9360] =	vst v3;
	s28 =	sadd.s32 $0x0, s12  }
0x48: {  	[spmem:s28] =	stream.linear.scatter [tilespmem:s21], [sflag:$0x3], $0x800, $0x38;
	[tilespmem:$0x1FE80] =	vst v63  }
0x49: {  	_ =	swait.ge [sflag:s19], $0x800  }
0x4a: {  	[sflag:s19] =	ssyncset.done $0x0  }
0x4b: {  	s29 =	sadd.s32 $0x0, s11;
	[sflag:s19] =	ssyncadd.s32 $0xFFFFF800  }
0x4c: {  	[spmem:s29] =	stream.linear.scatter [tilespmem:s21], [sflag:$0x3], $0x800, $0x38;
	[tilespmem:$0x1FE80] =	vst v63  }
0x4d: {  	_ =	swait.ge [sflag:s19], $0x800  }
0x4e: {  	s2 =	simm.s32 $0x4000;
	s1 =	simm.s32 $0x800;
	[sflag:s19] =	ssyncset.done $0x0  }
.LBB2_8:
0x4f: {  	s6 =	sadd.s32 s1, s12  }
0x50: {  	[sflag:s19] =	ssyncadd.s32 $0xFFFFF800;
	s7 =	smov.u32 s2;
	s9 =	sadd.s32 $0x2000, s2  }
0x51: {  	[spmem:s6] =	stream.linear.scatter [tilespmem:s21], [sflag:$0x3], $0x800, $0x38;
	[tilespmem:$0x1FE80] =	vst v63  }
0x52: {  	p2 =	sne.s32 s2, $0x26000;
	_ =	swait.ge [sflag:s19], $0x800  }
.Ltmp3:
0x53: {  	[sflag:s19] =	ssyncset.done $0x0;
	(pc) =	sbr.rel @p2 .LBB2_8-.Ltmp3, $4  }
0x54: {  	s1 =	sadd.s32 s1, s11;
	[sflag:s19] =	ssyncadd.s32 $0xFFFFF800  }
0x55: {  	[spmem:s1] =	stream.linear.scatter [tilespmem:s21], [sflag:$0x3], $0x800, $0x38;
	[tilespmem:$0x1FE80] =	vst v63  }
0x56: {  	_ =	swait.ge [sflag:s19], $0x800  }
0x57: {  	s2 =	smov.u32 s9;
	s1 =	sshra.s32 s7, $0x2;
	[sflag:s19] =	ssyncset.done $0x0  }
0x58: {  	s2 =	sadd.s32 s1, s12;
	[sflag:s19] =	ssyncadd.s32 $0xFFFFF800  }
0x59: {  	[spmem:s2] =	stream.linear.scatter [tilespmem:s21], [sflag:$0x3], $0x800, $0x38;
	[tilespmem:$0x1FE80] =	vst v63  }
0x5a: {  	_ =	swait.ge [sflag:s19], $0x800  }
0x5b: {  	[sflag:s19] =	ssyncset.done $0x0  }
0x5c: {  	s29 =	sadd.s32 s1, s11;
	[sflag:s19] =	ssyncadd.s32 $0xFFFFF800  }
0x5d: {  	[spmem:s29] =	stream.linear.scatter [tilespmem:s21], [sflag:$0x3], $0x800, $0x38;
	[tilespmem:$0x1FE80] =	vst v63  }
0x5e: {  	_ =	swait.ge [sflag:s19], $0x800  }
0x5f: {  	[sflag:s19] =	ssyncset.done $0x0  }
0x60: {  	s1 =	simm.s32 @!p0 $0x9300;
	s2 =	rddreg [dreg:$0x9];
	[sflag:s19] =	ssyncadd.s32 $0xFFFFF800  }
0x61: {  	[spmem:s2] =	stream.linear.scatter @!p0 [tilespmem:s1], [sflag:$0x3], $0x400, $0x38;
	[tilespmem:$0x1FE80] =	vst v63  }
0x62: {  	s1 =	simm.s32 @!p0 $0x3  }
0x63: {  	_ =	swait.ge @!p0 [sflag:s1], $0x400  }
0x64: {  	[sflag:s1] =	ssyncset.done @!p0 $0x0  }
0x65: {  	[sflag:s1] =	ssyncadd.s32 @!p0 $0xFFFFFC00  }
0x66: {  	[tilespmem:$0xBC80] =	vst v2  }
0x67: {  	[tilespmem:$0xBC90] =	vst v4  }
0x68: {  	s1 =	simm.s32 $0x0;
	[tilespmem:$0xBCA0] =	vst v5  }
0x69: {  	v9 =	vimm.f32 $-3.000000010e+38;
	v10 =	vimm.f32 $-3.000000010e+38;
	s2 =	simm.s32 $0x40;
	v11 =	vld [tilespmem:s1+$0x0]  }
.LBB2_10:
0x6a: {  	p2 =	sne.s32 s2, $0x9FC0  }
.Ltmp4:
0x6b: {  	_ = 	snop;
	(pc) =	sbr.rel @p2 .LBB2_10-.Ltmp4, $3  }
0x6c: {  	_ =	sdelay $0x1  }
0x6d: {  	s6 =	sshra.s32 s2, $0x2;
	s2 =	sadd.s32 $0x40, s2;
	v10 =	vmax.f32 v10, v11  }
0x6e: {  	v11 =	vld [tilespmem:s6+$0x0]  }
0x6f: {  	_ =	sdelay $0x3  }
0x70: {  	s2 =	simm.s32 $0x40;
	v10 =	vmax.f32 v10, v11;
	v11 =	vld [tilespmem:s1+$0x2800]  }
.LBB2_12:
0x71: {  	p2 =	sne.s32 s2, $0x9FC0  }
.Ltmp5:
0x72: {  	_ = 	snop;
	(pc) =	sbr.rel @p2 .LBB2_12-.Ltmp5, $3  }
0x73: {  	_ =	sdelay $0x1  }
0x74: {  	s1 =	sshra.s32 s2, $0x2;
	s2 =	sadd.s32 $0x40, s2;
	v9 =	vmax.f32 v9, v11  }
0x75: {  	v11 =	vld [tilespmem:s1+$0x2800]  }
0x76: {  	_ =	sdelay $0x3  }
0x77: {  	(xrf0) =	vmax.scan.msk.f32 $0xffff, v10;
	v9 =	vmax.f32 v9, v11  }
0x78: {  	(xrf0) =	vmax.scan.msk.f32 $0xffff, v9;
	_ =	sdelay $0x4  }
0x79: {  	v9, _, _ =	vpop (xrf0)  }
0x7a: {  	(v2sf) =	vpush v9, $0xF;
	v9, _, _ =	vpop (xrf0)  }
0x7b: {  	(v2sf) =	vpush v9, $0xF;
	_ =	sdelay $0xd  }
0x7c: {  	s1 =	spop (v2sf)  }
.Ltmp6:
0x7d: {  	s2 =	spop (v2sf);
	(pc) =	sbr.rel .LBB2_14-.Ltmp6, $3  }
0x7e: {  	s1 =	sadd.f32 s2, s1;
	_ =	sdelay $0x1  }
0x7f: {  	[bflag:$0x0] =	sbarrier.arrive $0xFFFF;
	s1 =	smax.f32 s1, $0.0e+00  }
0x80: {  	s7 =	simm.s32 $0x0;
	s15 =	simm.s32 $0x0;
	v9 =	vmov s1;
	s1 =	simm.s32 $0x0  }
.LBB2_22:
0x81: {  	_ =	swait.ge [sflag:s30], $0x1000  }
0x82: {  	[sflag:s30] =	ssyncset.done $0x0  }
0x83: {  	[sflag:s30] =	ssyncadd.s32 $0xFFFFF000  }
0x84: {  	_ =	swait.ge [sflag:s8], $0x1000  }
0x85: {  	s1 =	rddreg [dreg:$0x13]  }
0x86: {  	s1 =	sadd.s32 $0x1, s1  }
0x87: {  	p2 =	sne.s32 s1, $0x6  }
.Ltmp7:
0x88: {  	s15 =	rddreg [dreg:$0x12];
	(pc) =	sbr.rel @!p2 .LBB2_23-.Ltmp7, $4  }
0x89: {  	s11 =	rddreg [dreg:$0xd]  }
0x8a: {  	s12 =	rddreg [dreg:$0xe]  }
0x8b: {  	s7 =	simm.s32 $0x0;
	[sflag:s8] =	ssyncset.done $0x0;
	s13 =	rddreg [dreg:$0xf]  }
0x8c: {  	s14 =	rddreg [dreg:$0x10];
	[sflag:s8] =	ssyncadd.s32 $0xFFFFF000;
	s15 =	sadd.s32 $0x690, s15  }
.LBB2_14:
0x8d: {  	s23 =	smul.u32 $0x690, s1  }
0x8e: {  	s2 =	rddreg [dreg:$0xa]  }
0x8f: {  	[dreg:$0x13] =	wrdreg s1;
	s1 =	sadd.s32 s2, s23  }
0x90: {  	s25 =	rddreg [dreg:$0x5];
	s1 =	sshrl.u32 s1, $0x3  }
0x91: {  	s6 =	simm.s32 $0x5000;
	s2 =	sadd.s32 s25, s1  }
0x92: {  	[tilespmem:s6], [sflag:$0x3] =	stream.linear.gather [hbm4b:s2+s7], $0x690, $0x38;
	[tilespmem:$0x1FE80] =	vst v63  }
0x93: {  	_ =	swait.ge [sflag:s19], $0x690  }
0x94: {  	[sflag:s19] =	ssyncset.done $0x0;
	s26 =	rddreg [dreg:$0x6]  }
0x95: {  	s28 =	simm.s32 $0x5700;
	[sflag:s19] =	ssyncadd.s32 $0xFFFFF970;
	s1 =	sadd.s32 s26, s1  }
0x96: {  	[tilespmem:s28], [sflag:$0x3] =	stream.linear.gather [hbm4b:s1+s7], $0x690, $0x38;
	[tilespmem:$0x1FE80] =	vst v63  }
0x97: {  	_ =	swait.ge [sflag:s19], $0x690  }
0x98: {  	[sflag:s19] =	ssyncset.done $0x0  }
0x99: {  	s29 =	simm.s32 $0x0;
	[sflag:s19] =	ssyncadd.s32 $0xFFFFF970  }
0x9a: {  	v12 =	vld [tilespmem:s29+$0x5000]  }
0x9b: {  	v11 =	vld [tilespmem:s29+$0x5700];
	_ =	sdelay $0x6  }
0x9c: {  	p2 =	slt.u32 s15, $0x2710;
	vm2 =	vmmov vm0;
	v10 =	vsub.s32 v11, v0;
	v13 =	vld.idx.msk [tilespmem:v12+s4+$0x0], $0xffff  }
0x9d: {  	vm2 =	vmneg @p2 vm2;
	vm3 =	vlt.u32 v10, $0x1400;
	v14 =	vld.idx.msk [tilespmem:v11+s20+$0x0], $0xffff  }
0x9e: {  	vm2 =	vmand vm2, vm3  }
0x9f: {  	v15 =	vsel vm2, $0x1, v1  }
0xa0: {  	(xrf0) =	vadd.scan.msk.s32 $0xffff, v15;
	_ =	sdelay $0x1  }
0xa1: {  	v13 =	vadd.f32 v14, v13;
	_ =	sdelay $0x1  }
0xa2: {  	v14 =	vmul.f32 $2.000000030e-01, v13  }
0xa3: {  	vm3 =	vgt.f32 v13, $0.0e+00  }
0xa4: {  	v62, _, _ =	vpop (xrf0);
	v13 =	vsel vm3, v13, v14  }
0xa5: {  	(v2sf) =	vpush v62, $0xF;
	v13 =	vsub.f32 v13, v9;
	_ =	sdelay $0x1  }
0xa6: {  	v13 =	vmul.f32 $1.442695020e+00, v13;
	_ =	sdelay $0x1  }
0xa7: {  	(erf) = vpow2.f32 v13;
	_ =	sdelay $0x3  }
0xa8: {  	v63 =	vand.u32 $0xFFFFFF80, v10;
	v11 =	vand.u32 $0x7F, v11  }
0xa9: {  	v13 =	vor.u32 v11, v63;
	_ =	sdelay $0x3  }
0xaa: {  	v11 =	vpop (erf)  }
0xab: {  	s2 =	simm.s32 $0x0;
	s6 =	simm.s32 $0x0;
	[tilespmem:v13+s24+$0x0] =	vst.idx.add.f32.msk vm2, v11  }
0xac: {  	s1 =	simm.s32 $0x40;
	s9 =	spop (v2sf);
	[tilespmem:s7+$0x5E00] =	vst.msk vm2, v12;
	s7 =	smov.u32 s15  }
.LBB2_15:
0xad: {  	p2 =	seq.s32 s1, $0x1A00;
	[tilespmem:s2+$0x6500] =	vst.msk vm2, v10;
	s6 =	sadd.s32 s6, s9;
	s7 =	sadd.s32 $0x10, s7  }
0xae: {  	s9 =	sshra.s32 s1, $0x2;
	s1 =	sadd.s32 $0x40, s1;
	[tilespmem:s2+$0x6C00] =	vst.msk vm2, v11;
	s2 =	smov.u32 s6  }
0xaf: {  	v12 =	vld [tilespmem:s9+$0x5000]  }
0xb0: {  	v11 =	vld [tilespmem:s9+$0x5700];
	_ =	sdelay $0x6  }
0xb1: {  	v13 =	vld.idx.msk [tilespmem:v12+s4+$0x0], $0xffff  }
0xb2: {  	vm3 =	vmmov vm0;
	p3 =	slt.u32 s7, $0x2710;
	v10 =	vsub.s32 v11, v0;
	v14 =	vld.idx.msk [tilespmem:v11+s20+$0x0], $0xffff  }
0xb3: {  	vm3 =	vmneg @p3 vm3;
	vm2 =	vlt.u32 v10, $0x1400;
	v15 =	vand.u32 $0xFFFFFF80, v10  }
0xb4: {  	vm2 =	vmand vm3, vm2  }
0xb5: {  	v16 =	vsel vm2, $0x1, v1  }
0xb6: {  	(xrf0) =	vadd.scan.msk.s32 $0xffff, v16;
	_ =	sdelay $0x1  }
0xb7: {  	v13 =	vadd.f32 v14, v13;
	_ =	sdelay $0x1  }
0xb8: {  	vm3 =	vgt.f32 v13, $0.0e+00;
	v16 =	vmul.f32 $2.000000030e-01, v13;
	_ =	sdelay $0x1  }
0xb9: {  	v13 =	vsel vm3, v13, v16;
	v14, _, _ =	vpop (xrf0)  }
0xba: {  	v13 =	vsub.f32 v13, v9;
	(v2sf) =	vpush v14, $0xF;
	_ =	sdelay $0x1  }
0xbb: {  	v13 =	vmul.f32 $1.442695020e+00, v13;
	_ =	sdelay $0x1  }
0xbc: {  	(erf) = vpow2.f32 v13;
	_ =	sdelay $0x2  }
0xbd: {  	v11 =	vand.u32 $0x7F, v11  }
0xbe: {  	v13 =	vor.u32 v11, v15;
	_ =	sdelay $0x2  }
.Ltmp8:
0xbf: {  	(pc) =	sbr.rel @!p2 .LBB2_15-.Ltmp8, $4  }
0xc0: {  	_ = 	snop  }
0xc1: {  	v11 =	vpop (erf)  }
0xc2: {  	[tilespmem:v13+s24+$0x0] =	vst.idx.add.f32.msk vm2, v11  }
0xc3: {  	[tilespmem:s6+$0x5E00] =	vst.msk vm2, v12;
	s9 =	spop (v2sf)  }
0xc4: {  	[tilespmem:s2+$0x6500] =	vst.msk vm2, v10  }
0xc5: {  	s1 =	sadd.s32 s6, s9;
	[tilespmem:s2+$0x6C00] =	vst.msk vm2, v11  }
0xc6: {  	[tilespmem:s1+$0x6C00] =	vst v3  }
0xc7: {  	[tilespmem:s1+$0x6C10] =	vst v3  }
0xc8: {  	v10 =	vld [tilespmem:$0x5E00];
	_ =	sdelay $0x4  }
0xc9: {  	v11 =	vshll.u32 v10, $0x1  }
0xca: {  	v12 =	vand.u32 $0x7, v10;
	v11 =	vand.u32 $0xFFFFFFF0, v11  }
0xcb: {  	v11 =	vor.u32 v12, v11  }
0xcc: {  	v12 =	vperm.xlane v11, v6;
	_ =	sdelay $0x1  }
0xcd: {  	v11 =	vperm.xlane v11, v8;
	v12 =	vadd.s32 v7, v12;
	_ =	sdelay $0x1  }
0xce: {  	v11 =	vadd.s32 v7, v11;
	_ =	sdelay $0x1  }
0xcf: {  	s9 =	simm.s32 $0x0;
	s14 =	simm.s32 $0x7300;
	[tilespmem:$0xBB00] =	vst v10  }
0xd0: {  	[tilespmem:s14], [sflag:$0x1] =	stream.indirect_vreg.gather [hbm4b:s10+s9], $0x80, v12, vm1, $0xb8;
	[tilespmem:$0x1FE80] =	vst v63  }
0xd1: {  	[dreg:$0x12] =	wrdreg s15;
	s15 =	simm.s32 $0x7B00  }
0xd2: {  	[tilespmem:s15], [sflag:$0x1] =	stream.indirect_vreg.gather [hbm4b:s10+s9], $0x80, v11, vm1, $0xb8;
	[tilespmem:$0x1FE80] =	vst v63  }
0xd3: {  	v10 =	vld [tilespmem:$0x5E10];
	_ =	sdelay $0x2  }
0xd4: {  	s1 =	sadd.s32 $0xF, s1  }
0xd5: {  	s23 =	sand.u32 $0xF, s1  }
0xd6: {  	s25 =	sshra.s32 s1, $0x1F;
	p2 =	slt.s32 s1, $0x1;
	p3 =	sne.s32 s23, $0x0;
	v11 =	vshll.u32 v10, $0x1  }
0xd7: {  	s26 =	sshrl.u32 s25, $0x1C;
	p2 =	por !p2, !p3;
	v63 =	vand.u32 $0x7, v10;
	v11 =	vand.u32 $0xFFFFFFF0, v11  }
0xd8: {  	s2 =	simm.s32 $0x1;
	s1 =	sadd.s32 s26, s1;
	p2 =	por !p2, !p2;
	v11 =	vor.u32 v63, v11  }
0xd9: {  	s1 =	sshra.s32 s1, $0x4;
	s2 =	simm.s32 @!p2 $0x0;
	v12 =	vperm.xlane v11, v6  }
0xda: {  	s1 =	ssub.s32 s1, s2  }
0xdb: {  	s2 =	sadd.s32 $0x1, s1;
	v11 =	vperm.xlane v11, v8;
	v12 =	vadd.s32 v7, v12  }
0xdc: {  	s28 =	sand.u32 $0x1, s2  }
0xdd: {  	p5 =	slt.s32 s1, $0x0;
	p6 =	seq.s32 s28, $0x1;
	v11 =	vadd.s32 v7, v11  }
0xde: {  	s16 =	simm.s32 $0x8300;
	s29 =	sshrl.u32 s2, $0x1F;
	p2 =	por !p5, !p6  }
0xdf: {  	s1 =	sadd.s32 s29, s2;
	s2 =	simm.s32 $0x1;
	p2 =	por !p2, !p2;
	[tilespmem:$0xBB80] =	vst v10  }
0xe0: {  	[tilespmem:s16], [sflag:$0x2] =	stream.indirect_vreg.gather [hbm4b:s10+s9], $0x80, v12, vm1, $0xb8;
	[tilespmem:$0x1FE80] =	vst v63  }
0xe1: {  	s22 =	simm.s32 $0x8B00;
	s1 =	sshra.s32 s1, $0x1;
	s2 =	simm.s32 @!p2 $0x0  }
0xe2: {  	[tilespmem:s22], [sflag:$0x2] =	stream.indirect_vreg.gather [hbm4b:s10+s9], $0x80, v11, vm1, $0xb8;
	[tilespmem:$0x1FE80] =	vst v63  }
0xe3: {  	s22 =	ssub.s32 s1, s2  }
0xe4: {  	p2 =	sgt.s32 s22, $0x0  }
.Ltmp9:
0xe5: {  	_ = 	snop;
	(pc) =	sbr.rel @!p2 .LBB2_22-.Ltmp9, $2  }
0xe6: {  	_ =	sdelay $0x2  }
0xe7: {  	s6 =	simm.s32 $0x0;
	s7 =	simm.s32 $0x0;
	s23 =	simm.s32 $0x10  }
.LBB2_17:
0xe8: {  	v10 =	vmov s6  }
0xe9: {  	_ =	swait.ge [sflag:s30], $0x1000  }
0xea: {  	s1 =	sand.u32 $0x800, s9;
	s2 =	sand.u32 $0x380, s9;
	[sflag:s30] =	ssyncset.done $0x0  }
0xeb: {  	s1 =	sor.u32 s2, s1;
	[sflag:s30] =	ssyncadd.s32 $0xFFFFF000  }
0xec: {  	v11 =	vld [tilespmem:s1+$0x7300]  }
0xed: {  	v10 =	vld.idx.msk [tilespmem:v10+s31+$0x0], $0xffff;
	_ =	sdelay $0x4  }
0xee: {  	v11 =	vmul.f32 v11, v10  }
0xef: {  	s29 =	simm.s32 $0x9340  }
0xf0: {  	[tilespmem:s29+$0xFFFFFFC0] =	vst v11  }
0xf1: {  	v11 =	vld [tilespmem:s1+$0x7700];
	_ =	sdelay $0x4  }
0xf2: {  	v11 =	vmul.f32 v11, v10  }
0xf3: {  	s25 =	simm.s32 $0x9B40  }
0xf4: {  	[tilespmem:s25+$0xFFFFFFC0] =	vst v11  }
0xf5: {  	v11 =	vld [tilespmem:s1+$0x7310];
	_ =	sdelay $0x4  }
0xf6: {  	v11 =	vmul.f32 v11, v10;
	_ =	sdelay $0x1  }
0xf7: {  	[tilespmem:s29+$0xFFFFFFD0] =	vst v11  }
0xf8: {  	v11 =	vld [tilespmem:s1+$0x7710];
	_ =	sdelay $0x4  }
0xf9: {  	v11 =	vmul.f32 v11, v10;
	_ =	sdelay $0x1  }
0xfa: {  	[tilespmem:s25+$0xFFFFFFD0] =	vst v11  }
0xfb: {  	v11 =	vld [tilespmem:s1+$0x7320];
	_ =	sdelay $0x4  }
0xfc: {  	v11 =	vmul.f32 v11, v10;
	_ =	sdelay $0x1  }
0xfd: {  	[tilespmem:s29+$0xFFFFFFE0] =	vst v11  }
0xfe: {  	v11 =	vld [tilespmem:s1+$0x7720];
	_ =	sdelay $0x4  }
0xff: {  	v11 =	vmul.f32 v11, v10;
	_ =	sdelay $0x1  }
0x100: {  	[tilespmem:s25+$0xFFFFFFE0] =	vst v11  }
0x101: {  	v11 =	vld [tilespmem:s1+$0x7330];
	_ =	sdelay $0x4  }
0x102: {  	v11 =	vmul.f32 v11, v10;
	_ =	sdelay $0x1  }
0x103: {  	[tilespmem:s29+$0xFFFFFFF0] =	vst v11  }
0x104: {  	v11 =	vld [tilespmem:s1+$0x7730];
	_ =	sdelay $0x4  }
0x105: {  	v11 =	vmul.f32 v11, v10;
	_ =	sdelay $0x1  }
0x106: {  	[tilespmem:s25+$0xFFFFFFF0] =	vst v11  }
0x107: {  	v11 =	vld [tilespmem:s1+$0x7340];
	_ =	sdelay $0x4  }
0x108: {  	v11 =	vmul.f32 v11, v10;
	_ =	sdelay $0x1  }
0x109: {  	[tilespmem:s29+$0x0] =	vst v11  }
0x10a: {  	v11 =	vld [tilespmem:s1+$0x7740];
	_ =	sdelay $0x4  }
0x10b: {  	v11 =	vmul.f32 v11, v10;
	_ =	sdelay $0x1  }
0x10c: {  	[tilespmem:s25+$0x0] =	vst v11  }
0x10d: {  	v11 =	vld [tilespmem:s1+$0x7350];
	_ =	sdelay $0x4  }
0x10e: {  	v11 =	vmul.f32 v11, v10;
	_ =	sdelay $0x1  }
0x10f: {  	[tilespmem:s29+$0x10] =	vst v11  }
0x110: {  	v11 =	vld [tilespmem:s1+$0x7750];
	_ =	sdelay $0x4  }
0x111: {  	v11 =	vmul.f32 v11, v10;
	_ =	sdelay $0x1  }
0x112: {  	[tilespmem:s25+$0x10] =	vst v11  }
0x113: {  	v11 =	vld [tilespmem:s1+$0x7360];
	_ =	sdelay $0x4  }
0x114: {  	v11 =	vmul.f32 v11, v10;
	_ =	sdelay $0x1  }
0x115: {  	[tilespmem:s29+$0x20] =	vst v11  }
0x116: {  	v11 =	vld [tilespmem:s1+$0x7760];
	_ =	sdelay $0x4  }
0x117: {  	v11 =	vmul.f32 v11, v10;
	_ =	sdelay $0x1  }
0x118: {  	[tilespmem:s25+$0x20] =	vst v11  }
0x119: {  	v11 =	vld [tilespmem:s1+$0x7370];
	_ =	sdelay $0x4  }
0x11a: {  	v11 =	vmul.f32 v11, v10;
	_ =	sdelay $0x1  }
0x11b: {  	[tilespmem:s29+$0x30] =	vst v11  }
0x11c: {  	v12 =	vld [tilespmem:s1+$0x7770];
	_ =	sdelay $0x1  }
0x11d: {  	s28 =	sadd.s32 $0x1, s6  }
0x11e: {  	v11 =	vmov s28  }
0x11f: {  	s26 =	simm.s32 $0x100;
	s11 =	simm.s32 $0x80  }
0x120: {  	s13 =	simm.s32 $0x93C0;
	s12 =	simm.s32 $0x9BC0;
	s1 =	simm.s32 $0x200;
	v10 =	vmul.f32 v12, v10  }
.LBB2_18:
0x121: {  	s2 =	sand.u32 $0x800, s26;
	s29 =	sand.u32 $0x380, s11  }
0x122: {  	[tilespmem:s25+$0x30] =	vst v10;
	s26 =	smov.u32 s1;
	s14 =	sadd.s32 $0x100, s1;
	s25 =	smov.u32 s12  }
0x123: {  	p2 =	sne.s32 s1, $0xF00;
	v10 =	vld.idx.msk [tilespmem:v11+s31+$0x0], $0xffff;
	s1 =	sor.u32 s29, s2  }
0x124: {  	v11 =	vld [tilespmem:s1+$0x7300];
	_ =	sdelay $0x4  }
0x125: {  	v11 =	vmul.f32 v11, v10;
	_ =	sdelay $0x1  }
0x126: {  	[tilespmem:s13+$0xFFFFFFC0] =	vst v11  }
0x127: {  	v11 =	vld [tilespmem:s1+$0x7700];
	_ =	sdelay $0x4  }
0x128: {  	v11 =	vmul.f32 v11, v10;
	_ =	sdelay $0x1  }
0x129: {  	[tilespmem:s12+$0xFFFFFFC0] =	vst v11  }
0x12a: {  	v11 =	vld [tilespmem:s1+$0x7310];
	_ =	sdelay $0x4  }
0x12b: {  	v11 =	vmul.f32 v11, v10;
	_ =	sdelay $0x1  }
0x12c: {  	[tilespmem:s13+$0xFFFFFFD0] =	vst v11  }
0x12d: {  	v11 =	vld [tilespmem:s1+$0x7710];
	_ =	sdelay $0x4  }
0x12e: {  	v11 =	vmul.f32 v11, v10;
	_ =	sdelay $0x1  }
0x12f: {  	[tilespmem:s12+$0xFFFFFFD0] =	vst v11  }
0x130: {  	v11 =	vld [tilespmem:s1+$0x7320];
	_ =	sdelay $0x4  }
0x131: {  	v11 =	vmul.f32 v11, v10;
	_ =	sdelay $0x1  }
0x132: {  	[tilespmem:s13+$0xFFFFFFE0] =	vst v11  }
0x133: {  	v11 =	vld [tilespmem:s1+$0x7720];
	_ =	sdelay $0x4  }
0x134: {  	v11 =	vmul.f32 v11, v10;
	_ =	sdelay $0x1  }
0x135: {  	[tilespmem:s12+$0xFFFFFFE0] =	vst v11  }
0x136: {  	v11 =	vld [tilespmem:s1+$0x7330];
	_ =	sdelay $0x4  }
0x137: {  	v11 =	vmul.f32 v11, v10;
	_ =	sdelay $0x1  }
0x138: {  	[tilespmem:s13+$0xFFFFFFF0] =	vst v11  }
0x139: {  	v11 =	vld [tilespmem:s1+$0x7730];
	_ =	sdelay $0x4  }
0x13a: {  	v11 =	vmul.f32 v11, v10;
	_ =	sdelay $0x1  }
0x13b: {  	[tilespmem:s12+$0xFFFFFFF0] =	vst v11  }
0x13c: {  	v11 =	vld [tilespmem:s1+$0x7340];
	_ =	sdelay $0x4  }
0x13d: {  	v11 =	vmul.f32 v11, v10;
	_ =	sdelay $0x1  }
0x13e: {  	[tilespmem:s13+$0x0] =	vst v11  }
0x13f: {  	v11 =	vld [tilespmem:s1+$0x7740];
	_ =	sdelay $0x4  }
0x140: {  	v11 =	vmul.f32 v11, v10;
	_ =	sdelay $0x1  }
0x141: {  	[tilespmem:s12+$0x0] =	vst v11  }
0x142: {  	v11 =	vld [tilespmem:s1+$0x7350];
	_ =	sdelay $0x4  }
0x143: {  	v11 =	vmul.f32 v11, v10;
	_ =	sdelay $0x1  }
0x144: {  	[tilespmem:s13+$0x10] =	vst v11  }
0x145: {  	v11 =	vld [tilespmem:s1+$0x7750];
	_ =	sdelay $0x4  }
0x146: {  	v11 =	vmul.f32 v11, v10;
	_ =	sdelay $0x1  }
0x147: {  	[tilespmem:s12+$0x10] =	vst v11  }
0x148: {  	v11 =	vld [tilespmem:s1+$0x7360];
	_ =	sdelay $0x4  }
0x149: {  	v11 =	vmul.f32 v11, v10;
	_ =	sdelay $0x1  }
0x14a: {  	[tilespmem:s13+$0x20] =	vst v11  }
0x14b: {  	v11 =	vld [tilespmem:s1+$0x7760];
	_ =	sdelay $0x4  }
0x14c: {  	v11 =	vmul.f32 v11, v10;
	_ =	sdelay $0x1  }
0x14d: {  	[tilespmem:s12+$0x20] =	vst v11  }
0x14e: {  	v11 =	vld [tilespmem:s1+$0x7370];
	_ =	sdelay $0x4  }
0x14f: {  	v11 =	vmul.f32 v11, v10;
	_ =	sdelay $0x1  }
0x150: {  	[tilespmem:s13+$0x30] =	vst v11  }
0x151: {  	v12 =	vld [tilespmem:s1+$0x7770];
	_ =	sdelay $0x1  }
.Ltmp10:
0x152: {  	s28 =	sadd.s32 $0x1, s28;
	(pc) =	sbr.rel @p2 .LBB2_18-.Ltmp10, $3  }
0x153: {  	v11 =	vmov s28;
	_ =	sdelay $0x1  }
0x154: {  	s11 =	sadd.s32 $0x80, s11;
	v10 =	vmul.f32 v12, v10  }
0x155: {  	s12 =	sadd.s32 $0x80, s12;
	s13 =	sadd.s32 $0x80, s13;
	s1 =	smov.u32 s14  }
0x156: {  	_ =	sdelay $0x2  }
0x157: {  	s1 =	sand.u32 $0x800, s26;
	s2 =	sand.u32 $0x380, s11;
	[tilespmem:s25+$0x30] =	vst v10  }
0x158: {  	v10 =	vld.idx.msk [tilespmem:v11+s31+$0x0], $0xffff;
	s1 =	sor.u32 s2, s1  }
0x159: {  	v11 =	vld [tilespmem:s1+$0x7300];
	_ =	sdelay $0x4  }
0x15a: {  	v11 =	vmul.f32 v11, v10;
	_ =	sdelay $0x1  }
0x15b: {  	[tilespmem:s13+$0xFFFFFFC0] =	vst v11  }
0x15c: {  	v11 =	vld [tilespmem:s1+$0x7700];
	_ =	sdelay $0x4  }
0x15d: {  	v11 =	vmul.f32 v11, v10;
	_ =	sdelay $0x1  }
0x15e: {  	[tilespmem:s12+$0xFFFFFFC0] =	vst v11  }
0x15f: {  	v11 =	vld [tilespmem:s1+$0x7310];
	_ =	sdelay $0x4  }
0x160: {  	v11 =	vmul.f32 v11, v10;
	_ =	sdelay $0x1  }
0x161: {  	[tilespmem:s13+$0xFFFFFFD0] =	vst v11  }
0x162: {  	v11 =	vld [tilespmem:s1+$0x7710];
	_ =	sdelay $0x4  }
0x163: {  	v11 =	vmul.f32 v11, v10;
	_ =	sdelay $0x1  }
0x164: {  	[tilespmem:s12+$0xFFFFFFD0] =	vst v11  }
0x165: {  	v11 =	vld [tilespmem:s1+$0x7320];
	_ =	sdelay $0x4  }
0x166: {  	v11 =	vmul.f32 v11, v10;
	_ =	sdelay $0x1  }
0x167: {  	[tilespmem:s13+$0xFFFFFFE0] =	vst v11  }
0x168: {  	v11 =	vld [tilespmem:s1+$0x7720];
	_ =	sdelay $0x4  }
0x169: {  	v11 =	vmul.f32 v11, v10;
	_ =	sdelay $0x1  }
0x16a: {  	[tilespmem:s12+$0xFFFFFFE0] =	vst v11  }
0x16b: {  	v11 =	vld [tilespmem:s1+$0x7330];
	_ =	sdelay $0x4  }
0x16c: {  	v11 =	vmul.f32 v11, v10;
	_ =	sdelay $0x1  }
0x16d: {  	[tilespmem:s13+$0xFFFFFFF0] =	vst v11  }
0x16e: {  	v11 =	vld [tilespmem:s1+$0x7730];
	_ =	sdelay $0x4  }
0x16f: {  	v11 =	vmul.f32 v11, v10;
	_ =	sdelay $0x1  }
0x170: {  	[tilespmem:s12+$0xFFFFFFF0] =	vst v11  }
0x171: {  	v11 =	vld [tilespmem:s1+$0x7340];
	_ =	sdelay $0x4  }
0x172: {  	v11 =	vmul.f32 v11, v10;
	_ =	sdelay $0x1  }
0x173: {  	[tilespmem:s13+$0x0] =	vst v11  }
0x174: {  	v11 =	vld [tilespmem:s1+$0x7740];
	_ =	sdelay $0x4  }
0x175: {  	v11 =	vmul.f32 v11, v10;
	_ =	sdelay $0x1  }
0x176: {  	[tilespmem:s12+$0x0] =	vst v11  }
0x177: {  	v11 =	vld [tilespmem:s1+$0x7350];
	_ =	sdelay $0x4  }
0x178: {  	v11 =	vmul.f32 v11, v10;
	_ =	sdelay $0x1  }
0x179: {  	[tilespmem:s13+$0x10] =	vst v11  }
0x17a: {  	v11 =	vld [tilespmem:s1+$0x7750];
	_ =	sdelay $0x4  }
0x17b: {  	v11 =	vmul.f32 v11, v10;
	_ =	sdelay $0x1  }
0x17c: {  	[tilespmem:s12+$0x10] =	vst v11  }
0x17d: {  	v11 =	vld [tilespmem:s1+$0x7360];
	_ =	sdelay $0x4  }
0x17e: {  	v11 =	vmul.f32 v11, v10;
	_ =	sdelay $0x1  }
0x17f: {  	[tilespmem:s13+$0x20] =	vst v11  }
0x180: {  	v11 =	vld [tilespmem:s1+$0x7760];
	_ =	sdelay $0x4  }
0x181: {  	v11 =	vmul.f32 v11, v10;
	_ =	sdelay $0x1  }
0x182: {  	[tilespmem:s12+$0x20] =	vst v11  }
0x183: {  	v11 =	vld [tilespmem:s1+$0x7370];
	_ =	sdelay $0x4  }
0x184: {  	v11 =	vmul.f32 v11, v10;
	_ =	sdelay $0x1  }
0x185: {  	[tilespmem:s13+$0x30] =	vst v11  }
0x186: {  	v11 =	vld [tilespmem:s1+$0x7770];
	_ =	sdelay $0x4  }
0x187: {  	v10 =	vmul.f32 v11, v10  }
0x188: {  	s13 =	sshll.u32 s7, $0x7  }
0x189: {  	[tilespmem:s12+$0x30] =	vst v10;
	s12 =	sshra.s32 s13, $0x2  }
0x18a: {  	v10 =	vld [tilespmem:s12+$0x6500];
	_ =	sdelay $0x4  }
0x18b: {  	[tilespmem:$0xBC00] =	vst v10  }
0x18c: {  	[spmem:s17] =	stream.indirect.scatter.add.f32 [tilespmem:s21], [sflag:$0x3], $0x80, s5, s0, $0xb8;
	[tilespmem:$0x1FE80] =	vst v63  }
0x18d: {  	_ =	swait.ge [sflag:s19], $0x800  }
0x18e: {  	[sflag:s19] =	ssyncset.done $0x0  }
0x18f: {  	[sflag:s19] =	ssyncadd.s32 $0xFFFFF800  }
0x190: {  	[spmem:s18] =	stream.indirect.scatter.add.f32 [tilespmem:s3], [sflag:$0x3], $0x80, s5, s0, $0xb8;
	[tilespmem:$0x1FE80] =	vst v63  }
0x191: {  	_ =	swait.ge [sflag:s19], $0x800  }
0x192: {  	[sflag:s19] =	ssyncset.done $0x0  }
0x193: {  	[sflag:s19] =	ssyncadd.s32 $0xFFFFF800  }
0x194: {  	v10 =	vld [tilespmem:s12+$0x5E20];
	_ =	sdelay $0x4  }
0x195: {  	v11 =	vshll.u32 v10, $0x1  }
0x196: {  	v12 =	vand.u32 $0x7, v10;
	v11 =	vand.u32 $0xFFFFFFF0, v11  }
0x197: {  	v11 =	vor.u32 v12, v11  }
0x198: {  	v12 =	vperm.xlane v11, v6;
	_ =	sdelay $0x1  }
0x199: {  	v11 =	vperm.xlane v11, v8;
	v12 =	vadd.s32 v7, v12;
	_ =	sdelay $0x1  }
0x19a: {  	v11 =	vadd.s32 v7, v11;
	_ =	sdelay $0x1  }
0x19b: {  	s15 =	smov.u32 s17;
	s14 =	simm.s32 $0x0;
	s17 =	simm.s32 $0x7300;
	[tilespmem:$0xBB00] =	vst v10  }
0x19c: {  	[tilespmem:s17], [sflag:$0x1] =	stream.indirect_vreg.gather [hbm4b:s10+s14], $0x80, v12, vm1, $0xb8;
	[tilespmem:$0x1FE80] =	vst v63  }
0x19d: {  	s16 =	smov.u32 s18;
	s18 =	simm.s32 $0x7B00;
	v10 =	vmov s23  }
0x19e: {  	[tilespmem:s18], [sflag:$0x1] =	stream.indirect_vreg.gather [hbm4b:s10+s14], $0x80, v11, vm1, $0xb8;
	[tilespmem:$0x1FE80] =	vst v63  }
0x19f: {  	_ =	swait.ge [sflag:s8], $0x1000  }
0x1a0: {  	[sflag:s8] =	ssyncset.done $0x0  }
0x1a1: {  	s25 =	sand.u32 $0x800, s14;
	s1 =	sand.u32 $0x380, s14;
	[sflag:s8] =	ssyncadd.s32 $0xFFFFF000  }
0x1a2: {  	s1 =	sor.u32 s1, s25;
	v10 =	vld.idx.msk [tilespmem:v10+s31+$0x0], $0xffff  }
0x1a3: {  	v11 =	vld [tilespmem:s1+$0x8300];
	_ =	sdelay $0x4  }
0x1a4: {  	v11 =	vmul.f32 v11, v10  }
0x1a5: {  	s26 =	simm.s32 $0x9340  }
0x1a6: {  	[tilespmem:s26+$0xFFFFFFC0] =	vst v11  }
0x1a7: {  	v11 =	vld [tilespmem:s1+$0x8700];
	_ =	sdelay $0x4  }
0x1a8: {  	v11 =	vmul.f32 v11, v10  }
0x1a9: {  	s28 =	simm.s32 $0x9B40  }
0x1aa: {  	[tilespmem:s28+$0xFFFFFFC0] =	vst v11  }
0x1ab: {  	v11 =	vld [tilespmem:s1+$0x8310];
	_ =	sdelay $0x4  }
0x1ac: {  	v11 =	vmul.f32 v11, v10;
	_ =	sdelay $0x1  }
0x1ad: {  	[tilespmem:s26+$0xFFFFFFD0] =	vst v11  }
0x1ae: {  	v11 =	vld [tilespmem:s1+$0x8710];
	_ =	sdelay $0x4  }
0x1af: {  	v11 =	vmul.f32 v11, v10;
	_ =	sdelay $0x1  }
0x1b0: {  	[tilespmem:s28+$0xFFFFFFD0] =	vst v11  }
0x1b1: {  	v11 =	vld [tilespmem:s1+$0x8320];
	_ =	sdelay $0x4  }
0x1b2: {  	v11 =	vmul.f32 v11, v10;
	_ =	sdelay $0x1  }
0x1b3: {  	[tilespmem:s26+$0xFFFFFFE0] =	vst v11  }
0x1b4: {  	v11 =	vld [tilespmem:s1+$0x8720];
	_ =	sdelay $0x4  }
0x1b5: {  	v11 =	vmul.f32 v11, v10;
	_ =	sdelay $0x1  }
0x1b6: {  	[tilespmem:s28+$0xFFFFFFE0] =	vst v11  }
0x1b7: {  	v11 =	vld [tilespmem:s1+$0x8330];
	_ =	sdelay $0x4  }
0x1b8: {  	v11 =	vmul.f32 v11, v10;
	_ =	sdelay $0x1  }
0x1b9: {  	[tilespmem:s26+$0xFFFFFFF0] =	vst v11  }
0x1ba: {  	v11 =	vld [tilespmem:s1+$0x8730];
	_ =	sdelay $0x4  }
0x1bb: {  	v11 =	vmul.f32 v11, v10;
	_ =	sdelay $0x1  }
0x1bc: {  	[tilespmem:s28+$0xFFFFFFF0] =	vst v11  }
0x1bd: {  	v11 =	vld [tilespmem:s1+$0x8340];
	_ =	sdelay $0x4  }
0x1be: {  	v11 =	vmul.f32 v11, v10;
	_ =	sdelay $0x1  }
0x1bf: {  	[tilespmem:s26+$0x0] =	vst v11  }
0x1c0: {  	v11 =	vld [tilespmem:s1+$0x8740];
	_ =	sdelay $0x4  }
0x1c1: {  	v11 =	vmul.f32 v11, v10;
	_ =	sdelay $0x1  }
0x1c2: {  	[tilespmem:s28+$0x0] =	vst v11  }
0x1c3: {  	v11 =	vld [tilespmem:s1+$0x8350];
	_ =	sdelay $0x4  }
0x1c4: {  	v11 =	vmul.f32 v11, v10;
	_ =	sdelay $0x1  }
0x1c5: {  	[tilespmem:s26+$0x10] =	vst v11  }
0x1c6: {  	v11 =	vld [tilespmem:s1+$0x8750];
	_ =	sdelay $0x4  }
0x1c7: {  	v11 =	vmul.f32 v11, v10;
	_ =	sdelay $0x1  }
0x1c8: {  	[tilespmem:s28+$0x10] =	vst v11  }
0x1c9: {  	v11 =	vld [tilespmem:s1+$0x8360];
	_ =	sdelay $0x4  }
0x1ca: {  	v11 =	vmul.f32 v11, v10;
	_ =	sdelay $0x1  }
0x1cb: {  	[tilespmem:s26+$0x20] =	vst v11  }
0x1cc: {  	v11 =	vld [tilespmem:s1+$0x8760];
	_ =	sdelay $0x4  }
0x1cd: {  	v11 =	vmul.f32 v11, v10;
	_ =	sdelay $0x1  }
0x1ce: {  	[tilespmem:s28+$0x20] =	vst v11  }
0x1cf: {  	v11 =	vld [tilespmem:s1+$0x8370];
	_ =	sdelay $0x4  }
0x1d0: {  	v11 =	vmul.f32 v11, v10;
	_ =	sdelay $0x1  }
0x1d1: {  	[tilespmem:s26+$0x30] =	vst v11  }
0x1d2: {  	v63 =	vld [tilespmem:s1+$0x8770];
	_ =	sdelay $0x1  }
0x1d3: {  	s11 =	sadd.s32 $0x1, s23  }
0x1d4: {  	v11 =	vmov s11  }
0x1d5: {  	s29 =	simm.s32 $0x100;
	s2 =	simm.s32 $0x200;
	s25 =	simm.s32 $0x9BC0  }
0x1d6: {  	s13 =	sshllo.u32 s7, $0x1;
	s14 =	simm.s32 $0x80;
	s26 =	simm.s32 $0x93C0;
	v10 =	vmul.f32 v63, v10  }
.LBB2_20:
0x1d7: {  	s17 =	sand.u32 $0x800, s29;
	s18 =	sand.u32 $0x380, s14  }
0x1d8: {  	[tilespmem:s28+$0x30] =	vst v10;
	s29 =	smov.u32 s2;
	s1 =	sadd.s32 $0x100, s2;
	s28 =	smov.u32 s25  }
0x1d9: {  	p2 =	sne.s32 s2, $0xF00;
	v10 =	vld.idx.msk [tilespmem:v11+s31+$0x0], $0xffff;
	s2 =	sor.u32 s18, s17  }
0x1da: {  	v11 =	vld [tilespmem:s2+$0x8300];
	_ =	sdelay $0x4  }
0x1db: {  	v11 =	vmul.f32 v11, v10;
	_ =	sdelay $0x1  }
0x1dc: {  	[tilespmem:s26+$0xFFFFFFC0] =	vst v11  }
0x1dd: {  	v11 =	vld [tilespmem:s2+$0x8700];
	_ =	sdelay $0x4  }
0x1de: {  	v11 =	vmul.f32 v11, v10;
	_ =	sdelay $0x1  }
0x1df: {  	[tilespmem:s25+$0xFFFFFFC0] =	vst v11  }
0x1e0: {  	v11 =	vld [tilespmem:s2+$0x8310];
	_ =	sdelay $0x4  }
0x1e1: {  	v11 =	vmul.f32 v11, v10;
	_ =	sdelay $0x1  }
0x1e2: {  	[tilespmem:s26+$0xFFFFFFD0] =	vst v11  }
0x1e3: {  	v11 =	vld [tilespmem:s2+$0x8710];
	_ =	sdelay $0x4  }
0x1e4: {  	v11 =	vmul.f32 v11, v10;
	_ =	sdelay $0x1  }
0x1e5: {  	[tilespmem:s25+$0xFFFFFFD0] =	vst v11  }
0x1e6: {  	v11 =	vld [tilespmem:s2+$0x8320];
	_ =	sdelay $0x4  }
0x1e7: {  	v11 =	vmul.f32 v11, v10;
	_ =	sdelay $0x1  }
0x1e8: {  	[tilespmem:s26+$0xFFFFFFE0] =	vst v11  }
0x1e9: {  	v11 =	vld [tilespmem:s2+$0x8720];
	_ =	sdelay $0x4  }
0x1ea: {  	v11 =	vmul.f32 v11, v10;
	_ =	sdelay $0x1  }
0x1eb: {  	[tilespmem:s25+$0xFFFFFFE0] =	vst v11  }
0x1ec: {  	v11 =	vld [tilespmem:s2+$0x8330];
	_ =	sdelay $0x4  }
0x1ed: {  	v11 =	vmul.f32 v11, v10;
	_ =	sdelay $0x1  }
0x1ee: {  	[tilespmem:s26+$0xFFFFFFF0] =	vst v11  }
0x1ef: {  	v11 =	vld [tilespmem:s2+$0x8730];
	_ =	sdelay $0x4  }
0x1f0: {  	v11 =	vmul.f32 v11, v10;
	_ =	sdelay $0x1  }
0x1f1: {  	[tilespmem:s25+$0xFFFFFFF0] =	vst v11  }
0x1f2: {  	v11 =	vld [tilespmem:s2+$0x8340];
	_ =	sdelay $0x4  }
0x1f3: {  	v11 =	vmul.f32 v11, v10;
	_ =	sdelay $0x1  }
0x1f4: {  	[tilespmem:s26+$0x0] =	vst v11  }
0x1f5: {  	v11 =	vld [tilespmem:s2+$0x8740];
	_ =	sdelay $0x4  }
0x1f6: {  	v11 =	vmul.f32 v11, v10;
	_ =	sdelay $0x1  }
0x1f7: {  	[tilespmem:s25+$0x0] =	vst v11  }
0x1f8: {  	v11 =	vld [tilespmem:s2+$0x8350];
	_ =	sdelay $0x4  }
0x1f9: {  	v11 =	vmul.f32 v11, v10;
	_ =	sdelay $0x1  }
0x1fa: {  	[tilespmem:s26+$0x10] =	vst v11  }
0x1fb: {  	v11 =	vld [tilespmem:s2+$0x8750];
	_ =	sdelay $0x4  }
0x1fc: {  	v11 =	vmul.f32 v11, v10;
	_ =	sdelay $0x1  }
0x1fd: {  	[tilespmem:s25+$0x10] =	vst v11  }
0x1fe: {  	v11 =	vld [tilespmem:s2+$0x8360];
	_ =	sdelay $0x4  }
0x1ff: {  	v11 =	vmul.f32 v11, v10;
	_ =	sdelay $0x1  }
0x200: {  	[tilespmem:s26+$0x20] =	vst v11  }
0x201: {  	v11 =	vld [tilespmem:s2+$0x8760];
	_ =	sdelay $0x4  }
0x202: {  	v11 =	vmul.f32 v11, v10;
	_ =	sdelay $0x1  }
0x203: {  	[tilespmem:s25+$0x20] =	vst v11  }
0x204: {  	v11 =	vld [tilespmem:s2+$0x8370];
	_ =	sdelay $0x4  }
0x205: {  	v11 =	vmul.f32 v11, v10;
	_ =	sdelay $0x1  }
0x206: {  	[tilespmem:s26+$0x30] =	vst v11  }
0x207: {  	v12 =	vld [tilespmem:s2+$0x8770];
	_ =	sdelay $0x1  }
.Ltmp11:
0x208: {  	s11 =	sadd.s32 $0x1, s11;
	(pc) =	sbr.rel @p2 .LBB2_20-.Ltmp11, $3  }
0x209: {  	v11 =	vmov s11;
	_ =	sdelay $0x1  }
0x20a: {  	s14 =	sadd.s32 $0x80, s14;
	v10 =	vmul.f32 v12, v10  }
0x20b: {  	s25 =	sadd.s32 $0x80, s25;
	s26 =	sadd.s32 $0x80, s26;
	s2 =	smov.u32 s1  }
0x20c: {  	_ =	sdelay $0x2  }
0x20d: {  	s1 =	sand.u32 $0x800, s29;
	s2 =	sand.u32 $0x380, s14;
	[tilespmem:s28+$0x30] =	vst v10  }
0x20e: {  	v10 =	vld.idx.msk [tilespmem:v11+s31+$0x0], $0xffff;
	s1 =	sor.u32 s2, s1  }
0x20f: {  	v11 =	vld [tilespmem:s1+$0x8300];
	_ =	sdelay $0x4  }
0x210: {  	v11 =	vmul.f32 v11, v10;
	_ =	sdelay $0x1  }
0x211: {  	[tilespmem:s26+$0xFFFFFFC0] =	vst v11  }
0x212: {  	v11 =	vld [tilespmem:s1+$0x8700];
	_ =	sdelay $0x4  }
0x213: {  	v11 =	vmul.f32 v11, v10;
	_ =	sdelay $0x1  }
0x214: {  	[tilespmem:s25+$0xFFFFFFC0] =	vst v11  }
0x215: {  	v11 =	vld [tilespmem:s1+$0x8310];
	_ =	sdelay $0x4  }
0x216: {  	v11 =	vmul.f32 v11, v10;
	_ =	sdelay $0x1  }
0x217: {  	[tilespmem:s26+$0xFFFFFFD0] =	vst v11  }
0x218: {  	v11 =	vld [tilespmem:s1+$0x8710];
	_ =	sdelay $0x4  }
0x219: {  	v11 =	vmul.f32 v11, v10;
	_ =	sdelay $0x1  }
0x21a: {  	[tilespmem:s25+$0xFFFFFFD0] =	vst v11  }
0x21b: {  	v11 =	vld [tilespmem:s1+$0x8320];
	_ =	sdelay $0x4  }
0x21c: {  	v11 =	vmul.f32 v11, v10;
	_ =	sdelay $0x1  }
0x21d: {  	[tilespmem:s26+$0xFFFFFFE0] =	vst v11  }
0x21e: {  	v11 =	vld [tilespmem:s1+$0x8720];
	_ =	sdelay $0x4  }
0x21f: {  	v11 =	vmul.f32 v11, v10;
	_ =	sdelay $0x1  }
0x220: {  	[tilespmem:s25+$0xFFFFFFE0] =	vst v11  }
0x221: {  	v11 =	vld [tilespmem:s1+$0x8330];
	_ =	sdelay $0x4  }
0x222: {  	v11 =	vmul.f32 v11, v10;
	_ =	sdelay $0x1  }
0x223: {  	[tilespmem:s26+$0xFFFFFFF0] =	vst v11  }
0x224: {  	v11 =	vld [tilespmem:s1+$0x8730];
	_ =	sdelay $0x4  }
0x225: {  	v11 =	vmul.f32 v11, v10;
	_ =	sdelay $0x1  }
0x226: {  	[tilespmem:s25+$0xFFFFFFF0] =	vst v11  }
0x227: {  	v11 =	vld [tilespmem:s1+$0x8340];
	_ =	sdelay $0x4  }
0x228: {  	v11 =	vmul.f32 v11, v10;
	_ =	sdelay $0x1  }
0x229: {  	[tilespmem:s26+$0x0] =	vst v11  }
0x22a: {  	v11 =	vld [tilespmem:s1+$0x8740];
	_ =	sdelay $0x4  }
0x22b: {  	v11 =	vmul.f32 v11, v10;
	_ =	sdelay $0x1  }
0x22c: {  	[tilespmem:s25+$0x0] =	vst v11  }
0x22d: {  	v11 =	vld [tilespmem:s1+$0x8350];
	_ =	sdelay $0x4  }
0x22e: {  	v11 =	vmul.f32 v11, v10;
	_ =	sdelay $0x1  }
0x22f: {  	[tilespmem:s26+$0x10] =	vst v11  }
0x230: {  	v11 =	vld [tilespmem:s1+$0x8750];
	_ =	sdelay $0x4  }
0x231: {  	v11 =	vmul.f32 v11, v10;
	_ =	sdelay $0x1  }
0x232: {  	[tilespmem:s25+$0x10] =	vst v11  }
0x233: {  	v11 =	vld [tilespmem:s1+$0x8360];
	_ =	sdelay $0x4  }
0x234: {  	v11 =	vmul.f32 v11, v10;
	_ =	sdelay $0x1  }
0x235: {  	[tilespmem:s26+$0x20] =	vst v11  }
0x236: {  	v11 =	vld [tilespmem:s1+$0x8760];
	_ =	sdelay $0x4  }
0x237: {  	v11 =	vmul.f32 v11, v10;
	_ =	sdelay $0x1  }
0x238: {  	[tilespmem:s25+$0x20] =	vst v11  }
0x239: {  	v11 =	vld [tilespmem:s1+$0x8370];
	_ =	sdelay $0x4  }
0x23a: {  	v11 =	vmul.f32 v11, v10;
	_ =	sdelay $0x1  }
0x23b: {  	[tilespmem:s26+$0x30] =	vst v11  }
0x23c: {  	v11 =	vld [tilespmem:s1+$0x8770];
	_ =	sdelay $0x4  }
0x23d: {  	v10 =	vmul.f32 v11, v10  }
0x23e: {  	s26 =	sshll.u32 s13, $0x6  }
0x23f: {  	s1 =	sshra.s32 s26, $0x2;
	[tilespmem:s25+$0x30] =	vst v10  }
0x240: {  	v10 =	vld [tilespmem:s1+$0x6500];
	_ =	sdelay $0x4  }
0x241: {  	[tilespmem:$0xBC00] =	vst v10  }
0x242: {  	[spmem:s15] =	stream.indirect.scatter.add.f32 [tilespmem:s21], [sflag:$0x3], $0x80, s5, s0, $0xb8;
	[tilespmem:$0x1FE80] =	vst v63  }
0x243: {  	_ =	swait.ge [sflag:s19], $0x800  }
0x244: {  	[sflag:s19] =	ssyncset.done $0x0  }
0x245: {  	[sflag:s19] =	ssyncadd.s32 $0xFFFFF800  }
0x246: {  	[spmem:s16] =	stream.indirect.scatter.add.f32 [tilespmem:s3], [sflag:$0x3], $0x80, s5, s0, $0xb8;
	[tilespmem:$0x1FE80] =	vst v63  }
0x247: {  	_ =	swait.ge [sflag:s19], $0x800  }
0x248: {  	[sflag:s19] =	ssyncset.done $0x0  }
0x249: {  	[sflag:s19] =	ssyncadd.s32 $0xFFFFF800  }
0x24a: {  	v10 =	vld [tilespmem:s12+$0x5E30];
	_ =	sdelay $0x4  }
0x24b: {  	v11 =	vshll.u32 v10, $0x1  }
0x24c: {  	v12 =	vand.u32 $0x7, v10;
	v11 =	vand.u32 $0xFFFFFFF0, v11  }
0x24d: {  	v11 =	vor.u32 v12, v11  }
0x24e: {  	v12 =	vperm.xlane v11, v6;
	_ =	sdelay $0x1  }
0x24f: {  	v11 =	vperm.xlane v11, v8;
	v12 =	vadd.s32 v7, v12  }
0x250: {  	s7 =	sadd.s32 $0x1, s7  }
0x251: {  	p2 =	sne.s32 s7, s22;
	v11 =	vadd.s32 v7, v11  }
.Ltmp12:
0x252: {  	s17 =	smov.u32 s15;
	(pc) =	sbr.rel @p2 .LBB2_17-.Ltmp12, $4  }
.Ltmp13:
0x253: {  	s18 =	smov.u32 s16;
	s28 =	simm.s32 $0x8300;
	[tilespmem:$0xBB80] =	vst v10;
	(pc) =	sbr.rel @!p2 .LBB2_22-.Ltmp13, $4  }
0x254: {  	[tilespmem:s28], [sflag:$0x2] =	stream.indirect_vreg.gather [hbm4b:s10+s4], $0x80, v12, vm1, $0xb8;
	[tilespmem:$0x1FE80] =	vst v63  }
0x255: {  	s29 =	simm.s32 $0x8B00;
	s6 =	sadd.s32 $0x20, s6;
	s23 =	sadd.s32 $0x20, s23  }
0x256: {  	[tilespmem:s29], [sflag:$0x2] =	stream.indirect_vreg.gather [hbm4b:s10+s4], $0x80, v11, vm1, $0xb8;
	[tilespmem:$0x1FE80] =	vst v63  }
0x257: {  	_ = 	snop  }
.LBB2_23:
0x258: {  	s1 =	rddreg [dreg:$0x3];
	s2 =	simm.s32 $0x30;
	s6 =	simm.s32 $0xBC80  }
0x259: {  	[spmem:s1] =	stream.indirect.scatter.add.f32 [tilespmem:s24], [sflag:$0x3], $0x80, s6, s2, $0xb8;
	[tilespmem:$0x1FE80] =	vst v63  }
0x25a: {  	_ =	swait.ge [sflag:s19], $0x1800  }
0x25b: {  	[sflag:s19] =	ssyncset.done $0x0  }
0x25c: {  	[sflag:s19] =	ssyncadd.s32 $0xFFFFE800  }
0x25d: {  	[bflag:$0x0] =	sbarrier.arrive $0xFFFF  }
0x25e: {  	[tilespmem:s21], [sflag:$0x3] =	stream.linear.gather [spmem:s12], $0x800, $0x38;
	[tilespmem:$0x1FE80] =	vst v63  }
0x25f: {  	_ =	swait.ge [sflag:s19], $0x800  }
0x260: {  	[sflag:s19] =	ssyncset.done $0x0  }
0x261: {  	s28 =	sadd.s32 $0x0, s13;
	[sflag:s19] =	ssyncadd.s32 $0xFFFFF800  }
0x262: {  	[hbm4b:s28+s4] =	stream.linear.scatter [tilespmem:s21], [sflag:$0x3], $0x800, $0x38;
	[tilespmem:$0x1FE80] =	vst v63  }
0x263: {  	_ =	swait.ge [sflag:s19], $0x800  }
0x264: {  	[sflag:s19] =	ssyncset.done $0x0  }
0x265: {  	[sflag:s19] =	ssyncadd.s32 $0xFFFFF800  }
0x266: {  	[tilespmem:s3], [sflag:$0x3] =	stream.linear.gather [spmem:s11], $0x800, $0x38;
	[tilespmem:$0x1FE80] =	vst v63  }
0x267: {  	_ =	swait.ge [sflag:s19], $0x800  }
0x268: {  	[sflag:s19] =	ssyncset.done $0x0  }
0x269: {  	s29 =	sadd.s32 $0x0, s14;
	[sflag:s19] =	ssyncadd.s32 $0xFFFFF800  }
0x26a: {  	[hbm4b:s29+s4] =	stream.linear.scatter [tilespmem:s3], [sflag:$0x3], $0x800, $0x38;
	[tilespmem:$0x1FE80] =	vst v63  }
0x26b: {  	s1 =	simm.s32 $0x100;
	_ =	swait.ge [sflag:s19], $0x800  }
0x26c: {  	s2 =	smov.u32 s12;
	s6 =	smov.u32 s11;
	[sflag:s19] =	ssyncset.done $0x0  }
.LBB2_24:
0x26d: {  	[sflag:s19] =	ssyncadd.s32 $0xFFFFF800  }
0x26e: {  	s2 =	sadd.s32 $0x800, s2;
	s6 =	sadd.s32 $0x800, s6;
	s7 =	smov.u32 s1  }
0x26f: {  	[tilespmem:s21], [sflag:$0x3] =	stream.linear.gather [spmem:s2], $0x800, $0x38;
	[tilespmem:$0x1FE80] =	vst v63  }
0x270: {  	p2 =	sne.s32 s1, $0x1300;
	s1 =	sadd.s32 $0x100, s1;
	_ =	swait.ge [sflag:s19], $0x800  }
0x271: {  	[sflag:s19] =	ssyncset.done $0x0  }
0x272: {  	s9 =	sadd.s32 s7, s13;
	[sflag:s19] =	ssyncadd.s32 $0xFFFFF800  }
0x273: {  	[hbm4b:s9+s4] =	stream.linear.scatter [tilespmem:s21], [sflag:$0x3], $0x800, $0x38;
	[tilespmem:$0x1FE80] =	vst v63  }
0x274: {  	_ =	swait.ge [sflag:s19], $0x800  }
0x275: {  	[sflag:s19] =	ssyncset.done $0x0  }
0x276: {  	[sflag:s19] =	ssyncadd.s32 $0xFFFFF800  }
0x277: {  	[tilespmem:s3], [sflag:$0x3] =	stream.linear.gather [spmem:s6], $0x800, $0x38;
	[tilespmem:$0x1FE80] =	vst v63  }
0x278: {  	_ =	swait.ge [sflag:s19], $0x800  }
.Ltmp14:
0x279: {  	[sflag:s19] =	ssyncset.done $0x0;
	(pc) =	sbr.rel @p2 .LBB2_24-.Ltmp14, $4  }
0x27a: {  	s7 =	sadd.s32 s7, s14;
	[sflag:s19] =	ssyncadd.s32 $0xFFFFF800  }
0x27b: {  	[hbm4b:s7+s4] =	stream.linear.scatter [tilespmem:s3], [sflag:$0x3], $0x800, $0x38;
	[tilespmem:$0x1FE80] =	vst v63  }
0x27c: {  	_ =	swait.ge [sflag:s19], $0x800  }
0x27d: {  	[sflag:s19] =	ssyncset.done $0x0  }
0x27e: {  	[sflag:s19] =	ssyncadd.s32 $0xFFFFF800;
	s1 =	simm.s32 @!p1 $0x9300;
	s2 =	rddreg [dreg:$0x9]  }
0x27f: {  	[tilespmem:s1], [sflag:$0x3] =	stream.linear.gather @!p1 [spmem:s2], $0x400, $0x38;
	[tilespmem:$0x1FE80] =	vst v63  }
0x280: {  	s2 =	simm.s32 @!p1 $0x3  }
0x281: {  	_ =	swait.ge @!p1 [sflag:s2], $0x400  }
0x282: {  	[sflag:s2] =	ssyncset.done @!p1 $0x0  }
0x283: {  	s6 =	simm.s32 @!p1 $0x0;
	s7 =	rddreg [dreg:$0xb];
	[sflag:s2] =	ssyncadd.s32 @!p1 $0xFFFFFC00  }
0x284: {  	[hbm4b:s7+s6] =	stream.linear.scatter @!p1 [tilespmem:s1], [sflag:$0x3], $0x400, $0x38;
	[tilespmem:$0x1FE80] =	vst v63  }
0x285: {  	_ =	swait.ge @!p1 [sflag:s2], $0x400  }
0x286: {  	s28 =	rddreg [dreg:$0x11]  }
0x287: {  	s29 =	rddreg [dreg:$0xc];
	s6 =	sadd.s32 $0x1, s28  }
0x288: {  	p2 =	sne.s32 s6, s29  }
.Ltmp15:
0x289: {  	_ = 	snop;
	(pc) =	sbr.rel @p2 .LBB2_1-.Ltmp15, $3  }
0x28a: {  	_ =	sdelay $0x1  }
0x28b: {  	[sflag:s2] =	ssyncset.done @!p1 $0x0  }
0x28c: {  	[sflag:s2] =	ssyncadd.s32 @!p1 $0xFFFFFC00  }
0x28d: {  	_ =	sfence.sel $0x180000  }
0x28e: {  	[bflag:$0x0] =	sbarrier.arrive $0xFFFF  }
0x28f: {  	_ =	strace $0x9000004A  }
0x290: {  	s0 =	stileid.u32;
	[bflag:$0x2] =	sbarrier.arrive $0xFFFF  }
0x291: {  	p0 =	sne.s32 s0, $0x0;
	s0 =	rddreg [dreg:$0x4]  }
0x292: {  	s0 =	sadd.s32 @!p0 $0x100000, s0  }
0x293: {  	[sflag:s0] =	ssyncadd.tile.s32 @!p0 $0x1;
	_ =	shalt  }
.Lfunc_end2:
_tile_overlayer_lowered:
.L_overlay_start_2:
0x294: {  	(tag) =	ssettag $0x2  }
0x295: {  	s0 =	rddreg [dreg:$0x0];
	s2 =	stileid.u32  }
0x296: {  	s1 =	rddreg [dreg:$0x1];
	p0 =	sne.s32 s2, $0x0  }
0x297: {  	s3 =	rddreg [dreg:$0x2];
	[bflag:$0x3] =	sbarrier.arrive $0xFFFF;
	s2 =	simm.s32 @!p0 $0x1C03  }
0x298: {  	[timem:s3], [sflag:s2] =	dma.local @!p0 [hbm:s0], s1  }
0x299: {  	s0 =	simm.s32 @!p0 $0x3  }
0x29a: {  	_ =	swait.ge @!p0 [sflag:s0], s1  }
0x29b: {  	s1 =	ssub.s32 @!p0 $0x0, s1;
	[sflag:s0] =	ssyncset.done @!p0 $0x0  }
0x29c: {  	[sflag:s0] =	ssyncadd.s32 @!p0 s1  }
0x29d: {  	[bflag:$0x3] =	sbarrier.arrive $0xFFFF  }
0x29e: {  	_ =	shalt  }

// kernel: kernel.7.cloned.1.call-start
scs
__scs_entry_jumppad:
0x0: {  	(pc) =	sbr.rel $0x88, $3  }
0x1: {  	(tag) =	ssettag $0x0;
	lr =	simm.s32 $0x1  }
0x2: {  	[smem:$0x3F95] =	sst lr;
	_ =	strace $0xD0000000  }
0x3: {  	_ = 	snop  }
0x4: {  	_ = 	snop  }
0x5: {  	_ = 	snop  }
0x6: {  	_ = 	snop  }
0x7: {  	_ = 	snop  }
__scs_overlays_trampoline_lowered:
0x8: {  	[smem:$0x3FA4] =	sst s0  }
0x9: {  	[smem:$0x3FA5] =	sst s1  }
0xa: {  	[smem:$0x3FA6] =	sst s2  }
0xb: {  	[smem:$0x3FA7] =	sst s3  }
0xc: {  	[smem:$0x3FA8] =	sst s4  }
0xd: {  	[smem:$0x3FA9] =	sst s5  }
0xe: {  	[smem:$0x3FAA] =	sst s6  }
0xf: {  	[smem:$0x3FAB] =	sst s7  }
0x10: {  	[smem:$0x3FAC] =	sst s8  }
0x11: {  	[smem:$0x3FAD] =	sst s9;
	s0 =	simm.s32 @!p0 $0x0  }
0x12: {  	s1 =	sld [smem:$0x3F93];
	s0 =	simm.s32 @p0 $0x1  }
0x13: {  	[smem:$0x3FAE] =	sst s0;
	s0 =	simm.s32 @!p1 $0x0  }
0x14: {  	s2 =	sld [smem:$0x3F92];
	s0 =	simm.s32 @p1 $0x1  }
0x15: {  	[smem:$0x3FAF] =	sst s0;
	s0 =	simm.s32 @!p2 $0x0  }
0x16: {  	s3 =	sld [smem:$0x3FDB];
	s0 =	simm.s32 @p2 $0x1  }
0x17: {  	s4 =	simm.s32 $0x1BF5;
	[smem:$0x3FB1] =	sst s0  }
0x18: {  	s0 =	sld [smem:$0x3F94];
	_ =	swait.ge [sflag:s4], $0x0  }
0x19: {  	s7 =	sld [smem:$0x3F95]  }
0x1a: {  	s8 =	sadd.s32 $0xFFFFE003, lr  }
0x1b: {  	s9 =	sadd.s32 $0xFFFFFEF7, lr;
	s5 =	simm.s32 $0xFFFFFFFF;
	p2 =	slt.u32 s8, $0xFFFFF086  }
0x1c: {  	p1 =	slt.u32 s9, $0xF7A;
	s5 =	simm.s32 @!p2 $0x0  }
0x1d: {  	s5 =	simm.s32 @p1 $0x1;
	p0 =	seq.s32 s7, s2  }
0x1e: {  	s7 =	smul.u32 @!p0 $0xF7A, s2;
	p2 =	seq.s32 @!p0 s5, $0x0  }
0x1f: {  	s9 =	smul.u32 $0xF7A, s1;
	s8 =	simm.s32 @!p0 $0x1BF5;
	p2 =	por !p2, p0  }
0x20: {  	[sflag:s8] =	ssyncset.s32 @!p0 $0xFFFFF086;
	s6 =	sadd.s32 @!p0 s3, s7;
	s7 =	simm.s32 @!p0 $0x108  }
0x21: {  	s3 =	sadd.s32 s3, s9;
	s6 =	sadd.s32 @!p0 $0x88, s6;
	s7 =	simm.s32 @p2 $0x1082  }
0x22: {  	[simem:s7], [sflag:s8] =	dma.local @!p0 [hbm:s6], $0xF7A  }
0x23: {  	s9 =	sor.u32 $0xD0000000, s2;
	s6 =	simm.s32 $0x108;
	_ =	swait.ge @!p0 [sflag:s8], $0x0  }
0x24: {  	s3 =	sadd.s32 $0x88, s3;
	s6 =	simm.s32 @!p1 $0x1082;
	[sflag:s4] =	ssyncset.s32 $0xFFFFF086  }
0x25: {  	[simem:s6], [sflag:s4] =	dma.local [hbm:s3], $0xF7A  }
0x26: {  	[smem:$0x3F95] =	sst s1;
	(tag) =	ssettag s2;
	_ =	strace s9  }
0x27: {  	s1 =	sld [smem:$0x3FA5]  }
0x28: {  	s2 =	sld [smem:$0x3FA6]  }
0x29: {  	s4 =	sld [smem:$0x3FA8]  }
0x2a: {  	p0 =	seq.s32 s5, $0x0;
	s5 =	sld [smem:$0x3FA9]  }
0x2b: {  	s6 =	sld [smem:$0x3FAA]  }
0x2c: {  	s7 =	sld [smem:$0x3FAB]  }
0x2d: {  	s3 =	simm.s32 $0x108;
	s8 =	sld [smem:$0x3FAC]  }
0x2e: {  	s3 =	simm.s32 @!p0 $0x1082;
	s9 =	sld [smem:$0x3FAD]  }
0x2f: {  	lr =	sadd.s32 s0, s3;
	s0 =	sld [smem:$0x3FA4]  }
0x30: {  	s3 =	sld [smem:$0x3FA7]  }
0x31: {  	[smem:$0x3FB0] =	sst s10  }
0x32: {  	s10 =	sld [smem:$0x3FAE];
	_ =	sdelay $0x3  }
0x33: {  	p0 =	seq.s32 s10, $0x1;
	s10 =	sld [smem:$0x3FB0];
	_ =	sdelay $0x3  }
0x34: {  	[smem:$0x3FB0] =	sst s10  }
0x35: {  	s10 =	sld [smem:$0x3FAF];
	_ =	sdelay $0x3  }
0x36: {  	p1 =	seq.s32 s10, $0x1;
	s10 =	sld [smem:$0x3FB0];
	_ =	sdelay $0x3  }
0x37: {  	[smem:$0x3FB0] =	sst s10  }
0x38: {  	s10 =	sld [smem:$0x3FB1]  }
0x39: {  	_ = 	snop;
	(pc) =	sbr.ind lr, $3  }
0x3a: {  	_ = 	snop  }
0x3b: {  	_ = 	snop  }
0x3c: {  	p2 =	seq.s32 s10, $0x1;
	s10 =	sld [smem:$0x3FB0]  }
0x3d: {  	_ =	shalt  }
0x3e: {  	_ =	shalt  }
0x3f: {  	_ =	shalt  }
0x40: {  	_ =	shalt  }
0x41: {  	_ =	shalt  }
0x42: {  	_ =	shalt  }
0x43: {  	_ =	shalt  }
0x44: {  	_ =	shalt  }
0x45: {  	_ =	shalt  }
0x46: {  	_ =	shalt  }
0x47: {  	_ =	shalt  }
0x48: {  	_ =	shalt  }
0x49: {  	_ =	shalt  }
0x4a: {  	_ =	shalt  }
0x4b: {  	_ =	shalt  }
0x4c: {  	_ =	shalt  }
0x4d: {  	_ =	shalt  }
0x4e: {  	_ =	shalt  }
0x4f: {  	_ =	shalt  }
0x50: {  	_ =	shalt  }
0x51: {  	_ =	shalt  }
0x52: {  	_ =	shalt  }
0x53: {  	_ =	shalt  }
0x54: {  	_ =	shalt  }
0x55: {  	_ =	shalt  }
0x56: {  	_ =	shalt  }
0x57: {  	_ =	shalt  }
0x58: {  	_ =	shalt  }
0x59: {  	_ =	shalt  }
0x5a: {  	_ =	shalt  }
0x5b: {  	_ =	shalt  }
0x5c: {  	_ =	shalt  }
0x5d: {  	_ =	shalt  }
0x5e: {  	_ =	shalt  }
0x5f: {  	_ =	shalt  }
0x60: {  	_ =	shalt  }
0x61: {  	_ =	shalt  }
0x62: {  	_ =	shalt  }
0x63: {  	_ =	shalt  }
0x64: {  	_ =	shalt  }
0x65: {  	_ =	shalt  }
0x66: {  	_ =	shalt  }
0x67: {  	_ =	shalt  }
0x68: {  	_ =	shalt  }
0x69: {  	_ =	shalt  }
0x6a: {  	_ =	shalt  }
0x6b: {  	_ =	shalt  }
0x6c: {  	_ =	shalt  }
0x6d: {  	_ =	shalt  }
0x6e: {  	_ =	shalt  }
0x6f: {  	_ =	shalt  }
0x70: {  	_ =	shalt  }
0x71: {  	_ =	shalt  }
0x72: {  	_ =	shalt  }
0x73: {  	_ =	shalt  }
0x74: {  	_ =	shalt  }
0x75: {  	_ =	shalt  }
0x76: {  	_ =	shalt  }
0x77: {  	_ =	shalt  }
0x78: {  	_ =	shalt  }
0x79: {  	_ =	shalt  }
0x7a: {  	_ =	shalt  }
0x7b: {  	_ =	shalt  }
0x7c: {  	_ =	shalt  }
0x7d: {  	_ =	shalt  }
0x7e: {  	_ =	shalt  }
0x7f: {  	_ =	shalt  }
0x80: {  	_ =	shalt  }
0x81: {  	_ =	shalt  }
0x82: {  	_ =	shalt  }
0x83: {  	_ =	shalt  }
0x84: {  	_ =	shalt  }
0x85: {  	_ =	shalt  }
0x86: {  	_ =	shalt  }
0x87: {  	_ =	shalt  }
.Lfunc_end0:
.L_simem_size_0:
called_computation_lowered:
.L_overlay_start_0:
0x88: {  	s2 =	sld [smem:$0x3FD9]  }
0x89: {  	s3 =	sld [smem:$0x3FFE];
	_ =	sdelay $0x1  }
0x8a: {  	s1 =	srdreg.scid  }
0x8b: {  	s0 =	sand.u32 $0x1, s1  }
0x8c: {  	s17 =	sshll.u32 s0, $0xA;
	s2 =	sadd.s32 s3, s2  }
0x8d: {  	s2 =	sadd.s32 s2, s17  }
0x8e: {  	[smem:$0x3FBC] =	sst s2  }
0x8f: {  	_ = 	snop  }
0x90: {  	s2 =	sld [smem:$0x3FD0];
	(tm) =	ssettm $0x1  }
0x91: {  	s18 =	sld [smem:$0x3FFB];
	_ =	sdelay $0x3  }
0x92: {  	_ =	strace s18  }
0x93: {  	s3 =	sld [smem:$0x3FFC];
	_ =	sdelay $0x3  }
0x94: {  	_ =	strace s3  }
0x95: {  	s3 =	sld [smem:$0x3FFD];
	_ =	sdelay $0x3  }
0x96: {  	_ =	strace s3  }
0x97: {  	_ =	strace $0x8FFFFFFF  }
0x98: {  	s19 =	sld [smem:$0x3FDB];
	_ =	sdelay $0x1  }
0x99: {  	s4 =	simm.s32 $_scs_section_size  }
0x9a: {  	s5 =	simm.s32 $_size__tile_overlayer_lowered;
	s6 =	simm.s32 $_tile_overlayer_lowered  }
0x9b: {  	s22 =	simm.s32 $0x1BFF;
	s21 =	sshll.u32 s6, $0x1;
	s3 =	sadd.s32 s4, s19  }
0x9c: {  	s7 =	simm.s32 $0x0;
	s20 =	sshll.u32 s5, $0x1;
	s5 =	sadd.s32 s21, s3  }
0x9d: {  	[timem:s7], [sflag:s22] =	dma.local [hbm:s5], s20  }
0x9e: {  	_ =	swait.ge [sflag:s22], s20  }
0x9f: {  	s4 =	ssub.s32 $0x0, s20;
	[sflag:s22] =	ssyncset.done $0x0  }
0xa0: {  	[sflag:s22] =	ssyncadd.s32 s4;
	_ =	sdelay $0x1  }
0xa1: {  	s23 =	simm.s32 $0x1B8B  }
0xa2: {  	_ =	swait.ge [sflag:s23], $0x1  }
0xa3: {  	[sflag:s23] =	ssyncset.done $0x0  }
0xa4: {  	s25 =	simm.s32 $0x1B8E;
	s24 =	sld [smem:$0x3FFE];
	[sflag:s23] =	ssyncadd.s32 $0xFFFFFFFF  }
0xa5: {  	s26 =	simm.s32 $execute0_lowered;
	[smem:$0x3FD2] =	sst s25  }
0xa6: {  	s5 =	sshll.u32 s26, $0x1;
	_ =	strace $0x80000046;
	[dreg:$0x1] =	wrdreg $0xFFFFFFFF  }
0xa7: {  	s28 =	simm.s32 $_size_execute0_lowered;
	s3 =	sadd.s32 s3, s5;
	[dreg:$0x0] =	wrdreg $0x0  }
0xa8: {  	s5 =	sshll.u32 s28, $0x1;
	[dreg:$0x2] =	wrdreg s3  }
0xa9: {  	[dreg:$0x3] =	wrdreg s5  }
0xaa: {  	[dreg:$0x4] =	wrdreg $0xC0  }
0xab: {  	_ =	task [dreg:s7], $0x5FFFF  }
0xac: {  	[dreg:$0x1] =	wrdreg $0xFFFFFFFF  }
0xad: {  	[dreg:$0x0] =	wrdreg $0x60  }
0xae: {  	[dreg:$0x2] =	wrdreg s24  }
0xaf: {  	[dreg:$0x3] =	wrdreg s2  }
0xb0: {  	[dreg:$0x4] =	wrdreg $0xBD000  }
0xb1: {  	[dreg:$0x5] =	wrdreg $0x15D000  }
0xb2: {  	[dreg:$0x6] =	wrdreg $0x1FD000  }
0xb3: {  	[dreg:$0x7] =	wrdreg $0x9  }
0xb4: {  	_ =	task.clear_ibuf [dreg:s7], $0x8FFFF;
	_ =	strace $0x90000046  }
0xb5: {  	s29 =	simm.s32 $0x9;
	_ =	strace $0x80000048  }
0xb6: {  	_ =	swait.ge [sflag:s29], $0x1  }
0xb7: {  	[sflag:s29] =	ssyncadd.s32 $0xFFFFFFFF  }
0xb8: {  	_ =	strace $0x90000048  }
0xb9: {  	_ =	sfence  }
0xba: {  	s30 =	sld [smem:$0x0];
	_ =	sdelay $0x2  }
0xbb: {  	s31 =	sshll.u32 s1, $0xD;
	s1 =	sshrl.u32 s1, $0x2  }
0xbc: {  	s3 =	sand.u32 $0x4000, s31;
	s1 =	sadd.s32 s1, s30  }
0xbd: {  	s0 =	sor.u32 s3, s0;
	s1 =	sshll.u32 s1, $0x11  }
0xbe: {  	s0 =	sor.u32 s1, s0  }
0xbf: {  	s0 =	sadd.s32 $0x8F2B, s0  }
0xc0: {  	[sflag:s0] =	ssyncadd.remote.s32 $0x1  }
0xc1: {  	_ =	sfence.sel $0xFFFF  }
0xc2: {  	[dreg:$0x0] =	wrdreg $0xFFFFFFFF;
	(pc) =	sbr.abs _section_cstart, $3  }
0xc3: {  	[dreg:$0x1] =	wrdreg $0xFFFFFFFF  }
0xc4: {  	_ =	task.clear_ibuf [dreg:s7], $0x2FFFF;
	_ =	strace $0x9FFFFFFF  }
0xc5: {  	(tm) =	ssettm $0x7FFFFFFF  }
tec
execute0_lowered:
.L_overlay_start_1:
0x0: {  	(tag) =	ssettag $0x1  }
0x1: {  	s0 =	rddreg [dreg:$0x0]  }
0x2: {  	s1 =	rddreg [dreg:$0x1]  }
0x3: {  	s17 =	rddreg [dreg:$0x2]  }
0x4: {  	s18 =	rddreg [dreg:$0x3]  }
0x5: {  	s9 =	rddreg [dreg:$0x4];
	s5 =	simm.s32 $0x0  }
0x6: {  	s2 =	srdreg.scid;
	s10 =	stileid.u32;
	s30 =	simm.s32 $0x1  }
0x7: {  	s31 =	simm.s32 $0x6C00;
	[smem:$0x7FF] =	sst s5;
	s2 =	sand.u32 $0x1, s2  }
0x8: {  	s4 =	sadd.s32 $0x6600, s0;
	s6 =	sadd.s32 $0x1600, s0;
	s20 =	sadd.s32 $0xBC00, s0  }
0x9: {  	s21 =	sadd.s32 $0xB600, s0;
	s7 =	sshll.u32 s10, $0xA;
	s8 =	smul.u32 $0x28000, s10  }
0xa: {  	s25 =	smul.u32 $0x1400, s10;
	_ =	strace $0x80000047;
	[dreg:$0x6] =	wrdreg s4  }
0xb: {  	s26 =	smul.u32 $0x2710, s10;
	p0 =	sgt.u32 s10, $0x5;
	[dreg:$0x7] =	wrdreg s6  }
0xc: {  	p1 =	sgt.u32 s10, $0x4;
	s3 =	smul.u32 $0x5, s2;
	[dreg:$0x8] =	wrdreg s20  }
0xd: {  	s19 =	smul.u32 $0x14000, s2;
	[dreg:$0x9] =	wrdreg s21;
	s22 =	ssub.s32 $0x2, s2  }
0xe: {  	s2 =	smul.u32 $0x1400, s2;
	s24 =	sadd.s32 s7, s9;
	s20 =	simm.s32 $0x2800  }
0xf: {  	s21 =	simm.s32 $0x9300;
	s6 =	simm.s32 $0xBC00;
	s9 =	simm.s32 $0x2  }
0x10: {  	s7 =	simm.s32 $0x0;
	s23 =	sshrl.u32 s22, $0x1;
	[dreg:$0xa] =	wrdreg s24  }
0x11: {  	[dreg:$0xb] =	wrdreg s26;
	s28 =	sshrl.u32 s8, $0x2;
	s24 =	simm.s32 $0xA300  }
0x12: {  	s3 =	sadd.s32 s10, s3;
	s4 =	sadd.s32 s19, s0;
	s11 =	sadd.s32 s28, s18  }
0x13: {  	s12 =	sadd.s32 s28, s17;
	s29 =	sadd.s32 s25, s4;
	[dreg:$0xe] =	wrdreg s11  }
0x14: {  	s3 =	sshll.u32 s3, $0x7;
	[dreg:$0xf] =	wrdreg s12;
	s13 =	sadd.s32 $0xC800, s29  }
0x15: {  	v1 =	vimm.s32 $0x0;
	v2 =	vlaneseq.u32;
	v3 =	vimm.f32 $0.0e+00;
	s0 =	sadd.s32 s3, s0;
	s14 =	sadd.s32 $0x34800, s29;
	[dreg:$0x10] =	wrdreg s13  }
0x16: {  	vm0 =	vmxor vm0, vm0;
	vm1 =	vmmov $0xffff;
	v4 =	vor.u32 $0x10, v2;
	s3 =	ssub.s32 s22, s23;
	s0 =	sadd.s32 $0xC200, s0;
	[dreg:$0x11] =	wrdreg s14  }
0x17: {  	v5 =	vor.u32 $0x20, v2;
	v6 =	vand.u32 $0x7, v2;
	v7 =	vshrl.u32 v2, $0x3;
	s19 =	simm.s32 $0x3;
	s3 =	smax.u32 s3, $0x1;
	[dreg:$0xc] =	wrdreg s0  }
0x18: {  	v8 =	vor.u32 $0x8, v2;
	v7 =	vmul.u32 $0x8, v7;
	v0 =	vmov s2;
	s4 =	simm.s32 $0x9B00;
	[dreg:$0xd] =	wrdreg s3;
	s0 =	simm.s32 $0x10  }
.LBB2_1:
0x19: {  	s2 =	rddreg [dreg:$0x8]  }
0x1a: {  	[tilespmem:s5], [sflag:$0x3] =	stream.linear.gather [hbm4b:s2+s5], $0x2800, $0x38;
	[tilespmem:$0x1FE80] =	vst v63  }
0x1b: {  	_ =	swait.ge [sflag:s19], $0x2800  }
0x1c: {  	[sflag:s19] =	ssyncset.done $0x0  }
0x1d: {  	s29 =	rddreg [dreg:$0x9];
	[sflag:s19] =	ssyncadd.s32 $0xFFFFD800  }
0x1e: {  	[tilespmem:s20], [sflag:$0x3] =	stream.linear.gather [hbm4b:s29+s5], $0x2800, $0x38;
	[tilespmem:$0x1FE80] =	vst v63  }
0x1f: {  	_ =	swait.ge [sflag:s19], $0x2800  }
0x20: {  	[sflag:s19] =	ssyncset.done $0x0  }
0x21: {  	s2 =	simm.s32 $0x0;
	[sflag:s19] =	ssyncadd.s32 $0xFFFFD800  }
.LBB2_2:
0x22: {  	p2 =	sne.s32 s2, $0x1B00  }
.Ltmp0:
0x23: {  	_ = 	snop;
	(pc) =	sbr.rel @p2 .LBB2_2-.Ltmp0, $4  }
0x24: {  	s3 =	sshra.s32 s2, $0x2  }
0x25: {  	[tilespmem:s3+$0x5E00] =	vst v1  }
0x26: {  	[tilespmem:s3+$0x6500] =	vst v1  }
0x27: {  	s2 =	sadd.s32 $0x40, s2;
	[tilespmem:s3+$0x6C00] =	vst v3  }
0x28: {  	s2 =	simm.s32 $0x70;
	s3 =	simm.s32 $0x3C0  }
.LBB2_4:
0x29: {  	p2 =	sne.s32 s3, $0x5FC0;
	[tilespmem:s2+$0xA300] =	vst v3  }
0x2a: {  	[tilespmem:s2+$0xA290] =	vst v3  }
0x2b: {  	[tilespmem:s2+$0xA2A0] =	vst v3  }
.Ltmp1:
0x2c: {  	[tilespmem:s2+$0xA2B0] =	vst v3;
	(pc) =	sbr.rel @p2 .LBB2_4-.Ltmp1, $4  }
0x2d: {  	[tilespmem:s2+$0xA2C0] =	vst v3  }
0x2e: {  	[tilespmem:s2+$0xA2D0] =	vst v3  }
0x2f: {  	[tilespmem:s2+$0xA2E0] =	vst v3  }
0x30: {  	[tilespmem:s2+$0xA2F0] =	vst v3;
	s2 =	sshra.s32 s3, $0x2;
	s3 =	sadd.s32 $0x200, s3  }
0x31: {  	[tilespmem:s2+$0xA300] =	vst v3  }
0x32: {  	[tilespmem:s2+$0xA290] =	vst v3  }
0x33: {  	[tilespmem:s2+$0xA2A0] =	vst v3  }
0x34: {  	[tilespmem:s2+$0xA2B0] =	vst v3  }
0x35: {  	[tilespmem:s2+$0xA2C0] =	vst v3  }
0x36: {  	[tilespmem:s2+$0xA2D0] =	vst v3  }
0x37: {  	[tilespmem:s2+$0xA2E0] =	vst v3  }
0x38: {  	[dreg:$0x12] =	wrdreg s7;
	[tilespmem:s2+$0xA2F0] =	vst v3;
	s2 =	simm.s32 $0x0;
	s3 =	simm.s32 $0x200  }
.LBB2_6:
0x39: {  	p2 =	sne.s32 s3, $0x1E00;
	[tilespmem:s2+$0x9370] =	vst v3  }
0x3a: {  	[tilespmem:s2+$0x9300] =	vst v3  }
0x3b: {  	[tilespmem:s2+$0x9310] =	vst v3  }
.Ltmp2:
0x3c: {  	[tilespmem:s2+$0x9320] =	vst v3;
	(pc) =	sbr.rel @p2 .LBB2_6-.Ltmp2, $4  }
0x3d: {  	[tilespmem:s2+$0x9330] =	vst v3  }
0x3e: {  	[tilespmem:s2+$0x9340] =	vst v3  }
0x3f: {  	[tilespmem:s2+$0x9350] =	vst v3  }
0x40: {  	[tilespmem:s2+$0x9360] =	vst v3;
	s2 =	sshra.s32 s3, $0x2;
	s3 =	sadd.s32 $0x200, s3  }
0x41: {  	[tilespmem:s2+$0x9370] =	vst v3  }
0x42: {  	[tilespmem:s2+$0x9300] =	vst v3  }
0x43: {  	[tilespmem:s2+$0x9310] =	vst v3  }
0x44: {  	[tilespmem:s2+$0x9320] =	vst v3  }
0x45: {  	[tilespmem:s2+$0x9330] =	vst v3  }
0x46: {  	[tilespmem:s2+$0x9340] =	vst v3  }
0x47: {  	[tilespmem:s2+$0x9350] =	vst v3  }
0x48: {  	[tilespmem:s2+$0x9360] =	vst v3;
	s28 =	sadd.s32 $0x0, s12  }
0x49: {  	[spmem:s28] =	stream.linear.scatter [tilespmem:s21], [sflag:$0x3], $0x800, $0x38;
	[tilespmem:$0x1FE80] =	vst v63  }
0x4a: {  	_ =	swait.ge [sflag:s19], $0x800  }
0x4b: {  	[sflag:s19] =	ssyncset.done $0x0  }
0x4c: {  	s29 =	sadd.s32 $0x0, s11;
	[sflag:s19] =	ssyncadd.s32 $0xFFFFF800  }
0x4d: {  	[spmem:s29] =	stream.linear.scatter [tilespmem:s21], [sflag:$0x3], $0x800, $0x38;
	[tilespmem:$0x1FE80] =	vst v63  }
0x4e: {  	_ =	swait.ge [sflag:s19], $0x800  }
0x4f: {  	s3 =	simm.s32 $0x4000;
	s2 =	simm.s32 $0x800;
	[sflag:s19] =	ssyncset.done $0x0  }
.LBB2_8:
0x50: {  	s7 =	sadd.s32 s2, s12  }
0x51: {  	[sflag:s19] =	ssyncadd.s32 $0xFFFFF800;
	s8 =	smov.u32 s3;
	s10 =	sadd.s32 $0x2000, s3  }
0x52: {  	[spmem:s7] =	stream.linear.scatter [tilespmem:s21], [sflag:$0x3], $0x800, $0x38;
	[tilespmem:$0x1FE80] =	vst v63  }
0x53: {  	p2 =	sne.s32 s3, $0x26000;
	_ =	swait.ge [sflag:s19], $0x800  }
.Ltmp3:
0x54: {  	[sflag:s19] =	ssyncset.done $0x0;
	(pc) =	sbr.rel @p2 .LBB2_8-.Ltmp3, $4  }
0x55: {  	s2 =	sadd.s32 s2, s11;
	[sflag:s19] =	ssyncadd.s32 $0xFFFFF800  }
0x56: {  	[spmem:s2] =	stream.linear.scatter [tilespmem:s21], [sflag:$0x3], $0x800, $0x38;
	[tilespmem:$0x1FE80] =	vst v63  }
0x57: {  	_ =	swait.ge [sflag:s19], $0x800  }
0x58: {  	s3 =	smov.u32 s10;
	s2 =	sshra.s32 s8, $0x2;
	[sflag:s19] =	ssyncset.done $0x0  }
0x59: {  	s3 =	sadd.s32 s2, s12;
	[sflag:s19] =	ssyncadd.s32 $0xFFFFF800  }
0x5a: {  	[spmem:s3] =	stream.linear.scatter [tilespmem:s21], [sflag:$0x3], $0x800, $0x38;
	[tilespmem:$0x1FE80] =	vst v63  }
0x5b: {  	_ =	swait.ge [sflag:s19], $0x800  }
0x5c: {  	[sflag:s19] =	ssyncset.done $0x0  }
0x5d: {  	s29 =	sadd.s32 s2, s11;
	[sflag:s19] =	ssyncadd.s32 $0xFFFFF800  }
0x5e: {  	[spmem:s29] =	stream.linear.scatter [tilespmem:s21], [sflag:$0x3], $0x800, $0x38;
	[tilespmem:$0x1FE80] =	vst v63  }
0x5f: {  	_ =	swait.ge [sflag:s19], $0x800  }
0x60: {  	[sflag:s19] =	ssyncset.done $0x0  }
0x61: {  	s2 =	simm.s32 @!p0 $0x9300;
	s3 =	rddreg [dreg:$0xa];
	[sflag:s19] =	ssyncadd.s32 $0xFFFFF800  }
0x62: {  	[spmem:s3] =	stream.linear.scatter @!p0 [tilespmem:s2], [sflag:$0x3], $0x400, $0x38;
	[tilespmem:$0x1FE80] =	vst v63  }
0x63: {  	s2 =	simm.s32 @!p0 $0x3  }
0x64: {  	_ =	swait.ge @!p0 [sflag:s2], $0x400  }
0x65: {  	[sflag:s2] =	ssyncset.done @!p0 $0x0  }
0x66: {  	[sflag:s2] =	ssyncadd.s32 @!p0 $0xFFFFFC00  }
0x67: {  	[tilespmem:$0xBC80] =	vst v2  }
0x68: {  	[tilespmem:$0xBC90] =	vst v4  }
0x69: {  	s2 =	simm.s32 $0x0;
	[tilespmem:$0xBCA0] =	vst v5  }
0x6a: {  	v9 =	vimm.f32 $-3.000000010e+38;
	v10 =	vimm.f32 $-3.000000010e+38;
	s3 =	simm.s32 $0x40;
	v11 =	vld [tilespmem:s2+$0x0]  }
.LBB2_10:
0x6b: {  	p2 =	sne.s32 s3, $0x9FC0  }
.Ltmp4:
0x6c: {  	_ = 	snop;
	(pc) =	sbr.rel @p2 .LBB2_10-.Ltmp4, $3  }
0x6d: {  	_ =	sdelay $0x1  }
0x6e: {  	s7 =	sshra.s32 s3, $0x2;
	s3 =	sadd.s32 $0x40, s3;
	v10 =	vmax.f32 v10, v11  }
0x6f: {  	v11 =	vld [tilespmem:s7+$0x0]  }
0x70: {  	_ =	sdelay $0x3  }
0x71: {  	s3 =	simm.s32 $0x40;
	v10 =	vmax.f32 v10, v11;
	v11 =	vld [tilespmem:s2+$0x2800]  }
.LBB2_12:
0x72: {  	p2 =	sne.s32 s3, $0x9FC0  }
.Ltmp5:
0x73: {  	_ = 	snop;
	(pc) =	sbr.rel @p2 .LBB2_12-.Ltmp5, $3  }
0x74: {  	_ =	sdelay $0x1  }
0x75: {  	s2 =	sshra.s32 s3, $0x2;
	s3 =	sadd.s32 $0x40, s3;
	v9 =	vmax.f32 v9, v11  }
0x76: {  	v11 =	vld [tilespmem:s2+$0x2800]  }
0x77: {  	_ =	sdelay $0x3  }
0x78: {  	(xrf0) =	vmax.scan.msk.f32 $0xffff, v10;
	v9 =	vmax.f32 v9, v11  }
0x79: {  	(xrf0) =	vmax.scan.msk.f32 $0xffff, v9;
	_ =	sdelay $0x4  }
0x7a: {  	v9, _, _ =	vpop (xrf0)  }
0x7b: {  	(v2sf) =	vpush v9, $0xF;
	v9, _, _ =	vpop (xrf0)  }
0x7c: {  	(v2sf) =	vpush v9, $0xF;
	_ =	sdelay $0xd  }
0x7d: {  	s2 =	spop (v2sf)  }
.Ltmp6:
0x7e: {  	s3 =	spop (v2sf);
	(pc) =	sbr.rel .LBB2_14-.Ltmp6, $3  }
0x7f: {  	s2 =	sadd.f32 s3, s2;
	_ =	sdelay $0x1  }
0x80: {  	[bflag:$0x0] =	sbarrier.arrive $0xFFFF;
	s2 =	smax.f32 s2, $0.0e+00  }
0x81: {  	s8 =	simm.s32 $0x0;
	s15 =	simm.s32 $0x0;
	v9 =	vmov s2;
	s2 =	simm.s32 $0x0  }
.LBB2_22:
0x82: {  	_ =	swait.ge [sflag:s30], $0x1000  }
0x83: {  	[sflag:s30] =	ssyncset.done $0x0  }
0x84: {  	[sflag:s30] =	ssyncadd.s32 $0xFFFFF000  }
0x85: {  	_ =	swait.ge [sflag:s9], $0x1000  }
0x86: {  	s2 =	rddreg [dreg:$0x14]  }
0x87: {  	s2 =	sadd.s32 $0x1, s2  }
0x88: {  	p2 =	sne.s32 s2, $0x6  }
.Ltmp7:
0x89: {  	s15 =	rddreg [dreg:$0x13];
	(pc) =	sbr.rel @!p2 .LBB2_23-.Ltmp7, $4  }
0x8a: {  	s11 =	rddreg [dreg:$0xe]  }
0x8b: {  	s12 =	rddreg [dreg:$0xf]  }
0x8c: {  	s8 =	simm.s32 $0x0;
	[sflag:s9] =	ssyncset.done $0x0;
	s13 =	rddreg [dreg:$0x10]  }
0x8d: {  	s14 =	rddreg [dreg:$0x11];
	[sflag:s9] =	ssyncadd.s32 $0xFFFFF000;
	s15 =	sadd.s32 $0x690, s15  }
.LBB2_14:
0x8e: {  	s23 =	smul.u32 $0x690, s2  }
0x8f: {  	s3 =	rddreg [dreg:$0xb]  }
0x90: {  	[dreg:$0x14] =	wrdreg s2;
	s2 =	sadd.s32 s3, s23  }
0x91: {  	s25 =	rddreg [dreg:$0x6];
	s2 =	sshrl.u32 s2, $0x3  }
0x92: {  	s7 =	simm.s32 $0x5000;
	s3 =	sadd.s32 s25, s2  }
0x93: {  	[tilespmem:s7], [sflag:$0x3] =	stream.linear.gather [hbm4b:s3+s8], $0x690, $0x38;
	[tilespmem:$0x1FE80] =	vst v63  }
0x94: {  	_ =	swait.ge [sflag:s19], $0x690  }
0x95: {  	[sflag:s19] =	ssyncset.done $0x0;
	s26 =	rddreg [dreg:$0x7]  }
0x96: {  	s28 =	simm.s32 $0x5700;
	[sflag:s19] =	ssyncadd.s32 $0xFFFFF970;
	s2 =	sadd.s32 s26, s2  }
0x97: {  	[tilespmem:s28], [sflag:$0x3] =	stream.linear.gather [hbm4b:s2+s8], $0x690, $0x38;
	[tilespmem:$0x1FE80] =	vst v63  }
0x98: {  	_ =	swait.ge [sflag:s19], $0x690  }
0x99: {  	[sflag:s19] =	ssyncset.done $0x0  }
0x9a: {  	s29 =	simm.s32 $0x0;
	[sflag:s19] =	ssyncadd.s32 $0xFFFFF970  }
0x9b: {  	v12 =	vld [tilespmem:s29+$0x5000]  }
0x9c: {  	v11 =	vld [tilespmem:s29+$0x5700];
	_ =	sdelay $0x6  }
0x9d: {  	p2 =	slt.u32 s15, $0x2710;
	vm2 =	vmmov vm0;
	v10 =	vsub.s32 v11, v0;
	v13 =	vld.idx.msk [tilespmem:v12+s5+$0x0], $0xffff  }
0x9e: {  	vm2 =	vmneg @p2 vm2;
	vm3 =	vlt.u32 v10, $0x1400;
	v14 =	vld.idx.msk [tilespmem:v11+s20+$0x0], $0xffff  }
0x9f: {  	vm2 =	vmand vm2, vm3  }
0xa0: {  	v15 =	vsel vm2, $0x1, v1  }
0xa1: {  	(xrf0) =	vadd.scan.msk.s32 $0xffff, v15;
	_ =	sdelay $0x1  }
0xa2: {  	v13 =	vadd.f32 v14, v13;
	_ =	sdelay $0x1  }
0xa3: {  	v14 =	vmul.f32 $2.000000030e-01, v13  }
0xa4: {  	vm3 =	vgt.f32 v13, $0.0e+00  }
0xa5: {  	v62, _, _ =	vpop (xrf0);
	v13 =	vsel vm3, v13, v14  }
0xa6: {  	(v2sf) =	vpush v62, $0xF;
	v13 =	vsub.f32 v13, v9;
	_ =	sdelay $0x1  }
0xa7: {  	v13 =	vmul.f32 $1.442695020e+00, v13;
	_ =	sdelay $0x1  }
0xa8: {  	(erf) = vpow2.f32 v13;
	_ =	sdelay $0x3  }
0xa9: {  	v63 =	vand.u32 $0xFFFFFF80, v10;
	v11 =	vand.u32 $0x7F, v11  }
0xaa: {  	v13 =	vor.u32 v11, v63;
	_ =	sdelay $0x3  }
0xab: {  	v11 =	vpop (erf)  }
0xac: {  	s3 =	simm.s32 $0x0;
	s7 =	simm.s32 $0x0;
	[tilespmem:v13+s24+$0x0] =	vst.idx.add.f32.msk vm2, v11  }
0xad: {  	s2 =	simm.s32 $0x40;
	s10 =	spop (v2sf);
	[tilespmem:s8+$0x5E00] =	vst.msk vm2, v12;
	s8 =	smov.u32 s15  }
.LBB2_15:
0xae: {  	p2 =	seq.s32 s2, $0x1A00;
	[tilespmem:s3+$0x6500] =	vst.msk vm2, v10;
	s7 =	sadd.s32 s7, s10;
	s8 =	sadd.s32 $0x10, s8  }
0xaf: {  	s10 =	sshra.s32 s2, $0x2;
	s2 =	sadd.s32 $0x40, s2;
	[tilespmem:s3+$0x6C00] =	vst.msk vm2, v11;
	s3 =	smov.u32 s7  }
0xb0: {  	v12 =	vld [tilespmem:s10+$0x5000]  }
0xb1: {  	v11 =	vld [tilespmem:s10+$0x5700];
	_ =	sdelay $0x6  }
0xb2: {  	v13 =	vld.idx.msk [tilespmem:v12+s5+$0x0], $0xffff  }
0xb3: {  	vm3 =	vmmov vm0;
	p3 =	slt.u32 s8, $0x2710;
	v10 =	vsub.s32 v11, v0;
	v14 =	vld.idx.msk [tilespmem:v11+s20+$0x0], $0xffff  }
0xb4: {  	vm3 =	vmneg @p3 vm3;
	vm2 =	vlt.u32 v10, $0x1400;
	v15 =	vand.u32 $0xFFFFFF80, v10  }
0xb5: {  	vm2 =	vmand vm3, vm2  }
0xb6: {  	v16 =	vsel vm2, $0x1, v1  }
0xb7: {  	(xrf0) =	vadd.scan.msk.s32 $0xffff, v16;
	_ =	sdelay $0x1  }
0xb8: {  	v13 =	vadd.f32 v14, v13;
	_ =	sdelay $0x1  }
0xb9: {  	vm3 =	vgt.f32 v13, $0.0e+00;
	v16 =	vmul.f32 $2.000000030e-01, v13;
	_ =	sdelay $0x1  }
0xba: {  	v13 =	vsel vm3, v13, v16;
	v14, _, _ =	vpop (xrf0)  }
0xbb: {  	v13 =	vsub.f32 v13, v9;
	(v2sf) =	vpush v14, $0xF;
	_ =	sdelay $0x1  }
0xbc: {  	v13 =	vmul.f32 $1.442695020e+00, v13;
	_ =	sdelay $0x1  }
0xbd: {  	(erf) = vpow2.f32 v13;
	_ =	sdelay $0x2  }
0xbe: {  	v11 =	vand.u32 $0x7F, v11  }
0xbf: {  	v13 =	vor.u32 v11, v15;
	_ =	sdelay $0x2  }
.Ltmp8:
0xc0: {  	(pc) =	sbr.rel @!p2 .LBB2_15-.Ltmp8, $4  }
0xc1: {  	_ = 	snop  }
0xc2: {  	v11 =	vpop (erf)  }
0xc3: {  	[tilespmem:v13+s24+$0x0] =	vst.idx.add.f32.msk vm2, v11  }
0xc4: {  	[tilespmem:s7+$0x5E00] =	vst.msk vm2, v12;
	s10 =	spop (v2sf)  }
0xc5: {  	[tilespmem:s3+$0x6500] =	vst.msk vm2, v10  }
0xc6: {  	s2 =	sadd.s32 s7, s10;
	[tilespmem:s3+$0x6C00] =	vst.msk vm2, v11  }
0xc7: {  	[tilespmem:s2+$0x6C00] =	vst v3  }
0xc8: {  	[tilespmem:s2+$0x6C10] =	vst v3  }
0xc9: {  	v10 =	vld [tilespmem:$0x5E00];
	_ =	sdelay $0x4  }
0xca: {  	v11 =	vshll.u32 v10, $0x1  }
0xcb: {  	v12 =	vand.u32 $0x7, v10;
	v11 =	vand.u32 $0xFFFFFFF0, v11  }
0xcc: {  	v11 =	vor.u32 v12, v11  }
0xcd: {  	v12 =	vperm.xlane v11, v6;
	_ =	sdelay $0x1  }
0xce: {  	v11 =	vperm.xlane v11, v8;
	v12 =	vadd.s32 v7, v12;
	_ =	sdelay $0x1  }
0xcf: {  	v11 =	vadd.s32 v7, v11;
	_ =	sdelay $0x1  }
0xd0: {  	s10 =	simm.s32 $0x0;
	s14 =	simm.s32 $0x7300;
	[tilespmem:$0xBB00] =	vst v10  }
0xd1: {  	[tilespmem:s14], [sflag:$0x1] =	stream.indirect_vreg.gather [hbm4b:s1+s10], $0x80, v12, vm1, $0xb8;
	[tilespmem:$0x1FE80] =	vst v63  }
0xd2: {  	[dreg:$0x13] =	wrdreg s15;
	s15 =	simm.s32 $0x7B00  }
0xd3: {  	[tilespmem:s15], [sflag:$0x1] =	stream.indirect_vreg.gather [hbm4b:s1+s10], $0x80, v11, vm1, $0xb8;
	[tilespmem:$0x1FE80] =	vst v63  }
0xd4: {  	v10 =	vld [tilespmem:$0x5E10];
	_ =	sdelay $0x2  }
0xd5: {  	s2 =	sadd.s32 $0xF, s2  }
0xd6: {  	s23 =	sand.u32 $0xF, s2  }
0xd7: {  	s25 =	sshra.s32 s2, $0x1F;
	p2 =	slt.s32 s2, $0x1;
	p3 =	sne.s32 s23, $0x0;
	v11 =	vshll.u32 v10, $0x1  }
0xd8: {  	s26 =	sshrl.u32 s25, $0x1C;
	p2 =	por !p2, !p3;
	v63 =	vand.u32 $0x7, v10;
	v11 =	vand.u32 $0xFFFFFFF0, v11  }
0xd9: {  	s3 =	simm.s32 $0x1;
	s2 =	sadd.s32 s26, s2;
	p2 =	por !p2, !p2;
	v11 =	vor.u32 v63, v11  }
0xda: {  	s2 =	sshra.s32 s2, $0x4;
	s3 =	simm.s32 @!p2 $0x0;
	v12 =	vperm.xlane v11, v6  }
0xdb: {  	s2 =	ssub.s32 s2, s3  }
0xdc: {  	s3 =	sadd.s32 $0x1, s2;
	v11 =	vperm.xlane v11, v8;
	v12 =	vadd.s32 v7, v12  }
0xdd: {  	s28 =	sand.u32 $0x1, s3  }
0xde: {  	p5 =	slt.s32 s2, $0x0;
	p6 =	seq.s32 s28, $0x1;
	v11 =	vadd.s32 v7, v11  }
0xdf: {  	s16 =	simm.s32 $0x8300;
	s29 =	sshrl.u32 s3, $0x1F;
	p2 =	por !p5, !p6  }
0xe0: {  	s2 =	sadd.s32 s29, s3;
	s3 =	simm.s32 $0x1;
	p2 =	por !p2, !p2;
	[tilespmem:$0xBB80] =	vst v10  }
0xe1: {  	[tilespmem:s16], [sflag:$0x2] =	stream.indirect_vreg.gather [hbm4b:s1+s10], $0x80, v12, vm1, $0xb8;
	[tilespmem:$0x1FE80] =	vst v63  }
0xe2: {  	s22 =	simm.s32 $0x8B00;
	s2 =	sshra.s32 s2, $0x1;
	s3 =	simm.s32 @!p2 $0x0  }
0xe3: {  	[tilespmem:s22], [sflag:$0x2] =	stream.indirect_vreg.gather [hbm4b:s1+s10], $0x80, v11, vm1, $0xb8;
	[tilespmem:$0x1FE80] =	vst v63  }
0xe4: {  	s22 =	ssub.s32 s2, s3  }
0xe5: {  	p2 =	sgt.s32 s22, $0x0  }
.Ltmp9:
0xe6: {  	_ = 	snop;
	(pc) =	sbr.rel @!p2 .LBB2_22-.Ltmp9, $2  }
0xe7: {  	_ =	sdelay $0x2  }
0xe8: {  	s7 =	simm.s32 $0x0;
	s8 =	simm.s32 $0x0;
	s23 =	simm.s32 $0x10  }
.LBB2_17:
0xe9: {  	v10 =	vmov s7  }
0xea: {  	_ =	swait.ge [sflag:s30], $0x1000  }
0xeb: {  	s2 =	sand.u32 $0x800, s10;
	s3 =	sand.u32 $0x380, s10;
	[sflag:s30] =	ssyncset.done $0x0  }
0xec: {  	s2 =	sor.u32 s3, s2;
	[sflag:s30] =	ssyncadd.s32 $0xFFFFF000  }
0xed: {  	v11 =	vld [tilespmem:s2+$0x7300]  }
0xee: {  	v10 =	vld.idx.msk [tilespmem:v10+s31+$0x0], $0xffff;
	_ =	sdelay $0x4  }
0xef: {  	v11 =	vmul.f32 v11, v10  }
0xf0: {  	s29 =	simm.s32 $0x9340  }
0xf1: {  	[tilespmem:s29+$0xFFFFFFC0] =	vst v11  }
0xf2: {  	v11 =	vld [tilespmem:s2+$0x7700];
	_ =	sdelay $0x4  }
0xf3: {  	v11 =	vmul.f32 v11, v10  }
0xf4: {  	s25 =	simm.s32 $0x9B40  }
0xf5: {  	[tilespmem:s25+$0xFFFFFFC0] =	vst v11  }
0xf6: {  	v11 =	vld [tilespmem:s2+$0x7310];
	_ =	sdelay $0x4  }
0xf7: {  	v11 =	vmul.f32 v11, v10;
	_ =	sdelay $0x1  }
0xf8: {  	[tilespmem:s29+$0xFFFFFFD0] =	vst v11  }
0xf9: {  	v11 =	vld [tilespmem:s2+$0x7710];
	_ =	sdelay $0x4  }
0xfa: {  	v11 =	vmul.f32 v11, v10;
	_ =	sdelay $0x1  }
0xfb: {  	[tilespmem:s25+$0xFFFFFFD0] =	vst v11  }
0xfc: {  	v11 =	vld [tilespmem:s2+$0x7320];
	_ =	sdelay $0x4  }
0xfd: {  	v11 =	vmul.f32 v11, v10;
	_ =	sdelay $0x1  }
0xfe: {  	[tilespmem:s29+$0xFFFFFFE0] =	vst v11  }
0xff: {  	v11 =	vld [tilespmem:s2+$0x7720];
	_ =	sdelay $0x4  }
0x100: {  	v11 =	vmul.f32 v11, v10;
	_ =	sdelay $0x1  }
0x101: {  	[tilespmem:s25+$0xFFFFFFE0] =	vst v11  }
0x102: {  	v11 =	vld [tilespmem:s2+$0x7330];
	_ =	sdelay $0x4  }
0x103: {  	v11 =	vmul.f32 v11, v10;
	_ =	sdelay $0x1  }
0x104: {  	[tilespmem:s29+$0xFFFFFFF0] =	vst v11  }
0x105: {  	v11 =	vld [tilespmem:s2+$0x7730];
	_ =	sdelay $0x4  }
0x106: {  	v11 =	vmul.f32 v11, v10;
	_ =	sdelay $0x1  }
0x107: {  	[tilespmem:s25+$0xFFFFFFF0] =	vst v11  }
0x108: {  	v11 =	vld [tilespmem:s2+$0x7340];
	_ =	sdelay $0x4  }
0x109: {  	v11 =	vmul.f32 v11, v10;
	_ =	sdelay $0x1  }
0x10a: {  	[tilespmem:s29+$0x0] =	vst v11  }
0x10b: {  	v11 =	vld [tilespmem:s2+$0x7740];
	_ =	sdelay $0x4  }
0x10c: {  	v11 =	vmul.f32 v11, v10;
	_ =	sdelay $0x1  }
0x10d: {  	[tilespmem:s25+$0x0] =	vst v11  }
0x10e: {  	v11 =	vld [tilespmem:s2+$0x7350];
	_ =	sdelay $0x4  }
0x10f: {  	v11 =	vmul.f32 v11, v10;
	_ =	sdelay $0x1  }
0x110: {  	[tilespmem:s29+$0x10] =	vst v11  }
0x111: {  	v11 =	vld [tilespmem:s2+$0x7750];
	_ =	sdelay $0x4  }
0x112: {  	v11 =	vmul.f32 v11, v10;
	_ =	sdelay $0x1  }
0x113: {  	[tilespmem:s25+$0x10] =	vst v11  }
0x114: {  	v11 =	vld [tilespmem:s2+$0x7360];
	_ =	sdelay $0x4  }
0x115: {  	v11 =	vmul.f32 v11, v10;
	_ =	sdelay $0x1  }
0x116: {  	[tilespmem:s29+$0x20] =	vst v11  }
0x117: {  	v11 =	vld [tilespmem:s2+$0x7760];
	_ =	sdelay $0x4  }
0x118: {  	v11 =	vmul.f32 v11, v10;
	_ =	sdelay $0x1  }
0x119: {  	[tilespmem:s25+$0x20] =	vst v11  }
0x11a: {  	v11 =	vld [tilespmem:s2+$0x7370];
	_ =	sdelay $0x4  }
0x11b: {  	v11 =	vmul.f32 v11, v10;
	_ =	sdelay $0x1  }
0x11c: {  	[tilespmem:s29+$0x30] =	vst v11  }
0x11d: {  	v12 =	vld [tilespmem:s2+$0x7770];
	_ =	sdelay $0x1  }
0x11e: {  	s28 =	sadd.s32 $0x1, s7  }
0x11f: {  	v11 =	vmov s28  }
0x120: {  	s26 =	simm.s32 $0x100;
	s11 =	simm.s32 $0x80  }
0x121: {  	s13 =	simm.s32 $0x93C0;
	s12 =	simm.s32 $0x9BC0;
	s2 =	simm.s32 $0x200;
	v10 =	vmul.f32 v12, v10  }
.LBB2_18:
0x122: {  	s3 =	sand.u32 $0x800, s26;
	s29 =	sand.u32 $0x380, s11  }
0x123: {  	[tilespmem:s25+$0x30] =	vst v10;
	s26 =	smov.u32 s2;
	s14 =	sadd.s32 $0x100, s2;
	s25 =	smov.u32 s12  }
0x124: {  	p2 =	sne.s32 s2, $0xF00;
	v10 =	vld.idx.msk [tilespmem:v11+s31+$0x0], $0xffff;
	s2 =	sor.u32 s29, s3  }
0x125: {  	v11 =	vld [tilespmem:s2+$0x7300];
	_ =	sdelay $0x4  }
0x126: {  	v11 =	vmul.f32 v11, v10;
	_ =	sdelay $0x1  }
0x127: {  	[tilespmem:s13+$0xFFFFFFC0] =	vst v11  }
0x128: {  	v11 =	vld [tilespmem:s2+$0x7700];
	_ =	sdelay $0x4  }
0x129: {  	v11 =	vmul.f32 v11, v10;
	_ =	sdelay $0x1  }
0x12a: {  	[tilespmem:s12+$0xFFFFFFC0] =	vst v11  }
0x12b: {  	v11 =	vld [tilespmem:s2+$0x7310];
	_ =	sdelay $0x4  }
0x12c: {  	v11 =	vmul.f32 v11, v10;
	_ =	sdelay $0x1  }
0x12d: {  	[tilespmem:s13+$0xFFFFFFD0] =	vst v11  }
0x12e: {  	v11 =	vld [tilespmem:s2+$0x7710];
	_ =	sdelay $0x4  }
0x12f: {  	v11 =	vmul.f32 v11, v10;
	_ =	sdelay $0x1  }
0x130: {  	[tilespmem:s12+$0xFFFFFFD0] =	vst v11  }
0x131: {  	v11 =	vld [tilespmem:s2+$0x7320];
	_ =	sdelay $0x4  }
0x132: {  	v11 =	vmul.f32 v11, v10;
	_ =	sdelay $0x1  }
0x133: {  	[tilespmem:s13+$0xFFFFFFE0] =	vst v11  }
0x134: {  	v11 =	vld [tilespmem:s2+$0x7720];
	_ =	sdelay $0x4  }
0x135: {  	v11 =	vmul.f32 v11, v10;
	_ =	sdelay $0x1  }
0x136: {  	[tilespmem:s12+$0xFFFFFFE0] =	vst v11  }
0x137: {  	v11 =	vld [tilespmem:s2+$0x7330];
	_ =	sdelay $0x4  }
0x138: {  	v11 =	vmul.f32 v11, v10;
	_ =	sdelay $0x1  }
0x139: {  	[tilespmem:s13+$0xFFFFFFF0] =	vst v11  }
0x13a: {  	v11 =	vld [tilespmem:s2+$0x7730];
	_ =	sdelay $0x4  }
0x13b: {  	v11 =	vmul.f32 v11, v10;
	_ =	sdelay $0x1  }
0x13c: {  	[tilespmem:s12+$0xFFFFFFF0] =	vst v11  }
0x13d: {  	v11 =	vld [tilespmem:s2+$0x7340];
	_ =	sdelay $0x4  }
0x13e: {  	v11 =	vmul.f32 v11, v10;
	_ =	sdelay $0x1  }
0x13f: {  	[tilespmem:s13+$0x0] =	vst v11  }
0x140: {  	v11 =	vld [tilespmem:s2+$0x7740];
	_ =	sdelay $0x4  }
0x141: {  	v11 =	vmul.f32 v11, v10;
	_ =	sdelay $0x1  }
0x142: {  	[tilespmem:s12+$0x0] =	vst v11  }
0x143: {  	v11 =	vld [tilespmem:s2+$0x7350];
	_ =	sdelay $0x4  }
0x144: {  	v11 =	vmul.f32 v11, v10;
	_ =	sdelay $0x1  }
0x145: {  	[tilespmem:s13+$0x10] =	vst v11  }
0x146: {  	v11 =	vld [tilespmem:s2+$0x7750];
	_ =	sdelay $0x4  }
0x147: {  	v11 =	vmul.f32 v11, v10;
	_ =	sdelay $0x1  }
0x148: {  	[tilespmem:s12+$0x10] =	vst v11  }
0x149: {  	v11 =	vld [tilespmem:s2+$0x7360];
	_ =	sdelay $0x4  }
0x14a: {  	v11 =	vmul.f32 v11, v10;
	_ =	sdelay $0x1  }
0x14b: {  	[tilespmem:s13+$0x20] =	vst v11  }
0x14c: {  	v11 =	vld [tilespmem:s2+$0x7760];
	_ =	sdelay $0x4  }
0x14d: {  	v11 =	vmul.f32 v11, v10;
	_ =	sdelay $0x1  }
0x14e: {  	[tilespmem:s12+$0x20] =	vst v11  }
0x14f: {  	v11 =	vld [tilespmem:s2+$0x7370];
	_ =	sdelay $0x4  }
0x150: {  	v11 =	vmul.f32 v11, v10;
	_ =	sdelay $0x1  }
0x151: {  	[tilespmem:s13+$0x30] =	vst v11  }
0x152: {  	v12 =	vld [tilespmem:s2+$0x7770];
	_ =	sdelay $0x1  }
.Ltmp10:
0x153: {  	s28 =	sadd.s32 $0x1, s28;
	(pc) =	sbr.rel @p2 .LBB2_18-.Ltmp10, $3  }
0x154: {  	v11 =	vmov s28;
	_ =	sdelay $0x1  }
0x155: {  	s11 =	sadd.s32 $0x80, s11;
	v10 =	vmul.f32 v12, v10  }
0x156: {  	s12 =	sadd.s32 $0x80, s12;
	s13 =	sadd.s32 $0x80, s13;
	s2 =	smov.u32 s14  }
0x157: {  	_ =	sdelay $0x2  }
0x158: {  	s2 =	sand.u32 $0x800, s26;
	s3 =	sand.u32 $0x380, s11;
	[tilespmem:s25+$0x30] =	vst v10  }
0x159: {  	v10 =	vld.idx.msk [tilespmem:v11+s31+$0x0], $0xffff;
	s2 =	sor.u32 s3, s2  }
0x15a: {  	v11 =	vld [tilespmem:s2+$0x7300];
	_ =	sdelay $0x4  }
0x15b: {  	v11 =	vmul.f32 v11, v10;
	_ =	sdelay $0x1  }
0x15c: {  	[tilespmem:s13+$0xFFFFFFC0] =	vst v11  }
0x15d: {  	v11 =	vld [tilespmem:s2+$0x7700];
	_ =	sdelay $0x4  }
0x15e: {  	v11 =	vmul.f32 v11, v10;
	_ =	sdelay $0x1  }
0x15f: {  	[tilespmem:s12+$0xFFFFFFC0] =	vst v11  }
0x160: {  	v11 =	vld [tilespmem:s2+$0x7310];
	_ =	sdelay $0x4  }
0x161: {  	v11 =	vmul.f32 v11, v10;
	_ =	sdelay $0x1  }
0x162: {  	[tilespmem:s13+$0xFFFFFFD0] =	vst v11  }
0x163: {  	v11 =	vld [tilespmem:s2+$0x7710];
	_ =	sdelay $0x4  }
0x164: {  	v11 =	vmul.f32 v11, v10;
	_ =	sdelay $0x1  }
0x165: {  	[tilespmem:s12+$0xFFFFFFD0] =	vst v11  }
0x166: {  	v11 =	vld [tilespmem:s2+$0x7320];
	_ =	sdelay $0x4  }
0x167: {  	v11 =	vmul.f32 v11, v10;
	_ =	sdelay $0x1  }
0x168: {  	[tilespmem:s13+$0xFFFFFFE0] =	vst v11  }
0x169: {  	v11 =	vld [tilespmem:s2+$0x7720];
	_ =	sdelay $0x4  }
0x16a: {  	v11 =	vmul.f32 v11, v10;
	_ =	sdelay $0x1  }
0x16b: {  	[tilespmem:s12+$0xFFFFFFE0] =	vst v11  }
0x16c: {  	v11 =	vld [tilespmem:s2+$0x7330];
	_ =	sdelay $0x4  }
0x16d: {  	v11 =	vmul.f32 v11, v10;
	_ =	sdelay $0x1  }
0x16e: {  	[tilespmem:s13+$0xFFFFFFF0] =	vst v11  }
0x16f: {  	v11 =	vld [tilespmem:s2+$0x7730];
	_ =	sdelay $0x4  }
0x170: {  	v11 =	vmul.f32 v11, v10;
	_ =	sdelay $0x1  }
0x171: {  	[tilespmem:s12+$0xFFFFFFF0] =	vst v11  }
0x172: {  	v11 =	vld [tilespmem:s2+$0x7340];
	_ =	sdelay $0x4  }
0x173: {  	v11 =	vmul.f32 v11, v10;
	_ =	sdelay $0x1  }
0x174: {  	[tilespmem:s13+$0x0] =	vst v11  }
0x175: {  	v11 =	vld [tilespmem:s2+$0x7740];
	_ =	sdelay $0x4  }
0x176: {  	v11 =	vmul.f32 v11, v10;
	_ =	sdelay $0x1  }
0x177: {  	[tilespmem:s12+$0x0] =	vst v11  }
0x178: {  	v11 =	vld [tilespmem:s2+$0x7350];
	_ =	sdelay $0x4  }
0x179: {  	v11 =	vmul.f32 v11, v10;
	_ =	sdelay $0x1  }
0x17a: {  	[tilespmem:s13+$0x10] =	vst v11  }
0x17b: {  	v11 =	vld [tilespmem:s2+$0x7750];
	_ =	sdelay $0x4  }
0x17c: {  	v11 =	vmul.f32 v11, v10;
	_ =	sdelay $0x1  }
0x17d: {  	[tilespmem:s12+$0x10] =	vst v11  }
0x17e: {  	v11 =	vld [tilespmem:s2+$0x7360];
	_ =	sdelay $0x4  }
0x17f: {  	v11 =	vmul.f32 v11, v10;
	_ =	sdelay $0x1  }
0x180: {  	[tilespmem:s13+$0x20] =	vst v11  }
0x181: {  	v11 =	vld [tilespmem:s2+$0x7760];
	_ =	sdelay $0x4  }
0x182: {  	v11 =	vmul.f32 v11, v10;
	_ =	sdelay $0x1  }
0x183: {  	[tilespmem:s12+$0x20] =	vst v11  }
0x184: {  	v11 =	vld [tilespmem:s2+$0x7370];
	_ =	sdelay $0x4  }
0x185: {  	v11 =	vmul.f32 v11, v10;
	_ =	sdelay $0x1  }
0x186: {  	[tilespmem:s13+$0x30] =	vst v11  }
0x187: {  	v11 =	vld [tilespmem:s2+$0x7770];
	_ =	sdelay $0x4  }
0x188: {  	v10 =	vmul.f32 v11, v10  }
0x189: {  	s13 =	sshll.u32 s8, $0x7  }
0x18a: {  	[tilespmem:s12+$0x30] =	vst v10;
	s12 =	sshra.s32 s13, $0x2  }
0x18b: {  	v10 =	vld [tilespmem:s12+$0x6500];
	_ =	sdelay $0x4  }
0x18c: {  	[tilespmem:$0xBC00] =	vst v10  }
0x18d: {  	[spmem:s17] =	stream.indirect.scatter.add.f32 [tilespmem:s21], [sflag:$0x3], $0x80, s6, s0, $0xb8;
	[tilespmem:$0x1FE80] =	vst v63  }
0x18e: {  	_ =	swait.ge [sflag:s19], $0x800  }
0x18f: {  	[sflag:s19] =	ssyncset.done $0x0  }
0x190: {  	[sflag:s19] =	ssyncadd.s32 $0xFFFFF800  }
0x191: {  	[spmem:s18] =	stream.indirect.scatter.add.f32 [tilespmem:s4], [sflag:$0x3], $0x80, s6, s0, $0xb8;
	[tilespmem:$0x1FE80] =	vst v63  }
0x192: {  	_ =	swait.ge [sflag:s19], $0x800  }
0x193: {  	[sflag:s19] =	ssyncset.done $0x0  }
0x194: {  	[sflag:s19] =	ssyncadd.s32 $0xFFFFF800  }
0x195: {  	v10 =	vld [tilespmem:s12+$0x5E20];
	_ =	sdelay $0x4  }
0x196: {  	v11 =	vshll.u32 v10, $0x1  }
0x197: {  	v12 =	vand.u32 $0x7, v10;
	v11 =	vand.u32 $0xFFFFFFF0, v11  }
0x198: {  	v11 =	vor.u32 v12, v11  }
0x199: {  	v12 =	vperm.xlane v11, v6;
	_ =	sdelay $0x1  }
0x19a: {  	v11 =	vperm.xlane v11, v8;
	v12 =	vadd.s32 v7, v12;
	_ =	sdelay $0x1  }
0x19b: {  	v11 =	vadd.s32 v7, v11;
	_ =	sdelay $0x1  }
0x19c: {  	s15 =	smov.u32 s17;
	s14 =	simm.s32 $0x0;
	s17 =	simm.s32 $0x7300;
	[tilespmem:$0xBB00] =	vst v10  }
0x19d: {  	[tilespmem:s17], [sflag:$0x1] =	stream.indirect_vreg.gather [hbm4b:s1+s14], $0x80, v12, vm1, $0xb8;
	[tilespmem:$0x1FE80] =	vst v63  }
0x19e: {  	s16 =	smov.u32 s18;
	s18 =	simm.s32 $0x7B00;
	v10 =	vmov s23  }
0x19f: {  	[tilespmem:s18], [sflag:$0x1] =	stream.indirect_vreg.gather [hbm4b:s1+s14], $0x80, v11, vm1, $0xb8;
	[tilespmem:$0x1FE80] =	vst v63  }
0x1a0: {  	_ =	swait.ge [sflag:s9], $0x1000  }
0x1a1: {  	[sflag:s9] =	ssyncset.done $0x0  }
0x1a2: {  	s25 =	sand.u32 $0x800, s14;
	s2 =	sand.u32 $0x380, s14;
	[sflag:s9] =	ssyncadd.s32 $0xFFFFF000  }
0x1a3: {  	s2 =	sor.u32 s2, s25;
	v10 =	vld.idx.msk [tilespmem:v10+s31+$0x0], $0xffff  }
0x1a4: {  	v11 =	vld [tilespmem:s2+$0x8300];
	_ =	sdelay $0x4  }
0x1a5: {  	v11 =	vmul.f32 v11, v10  }
0x1a6: {  	s26 =	simm.s32 $0x9340  }
0x1a7: {  	[tilespmem:s26+$0xFFFFFFC0] =	vst v11  }
0x1a8: {  	v11 =	vld [tilespmem:s2+$0x8700];
	_ =	sdelay $0x4  }
0x1a9: {  	v11 =	vmul.f32 v11, v10  }
0x1aa: {  	s28 =	simm.s32 $0x9B40  }
0x1ab: {  	[tilespmem:s28+$0xFFFFFFC0] =	vst v11  }
0x1ac: {  	v11 =	vld [tilespmem:s2+$0x8310];
	_ =	sdelay $0x4  }
0x1ad: {  	v11 =	vmul.f32 v11, v10;
	_ =	sdelay $0x1  }
0x1ae: {  	[tilespmem:s26+$0xFFFFFFD0] =	vst v11  }
0x1af: {  	v11 =	vld [tilespmem:s2+$0x8710];
	_ =	sdelay $0x4  }
0x1b0: {  	v11 =	vmul.f32 v11, v10;
	_ =	sdelay $0x1  }
0x1b1: {  	[tilespmem:s28+$0xFFFFFFD0] =	vst v11  }
0x1b2: {  	v11 =	vld [tilespmem:s2+$0x8320];
	_ =	sdelay $0x4  }
0x1b3: {  	v11 =	vmul.f32 v11, v10;
	_ =	sdelay $0x1  }
0x1b4: {  	[tilespmem:s26+$0xFFFFFFE0] =	vst v11  }
0x1b5: {  	v11 =	vld [tilespmem:s2+$0x8720];
	_ =	sdelay $0x4  }
0x1b6: {  	v11 =	vmul.f32 v11, v10;
	_ =	sdelay $0x1  }
0x1b7: {  	[tilespmem:s28+$0xFFFFFFE0] =	vst v11  }
0x1b8: {  	v11 =	vld [tilespmem:s2+$0x8330];
	_ =	sdelay $0x4  }
0x1b9: {  	v11 =	vmul.f32 v11, v10;
	_ =	sdelay $0x1  }
0x1ba: {  	[tilespmem:s26+$0xFFFFFFF0] =	vst v11  }
0x1bb: {  	v11 =	vld [tilespmem:s2+$0x8730];
	_ =	sdelay $0x4  }
0x1bc: {  	v11 =	vmul.f32 v11, v10;
	_ =	sdelay $0x1  }
0x1bd: {  	[tilespmem:s28+$0xFFFFFFF0] =	vst v11  }
0x1be: {  	v11 =	vld [tilespmem:s2+$0x8340];
	_ =	sdelay $0x4  }
0x1bf: {  	v11 =	vmul.f32 v11, v10;
	_ =	sdelay $0x1  }
0x1c0: {  	[tilespmem:s26+$0x0] =	vst v11  }
0x1c1: {  	v11 =	vld [tilespmem:s2+$0x8740];
	_ =	sdelay $0x4  }
0x1c2: {  	v11 =	vmul.f32 v11, v10;
	_ =	sdelay $0x1  }
0x1c3: {  	[tilespmem:s28+$0x0] =	vst v11  }
0x1c4: {  	v11 =	vld [tilespmem:s2+$0x8350];
	_ =	sdelay $0x4  }
0x1c5: {  	v11 =	vmul.f32 v11, v10;
	_ =	sdelay $0x1  }
0x1c6: {  	[tilespmem:s26+$0x10] =	vst v11  }
0x1c7: {  	v11 =	vld [tilespmem:s2+$0x8750];
	_ =	sdelay $0x4  }
0x1c8: {  	v11 =	vmul.f32 v11, v10;
	_ =	sdelay $0x1  }
0x1c9: {  	[tilespmem:s28+$0x10] =	vst v11  }
0x1ca: {  	v11 =	vld [tilespmem:s2+$0x8360];
	_ =	sdelay $0x4  }
0x1cb: {  	v11 =	vmul.f32 v11, v10;
	_ =	sdelay $0x1  }
0x1cc: {  	[tilespmem:s26+$0x20] =	vst v11  }
0x1cd: {  	v11 =	vld [tilespmem:s2+$0x8760];
	_ =	sdelay $0x4  }
0x1ce: {  	v11 =	vmul.f32 v11, v10;
	_ =	sdelay $0x1  }
0x1cf: {  	[tilespmem:s28+$0x20] =	vst v11  }
0x1d0: {  	v11 =	vld [tilespmem:s2+$0x8370];
	_ =	sdelay $0x4  }
0x1d1: {  	v11 =	vmul.f32 v11, v10;
	_ =	sdelay $0x1  }
0x1d2: {  	[tilespmem:s26+$0x30] =	vst v11  }
0x1d3: {  	v63 =	vld [tilespmem:s2+$0x8770];
	_ =	sdelay $0x1  }
0x1d4: {  	s11 =	sadd.s32 $0x1, s23  }
0x1d5: {  	v11 =	vmov s11  }
0x1d6: {  	s29 =	simm.s32 $0x100;
	s3 =	simm.s32 $0x200;
	s25 =	simm.s32 $0x9BC0  }
0x1d7: {  	s13 =	sshllo.u32 s8, $0x1;
	s14 =	simm.s32 $0x80;
	s26 =	simm.s32 $0x93C0;
	v10 =	vmul.f32 v63, v10  }
.LBB2_20:
0x1d8: {  	s17 =	sand.u32 $0x800, s29;
	s18 =	sand.u32 $0x380, s14  }
0x1d9: {  	[tilespmem:s28+$0x30] =	vst v10;
	s29 =	smov.u32 s3;
	s2 =	sadd.s32 $0x100, s3;
	s28 =	smov.u32 s25  }
0x1da: {  	p2 =	sne.s32 s3, $0xF00;
	v10 =	vld.idx.msk [tilespmem:v11+s31+$0x0], $0xffff;
	s3 =	sor.u32 s18, s17  }
0x1db: {  	v11 =	vld [tilespmem:s3+$0x8300];
	_ =	sdelay $0x4  }
0x1dc: {  	v11 =	vmul.f32 v11, v10;
	_ =	sdelay $0x1  }
0x1dd: {  	[tilespmem:s26+$0xFFFFFFC0] =	vst v11  }
0x1de: {  	v11 =	vld [tilespmem:s3+$0x8700];
	_ =	sdelay $0x4  }
0x1df: {  	v11 =	vmul.f32 v11, v10;
	_ =	sdelay $0x1  }
0x1e0: {  	[tilespmem:s25+$0xFFFFFFC0] =	vst v11  }
0x1e1: {  	v11 =	vld [tilespmem:s3+$0x8310];
	_ =	sdelay $0x4  }
0x1e2: {  	v11 =	vmul.f32 v11, v10;
	_ =	sdelay $0x1  }
0x1e3: {  	[tilespmem:s26+$0xFFFFFFD0] =	vst v11  }
0x1e4: {  	v11 =	vld [tilespmem:s3+$0x8710];
	_ =	sdelay $0x4  }
0x1e5: {  	v11 =	vmul.f32 v11, v10;
	_ =	sdelay $0x1  }
0x1e6: {  	[tilespmem:s25+$0xFFFFFFD0] =	vst v11  }
0x1e7: {  	v11 =	vld [tilespmem:s3+$0x8320];
	_ =	sdelay $0x4  }
0x1e8: {  	v11 =	vmul.f32 v11, v10;
	_ =	sdelay $0x1  }
0x1e9: {  	[tilespmem:s26+$0xFFFFFFE0] =	vst v11  }
0x1ea: {  	v11 =	vld [tilespmem:s3+$0x8720];
	_ =	sdelay $0x4  }
0x1eb: {  	v11 =	vmul.f32 v11, v10;
	_ =	sdelay $0x1  }
0x1ec: {  	[tilespmem:s25+$0xFFFFFFE0] =	vst v11  }
0x1ed: {  	v11 =	vld [tilespmem:s3+$0x8330];
	_ =	sdelay $0x4  }
0x1ee: {  	v11 =	vmul.f32 v11, v10;
	_ =	sdelay $0x1  }
0x1ef: {  	[tilespmem:s26+$0xFFFFFFF0] =	vst v11  }
0x1f0: {  	v11 =	vld [tilespmem:s3+$0x8730];
	_ =	sdelay $0x4  }
0x1f1: {  	v11 =	vmul.f32 v11, v10;
	_ =	sdelay $0x1  }
0x1f2: {  	[tilespmem:s25+$0xFFFFFFF0] =	vst v11  }
0x1f3: {  	v11 =	vld [tilespmem:s3+$0x8340];
	_ =	sdelay $0x4  }
0x1f4: {  	v11 =	vmul.f32 v11, v10;
	_ =	sdelay $0x1  }
0x1f5: {  	[tilespmem:s26+$0x0] =	vst v11  }
0x1f6: {  	v11 =	vld [tilespmem:s3+$0x8740];
	_ =	sdelay $0x4  }
0x1f7: {  	v11 =	vmul.f32 v11, v10;
	_ =	sdelay $0x1  }
0x1f8: {  	[tilespmem:s25+$0x0] =	vst v11  }
0x1f9: {  	v11 =	vld [tilespmem:s3+$0x8350];
	_ =	sdelay $0x4  }
0x1fa: {  	v11 =	vmul.f32 v11, v10;
	_ =	sdelay $0x1  }
0x1fb: {  	[tilespmem:s26+$0x10] =	vst v11  }
0x1fc: {  	v11 =	vld [tilespmem:s3+$0x8750];
	_ =	sdelay $0x4  }
0x1fd: {  	v11 =	vmul.f32 v11, v10;
	_ =	sdelay $0x1  }
0x1fe: {  	[tilespmem:s25+$0x10] =	vst v11  }
0x1ff: {  	v11 =	vld [tilespmem:s3+$0x8360];
	_ =	sdelay $0x4  }
0x200: {  	v11 =	vmul.f32 v11, v10;
	_ =	sdelay $0x1  }
0x201: {  	[tilespmem:s26+$0x20] =	vst v11  }
0x202: {  	v11 =	vld [tilespmem:s3+$0x8760];
	_ =	sdelay $0x4  }
0x203: {  	v11 =	vmul.f32 v11, v10;
	_ =	sdelay $0x1  }
0x204: {  	[tilespmem:s25+$0x20] =	vst v11  }
0x205: {  	v11 =	vld [tilespmem:s3+$0x8370];
	_ =	sdelay $0x4  }
0x206: {  	v11 =	vmul.f32 v11, v10;
	_ =	sdelay $0x1  }
0x207: {  	[tilespmem:s26+$0x30] =	vst v11  }
0x208: {  	v12 =	vld [tilespmem:s3+$0x8770];
	_ =	sdelay $0x1  }
.Ltmp11:
0x209: {  	s11 =	sadd.s32 $0x1, s11;
	(pc) =	sbr.rel @p2 .LBB2_20-.Ltmp11, $3  }
0x20a: {  	v11 =	vmov s11;
	_ =	sdelay $0x1  }
0x20b: {  	s14 =	sadd.s32 $0x80, s14;
	v10 =	vmul.f32 v12, v10  }
0x20c: {  	s25 =	sadd.s32 $0x80, s25;
	s26 =	sadd.s32 $0x80, s26;
	s3 =	smov.u32 s2  }
0x20d: {  	_ =	sdelay $0x2  }
0x20e: {  	s2 =	sand.u32 $0x800, s29;
	s3 =	sand.u32 $0x380, s14;
	[tilespmem:s28+$0x30] =	vst v10  }
0x20f: {  	v10 =	vld.idx.msk [tilespmem:v11+s31+$0x0], $0xffff;
	s2 =	sor.u32 s3, s2  }
0x210: {  	v11 =	vld [tilespmem:s2+$0x8300];
	_ =	sdelay $0x4  }
0x211: {  	v11 =	vmul.f32 v11, v10;
	_ =	sdelay $0x1  }
0x212: {  	[tilespmem:s26+$0xFFFFFFC0] =	vst v11  }
0x213: {  	v11 =	vld [tilespmem:s2+$0x8700];
	_ =	sdelay $0x4  }
0x214: {  	v11 =	vmul.f32 v11, v10;
	_ =	sdelay $0x1  }
0x215: {  	[tilespmem:s25+$0xFFFFFFC0] =	vst v11  }
0x216: {  	v11 =	vld [tilespmem:s2+$0x8310];
	_ =	sdelay $0x4  }
0x217: {  	v11 =	vmul.f32 v11, v10;
	_ =	sdelay $0x1  }
0x218: {  	[tilespmem:s26+$0xFFFFFFD0] =	vst v11  }
0x219: {  	v11 =	vld [tilespmem:s2+$0x8710];
	_ =	sdelay $0x4  }
0x21a: {  	v11 =	vmul.f32 v11, v10;
	_ =	sdelay $0x1  }
0x21b: {  	[tilespmem:s25+$0xFFFFFFD0] =	vst v11  }
0x21c: {  	v11 =	vld [tilespmem:s2+$0x8320];
	_ =	sdelay $0x4  }
0x21d: {  	v11 =	vmul.f32 v11, v10;
	_ =	sdelay $0x1  }
0x21e: {  	[tilespmem:s26+$0xFFFFFFE0] =	vst v11  }
0x21f: {  	v11 =	vld [tilespmem:s2+$0x8720];
	_ =	sdelay $0x4  }
0x220: {  	v11 =	vmul.f32 v11, v10;
	_ =	sdelay $0x1  }
0x221: {  	[tilespmem:s25+$0xFFFFFFE0] =	vst v11  }
0x222: {  	v11 =	vld [tilespmem:s2+$0x8330];
	_ =	sdelay $0x4  }
0x223: {  	v11 =	vmul.f32 v11, v10;
	_ =	sdelay $0x1  }
0x224: {  	[tilespmem:s26+$0xFFFFFFF0] =	vst v11  }
0x225: {  	v11 =	vld [tilespmem:s2+$0x8730];
	_ =	sdelay $0x4  }
0x226: {  	v11 =	vmul.f32 v11, v10;
	_ =	sdelay $0x1  }
0x227: {  	[tilespmem:s25+$0xFFFFFFF0] =	vst v11  }
0x228: {  	v11 =	vld [tilespmem:s2+$0x8340];
	_ =	sdelay $0x4  }
0x229: {  	v11 =	vmul.f32 v11, v10;
	_ =	sdelay $0x1  }
0x22a: {  	[tilespmem:s26+$0x0] =	vst v11  }
0x22b: {  	v11 =	vld [tilespmem:s2+$0x8740];
	_ =	sdelay $0x4  }
0x22c: {  	v11 =	vmul.f32 v11, v10;
	_ =	sdelay $0x1  }
0x22d: {  	[tilespmem:s25+$0x0] =	vst v11  }
0x22e: {  	v11 =	vld [tilespmem:s2+$0x8350];
	_ =	sdelay $0x4  }
0x22f: {  	v11 =	vmul.f32 v11, v10;
	_ =	sdelay $0x1  }
0x230: {  	[tilespmem:s26+$0x10] =	vst v11  }
0x231: {  	v11 =	vld [tilespmem:s2+$0x8750];
	_ =	sdelay $0x4  }
0x232: {  	v11 =	vmul.f32 v11, v10;
	_ =	sdelay $0x1  }
0x233: {  	[tilespmem:s25+$0x10] =	vst v11  }
0x234: {  	v11 =	vld [tilespmem:s2+$0x8360];
	_ =	sdelay $0x4  }
0x235: {  	v11 =	vmul.f32 v11, v10;
	_ =	sdelay $0x1  }
0x236: {  	[tilespmem:s26+$0x20] =	vst v11  }
0x237: {  	v11 =	vld [tilespmem:s2+$0x8760];
	_ =	sdelay $0x4  }
0x238: {  	v11 =	vmul.f32 v11, v10;
	_ =	sdelay $0x1  }
0x239: {  	[tilespmem:s25+$0x20] =	vst v11  }
0x23a: {  	v11 =	vld [tilespmem:s2+$0x8370];
	_ =	sdelay $0x4  }
0x23b: {  	v11 =	vmul.f32 v11, v10;
	_ =	sdelay $0x1  }
0x23c: {  	[tilespmem:s26+$0x30] =	vst v11  }
0x23d: {  	v11 =	vld [tilespmem:s2+$0x8770];
	_ =	sdelay $0x4  }
0x23e: {  	v10 =	vmul.f32 v11, v10  }
0x23f: {  	s26 =	sshll.u32 s13, $0x6  }
0x240: {  	s2 =	sshra.s32 s26, $0x2;
	[tilespmem:s25+$0x30] =	vst v10  }
0x241: {  	v10 =	vld [tilespmem:s2+$0x6500];
	_ =	sdelay $0x4  }
0x242: {  	[tilespmem:$0xBC00] =	vst v10  }
0x243: {  	[spmem:s15] =	stream.indirect.scatter.add.f32 [tilespmem:s21], [sflag:$0x3], $0x80, s6, s0, $0xb8;
	[tilespmem:$0x1FE80] =	vst v63  }
0x244: {  	_ =	swait.ge [sflag:s19], $0x800  }
0x245: {  	[sflag:s19] =	ssyncset.done $0x0  }
0x246: {  	[sflag:s19] =	ssyncadd.s32 $0xFFFFF800  }
0x247: {  	[spmem:s16] =	stream.indirect.scatter.add.f32 [tilespmem:s4], [sflag:$0x3], $0x80, s6, s0, $0xb8;
	[tilespmem:$0x1FE80] =	vst v63  }
0x248: {  	_ =	swait.ge [sflag:s19], $0x800  }
0x249: {  	[sflag:s19] =	ssyncset.done $0x0  }
0x24a: {  	[sflag:s19] =	ssyncadd.s32 $0xFFFFF800  }
0x24b: {  	v10 =	vld [tilespmem:s12+$0x5E30];
	_ =	sdelay $0x4  }
0x24c: {  	v11 =	vshll.u32 v10, $0x1  }
0x24d: {  	v12 =	vand.u32 $0x7, v10;
	v11 =	vand.u32 $0xFFFFFFF0, v11  }
0x24e: {  	v11 =	vor.u32 v12, v11  }
0x24f: {  	v12 =	vperm.xlane v11, v6;
	_ =	sdelay $0x1  }
0x250: {  	v11 =	vperm.xlane v11, v8;
	v12 =	vadd.s32 v7, v12  }
0x251: {  	s8 =	sadd.s32 $0x1, s8  }
0x252: {  	p2 =	sne.s32 s8, s22;
	v11 =	vadd.s32 v7, v11  }
.Ltmp12:
0x253: {  	s17 =	smov.u32 s15;
	(pc) =	sbr.rel @p2 .LBB2_17-.Ltmp12, $4  }
.Ltmp13:
0x254: {  	s18 =	smov.u32 s16;
	s28 =	simm.s32 $0x8300;
	[tilespmem:$0xBB80] =	vst v10;
	(pc) =	sbr.rel @!p2 .LBB2_22-.Ltmp13, $4  }
0x255: {  	[tilespmem:s28], [sflag:$0x2] =	stream.indirect_vreg.gather [hbm4b:s1+s5], $0x80, v12, vm1, $0xb8;
	[tilespmem:$0x1FE80] =	vst v63  }
0x256: {  	s29 =	simm.s32 $0x8B00;
	s7 =	sadd.s32 $0x20, s7;
	s23 =	sadd.s32 $0x20, s23  }
0x257: {  	[tilespmem:s29], [sflag:$0x2] =	stream.indirect_vreg.gather [hbm4b:s1+s5], $0x80, v11, vm1, $0xb8;
	[tilespmem:$0x1FE80] =	vst v63  }
0x258: {  	_ = 	snop  }
.LBB2_23:
0x259: {  	s2 =	rddreg [dreg:$0x4];
	s3 =	simm.s32 $0x30;
	s7 =	simm.s32 $0xBC80  }
0x25a: {  	[spmem:s2] =	stream.indirect.scatter.add.f32 [tilespmem:s24], [sflag:$0x3], $0x80, s7, s3, $0xb8;
	[tilespmem:$0x1FE80] =	vst v63  }
0x25b: {  	_ =	swait.ge [sflag:s19], $0x1800  }
0x25c: {  	[sflag:s19] =	ssyncset.done $0x0  }
0x25d: {  	[sflag:s19] =	ssyncadd.s32 $0xFFFFE800  }
0x25e: {  	[bflag:$0x0] =	sbarrier.arrive $0xFFFF  }
0x25f: {  	[tilespmem:s21], [sflag:$0x3] =	stream.linear.gather [spmem:s12], $0x800, $0x38;
	[tilespmem:$0x1FE80] =	vst v63  }
0x260: {  	_ =	swait.ge [sflag:s19], $0x800  }
0x261: {  	[sflag:s19] =	ssyncset.done $0x0  }
0x262: {  	s28 =	sadd.s32 $0x0, s13;
	[sflag:s19] =	ssyncadd.s32 $0xFFFFF800  }
0x263: {  	[hbm4b:s28+s5] =	stream.linear.scatter [tilespmem:s21], [sflag:$0x3], $0x800, $0x38;
	[tilespmem:$0x1FE80] =	vst v63  }
0x264: {  	_ =	swait.ge [sflag:s19], $0x800  }
0x265: {  	[sflag:s19] =	ssyncset.done $0x0  }
0x266: {  	[sflag:s19] =	ssyncadd.s32 $0xFFFFF800  }
0x267: {  	[tilespmem:s4], [sflag:$0x3] =	stream.linear.gather [spmem:s11], $0x800, $0x38;
	[tilespmem:$0x1FE80] =	vst v63  }
0x268: {  	_ =	swait.ge [sflag:s19], $0x800  }
0x269: {  	[sflag:s19] =	ssyncset.done $0x0  }
0x26a: {  	s29 =	sadd.s32 $0x0, s14;
	[sflag:s19] =	ssyncadd.s32 $0xFFFFF800  }
0x26b: {  	[hbm4b:s29+s5] =	stream.linear.scatter [tilespmem:s4], [sflag:$0x3], $0x800, $0x38;
	[tilespmem:$0x1FE80] =	vst v63  }
0x26c: {  	s2 =	simm.s32 $0x100;
	_ =	swait.ge [sflag:s19], $0x800  }
0x26d: {  	s3 =	smov.u32 s12;
	s7 =	smov.u32 s11;
	[sflag:s19] =	ssyncset.done $0x0  }
.LBB2_24:
0x26e: {  	[sflag:s19] =	ssyncadd.s32 $0xFFFFF800  }
0x26f: {  	s3 =	sadd.s32 $0x800, s3;
	s7 =	sadd.s32 $0x800, s7;
	s8 =	smov.u32 s2  }
0x270: {  	[tilespmem:s21], [sflag:$0x3] =	stream.linear.gather [spmem:s3], $0x800, $0x38;
	[tilespmem:$0x1FE80] =	vst v63  }
0x271: {  	p2 =	sne.s32 s2, $0x1300;
	s2 =	sadd.s32 $0x100, s2;
	_ =	swait.ge [sflag:s19], $0x800  }
0x272: {  	[sflag:s19] =	ssyncset.done $0x0  }
0x273: {  	s10 =	sadd.s32 s8, s13;
	[sflag:s19] =	ssyncadd.s32 $0xFFFFF800  }
0x274: {  	[hbm4b:s10+s5] =	stream.linear.scatter [tilespmem:s21], [sflag:$0x3], $0x800, $0x38;
	[tilespmem:$0x1FE80] =	vst v63  }
0x275: {  	_ =	swait.ge [sflag:s19], $0x800  }
0x276: {  	[sflag:s19] =	ssyncset.done $0x0  }
0x277: {  	[sflag:s19] =	ssyncadd.s32 $0xFFFFF800  }
0x278: {  	[tilespmem:s4], [sflag:$0x3] =	stream.linear.gather [spmem:s7], $0x800, $0x38;
	[tilespmem:$0x1FE80] =	vst v63  }
0x279: {  	_ =	swait.ge [sflag:s19], $0x800  }
.Ltmp14:
0x27a: {  	[sflag:s19] =	ssyncset.done $0x0;
	(pc) =	sbr.rel @p2 .LBB2_24-.Ltmp14, $4  }
0x27b: {  	s8 =	sadd.s32 s8, s14;
	[sflag:s19] =	ssyncadd.s32 $0xFFFFF800  }
0x27c: {  	[hbm4b:s8+s5] =	stream.linear.scatter [tilespmem:s4], [sflag:$0x3], $0x800, $0x38;
	[tilespmem:$0x1FE80] =	vst v63  }
0x27d: {  	_ =	swait.ge [sflag:s19], $0x800  }
0x27e: {  	[sflag:s19] =	ssyncset.done $0x0  }
0x27f: {  	[sflag:s19] =	ssyncadd.s32 $0xFFFFF800;
	s2 =	simm.s32 @!p1 $0x9300;
	s3 =	rddreg [dreg:$0xa]  }
0x280: {  	[tilespmem:s2], [sflag:$0x3] =	stream.linear.gather @!p1 [spmem:s3], $0x400, $0x38;
	[tilespmem:$0x1FE80] =	vst v63  }
0x281: {  	s3 =	simm.s32 @!p1 $0x3  }
0x282: {  	_ =	swait.ge @!p1 [sflag:s3], $0x400  }
0x283: {  	[sflag:s3] =	ssyncset.done @!p1 $0x0  }
0x284: {  	s7 =	simm.s32 @!p1 $0x0;
	s8 =	rddreg [dreg:$0xc];
	[sflag:s3] =	ssyncadd.s32 @!p1 $0xFFFFFC00  }
0x285: {  	[hbm4b:s8+s7] =	stream.linear.scatter @!p1 [tilespmem:s2], [sflag:$0x3], $0x400, $0x38;
	[tilespmem:$0x1FE80] =	vst v63  }
0x286: {  	_ =	swait.ge @!p1 [sflag:s3], $0x400  }
0x287: {  	s28 =	rddreg [dreg:$0x12]  }
0x288: {  	s29 =	rddreg [dreg:$0xd];
	s7 =	sadd.s32 $0x1, s28  }
0x289: {  	p2 =	sne.s32 s7, s29  }
.Ltmp15:
0x28a: {  	_ = 	snop;
	(pc) =	sbr.rel @p2 .LBB2_1-.Ltmp15, $3  }
0x28b: {  	_ =	sdelay $0x1  }
0x28c: {  	[sflag:s3] =	ssyncset.done @!p1 $0x0  }
0x28d: {  	[sflag:s3] =	ssyncadd.s32 @!p1 $0xFFFFFC00  }
0x28e: {  	_ =	sfence.sel $0x180000  }
0x28f: {  	[bflag:$0x0] =	sbarrier.arrive $0xFFFF  }
0x290: {  	_ =	strace $0x90000047  }
0x291: {  	s0 =	stileid.u32;
	[bflag:$0x2] =	sbarrier.arrive $0xFFFF  }
0x292: {  	p0 =	sne.s32 s0, $0x0;
	s0 =	rddreg [dreg:$0x5]  }
0x293: {  	s0 =	sadd.s32 @!p0 $0x100000, s0  }
0x294: {  	[sflag:s0] =	ssyncadd.tile.s32 @!p0 $0x1;
	_ =	shalt  }
.Lfunc_end2:
_tile_overlayer_lowered:
.L_overlay_start_2:
0x295: {  	(tag) =	ssettag $0x2  }
0x296: {  	s0 =	rddreg [dreg:$0x0];
	s2 =	stileid.u32  }
0x297: {  	s1 =	rddreg [dreg:$0x1];
	p0 =	sne.s32 s2, $0x0  }
0x298: {  	s3 =	rddreg [dreg:$0x2];
	[bflag:$0x3] =	sbarrier.arrive $0xFFFF;
	s2 =	simm.s32 @!p0 $0x1C03  }
0x299: {  	[timem:s3], [sflag:s2] =	dma.local @!p0 [hbm:s0], s1  }
0x29a: {  	s0 =	simm.s32 @!p0 $0x3  }
0x29b: {  	_ =	swait.ge @!p0 [sflag:s0], s1  }
0x29c: {  	s1 =	ssub.s32 @!p0 $0x0, s1;
	[sflag:s0] =	ssyncset.done @!p0 $0x0  }
0x29d: {  	[sflag:s0] =	ssyncadd.s32 @!p0 s1  }
0x29e: {  	[bflag:$0x3] =	sbarrier.arrive $0xFFFF  }
0x29f: {  	_ =	shalt  }

</sc_bundles>
